<compile_context>
chip_gen: v7x
topology: tpu7x:2x2x1
jax: 0.10.2.dev20260603
libtpu: 0.0.44.dev20260713+nightly
codegen_flags: <defaults>
</compile_context>

<pallas_src>
import functools

import jax
import jax.numpy as jnp
from jax import lax
from jax.experimental import pallas as pl
from jax.experimental.pallas import tpu as pltpu
from jax.experimental.pallas import tpu_sc as plsc

_NUM_WORKERS = 32
_NUM_CORES = 2
_NUM_SUBCORES = 16
_K = 128


def _mesh():
    return plsc.VectorSubcoreMesh(core_axis_name="c", subcore_axis_name="s")


@functools.lru_cache(maxsize=None)
def _make_agg(NP: int, d: int, EP: int):
    e_per_w = EP // _NUM_WORKERS
    nchunks = e_per_w // _K
    assert nchunks % 2 == 0
    rpt = NP // _NUM_SUBCORES

    @functools.partial(
        pl.kernel,
        out_type=jax.ShapeDtypeStruct((_NUM_CORES, NP, d), jnp.float32),
        mesh=_mesh(),
        scratch_types=[
            pltpu.VMEM((2 * _K,), jnp.int32),
            pltpu.VMEM((2 * _K,), jnp.int32),
            pltpu.VMEM((2, _K, d), jnp.float32),
            pltpu.VMEM_SHARED((NP, d), jnp.float32),
            pltpu.SemaphoreType.DMA,
            pltpu.SemaphoreType.DMA,
        ],
    )
    def k(table, src, dst, zeros, out, src_v, dst_v, rows_v, agg_sh,
          sem0, sem1):
        c = lax.axis_index("c")
        s = lax.axis_index("s")
        w = s * _NUM_CORES + c
        pltpu.sync_copy(zeros.at[pl.ds(s * rpt, rpt)],
                        agg_sh.at[pl.ds(s * rpt, rpt)])
        plsc.subcore_barrier()
        sems = (sem0, sem1)

        def fetch_idx(j, sl):
            pltpu.sync_copy(src.at[w, pl.ds(j * _K, _K)],
                            src_v.at[pl.ds(sl * _K, _K)])
            pltpu.sync_copy(dst.at[w, pl.ds(j * _K, _K)],
                            dst_v.at[pl.ds(sl * _K, _K)])

        def gather(sl):
            return pltpu.async_copy(
                table.at[src_v.at[pl.ds(sl * _K, _K)]], rows_v.at[sl],
                sems[sl])

        def drain_scat(sl):
            pltpu.make_async_copy(
                table.at[src_v.at[pl.ds(sl * _K, _K)]], rows_v.at[sl],
                sems[sl]).wait()
            pltpu.sync_copy(rows_v.at[sl],
                            agg_sh.at[dst_v.at[pl.ds(sl * _K, _K)]],
                            add=True)

        fetch_idx(0, 0)
        gather(0)

        def body(i, carry):
            j1 = 2 * i + 1
            fetch_idx(j1, 1)
            gather(1)
            drain_scat(0)

            @pl.when(j1 + 1 < nchunks)
            def _():
                fetch_idx(j1 + 1, 0)
                gather(0)

            drain_scat(1)
            return carry

        lax.fori_loop(0, nchunks // 2, body, 0)
        plsc.subcore_barrier()
        pltpu.sync_copy(agg_sh.at[pl.ds(s * rpt, rpt)],
                        out.at[c, pl.ds(s * rpt, rpt)])

    return k


@functools.lru_cache(maxsize=None)
def _make_deg(NP: int, EP: int):
    e_per_w = EP // _NUM_WORKERS
    nchunks = e_per_w // _K
    rpt = NP // _NUM_SUBCORES

    @functools.partial(
        pl.kernel,
        out_type=jax.ShapeDtypeStruct((_NUM_CORES, NP, 128), jnp.float32),
        mesh=_mesh(),
        scratch_types=[
            pltpu.VMEM((2 * _K,), jnp.int32),
            pltpu.VMEM((_K, 128), jnp.float32),
            pltpu.VMEM_SHARED((NP, 128), jnp.float32),
            pltpu.SemaphoreType.DMA,
            pltpu.SemaphoreType.DMA,
        ],
    )
    def k(dst, zeros, ones, out, dst_v, ones_v, deg_sh, sem0, sem1):
        c = lax.axis_index("c")
        s = lax.axis_index("s")
        w = s * _NUM_CORES + c
        pltpu.sync_copy(zeros.at[pl.ds(s * rpt, rpt)],
                        deg_sh.at[pl.ds(s * rpt, rpt)])
        pltpu.sync_copy(ones, ones_v)
        plsc.subcore_barrier()
        sems = (sem0, sem1)

        def fetch_idx(j, sl):
            pltpu.sync_copy(dst.at[w, pl.ds(j * _K, _K)],
                            dst_v.at[pl.ds(sl * _K, _K)])

        def scat(sl):
            return pltpu.async_copy(
                ones_v, deg_sh.at[dst_v.at[pl.ds(sl * _K, _K)]], sems[sl],
                add=True)

        def drain(sl):
            pltpu.make_async_copy(
                ones_v, deg_sh.at[dst_v.at[pl.ds(sl * _K, _K)]],
                sems[sl]).wait()

        fetch_idx(0, 0)
        scat(0)

        def body(i, carry):
            j1 = 2 * i + 1
            fetch_idx(j1, 1)
            scat(1)
            drain(0)

            @pl.when(j1 + 1 < nchunks)
            def _():
                fetch_idx(j1 + 1, 0)
                scat(0)

            drain(1)
            return carry

        lax.fori_loop(0, nchunks // 2, body, 0)
        plsc.subcore_barrier()
        pltpu.sync_copy(deg_sh.at[pl.ds(s * rpt, rpt)],
                        out.at[c, pl.ds(s * rpt, rpt)])

    return k


@functools.lru_cache(maxsize=None)
def _make_dense(NP: int, R: int, da: int, din: int, dout: int, dnext: int,
                pre: bool):
    grid = NP // R

    def body(*refs):
        it = iter(refs)
        a0, a1, degp, h = next(it), next(it), next(it), next(it)
        wl = next(it) if pre else None
        wr, b = next(it), next(it)
        wn = next(it) if dnext > 0 else None
        out = next(it)
        pout = next(it) if dnext > 0 else None
        dsum = degp[0] + degp[1]
        deg = jnp.maximum(dsum[:, 0:1], 1.0)
        mean = (a0[...] + a1[...]) / deg
        if pre:
            acc = jnp.dot(mean, wl[...], preferred_element_type=jnp.float32)
        else:
            acc = mean
        acc = acc + jnp.dot(h[...], wr[...],
                            preferred_element_type=jnp.float32)
        res = jnp.maximum(acc + b[...], 0.0)
        out[...] = res
        if dnext > 0:
            pout[...] = jnp.dot(res, wn[...],
                                preferred_element_type=jnp.float32)

    in_specs = [
        pl.BlockSpec((R, da), lambda i: (i, 0)),
        pl.BlockSpec((R, da), lambda i: (i, 0)),
        pl.BlockSpec((2, R, 128), lambda i: (0, i, 0)),
        pl.BlockSpec((R, din), lambda i: (i, 0)),
    ]
    if pre:
        in_specs.append(pl.BlockSpec((da, dout), lambda i: (0, 0)))
    in_specs += [
        pl.BlockSpec((din, dout), lambda i: (0, 0)),
        pl.BlockSpec((1, dout), lambda i: (0, 0)),
    ]
    out_shape = [jax.ShapeDtypeStruct((NP, dout), jnp.float32)]
    out_specs = [pl.BlockSpec((R, dout), lambda i: (i, 0))]
    if dnext > 0:
        in_specs.append(pl.BlockSpec((dout, dnext), lambda i: (0, 0)))
        out_shape.append(jax.ShapeDtypeStruct((NP, dnext), jnp.float32))
        out_specs.append(pl.BlockSpec((R, dnext), lambda i: (i, 0)))

    return pl.pallas_call(
        body,
        grid=(grid,),
        in_specs=in_specs,
        out_specs=out_specs,
        out_shape=out_shape,
    )


@functools.lru_cache(maxsize=None)
def _make_final(NP: int, N: int, R: int, da: int, dain: int, dh: int):
    grid = NP // R

    def body(a0, a1, degp, h5, wr4, b4, pooled, logp, acc1, acc2):
        i = pl.program_id(0)

        @pl.when(i == 0)
        def _init():
            acc1[...] = jnp.zeros_like(acc1)
            acc2[...] = jnp.zeros_like(acc2)

        dsum = degp[0] + degp[1]
        deg = jnp.maximum(dsum[:, 0:1], 1.0)
        row = i * R + lax.broadcasted_iota(jnp.int32, (R, 1), 0)
        mask = (row < N).astype(jnp.float32)
        asum = (a0[...] + a1[...])[:, 0:da]
        contrib = asum / deg * mask
        acc1[...] += jnp.sum(contrib, axis=0, keepdims=True)
        acc2[...] += jnp.sum(h5[...] * mask, axis=0, keepdims=True)

        @pl.when(i == grid - 1)
        def _emit():
            s1 = acc1[...]
            s2 = acc2[...]
            p = (s1 + jnp.dot(s2, wr4[...],
                              preferred_element_type=jnp.float32)) / N
            p = p + b4[...]
            m = jnp.max(p, axis=1, keepdims=True)
            lse = jnp.log(jnp.sum(jnp.exp(p - m), axis=1, keepdims=True)) + m
            pooled[...] = p
            logp[...] = p - lse

    return pl.pallas_call(
        body,
        grid=(grid,),
        in_specs=[
            pl.BlockSpec((R, dain), lambda i: (i, 0)),
            pl.BlockSpec((R, dain), lambda i: (i, 0)),
            pl.BlockSpec((2, R, 128), lambda i: (0, i, 0)),
            pl.BlockSpec((R, dh), lambda i: (i, 0)),
            pl.BlockSpec((dh, da), lambda i: (0, 0)),
            pl.BlockSpec((1, da), lambda i: (0, 0)),
        ],
        out_specs=[
            pl.BlockSpec((1, da), lambda i: (0, 0)),
            pl.BlockSpec((1, da), lambda i: (0, 0)),
        ],
        out_shape=[
            jax.ShapeDtypeStruct((1, da), jnp.float32),
            jax.ShapeDtypeStruct((1, da), jnp.float32),
        ],
        scratch_shapes=[
            pltpu.VMEM((1, da), jnp.float32),
            pltpu.VMEM((1, dh), jnp.float32),
        ],
    )


def _round_up(v: int, m: int) -> int:
    return (v + m - 1) // m * m


def kernel(x, edge_index, Wl1, Wr1, b1, Wl2, Wr2, b2, Wl3, Wr3, b3,
           Wl4, Wr4, b4):
    N, D = x.shape
    E = edge_index.shape[1]
    H2 = Wl1.shape[1]
    H = Wl2.shape[1]
    C = Wl4.shape[1]

    NP = _round_up(N, _NUM_SUBCORES * 8)
    EP = _round_up(E, _NUM_WORKERS * _K * 2)
    R = NP // 8
    nchunks = EP // (_NUM_WORKERS * _K)

    pad = EP - E
    pad_idx = (N + (NP - N - 16)
               + (jnp.arange(pad, dtype=jnp.int32) % 16))
    src_p = jnp.concatenate([edge_index[0], pad_idx]).reshape(
        _NUM_WORKERS, EP // _NUM_WORKERS)
    dst_p = jnp.concatenate([edge_index[1], pad_idx]).reshape(
        _NUM_WORKERS, EP // _NUM_WORKERS)
    x_p = jnp.pad(x, ((0, NP - N), (0, 0)))

    zeros_d = jnp.zeros((NP, H), jnp.float32)
    ones_d = jnp.ones((_K, 128), jnp.float32)

    agg_h = _make_agg(NP, H, EP)
    deg_k = _make_deg(NP, EP)

    degp = deg_k(dst_p, zeros_d, ones_d)

    b1r = b1.reshape(1, -1)
    b2r = b2.reshape(1, -1)
    b3r = b3.reshape(1, -1)
    b4r = b4.reshape(1, -1)

    a1p = agg_h(x_p, src_p, dst_p, zeros_d)
    h1, p2 = _make_dense(NP, R, D, D, H2, H, True)(
        a1p[0], a1p[1], degp, x_p, Wl1, Wr1, b1r, Wl2)

    a2p = agg_h(p2, src_p, dst_p, zeros_d)
    h2 = _make_dense(NP, R, H, H2, H, 0, False)(
        a2p[0], a2p[1], degp, h1, Wr2, b2r)[0]

    a3p = agg_h(h2, src_p, dst_p, zeros_d)
    h3 = _make_dense(NP, R, H, H, H, 0, True)(
        a3p[0], a3p[1], degp, h2, Wl3, Wr3, b3r)[0]
    a4p = agg_h(h3, src_p, dst_p, zeros_d)
    h4 = _make_dense(NP, R, H, H, H, 0, True)(
        a4p[0], a4p[1], degp, h3, Wl3, Wr3, b3r)[0]
    a5p = agg_h(h4, src_p, dst_p, zeros_d)
    Wl4p = jnp.pad(Wl4, ((0, 0), (0, H - C)))
    h5, p6 = _make_dense(NP, R, H, H, H, H, True)(
        a5p[0], a5p[1], degp, h4, Wl3, Wr3, b3r, Wl4p)

    a6p = agg_h(p6, src_p, dst_p, zeros_d)
    pooled, logp = _make_final(NP, N, R, C, H, H)(
        a6p[0], a6p[1], degp, h5, Wr4, b4r)
    return (pooled, logp)

# --- scband reference (transcript-rebuilt; emitter-appended) ---
"""Pipeline reference for scband-graph-sage-23940147708319 (READ-ONLY COPY).

The authoritative reference and input builder live on the scoring server;
editing this copy changes nothing except your own understanding.
"""

import jax, jax.numpy as jnp
import numpy as np

N = 10000
E = 320000
D = 128
H = 128  # hidden_dim
C = 64   # num_classes


def _lin_init(key, fan_in, fan_out):
    return jax.random.normal(key, (fan_in, fan_out), dtype=jnp.float32) * (1.0 / np.sqrt(fan_in))


def setup_inputs(seed: int = 0) -> dict:
    key = jax.random.key(seed)
    ks = jax.random.split(key, 16)
    x = jax.random.normal(ks[0], (N, D), dtype=jnp.float32)
    edge_index = jax.random.randint(ks[1], (2, E), 0, N, dtype=jnp.int32)
    # SAGEConv params: out = mean_agg(x_j) @ Wl + x @ Wr + b
    params = {
        "Wl1": _lin_init(ks[2], D, 2 * H), "Wr1": _lin_init(ks[3], D, 2 * H), "b1": jnp.zeros((2 * H,), jnp.float32),
        "Wl2": _lin_init(ks[4], 2 * H, H), "Wr2": _lin_init(ks[5], 2 * H, H), "b2": jnp.zeros((H,), jnp.float32),
        "Wl3": _lin_init(ks[6], H, H), "Wr3": _lin_init(ks[7], H, H), "b3": jnp.zeros((H,), jnp.float32),
        "Wl4": _lin_init(ks[8], H, C), "Wr4": _lin_init(ks[9], H, C), "b4": jnp.zeros((C,), jnp.float32),
    }
    return {"x": x, "edge_index": edge_index, **params}


def _sage_conv(x, src, dst, Wl, Wr, b):
    n = x.shape[0]
    msgs = x[src]  # gather
    agg = jax.ops.segment_sum(msgs, dst, num_segments=n)  # scatter-add
    deg = jax.ops.segment_sum(jnp.ones((src.shape[0],), dtype=x.dtype), dst, num_segments=n)
    mean = agg / jnp.clip(deg, 1.0)[:, None]
    return mean @ Wl + x @ Wr + b


def reference(x, edge_index, Wl1, Wr1, b1, Wl2, Wr2, b2, Wl3, Wr3, b3, Wl4, Wr4, b4):
    src = edge_index[0]
    dst = edge_index[1]
    # inference mode: dropout is identity
    h = jax.nn.relu(_sage_conv(x, src, dst, Wl1, Wr1, b1))
    h = jax.nn.relu(_sage_conv(h, src, dst, Wl2, Wr2, b2))
    h = jax.nn.relu(_sage_conv(h, src, dst, Wl3, Wr3, b3))
    h = jax.nn.relu(_sage_conv(h, src, dst, Wl3, Wr3, b3))  # sage3 reused (weight sharing, as in original)
    h = jax.nn.relu(_sage_conv(h, src, dst, Wl3, Wr3, b3))
    h = _sage_conv(h, src, dst, Wl4, Wr4, b4)
    # global_mean_pool with all-zero batch assignment -> single graph mean
    batch = jnp.zeros((h.shape[0],), dtype=jnp.int32)
    pooled = jax.ops.segment_sum(h, batch, num_segments=1) / h.shape[0]
    return (pooled, jax.nn.log_softmax(pooled, axis=1))

if __name__ == "__main__":
    import jax
    _d = setup_inputs()
    print(jax.jit(kernel)(*tuple(_d.values())))

</pallas_src>

<mosaic_0001>
#map = affine_map<(d0, d1) -> (0, 0)>
#map1 = affine_map<(d0, d1) -> (0, 0, 0)>
module attributes {stable_mosaic.version = 14 : i64} {
  func.func @k(%arg0: i32, %arg1: i32, %arg2: memref<10112x128xf32, #tpu.memory_space<hbm>>, %arg3: memref<32x10240xi32, #tpu.memory_space<hbm>>, %arg4: memref<32x10240xi32, #tpu.memory_space<hbm>>, %arg5: memref<10112x128xf32, #tpu.memory_space<hbm>>, %arg6: memref<2x10112x128xf32, #tpu.memory_space<hbm>>, %arg7: memref<256xi32, #tpu.memory_space<vmem>>, %arg8: memref<256xi32, #tpu.memory_space<vmem>>, %arg9: memref<2x128x128xf32, #tpu.memory_space<vmem>>, %arg10: memref<10112x128xf32, #tpu.memory_space<vmem_shared>>, %arg11: memref<!tpu.dma_semaphore, #tpu.memory_space<semaphore_mem>>, %arg12: memref<!tpu.dma_semaphore, #tpu.memory_space<semaphore_mem>>) attributes {dimension_semantics = [#tpu.dimension_semantics<core_parallel>, #tpu.dimension_semantics<subcore_parallel>], iteration_bounds = array<i64: 2, 16>, scalar_prefetch = 0 : i64, scratch_operands = 6 : i64, tpu.core_type = #tpu.core_type<sc_vector_subcore>, window_params = [{transform_indices = #map}, {transform_indices = #map}, {transform_indices = #map}, {transform_indices = #map}, {transform_indices = #map1}]} {
    %mul3A = arith.constant 2 : i32
    %mul3A_0 = arith.muli %arg1, %mul3A : i32
    %add3A = arith.addi %mul3A_0, %arg0 : i32
    %mul3A_1 = arith.constant 632 : i32
    %mul3A_2 = arith.muli %arg1, %mul3A_1 : i32
    %mul3A_3 = arith.constant 632 : i32
    %mul3A_4 = arith.muli %arg1, %mul3A_3 : i32
    "tpu.region"() ({
      %run_scoped3A = tpu.sem_alloc : memref<!tpu.dma_semaphore, #tpu.memory_space<semaphore_mem>>
      %dma_start3A_24 = arith.constant 0 : i32
      %dma_start3A_25 = tpu.memref_slice %arg10[%mul3A_4, %dma_start3A_24] : memref<10112x128xf32, #tpu.memory_space<vmem_shared>> -> memref<632x128xf32, #tpu.memory_space<vmem_shared>>
      %dma_start3A_26 = arith.constant 0 : i32
      %dma_start3A_27 = tpu.memref_slice %arg5[%mul3A_2, %dma_start3A_26] : memref<10112x128xf32, #tpu.memory_space<hbm>> -> memref<632x128xf32, #tpu.memory_space<hbm>>
      tpu.enqueue_dma source(%dma_start3A_27 : memref<632x128xf32, #tpu.memory_space<hbm>>) target(%dma_start3A_25 : memref<632x128xf32, #tpu.memory_space<vmem_shared>>) target_semaphore(%run_scoped3A : memref<!tpu.dma_semaphore, #tpu.memory_space<semaphore_mem>>)
      %dma_wait3A = arith.constant 0 : i32
      %dma_wait3A_28 = tpu.memref_slice %arg10[%mul3A_4, %dma_wait3A] : memref<10112x128xf32, #tpu.memory_space<vmem_shared>> -> memref<632x128xf32, #tpu.memory_space<vmem_shared>>
      %dma_wait3A_29 = arith.constant 0 : i32
      %dma_wait3A_30 = tpu.memref_slice %arg5[%mul3A_2, %dma_wait3A_29] : memref<10112x128xf32, #tpu.memory_space<hbm>> -> memref<632x128xf32, #tpu.memory_space<hbm>>
      tpu.wait_dma2 semaphore(%run_scoped3A : memref<!tpu.dma_semaphore, #tpu.memory_space<semaphore_mem>>) src(%dma_wait3A_30 : memref<632x128xf32, #tpu.memory_space<hbm>>) dst(%dma_wait3A_28 : memref<632x128xf32, #tpu.memory_space<vmem_shared>>)
      tpu.yield
    }) : () -> ()
    %barrier3A = arith.constant 0 : index
    tpu.barrier barrier_id(%barrier3A)
    "tpu.region"() ({
      %run_scoped3A = tpu.sem_alloc : memref<!tpu.dma_semaphore, #tpu.memory_space<semaphore_mem>>
      %dma_start3A_24 = arith.constant 0 : i32
      %dma_start3A_25 = tpu.memref_slice %arg7[%dma_start3A_24] : memref<256xi32, #tpu.memory_space<vmem>> -> memref<128xi32, #tpu.memory_space<vmem>>
      %dma_start3A_26 = arith.constant 0 : i32
      %dma_start3A_27 = tpu.memref_slice %arg3[%add3A, %dma_start3A_26] : memref<32x10240xi32, #tpu.memory_space<hbm>> -> memref<1x128xi32, #tpu.memory_space<hbm>>
      %dma_start3A_28 = tpu.memref_squeeze %dma_start3A_27 : memref<1x128xi32, #tpu.memory_space<hbm>> -> memref<128xi32, #tpu.memory_space<hbm>>
      %dma_start3A_29 = arith.constant 0 : i32
      %dma_start3A_30 = tpu.memref_slice %arg7[%dma_start3A_29] : memref<256xi32, #tpu.memory_space<vmem>> -> memref<128xi32, #tpu.memory_space<vmem>>
      %dma_start3A_31 = arith.constant 0 : i32
      %dma_start3A_32 = tpu.memref_slice %arg3[%add3A, %dma_start3A_31] : memref<32x10240xi32, #tpu.memory_space<hbm>> -> memref<1x128xi32, #tpu.memory_space<hbm>>
      %dma_start3A_33 = tpu.memref_squeeze %dma_start3A_32 : memref<1x128xi32, #tpu.memory_space<hbm>> -> memref<128xi32, #tpu.memory_space<hbm>>
      tpu.enqueue_dma source(%dma_start3A_33 : memref<128xi32, #tpu.memory_space<hbm>>) target(%dma_start3A_30 : memref<128xi32, #tpu.memory_space<vmem>>) target_semaphore(%run_scoped3A : memref<!tpu.dma_semaphore, #tpu.memory_space<semaphore_mem>>)
      %dma_wait3A = arith.constant 0 : i32
      %dma_wait3A_34 = tpu.memref_slice %arg7[%dma_wait3A] : memref<256xi32, #tpu.memory_space<vmem>> -> memref<128xi32, #tpu.memory_space<vmem>>
      %dma_wait3A_35 = arith.constant 0 : i32
      %dma_wait3A_36 = tpu.memref_slice %arg3[%add3A, %dma_wait3A_35] : memref<32x10240xi32, #tpu.memory_space<hbm>> -> memref<1x128xi32, #tpu.memory_space<hbm>>
      %dma_wait3A_37 = tpu.memref_squeeze %dma_wait3A_36 : memref<1x128xi32, #tpu.memory_space<hbm>> -> memref<128xi32, #tpu.memory_space<hbm>>
      %dma_wait3A_38 = arith.constant 0 : i32
      %dma_wait3A_39 = tpu.memref_slice %arg7[%dma_wait3A_38] : memref<256xi32, #tpu.memory_space<vmem>> -> memref<128xi32, #tpu.memory_space<vmem>>
      %dma_wait3A_40 = arith.constant 0 : i32
      %dma_wait3A_41 = tpu.memref_slice %arg3[%add3A, %dma_wait3A_40] : memref<32x10240xi32, #tpu.memory_space<hbm>> -> memref<1x128xi32, #tpu.memory_space<hbm>>
      %dma_wait3A_42 = tpu.memref_squeeze %dma_wait3A_41 : memref<1x128xi32, #tpu.memory_space<hbm>> -> memref<128xi32, #tpu.memory_space<hbm>>
      tpu.wait_dma2 semaphore(%run_scoped3A : memref<!tpu.dma_semaphore, #tpu.memory_space<semaphore_mem>>) src(%dma_wait3A_42 : memref<128xi32, #tpu.memory_space<hbm>>) dst(%dma_wait3A_39 : memref<128xi32, #tpu.memory_space<vmem>>)
      tpu.yield
    }) : () -> ()
    "tpu.region"() ({
      %run_scoped3A = tpu.sem_alloc : memref<!tpu.dma_semaphore, #tpu.memory_space<semaphore_mem>>
      %dma_start3A_24 = arith.constant 0 : i32
      %dma_start3A_25 = tpu.memref_slice %arg8[%dma_start3A_24] : memref<256xi32, #tpu.memory_space<vmem>> -> memref<128xi32, #tpu.memory_space<vmem>>
      %dma_start3A_26 = arith.constant 0 : i32
      %dma_start3A_27 = tpu.memref_slice %arg4[%add3A, %dma_start3A_26] : memref<32x10240xi32, #tpu.memory_space<hbm>> -> memref<1x128xi32, #tpu.memory_space<hbm>>
      %dma_start3A_28 = tpu.memref_squeeze %dma_start3A_27 : memref<1x128xi32, #tpu.memory_space<hbm>> -> memref<128xi32, #tpu.memory_space<hbm>>
      %dma_start3A_29 = arith.constant 0 : i32
      %dma_start3A_30 = tpu.memref_slice %arg8[%dma_start3A_29] : memref<256xi32, #tpu.memory_space<vmem>> -> memref<128xi32, #tpu.memory_space<vmem>>
      %dma_start3A_31 = arith.constant 0 : i32
      %dma_start3A_32 = tpu.memref_slice %arg4[%add3A, %dma_start3A_31] : memref<32x10240xi32, #tpu.memory_space<hbm>> -> memref<1x128xi32, #tpu.memory_space<hbm>>
      %dma_start3A_33 = tpu.memref_squeeze %dma_start3A_32 : memref<1x128xi32, #tpu.memory_space<hbm>> -> memref<128xi32, #tpu.memory_space<hbm>>
      tpu.enqueue_dma source(%dma_start3A_33 : memref<128xi32, #tpu.memory_space<hbm>>) target(%dma_start3A_30 : memref<128xi32, #tpu.memory_space<vmem>>) target_semaphore(%run_scoped3A : memref<!tpu.dma_semaphore, #tpu.memory_space<semaphore_mem>>)
      %dma_wait3A = arith.constant 0 : i32
      %dma_wait3A_34 = tpu.memref_slice %arg8[%dma_wait3A] : memref<256xi32, #tpu.memory_space<vmem>> -> memref<128xi32, #tpu.memory_space<vmem>>
      %dma_wait3A_35 = arith.constant 0 : i32
      %dma_wait3A_36 = tpu.memref_slice %arg4[%add3A, %dma_wait3A_35] : memref<32x10240xi32, #tpu.memory_space<hbm>> -> memref<1x128xi32, #tpu.memory_space<hbm>>
      %dma_wait3A_37 = tpu.memref_squeeze %dma_wait3A_36 : memref<1x128xi32, #tpu.memory_space<hbm>> -> memref<128xi32, #tpu.memory_space<hbm>>
      %dma_wait3A_38 = arith.constant 0 : i32
      %dma_wait3A_39 = tpu.memref_slice %arg8[%dma_wait3A_38] : memref<256xi32, #tpu.memory_space<vmem>> -> memref<128xi32, #tpu.memory_space<vmem>>
      %dma_wait3A_40 = arith.constant 0 : i32
      %dma_wait3A_41 = tpu.memref_slice %arg4[%add3A, %dma_wait3A_40] : memref<32x10240xi32, #tpu.memory_space<hbm>> -> memref<1x128xi32, #tpu.memory_space<hbm>>
      %dma_wait3A_42 = tpu.memref_squeeze %dma_wait3A_41 : memref<1x128xi32, #tpu.memory_space<hbm>> -> memref<128xi32, #tpu.memory_space<hbm>>
      tpu.wait_dma2 semaphore(%run_scoped3A : memref<!tpu.dma_semaphore, #tpu.memory_space<semaphore_mem>>) src(%dma_wait3A_42 : memref<128xi32, #tpu.memory_space<hbm>>) dst(%dma_wait3A_39 : memref<128xi32, #tpu.memory_space<vmem>>)
      tpu.yield
    }) : () -> ()
    %dma_start3A = arith.constant 0 : i32
    %dma_start3A_5 = arith.constant 0 : i32
    %dma_start3A_6 = arith.constant 0 : i32
    %dma_start3A_7 = tpu.memref_slice %arg9[%dma_start3A, %dma_start3A_5, %dma_start3A_6] : memref<2x128x128xf32, #tpu.memory_space<vmem>> -> memref<1x128x128xf32, #tpu.memory_space<vmem>>
    %dma_start3A_8 = tpu.memref_squeeze %dma_start3A_7 : memref<1x128x128xf32, #tpu.memory_space<vmem>> -> memref<128x128xf32, #tpu.memory_space<vmem>>
    %dma_start3A_9 = arith.constant 0 : i32
    %dma_start3A_10 = tpu.memref_slice %arg7[%dma_start3A_9] : memref<256xi32, #tpu.memory_space<vmem>> -> memref<128xi32, #tpu.memory_space<vmem>>
    %dma_start3A_11 = arith.constant 0 : i32
    %dma_start3A_12 = arith.constant 0 : i32
    %dma_start3A_13 = tpu.memref_slice %arg2[%dma_start3A_11, %dma_start3A_12] : memref<10112x128xf32, #tpu.memory_space<hbm>> -> memref<10112x128xf32, #tpu.memory_space<hbm>>
    tpu.enqueue_indirect_dma source(%dma_start3A_13 : memref<10112x128xf32, #tpu.memory_space<hbm>>) target(%dma_start3A_8 : memref<128x128xf32, #tpu.memory_space<vmem>>) offsets(%dma_start3A_10 : memref<128xi32, #tpu.memory_space<vmem>>) semaphore(%arg11 : memref<!tpu.dma_semaphore, #tpu.memory_space<semaphore_mem>>)
    %scan3A = arith.constant 0 : i32
    %scan3A_14 = arith.constant 0 : i32
    %scan3A_15 = arith.constant 40 : i32
    %scan3A_16 = arith.addi %scan3A_14, %scan3A_15 : i32
    %scan3A_17 = arith.constant 1 : i32
    scf.for %scan3A_24 = %scan3A_14 to %scan3A_16 step %scan3A_17  : i32 {
      %mul3A_25 = arith.constant 2 : i32
      %mul3A_26 = arith.muli %mul3A_25, %scan3A_24 : i32
      %add3A_27 = arith.constant 1 : i32
      %add3A_28 = arith.addi %mul3A_26, %add3A_27 : i32
      %mul3A_29 = arith.constant 128 : i32
      %mul3A_30 = arith.muli %add3A_28, %mul3A_29 : i32
      "tpu.region"() ({
        %run_scoped3A_67 = tpu.sem_alloc : memref<!tpu.dma_semaphore, #tpu.memory_space<semaphore_mem>>
        %dma_start3A_68 = arith.constant 128 : i32
        %dma_start3A_69 = tpu.memref_slice %arg7[%dma_start3A_68] : memref<256xi32, #tpu.memory_space<vmem>> -> memref<128xi32, #tpu.memory_space<vmem>>
        %dma_start3A_70 = tpu.memref_slice %arg3[%add3A, %mul3A_30] : memref<32x10240xi32, #tpu.memory_space<hbm>> -> memref<1x128xi32, #tpu.memory_space<hbm>>
        %dma_start3A_71 = tpu.memref_squeeze %dma_start3A_70 : memref<1x128xi32, #tpu.memory_space<hbm>> -> memref<128xi32, #tpu.memory_space<hbm>>
        %dma_start3A_72 = arith.constant 128 : i32
        %dma_start3A_73 = tpu.memref_slice %arg7[%dma_start3A_72] : memref<256xi32, #tpu.memory_space<vmem>> -> memref<128xi32, #tpu.memory_space<vmem>>
        %dma_start3A_74 = tpu.memref_slice %arg3[%add3A, %mul3A_30] : memref<32x10240xi32, #tpu.memory_space<hbm>> -> memref<1x128xi32, #tpu.memory_space<hbm>>
        %dma_start3A_75 = tpu.memref_squeeze %dma_start3A_74 : memref<1x128xi32, #tpu.memory_space<hbm>> -> memref<128xi32, #tpu.memory_space<hbm>>
        tpu.enqueue_dma source(%dma_start3A_75 : memref<128xi32, #tpu.memory_space<hbm>>) target(%dma_start3A_73 : memref<128xi32, #tpu.memory_space<vmem>>) target_semaphore(%run_scoped3A_67 : memref<!tpu.dma_semaphore, #tpu.memory_space<semaphore_mem>>)
        %dma_wait3A_76 = arith.constant 128 : i32
        %dma_wait3A_77 = tpu.memref_slice %arg7[%dma_wait3A_76] : memref<256xi32, #tpu.memory_space<vmem>> -> memref<128xi32, #tpu.memory_space<vmem>>
        %dma_wait3A_78 = tpu.memref_slice %arg3[%add3A, %mul3A_30] : memref<32x10240xi32, #tpu.memory_space<hbm>> -> memref<1x128xi32, #tpu.memory_space<hbm>>
        %dma_wait3A_79 = tpu.memref_squeeze %dma_wait3A_78 : memref<1x128xi32, #tpu.memory_space<hbm>> -> memref<128xi32, #tpu.memory_space<hbm>>
        %dma_wait3A_80 = arith.constant 128 : i32
        %dma_wait3A_81 = tpu.memref_slice %arg7[%dma_wait3A_80] : memref<256xi32, #tpu.memory_space<vmem>> -> memref<128xi32, #tpu.memory_space<vmem>>
        %dma_wait3A_82 = tpu.memref_slice %arg3[%add3A, %mul3A_30] : memref<32x10240xi32, #tpu.memory_space<hbm>> -> memref<1x128xi32, #tpu.memory_space<hbm>>
        %dma_wait3A_83 = tpu.memref_squeeze %dma_wait3A_82 : memref<1x128xi32, #tpu.memory_space<hbm>> -> memref<128xi32, #tpu.memory_space<hbm>>
        tpu.wait_dma2 semaphore(%run_scoped3A_67 : memref<!tpu.dma_semaphore, #tpu.memory_space<semaphore_mem>>) src(%dma_wait3A_83 : memref<128xi32, #tpu.memory_space<hbm>>) dst(%dma_wait3A_81 : memref<128xi32, #tpu.memory_space<vmem>>)
        tpu.yield
      }) : () -> ()
      %mul3A_31 = arith.constant 128 : i32
      %mul3A_32 = arith.muli %add3A_28, %mul3A_31 : i32
      "tpu.region"() ({
        %run_scoped3A_67 = tpu.sem_alloc : memref<!tpu.dma_semaphore, #tpu.memory_space<semaphore_mem>>
        %dma_start3A_68 = arith.constant 128 : i32
        %dma_start3A_69 = tpu.memref_slice %arg8[%dma_start3A_68] : memref<256xi32, #tpu.memory_space<vmem>> -> memref<128xi32, #tpu.memory_space<vmem>>
        %dma_start3A_70 = tpu.memref_slice %arg4[%add3A, %mul3A_32] : memref<32x10240xi32, #tpu.memory_space<hbm>> -> memref<1x128xi32, #tpu.memory_space<hbm>>
        %dma_start3A_71 = tpu.memref_squeeze %dma_start3A_70 : memref<1x128xi32, #tpu.memory_space<hbm>> -> memref<128xi32, #tpu.memory_space<hbm>>
        %dma_start3A_72 = arith.constant 128 : i32
        %dma_start3A_73 = tpu.memref_slice %arg8[%dma_start3A_72] : memref<256xi32, #tpu.memory_space<vmem>> -> memref<128xi32, #tpu.memory_space<vmem>>
        %dma_start3A_74 = tpu.memref_slice %arg4[%add3A, %mul3A_32] : memref<32x10240xi32, #tpu.memory_space<hbm>> -> memref<1x128xi32, #tpu.memory_space<hbm>>
        %dma_start3A_75 = tpu.memref_squeeze %dma_start3A_74 : memref<1x128xi32, #tpu.memory_space<hbm>> -> memref<128xi32, #tpu.memory_space<hbm>>
        tpu.enqueue_dma source(%dma_start3A_75 : memref<128xi32, #tpu.memory_space<hbm>>) target(%dma_start3A_73 : memref<128xi32, #tpu.memory_space<vmem>>) target_semaphore(%run_scoped3A_67 : memref<!tpu.dma_semaphore, #tpu.memory_space<semaphore_mem>>)
        %dma_wait3A_76 = arith.constant 128 : i32
        %dma_wait3A_77 = tpu.memref_slice %arg8[%dma_wait3A_76] : memref<256xi32, #tpu.memory_space<vmem>> -> memref<128xi32, #tpu.memory_space<vmem>>
        %dma_wait3A_78 = tpu.memref_slice %arg4[%add3A, %mul3A_32] : memref<32x10240xi32, #tpu.memory_space<hbm>> -> memref<1x128xi32, #tpu.memory_space<hbm>>
        %dma_wait3A_79 = tpu.memref_squeeze %dma_wait3A_78 : memref<1x128xi32, #tpu.memory_space<hbm>> -> memref<128xi32, #tpu.memory_space<hbm>>
        %dma_wait3A_80 = arith.constant 128 : i32
        %dma_wait3A_81 = tpu.memref_slice %arg8[%dma_wait3A_80] : memref<256xi32, #tpu.memory_space<vmem>> -> memref<128xi32, #tpu.memory_space<vmem>>
        %dma_wait3A_82 = tpu.memref_slice %arg4[%add3A, %mul3A_32] : memref<32x10240xi32, #tpu.memory_space<hbm>> -> memref<1x128xi32, #tpu.memory_space<hbm>>
        %dma_wait3A_83 = tpu.memref_squeeze %dma_wait3A_82 : memref<1x128xi32, #tpu.memory_space<hbm>> -> memref<128xi32, #tpu.memory_space<hbm>>
        tpu.wait_dma2 semaphore(%run_scoped3A_67 : memref<!tpu.dma_semaphore, #tpu.memory_space<semaphore_mem>>) src(%dma_wait3A_83 : memref<128xi32, #tpu.memory_space<hbm>>) dst(%dma_wait3A_81 : memref<128xi32, #tpu.memory_space<vmem>>)
        tpu.yield
      }) : () -> ()
      %dma_start3A_33 = arith.constant 1 : i32
      %dma_start3A_34 = arith.constant 0 : i32
      %dma_start3A_35 = arith.constant 0 : i32
      %dma_start3A_36 = tpu.memref_slice %arg9[%dma_start3A_33, %dma_start3A_34, %dma_start3A_35] : memref<2x128x128xf32, #tpu.memory_space<vmem>> -> memref<1x128x128xf32, #tpu.memory_space<vmem>>
      %dma_start3A_37 = tpu.memref_squeeze %dma_start3A_36 : memref<1x128x128xf32, #tpu.memory_space<vmem>> -> memref<128x128xf32, #tpu.memory_space<vmem>>
      %dma_start3A_38 = arith.constant 128 : i32
      %dma_start3A_39 = tpu.memref_slice %arg7[%dma_start3A_38] : memref<256xi32, #tpu.memory_space<vmem>> -> memref<128xi32, #tpu.memory_space<vmem>>
      %dma_start3A_40 = arith.constant 0 : i32
      %dma_start3A_41 = arith.constant 0 : i32
      %dma_start3A_42 = tpu.memref_slice %arg2[%dma_start3A_40, %dma_start3A_41] : memref<10112x128xf32, #tpu.memory_space<hbm>> -> memref<10112x128xf32, #tpu.memory_space<hbm>>
      tpu.enqueue_indirect_dma source(%dma_start3A_42 : memref<10112x128xf32, #tpu.memory_space<hbm>>) target(%dma_start3A_37 : memref<128x128xf32, #tpu.memory_space<vmem>>) offsets(%dma_start3A_39 : memref<128xi32, #tpu.memory_space<vmem>>) semaphore(%arg12 : memref<!tpu.dma_semaphore, #tpu.memory_space<semaphore_mem>>)
      %dma_wait3A = arith.constant 0 : i32
      %dma_wait3A_43 = arith.constant 0 : i32
      %dma_wait3A_44 = arith.constant 0 : i32
      %dma_wait3A_45 = tpu.memref_slice %arg9[%dma_wait3A, %dma_wait3A_43, %dma_wait3A_44] : memref<2x128x128xf32, #tpu.memory_space<vmem>> -> memref<1x128x128xf32, #tpu.memory_space<vmem>>
      %dma_wait3A_46 = tpu.memref_squeeze %dma_wait3A_45 : memref<1x128x128xf32, #tpu.memory_space<vmem>> -> memref<128x128xf32, #tpu.memory_space<vmem>>
      %dma_wait3A_47 = arith.constant 0 : i32
      %dma_wait3A_48 = tpu.memref_slice %arg7[%dma_wait3A_47] : memref<256xi32, #tpu.memory_space<vmem>> -> memref<128xi32, #tpu.memory_space<vmem>>
      %dma_wait3A_49 = arith.constant 0 : i32
      %dma_wait3A_50 = arith.constant 0 : i32
      %dma_wait3A_51 = tpu.memref_slice %arg2[%dma_wait3A_49, %dma_wait3A_50] : memref<10112x128xf32, #tpu.memory_space<hbm>> -> memref<10112x128xf32, #tpu.memory_space<hbm>>
      tpu.wait_indirect_dma semaphore(%arg11 : memref<!tpu.dma_semaphore, #tpu.memory_space<semaphore_mem>>) src(%dma_wait3A_51 : memref<10112x128xf32, #tpu.memory_space<hbm>>) dst(%dma_wait3A_46 : memref<128x128xf32, #tpu.memory_space<vmem>>)
      %run_scoped3A = arith.constant 0 : i32
      "tpu.region"() ({
        %run_scoped3A_67 = tpu.sem_alloc : memref<!tpu.dma_semaphore, #tpu.memory_space<semaphore_mem>>
        %dma_start3A_68 = arith.constant 0 : i32
        %dma_start3A_69 = arith.constant 0 : i32
        %dma_start3A_70 = tpu.memref_slice %arg9[%run_scoped3A, %dma_start3A_68, %dma_start3A_69] : memref<2x128x128xf32, #tpu.memory_space<vmem>> -> memref<1x128x128xf32, #tpu.memory_space<vmem>>
        %dma_start3A_71 = tpu.memref_squeeze %dma_start3A_70 : memref<1x128x128xf32, #tpu.memory_space<vmem>> -> memref<128x128xf32, #tpu.memory_space<vmem>>
        %dma_start3A_72 = arith.constant 0 : i32
        %dma_start3A_73 = tpu.memref_slice %arg8[%dma_start3A_72] : memref<256xi32, #tpu.memory_space<vmem>> -> memref<128xi32, #tpu.memory_space<vmem>>
        %dma_start3A_74 = arith.constant 0 : i32
        %dma_start3A_75 = arith.constant 0 : i32
        %dma_start3A_76 = tpu.memref_slice %arg10[%dma_start3A_74, %dma_start3A_75] : memref<10112x128xf32, #tpu.memory_space<vmem_shared>> -> memref<10112x128xf32, #tpu.memory_space<vmem_shared>>
        tpu.enqueue_indirect_dma source(%dma_start3A_71 : memref<128x128xf32, #tpu.memory_space<vmem>>) target(%dma_start3A_76 : memref<10112x128xf32, #tpu.memory_space<vmem_shared>>) offsets(%dma_start3A_73 : memref<128xi32, #tpu.memory_space<vmem>>) semaphore(%run_scoped3A_67 : memref<!tpu.dma_semaphore, #tpu.memory_space<semaphore_mem>>) {add = true}
        %dma_wait3A_77 = arith.constant 0 : i32
        %dma_wait3A_78 = arith.constant 0 : i32
        %dma_wait3A_79 = tpu.memref_slice %arg9[%run_scoped3A, %dma_wait3A_77, %dma_wait3A_78] : memref<2x128x128xf32, #tpu.memory_space<vmem>> -> memref<1x128x128xf32, #tpu.memory_space<vmem>>
        %dma_wait3A_80 = tpu.memref_squeeze %dma_wait3A_79 : memref<1x128x128xf32, #tpu.memory_space<vmem>> -> memref<128x128xf32, #tpu.memory_space<vmem>>
        %dma_wait3A_81 = arith.constant 0 : i32
        %dma_wait3A_82 = tpu.memref_slice %arg8[%dma_wait3A_81] : memref<256xi32, #tpu.memory_space<vmem>> -> memref<128xi32, #tpu.memory_space<vmem>>
        %dma_wait3A_83 = arith.constant 0 : i32
        %dma_wait3A_84 = arith.constant 0 : i32
        %dma_wait3A_85 = tpu.memref_slice %arg10[%dma_wait3A_83, %dma_wait3A_84] : memref<10112x128xf32, #tpu.memory_space<vmem_shared>> -> memref<10112x128xf32, #tpu.memory_space<vmem_shared>>
        tpu.wait_indirect_dma semaphore(%run_scoped3A_67 : memref<!tpu.dma_semaphore, #tpu.memory_space<semaphore_mem>>) src(%dma_wait3A_80 : memref<128x128xf32, #tpu.memory_space<vmem>>) dst(%dma_wait3A_85 : memref<10112x128xf32, #tpu.memory_space<vmem_shared>>)
        tpu.yield
      }) : () -> ()
      %add3A_52 = arith.constant 1 : i32
      %add3A_53 = arith.addi %add3A_28, %add3A_52 : i32
      %lt3A = arith.constant 80 : i32
      %lt3A_54 = arith.cmpi slt, %add3A_53, %lt3A : i32
      %convert_element_type3A = arith.extui %lt3A_54 : i1 to i32
      %cond3A = arith.constant 0 : i32
      %cond3A_55 = arith.cmpi ne, %convert_element_type3A, %cond3A : i32
      scf.if %cond3A_55 {
        %add3A_67 = arith.constant 1 : i32
        %add3A_68 = arith.addi %add3A_28, %add3A_67 : i32
        %mul3A_69 = arith.constant 128 : i32
        %mul3A_70 = arith.muli %add3A_68, %mul3A_69 : i32
        "tpu.region"() ({
          %run_scoped3A_83 = tpu.sem_alloc : memref<!tpu.dma_semaphore, #tpu.memory_space<semaphore_mem>>
          %dma_start3A_84 = arith.constant 0 : i32
          %dma_start3A_85 = tpu.memref_slice %arg7[%dma_start3A_84] : memref<256xi32, #tpu.memory_space<vmem>> -> memref<128xi32, #tpu.memory_space<vmem>>
          %dma_start3A_86 = tpu.memref_slice %arg3[%add3A, %mul3A_70] : memref<32x10240xi32, #tpu.memory_space<hbm>> -> memref<1x128xi32, #tpu.memory_space<hbm>>
          %dma_start3A_87 = tpu.memref_squeeze %dma_start3A_86 : memref<1x128xi32, #tpu.memory_space<hbm>> -> memref<128xi32, #tpu.memory_space<hbm>>
          %dma_start3A_88 = arith.constant 0 : i32
          %dma_start3A_89 = tpu.memref_slice %arg7[%dma_start3A_88] : memref<256xi32, #tpu.memory_space<vmem>> -> memref<128xi32, #tpu.memory_space<vmem>>
          %dma_start3A_90 = tpu.memref_slice %arg3[%add3A, %mul3A_70] : memref<32x10240xi32, #tpu.memory_space<hbm>> -> memref<1x128xi32, #tpu.memory_space<hbm>>
          %dma_start3A_91 = tpu.memref_squeeze %dma_start3A_90 : memref<1x128xi32, #tpu.memory_space<hbm>> -> memref<128xi32, #tpu.memory_space<hbm>>
          tpu.enqueue_dma source(%dma_start3A_91 : memref<128xi32, #tpu.memory_space<hbm>>) target(%dma_start3A_89 : memref<128xi32, #tpu.memory_space<vmem>>) target_semaphore(%run_scoped3A_83 : memref<!tpu.dma_semaphore, #tpu.memory_space<semaphore_mem>>)
          %dma_wait3A_92 = arith.constant 0 : i32
          %dma_wait3A_93 = tpu.memref_slice %arg7[%dma_wait3A_92] : memref<256xi32, #tpu.memory_space<vmem>> -> memref<128xi32, #tpu.memory_space<vmem>>
          %dma_wait3A_94 = tpu.memref_slice %arg3[%add3A, %mul3A_70] : memref<32x10240xi32, #tpu.memory_space<hbm>> -> memref<1x128xi32, #tpu.memory_space<hbm>>
          %dma_wait3A_95 = tpu.memref_squeeze %dma_wait3A_94 : memref<1x128xi32, #tpu.memory_space<hbm>> -> memref<128xi32, #tpu.memory_space<hbm>>
          %dma_wait3A_96 = arith.constant 0 : i32
          %dma_wait3A_97 = tpu.memref_slice %arg7[%dma_wait3A_96] : memref<256xi32, #tpu.memory_space<vmem>> -> memref<128xi32, #tpu.memory_space<vmem>>
          %dma_wait3A_98 = tpu.memref_slice %arg3[%add3A, %mul3A_70] : memref<32x10240xi32, #tpu.memory_space<hbm>> -> memref<1x128xi32, #tpu.memory_space<hbm>>
          %dma_wait3A_99 = tpu.memref_squeeze %dma_wait3A_98 : memref<1x128xi32, #tpu.memory_space<hbm>> -> memref<128xi32, #tpu.memory_space<hbm>>
          tpu.wait_dma2 semaphore(%run_scoped3A_83 : memref<!tpu.dma_semaphore, #tpu.memory_space<semaphore_mem>>) src(%dma_wait3A_99 : memref<128xi32, #tpu.memory_space<hbm>>) dst(%dma_wait3A_97 : memref<128xi32, #tpu.memory_space<vmem>>)
          tpu.yield
        }) : () -> ()
        %mul3A_71 = arith.constant 128 : i32
        %mul3A_72 = arith.muli %add3A_68, %mul3A_71 : i32
        "tpu.region"() ({
          %run_scoped3A_83 = tpu.sem_alloc : memref<!tpu.dma_semaphore, #tpu.memory_space<semaphore_mem>>
          %dma_start3A_84 = arith.constant 0 : i32
          %dma_start3A_85 = tpu.memref_slice %arg8[%dma_start3A_84] : memref<256xi32, #tpu.memory_space<vmem>> -> memref<128xi32, #tpu.memory_space<vmem>>
          %dma_start3A_86 = tpu.memref_slice %arg4[%add3A, %mul3A_72] : memref<32x10240xi32, #tpu.memory_space<hbm>> -> memref<1x128xi32, #tpu.memory_space<hbm>>
          %dma_start3A_87 = tpu.memref_squeeze %dma_start3A_86 : memref<1x128xi32, #tpu.memory_space<hbm>> -> memref<128xi32, #tpu.memory_space<hbm>>
          %dma_start3A_88 = arith.constant 0 : i32
          %dma_start3A_89 = tpu.memref_slice %arg8[%dma_start3A_88] : memref<256xi32, #tpu.memory_space<vmem>> -> memref<128xi32, #tpu.memory_space<vmem>>
          %dma_start3A_90 = tpu.memref_slice %arg4[%add3A, %mul3A_72] : memref<32x10240xi32, #tpu.memory_space<hbm>> -> memref<1x128xi32, #tpu.memory_space<hbm>>
          %dma_start3A_91 = tpu.memref_squeeze %dma_start3A_90 : memref<1x128xi32, #tpu.memory_space<hbm>> -> memref<128xi32, #tpu.memory_space<hbm>>
          tpu.enqueue_dma source(%dma_start3A_91 : memref<128xi32, #tpu.memory_space<hbm>>) target(%dma_start3A_89 : memref<128xi32, #tpu.memory_space<vmem>>) target_semaphore(%run_scoped3A_83 : memref<!tpu.dma_semaphore, #tpu.memory_space<semaphore_mem>>)
          %dma_wait3A_92 = arith.constant 0 : i32
          %dma_wait3A_93 = tpu.memref_slice %arg8[%dma_wait3A_92] : memref<256xi32, #tpu.memory_space<vmem>> -> memref<128xi32, #tpu.memory_space<vmem>>
          %dma_wait3A_94 = tpu.memref_slice %arg4[%add3A, %mul3A_72] : memref<32x10240xi32, #tpu.memory_space<hbm>> -> memref<1x128xi32, #tpu.memory_space<hbm>>
          %dma_wait3A_95 = tpu.memref_squeeze %dma_wait3A_94 : memref<1x128xi32, #tpu.memory_space<hbm>> -> memref<128xi32, #tpu.memory_space<hbm>>
          %dma_wait3A_96 = arith.constant 0 : i32
          %dma_wait3A_97 = tpu.memref_slice %arg8[%dma_wait3A_96] : memref<256xi32, #tpu.memory_space<vmem>> -> memref<128xi32, #tpu.memory_space<vmem>>
          %dma_wait3A_98 = tpu.memref_slice %arg4[%add3A, %mul3A_72] : memref<32x10240xi32, #tpu.memory_space<hbm>> -> memref<1x128xi32, #tpu.memory_space<hbm>>
          %dma_wait3A_99 = tpu.memref_squeeze %dma_wait3A_98 : memref<1x128xi32, #tpu.memory_space<hbm>> -> memref<128xi32, #tpu.memory_space<hbm>>
          tpu.wait_dma2 semaphore(%run_scoped3A_83 : memref<!tpu.dma_semaphore, #tpu.memory_space<semaphore_mem>>) src(%dma_wait3A_99 : memref<128xi32, #tpu.memory_space<hbm>>) dst(%dma_wait3A_97 : memref<128xi32, #tpu.memory_space<vmem>>)
          tpu.yield
        }) : () -> ()
        %dma_start3A_73 = arith.constant 0 : i32
        %dma_start3A_74 = arith.constant 0 : i32
        %dma_start3A_75 = arith.constant 0 : i32
        %dma_start3A_76 = tpu.memref_slice %arg9[%dma_start3A_73, %dma_start3A_74, %dma_start3A_75] : memref<2x128x128xf32, #tpu.memory_space<vmem>> -> memref<1x128x128xf32, #tpu.memory_space<vmem>>
        %dma_start3A_77 = tpu.memref_squeeze %dma_start3A_76 : memref<1x128x128xf32, #tpu.memory_space<vmem>> -> memref<128x128xf32, #tpu.memory_space<vmem>>
        %dma_start3A_78 = arith.constant 0 : i32
        %dma_start3A_79 = tpu.memref_slice %arg7[%dma_start3A_78] : memref<256xi32, #tpu.memory_space<vmem>> -> memref<128xi32, #tpu.memory_space<vmem>>
        %dma_start3A_80 = arith.constant 0 : i32
        %dma_start3A_81 = arith.constant 0 : i32
        %dma_start3A_82 = tpu.memref_slice %arg2[%dma_start3A_80, %dma_start3A_81] : memref<10112x128xf32, #tpu.memory_space<hbm>> -> memref<10112x128xf32, #tpu.memory_space<hbm>>
        tpu.enqueue_indirect_dma source(%dma_start3A_82 : memref<10112x128xf32, #tpu.memory_space<hbm>>) target(%dma_start3A_77 : memref<128x128xf32, #tpu.memory_space<vmem>>) offsets(%dma_start3A_79 : memref<128xi32, #tpu.memory_space<vmem>>) semaphore(%arg11 : memref<!tpu.dma_semaphore, #tpu.memory_space<semaphore_mem>>)
      } else {
      }
      %dma_wait3A_56 = arith.constant 1 : i32
      %dma_wait3A_57 = arith.constant 0 : i32
      %dma_wait3A_58 = arith.constant 0 : i32
      %dma_wait3A_59 = tpu.memref_slice %arg9[%dma_wait3A_56, %dma_wait3A_57, %dma_wait3A_58] : memref<2x128x128xf32, #tpu.memory_space<vmem>> -> memref<1x128x128xf32, #tpu.memory_space<vmem>>
      %dma_wait3A_60 = tpu.memref_squeeze %dma_wait3A_59 : memref<1x128x128xf32, #tpu.memory_space<vmem>> -> memref<128x128xf32, #tpu.memory_space<vmem>>
      %dma_wait3A_61 = arith.constant 128 : i32
      %dma_wait3A_62 = tpu.memref_slice %arg7[%dma_wait3A_61] : memref<256xi32, #tpu.memory_space<vmem>> -> memref<128xi32, #tpu.memory_space<vmem>>
      %dma_wait3A_63 = arith.constant 0 : i32
      %dma_wait3A_64 = arith.constant 0 : i32
      %dma_wait3A_65 = tpu.memref_slice %arg2[%dma_wait3A_63, %dma_wait3A_64] : memref<10112x128xf32, #tpu.memory_space<hbm>> -> memref<10112x128xf32, #tpu.memory_space<hbm>>
      tpu.wait_indirect_dma semaphore(%arg12 : memref<!tpu.dma_semaphore, #tpu.memory_space<semaphore_mem>>) src(%dma_wait3A_65 : memref<10112x128xf32, #tpu.memory_space<hbm>>) dst(%dma_wait3A_60 : memref<128x128xf32, #tpu.memory_space<vmem>>)
      %run_scoped3A_66 = arith.constant 1 : i32
      "tpu.region"() ({
        %run_scoped3A_67 = tpu.sem_alloc : memref<!tpu.dma_semaphore, #tpu.memory_space<semaphore_mem>>
        %dma_start3A_68 = arith.constant 0 : i32
        %dma_start3A_69 = arith.constant 0 : i32
        %dma_start3A_70 = tpu.memref_slice %arg9[%run_scoped3A_66, %dma_start3A_68, %dma_start3A_69] : memref<2x128x128xf32, #tpu.memory_space<vmem>> -> memref<1x128x128xf32, #tpu.memory_space<vmem>>
        %dma_start3A_71 = tpu.memref_squeeze %dma_start3A_70 : memref<1x128x128xf32, #tpu.memory_space<vmem>> -> memref<128x128xf32, #tpu.memory_space<vmem>>
        %dma_start3A_72 = arith.constant 128 : i32
        %dma_start3A_73 = tpu.memref_slice %arg8[%dma_start3A_72] : memref<256xi32, #tpu.memory_space<vmem>> -> memref<128xi32, #tpu.memory_space<vmem>>
        %dma_start3A_74 = arith.constant 0 : i32
        %dma_start3A_75 = arith.constant 0 : i32
        %dma_start3A_76 = tpu.memref_slice %arg10[%dma_start3A_74, %dma_start3A_75] : memref<10112x128xf32, #tpu.memory_space<vmem_shared>> -> memref<10112x128xf32, #tpu.memory_space<vmem_shared>>
        tpu.enqueue_indirect_dma source(%dma_start3A_71 : memref<128x128xf32, #tpu.memory_space<vmem>>) target(%dma_start3A_76 : memref<10112x128xf32, #tpu.memory_space<vmem_shared>>) offsets(%dma_start3A_73 : memref<128xi32, #tpu.memory_space<vmem>>) semaphore(%run_scoped3A_67 : memref<!tpu.dma_semaphore, #tpu.memory_space<semaphore_mem>>) {add = true}
        %dma_wait3A_77 = arith.constant 0 : i32
        %dma_wait3A_78 = arith.constant 0 : i32
        %dma_wait3A_79 = tpu.memref_slice %arg9[%run_scoped3A_66, %dma_wait3A_77, %dma_wait3A_78] : memref<2x128x128xf32, #tpu.memory_space<vmem>> -> memref<1x128x128xf32, #tpu.memory_space<vmem>>
        %dma_wait3A_80 = tpu.memref_squeeze %dma_wait3A_79 : memref<1x128x128xf32, #tpu.memory_space<vmem>> -> memref<128x128xf32, #tpu.memory_space<vmem>>
        %dma_wait3A_81 = arith.constant 128 : i32
        %dma_wait3A_82 = tpu.memref_slice %arg8[%dma_wait3A_81] : memref<256xi32, #tpu.memory_space<vmem>> -> memref<128xi32, #tpu.memory_space<vmem>>
        %dma_wait3A_83 = arith.constant 0 : i32
        %dma_wait3A_84 = arith.constant 0 : i32
        %dma_wait3A_85 = tpu.memref_slice %arg10[%dma_wait3A_83, %dma_wait3A_84] : memref<10112x128xf32, #tpu.memory_space<vmem_shared>> -> memref<10112x128xf32, #tpu.memory_space<vmem_shared>>
        tpu.wait_indirect_dma semaphore(%run_scoped3A_67 : memref<!tpu.dma_semaphore, #tpu.memory_space<semaphore_mem>>) src(%dma_wait3A_80 : memref<128x128xf32, #tpu.memory_space<vmem>>) dst(%dma_wait3A_85 : memref<10112x128xf32, #tpu.memory_space<vmem_shared>>)
        tpu.yield
      }) : () -> ()
    }
    %scan3A_18 = arith.constant 40 : i32
    %barrier3A_19 = arith.constant 0 : index
    tpu.barrier barrier_id(%barrier3A_19)
    %mul3A_20 = arith.constant 632 : i32
    %mul3A_21 = arith.muli %arg1, %mul3A_20 : i32
    %mul3A_22 = arith.constant 632 : i32
    %mul3A_23 = arith.muli %arg1, %mul3A_22 : i32
    "tpu.region"() ({
      %run_scoped3A = tpu.sem_alloc : memref<!tpu.dma_semaphore, #tpu.memory_space<semaphore_mem>>
      %dma_start3A_24 = arith.constant 0 : i32
      %dma_start3A_25 = tpu.memref_slice %arg6[%arg0, %mul3A_23, %dma_start3A_24] : memref<2x10112x128xf32, #tpu.memory_space<hbm>> -> memref<1x632x128xf32, #tpu.memory_space<hbm>>
      %dma_start3A_26 = tpu.memref_squeeze %dma_start3A_25 : memref<1x632x128xf32, #tpu.memory_space<hbm>> -> memref<632x128xf32, #tpu.memory_space<hbm>>
      %dma_start3A_27 = arith.constant 0 : i32
      %dma_start3A_28 = tpu.memref_slice %arg10[%mul3A_21, %dma_start3A_27] : memref<10112x128xf32, #tpu.memory_space<vmem_shared>> -> memref<632x128xf32, #tpu.memory_space<vmem_shared>>
      tpu.enqueue_dma source(%dma_start3A_28 : memref<632x128xf32, #tpu.memory_space<vmem_shared>>) target(%dma_start3A_26 : memref<632x128xf32, #tpu.memory_space<hbm>>) target_semaphore(%run_scoped3A : memref<!tpu.dma_semaphore, #tpu.memory_space<semaphore_mem>>)
      %dma_wait3A = arith.constant 0 : i32
      %dma_wait3A_29 = tpu.memref_slice %arg6[%arg0, %mul3A_23, %dma_wait3A] : memref<2x10112x128xf32, #tpu.memory_space<hbm>> -> memref<1x632x128xf32, #tpu.memory_space<hbm>>
      %dma_wait3A_30 = tpu.memref_squeeze %dma_wait3A_29 : memref<1x632x128xf32, #tpu.memory_space<hbm>> -> memref<632x128xf32, #tpu.memory_space<hbm>>
      %dma_wait3A_31 = arith.constant 0 : i32
      %dma_wait3A_32 = tpu.memref_slice %arg10[%mul3A_21, %dma_wait3A_31] : memref<10112x128xf32, #tpu.memory_space<vmem_shared>> -> memref<632x128xf32, #tpu.memory_space<vmem_shared>>
      tpu.wait_dma2 semaphore(%run_scoped3A : memref<!tpu.dma_semaphore, #tpu.memory_space<semaphore_mem>>) src(%dma_wait3A_32 : memref<632x128xf32, #tpu.memory_space<vmem_shared>>) dst(%dma_wait3A_30 : memref<632x128xf32, #tpu.memory_space<hbm>>)
      tpu.yield
    }) : () -> ()
    return
  }
}

#map = affine_map<(d0, d1) -> (0, 0)>
#map1 = affine_map<(d0, d1) -> (0, 0, 0)>
module attributes {stable_mosaic.version = 14 : i64} {
  func.func @k(%arg0: i32, %arg1: i32, %arg2: memref<10112x128xf32, #tpu.memory_space<hbm>>, %arg3: memref<32x10240xi32, #tpu.memory_space<hbm>>, %arg4: memref<32x10240xi32, #tpu.memory_space<hbm>>, %arg5: memref<10112x128xf32, #tpu.memory_space<hbm>>, %arg6: memref<2x10112x128xf32, #tpu.memory_space<hbm>>, %arg7: memref<256xi32, #tpu.memory_space<vmem>>, %arg8: memref<256xi32, #tpu.memory_space<vmem>>, %arg9: memref<2x128x128xf32, #tpu.memory_space<vmem>>, %arg10: memref<10112x128xf32, #tpu.memory_space<vmem_shared>>, %arg11: memref<!tpu.dma_semaphore, #tpu.memory_space<semaphore_mem>>, %arg12: memref<!tpu.dma_semaphore, #tpu.memory_space<semaphore_mem>>) attributes {dimension_semantics = [#tpu.dimension_semantics<core_parallel>, #tpu.dimension_semantics<subcore_parallel>], iteration_bounds = array<i64: 2, 16>, scalar_prefetch = 0 : i64, scratch_operands = 6 : i64, tpu.core_type = #tpu.core_type<sc_vector_subcore>, window_params = [{transform_indices = #map}, {transform_indices = #map}, {transform_indices = #map}, {transform_indices = #map}, {transform_indices = #map1}]} {
    %mul3A = arith.constant 2 : i32
    %mul3A_0 = arith.muli %arg1, %mul3A : i32
    %add3A = arith.addi %mul3A_0, %arg0 : i32
    %mul3A_1 = arith.constant 632 : i32
    %mul3A_2 = arith.muli %arg1, %mul3A_1 : i32
    %mul3A_3 = arith.constant 632 : i32
    %mul3A_4 = arith.muli %arg1, %mul3A_3 : i32
    "tpu.region"() ({
      %run_scoped3A = tpu.sem_alloc : memref<!tpu.dma_semaphore, #tpu.memory_space<semaphore_mem>>
      %dma_start3A_24 = arith.constant 0 : i32
      %dma_start3A_25 = tpu.memref_slice %arg10[%mul3A_4, %dma_start3A_24] : memref<10112x128xf32, #tpu.memory_space<vmem_shared>> -> memref<632x128xf32, #tpu.memory_space<vmem_shared>>
      %dma_start3A_26 = arith.constant 0 : i32
      %dma_start3A_27 = tpu.memref_slice %arg5[%mul3A_2, %dma_start3A_26] : memref<10112x128xf32, #tpu.memory_space<hbm>> -> memref<632x128xf32, #tpu.memory_space<hbm>>
      tpu.enqueue_dma source(%dma_start3A_27 : memref<632x128xf32, #tpu.memory_space<hbm>>) target(%dma_start3A_25 : memref<632x128xf32, #tpu.memory_space<vmem_shared>>) target_semaphore(%run_scoped3A : memref<!tpu.dma_semaphore, #tpu.memory_space<semaphore_mem>>)
      %dma_wait3A = arith.constant 0 : i32
      %dma_wait3A_28 = tpu.memref_slice %arg10[%mul3A_4, %dma_wait3A] : memref<10112x128xf32, #tpu.memory_space<vmem_shared>> -> memref<632x128xf32, #tpu.memory_space<vmem_shared>>
      %dma_wait3A_29 = arith.constant 0 : i32
      %dma_wait3A_30 = tpu.memref_slice %arg5[%mul3A_2, %dma_wait3A_29] : memref<10112x128xf32, #tpu.memory_space<hbm>> -> memref<632x128xf32, #tpu.memory_space<hbm>>
      tpu.wait_dma2 semaphore(%run_scoped3A : memref<!tpu.dma_semaphore, #tpu.memory_space<semaphore_mem>>) src(%dma_wait3A_30 : memref<632x128xf32, #tpu.memory_space<hbm>>) dst(%dma_wait3A_28 : memref<632x128xf32, #tpu.memory_space<vmem_shared>>)
      tpu.yield
    }) : () -> ()
    %barrier3A = arith.constant 0 : index
    tpu.barrier barrier_id(%barrier3A)
    "tpu.region"() ({
      %run_scoped3A = tpu.sem_alloc : memref<!tpu.dma_semaphore, #tpu.memory_space<semaphore_mem>>
      %dma_start3A_24 = arith.constant 0 : i32
      %dma_start3A_25 = tpu.memref_slice %arg7[%dma_start3A_24] : memref<256xi32, #tpu.memory_space<vmem>> -> memref<128xi32, #tpu.memory_space<vmem>>
      %dma_start3A_26 = arith.constant 0 : i32
      %dma_start3A_27 = tpu.memref_slice %arg3[%add3A, %dma_start3A_26] : memref<32x10240xi32, #tpu.memory_space<hbm>> -> memref<1x128xi32, #tpu.memory_space<hbm>>
      %dma_start3A_28 = tpu.memref_squeeze %dma_start3A_27 : memref<1x128xi32, #tpu.memory_space<hbm>> -> memref<128xi32, #tpu.memory_space<hbm>>
      %dma_start3A_29 = arith.constant 0 : i32
      %dma_start3A_30 = tpu.memref_slice %arg7[%dma_start3A_29] : memref<256xi32, #tpu.memory_space<vmem>> -> memref<128xi32, #tpu.memory_space<vmem>>
      %dma_start3A_31 = arith.constant 0 : i32
      %dma_start3A_32 = tpu.memref_slice %arg3[%add3A, %dma_start3A_31] : memref<32x10240xi32, #tpu.memory_space<hbm>> -> memref<1x128xi32, #tpu.memory_space<hbm>>
      %dma_start3A_33 = tpu.memref_squeeze %dma_start3A_32 : memref<1x128xi32, #tpu.memory_space<hbm>> -> memref<128xi32, #tpu.memory_space<hbm>>
      tpu.enqueue_dma source(%dma_start3A_33 : memref<128xi32, #tpu.memory_space<hbm>>) target(%dma_start3A_30 : memref<128xi32, #tpu.memory_space<vmem>>) target_semaphore(%run_scoped3A : memref<!tpu.dma_semaphore, #tpu.memory_space<semaphore_mem>>)
      %dma_wait3A = arith.constant 0 : i32
      %dma_wait3A_34 = tpu.memref_slice %arg7[%dma_wait3A] : memref<256xi32, #tpu.memory_space<vmem>> -> memref<128xi32, #tpu.memory_space<vmem>>
      %dma_wait3A_35 = arith.constant 0 : i32
      %dma_wait3A_36 = tpu.memref_slice %arg3[%add3A, %dma_wait3A_35] : memref<32x10240xi32, #tpu.memory_space<hbm>> -> memref<1x128xi32, #tpu.memory_space<hbm>>
      %dma_wait3A_37 = tpu.memref_squeeze %dma_wait3A_36 : memref<1x128xi32, #tpu.memory_space<hbm>> -> memref<128xi32, #tpu.memory_space<hbm>>
      %dma_wait3A_38 = arith.constant 0 : i32
      %dma_wait3A_39 = tpu.memref_slice %arg7[%dma_wait3A_38] : memref<256xi32, #tpu.memory_space<vmem>> -> memref<128xi32, #tpu.memory_space<vmem>>
      %dma_wait3A_40 = arith.constant 0 : i32
      %dma_wait3A_41 = tpu.memref_slice %arg3[%add3A, %dma_wait3A_40] : memref<32x10240xi32, #tpu.memory_space<hbm>> -> memref<1x128xi32, #tpu.memory_space<hbm>>
      %dma_wait3A_42 = tpu.memref_squeeze %dma_wait3A_41 : memref<1x128xi32, #tpu.memory_space<hbm>> -> memref<128xi32, #tpu.memory_space<hbm>>
      tpu.wait_dma2 semaphore(%run_scoped3A : memref<!tpu.dma_semaphore, #tpu.memory_space<semaphore_mem>>) src(%dma_wait3A_42 : memref<128xi32, #tpu.memory_space<hbm>>) dst(%dma_wait3A_39 : memref<128xi32, #tpu.memory_space<vmem>>)
      tpu.yield
    }) : () -> ()
    "tpu.region"() ({
      %run_scoped3A = tpu.sem_alloc : memref<!tpu.dma_semaphore, #tpu.memory_space<semaphore_mem>>
      %dma_start3A_24 = arith.constant 0 : i32
      %dma_start3A_25 = tpu.memref_slice %arg8[%dma_start3A_24] : memref<256xi32, #tpu.memory_space<vmem>> -> memref<128xi32, #tpu.memory_space<vmem>>
      %dma_start3A_26 = arith.constant 0 : i32
      %dma_start3A_27 = tpu.memref_slice %arg4[%add3A, %dma_start3A_26] : memref<32x10240xi32, #tpu.memory_space<hbm>> -> memref<1x128xi32, #tpu.memory_space<hbm>>
      %dma_start3A_28 = tpu.memref_squeeze %dma_start3A_27 : memref<1x128xi32, #tpu.memory_space<hbm>> -> memref<128xi32, #tpu.memory_space<hbm>>
      %dma_start3A_29 = arith.constant 0 : i32
      %dma_start3A_30 = tpu.memref_slice %arg8[%dma_start3A_29] : memref<256xi32, #tpu.memory_space<vmem>> -> memref<128xi32, #tpu.memory_space<vmem>>
      %dma_start3A_31 = arith.constant 0 : i32
      %dma_start3A_32 = tpu.memref_slice %arg4[%add3A, %dma_start3A_31] : memref<32x10240xi32, #tpu.memory_space<hbm>> -> memref<1x128xi32, #tpu.memory_space<hbm>>
      %dma_start3A_33 = tpu.memref_squeeze %dma_start3A_32 : memref<1x128xi32, #tpu.memory_space<hbm>> -> memref<128xi32, #tpu.memory_space<hbm>>
      tpu.enqueue_dma source(%dma_start3A_33 : memref<128xi32, #tpu.memory_space<hbm>>) target(%dma_start3A_30 : memref<128xi32, #tpu.memory_space<vmem>>) target_semaphore(%run_scoped3A : memref<!tpu.dma_semaphore, #tpu.memory_space<semaphore_mem>>)
      %dma_wait3A = arith.constant 0 : i32
      %dma_wait3A_34 = tpu.memref_slice %arg8[%dma_wait3A] : memref<256xi32, #tpu.memory_space<vmem>> -> memref<128xi32, #tpu.memory_space<vmem>>
      %dma_wait3A_35 = arith.constant 0 : i32
      %dma_wait3A_36 = tpu.memref_slice %arg4[%add3A, %dma_wait3A_35] : memref<32x10240xi32, #tpu.memory_space<hbm>> -> memref<1x128xi32, #tpu.memory_space<hbm>>
      %dma_wait3A_37 = tpu.memref_squeeze %dma_wait3A_36 : memref<1x128xi32, #tpu.memory_space<hbm>> -> memref<128xi32, #tpu.memory_space<hbm>>
      %dma_wait3A_38 = arith.constant 0 : i32
      %dma_wait3A_39 = tpu.memref_slice %arg8[%dma_wait3A_38] : memref<256xi32, #tpu.memory_space<vmem>> -> memref<128xi32, #tpu.memory_space<vmem>>
      %dma_wait3A_40 = arith.constant 0 : i32
      %dma_wait3A_41 = tpu.memref_slice %arg4[%add3A, %dma_wait3A_40] : memref<32x10240xi32, #tpu.memory_space<hbm>> -> memref<1x128xi32, #tpu.memory_space<hbm>>
      %dma_wait3A_42 = tpu.memref_squeeze %dma_wait3A_41 : memref<1x128xi32, #tpu.memory_space<hbm>> -> memref<128xi32, #tpu.memory_space<hbm>>
      tpu.wait_dma2 semaphore(%run_scoped3A : memref<!tpu.dma_semaphore, #tpu.memory_space<semaphore_mem>>) src(%dma_wait3A_42 : memref<128xi32, #tpu.memory_space<hbm>>) dst(%dma_wait3A_39 : memref<128xi32, #tpu.memory_space<vmem>>)
      tpu.yield
    }) : () -> ()
    %dma_start3A = arith.constant 0 : i32
    %dma_start3A_5 = arith.constant 0 : i32
    %dma_start3A_6 = arith.constant 0 : i32
    %dma_start3A_7 = tpu.memref_slice %arg9[%dma_start3A, %dma_start3A_5, %dma_start3A_6] : memref<2x128x128xf32, #tpu.memory_space<vmem>> -> memref<1x128x128xf32, #tpu.memory_space<vmem>>
    %dma_start3A_8 = tpu.memref_squeeze %dma_start3A_7 : memref<1x128x128xf32, #tpu.memory_space<vmem>> -> memref<128x128xf32, #tpu.memory_space<vmem>>
    %dma_start3A_9 = arith.constant 0 : i32
    %dma_start3A_10 = tpu.memref_slice %arg7[%dma_start3A_9] : memref<256xi32, #tpu.memory_space<vmem>> -> memref<128xi32, #tpu.memory_space<vmem>>
    %dma_start3A_11 = arith.constant 0 : i32
    %dma_start3A_12 = arith.constant 0 : i32
    %dma_start3A_13 = tpu.memref_slice %arg2[%dma_start3A_11, %dma_start3A_12] : memref<10112x128xf32, #tpu.memory_space<hbm>> -> memref<10112x128xf32, #tpu.memory_space<hbm>>
    tpu.enqueue_indirect_dma source(%dma_start3A_13 : memref<10112x128xf32, #tpu.memory_space<hbm>>) target(%dma_start3A_8 : memref<128x128xf32, #tpu.memory_space<vmem>>) offsets(%dma_start3A_10 : memref<128xi32, #tpu.memory_space<vmem>>) semaphore(%arg11 : memref<!tpu.dma_semaphore, #tpu.memory_space<semaphore_mem>>)
    %scan3A = arith.constant 0 : i32
    %scan3A_14 = arith.constant 0 : i32
    %scan3A_15 = arith.constant 40 : i32
    %scan3A_16 = arith.addi %scan3A_14, %scan3A_15 : i32
    %scan3A_17 = arith.constant 1 : i32
    scf.for %scan3A_24 = %scan3A_14 to %scan3A_16 step %scan3A_17  : i32 {
      %mul3A_25 = arith.constant 2 : i32
      %mul3A_26 = arith.muli %mul3A_25, %scan3A_24 : i32
      %add3A_27 = arith.constant 1 : i32
      %add3A_28 = arith.addi %mul3A_26, %add3A_27 : i32
      %mul3A_29 = arith.constant 128 : i32
      %mul3A_30 = arith.muli %add3A_28, %mul3A_29 : i32
      "tpu.region"() ({
        %run_scoped3A_67 = tpu.sem_alloc : memref<!tpu.dma_semaphore, #tpu.memory_space<semaphore_mem>>
        %dma_start3A_68 = arith.constant 128 : i32
        %dma_start3A_69 = tpu.memref_slice %arg7[%dma_start3A_68] : memref<256xi32, #tpu.memory_space<vmem>> -> memref<128xi32, #tpu.memory_space<vmem>>
        %dma_start3A_70 = tpu.memref_slice %arg3[%add3A, %mul3A_30] : memref<32x10240xi32, #tpu.memory_space<hbm>> -> memref<1x128xi32, #tpu.memory_space<hbm>>
        %dma_start3A_71 = tpu.memref_squeeze %dma_start3A_70 : memref<1x128xi32, #tpu.memory_space<hbm>> -> memref<128xi32, #tpu.memory_space<hbm>>
        %dma_start3A_72 = arith.constant 128 : i32
        %dma_start3A_73 = tpu.memref_slice %arg7[%dma_start3A_72] : memref<256xi32, #tpu.memory_space<vmem>> -> memref<128xi32, #tpu.memory_space<vmem>>
        %dma_start3A_74 = tpu.memref_slice %arg3[%add3A, %mul3A_30] : memref<32x10240xi32, #tpu.memory_space<hbm>> -> memref<1x128xi32, #tpu.memory_space<hbm>>
        %dma_start3A_75 = tpu.memref_squeeze %dma_start3A_74 : memref<1x128xi32, #tpu.memory_space<hbm>> -> memref<128xi32, #tpu.memory_space<hbm>>
        tpu.enqueue_dma source(%dma_start3A_75 : memref<128xi32, #tpu.memory_space<hbm>>) target(%dma_start3A_73 : memref<128xi32, #tpu.memory_space<vmem>>) target_semaphore(%run_scoped3A_67 : memref<!tpu.dma_semaphore, #tpu.memory_space<semaphore_mem>>)
        %dma_wait3A_76 = arith.constant 128 : i32
        %dma_wait3A_77 = tpu.memref_slice %arg7[%dma_wait3A_76] : memref<256xi32, #tpu.memory_space<vmem>> -> memref<128xi32, #tpu.memory_space<vmem>>
        %dma_wait3A_78 = tpu.memref_slice %arg3[%add3A, %mul3A_30] : memref<32x10240xi32, #tpu.memory_space<hbm>> -> memref<1x128xi32, #tpu.memory_space<hbm>>
        %dma_wait3A_79 = tpu.memref_squeeze %dma_wait3A_78 : memref<1x128xi32, #tpu.memory_space<hbm>> -> memref<128xi32, #tpu.memory_space<hbm>>
        %dma_wait3A_80 = arith.constant 128 : i32
        %dma_wait3A_81 = tpu.memref_slice %arg7[%dma_wait3A_80] : memref<256xi32, #tpu.memory_space<vmem>> -> memref<128xi32, #tpu.memory_space<vmem>>
        %dma_wait3A_82 = tpu.memref_slice %arg3[%add3A, %mul3A_30] : memref<32x10240xi32, #tpu.memory_space<hbm>> -> memref<1x128xi32, #tpu.memory_space<hbm>>
        %dma_wait3A_83 = tpu.memref_squeeze %dma_wait3A_82 : memref<1x128xi32, #tpu.memory_space<hbm>> -> memref<128xi32, #tpu.memory_space<hbm>>
        tpu.wait_dma2 semaphore(%run_scoped3A_67 : memref<!tpu.dma_semaphore, #tpu.memory_space<semaphore_mem>>) src(%dma_wait3A_83 : memref<128xi32, #tpu.memory_space<hbm>>) dst(%dma_wait3A_81 : memref<128xi32, #tpu.memory_space<vmem>>)
        tpu.yield
      }) : () -> ()
      %mul3A_31 = arith.constant 128 : i32
      %mul3A_32 = arith.muli %add3A_28, %mul3A_31 : i32
      "tpu.region"() ({
        %run_scoped3A_67 = tpu.sem_alloc : memref<!tpu.dma_semaphore, #tpu.memory_space<semaphore_mem>>
        %dma_start3A_68 = arith.constant 128 : i32
        %dma_start3A_69 = tpu.memref_slice %arg8[%dma_start3A_68] : memref<256xi32, #tpu.memory_space<vmem>> -> memref<128xi32, #tpu.memory_space<vmem>>
        %dma_start3A_70 = tpu.memref_slice %arg4[%add3A, %mul3A_32] : memref<32x10240xi32, #tpu.memory_space<hbm>> -> memref<1x128xi32, #tpu.memory_space<hbm>>
        %dma_start3A_71 = tpu.memref_squeeze %dma_start3A_70 : memref<1x128xi32, #tpu.memory_space<hbm>> -> memref<128xi32, #tpu.memory_space<hbm>>
        %dma_start3A_72 = arith.constant 128 : i32
        %dma_start3A_73 = tpu.memref_slice %arg8[%dma_start3A_72] : memref<256xi32, #tpu.memory_space<vmem>> -> memref<128xi32, #tpu.memory_space<vmem>>
        %dma_start3A_74 = tpu.memref_slice %arg4[%add3A, %mul3A_32] : memref<32x10240xi32, #tpu.memory_space<hbm>> -> memref<1x128xi32, #tpu.memory_space<hbm>>
        %dma_start3A_75 = tpu.memref_squeeze %dma_start3A_74 : memref<1x128xi32, #tpu.memory_space<hbm>> -> memref<128xi32, #tpu.memory_space<hbm>>
        tpu.enqueue_dma source(%dma_start3A_75 : memref<128xi32, #tpu.memory_space<hbm>>) target(%dma_start3A_73 : memref<128xi32, #tpu.memory_space<vmem>>) target_semaphore(%run_scoped3A_67 : memref<!tpu.dma_semaphore, #tpu.memory_space<semaphore_mem>>)
        %dma_wait3A_76 = arith.constant 128 : i32
        %dma_wait3A_77 = tpu.memref_slice %arg8[%dma_wait3A_76] : memref<256xi32, #tpu.memory_space<vmem>> -> memref<128xi32, #tpu.memory_space<vmem>>
        %dma_wait3A_78 = tpu.memref_slice %arg4[%add3A, %mul3A_32] : memref<32x10240xi32, #tpu.memory_space<hbm>> -> memref<1x128xi32, #tpu.memory_space<hbm>>
        %dma_wait3A_79 = tpu.memref_squeeze %dma_wait3A_78 : memref<1x128xi32, #tpu.memory_space<hbm>> -> memref<128xi32, #tpu.memory_space<hbm>>
        %dma_wait3A_80 = arith.constant 128 : i32
        %dma_wait3A_81 = tpu.memref_slice %arg8[%dma_wait3A_80] : memref<256xi32, #tpu.memory_space<vmem>> -> memref<128xi32, #tpu.memory_space<vmem>>
        %dma_wait3A_82 = tpu.memref_slice %arg4[%add3A, %mul3A_32] : memref<32x10240xi32, #tpu.memory_space<hbm>> -> memref<1x128xi32, #tpu.memory_space<hbm>>
        %dma_wait3A_83 = tpu.memref_squeeze %dma_wait3A_82 : memref<1x128xi32, #tpu.memory_space<hbm>> -> memref<128xi32, #tpu.memory_space<hbm>>
        tpu.wait_dma2 semaphore(%run_scoped3A_67 : memref<!tpu.dma_semaphore, #tpu.memory_space<semaphore_mem>>) src(%dma_wait3A_83 : memref<128xi32, #tpu.memory_space<hbm>>) dst(%dma_wait3A_81 : memref<128xi32, #tpu.memory_space<vmem>>)
        tpu.yield
      }) : () -> ()
      %dma_start3A_33 = arith.constant 1 : i32
      %dma_start3A_34 = arith.constant 0 : i32
      %dma_start3A_35 = arith.constant 0 : i32
      %dma_start3A_36 = tpu.memref_slice %arg9[%dma_start3A_33, %dma_start3A_34, %dma_start3A_35] : memref<2x128x128xf32, #tpu.memory_space<vmem>> -> memref<1x128x128xf32, #tpu.memory_space<vmem>>
      %dma_start3A_37 = tpu.memref_squeeze %dma_start3A_36 : memref<1x128x128xf32, #tpu.memory_space<vmem>> -> memref<128x128xf32, #tpu.memory_space<vmem>>
      %dma_start3A_38 = arith.constant 128 : i32
      %dma_start3A_39 = tpu.memref_slice %arg7[%dma_start3A_38] : memref<256xi32, #tpu.memory_space<vmem>> -> memref<128xi32, #tpu.memory_space<vmem>>
      %dma_start3A_40 = arith.constant 0 : i32
      %dma_start3A_41 = arith.constant 0 : i32
      %dma_start3A_42 = tpu.memref_slice %arg2[%dma_start3A_40, %dma_start3A_41] : memref<10112x128xf32, #tpu.memory_space<hbm>> -> memref<10112x128xf32, #tpu.memory_space<hbm>>
      tpu.enqueue_indirect_dma source(%dma_start3A_42 : memref<10112x128xf32, #tpu.memory_space<hbm>>) target(%dma_start3A_37 : memref<128x128xf32, #tpu.memory_space<vmem>>) offsets(%dma_start3A_39 : memref<128xi32, #tpu.memory_space<vmem>>) semaphore(%arg12 : memref<!tpu.dma_semaphore, #tpu.memory_space<semaphore_mem>>)
      %dma_wait3A = arith.constant 0 : i32
      %dma_wait3A_43 = arith.constant 0 : i32
      %dma_wait3A_44 = arith.constant 0 : i32
      %dma_wait3A_45 = tpu.memref_slice %arg9[%dma_wait3A, %dma_wait3A_43, %dma_wait3A_44] : memref<2x128x128xf32, #tpu.memory_space<vmem>> -> memref<1x128x128xf32, #tpu.memory_space<vmem>>
      %dma_wait3A_46 = tpu.memref_squeeze %dma_wait3A_45 : memref<1x128x128xf32, #tpu.memory_space<vmem>> -> memref<128x128xf32, #tpu.memory_space<vmem>>
      %dma_wait3A_47 = arith.constant 0 : i32
      %dma_wait3A_48 = tpu.memref_slice %arg7[%dma_wait3A_47] : memref<256xi32, #tpu.memory_space<vmem>> -> memref<128xi32, #tpu.memory_space<vmem>>
      %dma_wait3A_49 = arith.constant 0 : i32
      %dma_wait3A_50 = arith.constant 0 : i32
      %dma_wait3A_51 = tpu.memref_slice %arg2[%dma_wait3A_49, %dma_wait3A_50] : memref<10112x128xf32, #tpu.memory_space<hbm>> -> memref<10112x128xf32, #tpu.memory_space<hbm>>
      tpu.wait_indirect_dma semaphore(%arg11 : memref<!tpu.dma_semaphore, #tpu.memory_space<semaphore_mem>>) src(%dma_wait3A_51 : memref<10112x128xf32, #tpu.memory_space<hbm>>) dst(%dma_wait3A_46 : memref<128x128xf32, #tpu.memory_space<vmem>>)
      %run_scoped3A = arith.constant 0 : i32
      "tpu.region"() ({
        %run_scoped3A_67 = tpu.sem_alloc : memref<!tpu.dma_semaphore, #tpu.memory_space<semaphore_mem>>
        %dma_start3A_68 = arith.constant 0 : i32
        %dma_start3A_69 = arith.constant 0 : i32
        %dma_start3A_70 = tpu.memref_slice %arg9[%run_scoped3A, %dma_start3A_68, %dma_start3A_69] : memref<2x128x128xf32, #tpu.memory_space<vmem>> -> memref<1x128x128xf32, #tpu.memory_space<vmem>>
        %dma_start3A_71 = tpu.memref_squeeze %dma_start3A_70 : memref<1x128x128xf32, #tpu.memory_space<vmem>> -> memref<128x128xf32, #tpu.memory_space<vmem>>
        %dma_start3A_72 = arith.constant 0 : i32
        %dma_start3A_73 = tpu.memref_slice %arg8[%dma_start3A_72] : memref<256xi32, #tpu.memory_space<vmem>> -> memref<128xi32, #tpu.memory_space<vmem>>
        %dma_start3A_74 = arith.constant 0 : i32
        %dma_start3A_75 = arith.constant 0 : i32
        %dma_start3A_76 = tpu.memref_slice %arg10[%dma_start3A_74, %dma_start3A_75] : memref<10112x128xf32, #tpu.memory_space<vmem_shared>> -> memref<10112x128xf32, #tpu.memory_space<vmem_shared>>
        tpu.enqueue_indirect_dma source(%dma_start3A_71 : memref<128x128xf32, #tpu.memory_space<vmem>>) target(%dma_start3A_76 : memref<10112x128xf32, #tpu.memory_space<vmem_shared>>) offsets(%dma_start3A_73 : memref<128xi32, #tpu.memory_space<vmem>>) semaphore(%run_scoped3A_67 : memref<!tpu.dma_semaphore, #tpu.memory_space<semaphore_mem>>) {add = true}
        %dma_wait3A_77 = arith.constant 0 : i32
        %dma_wait3A_78 = arith.constant 0 : i32
        %dma_wait3A_79 = tpu.memref_slice %arg9[%run_scoped3A, %dma_wait3A_77, %dma_wait3A_78] : memref<2x128x128xf32, #tpu.memory_space<vmem>> -> memref<1x128x128xf32, #tpu.memory_space<vmem>>
        %dma_wait3A_80 = tpu.memref_squeeze %dma_wait3A_79 : memref<1x128x128xf32, #tpu.memory_space<vmem>> -> memref<128x128xf32, #tpu.memory_space<vmem>>
        %dma_wait3A_81 = arith.constant 0 : i32
        %dma_wait3A_82 = tpu.memref_slice %arg8[%dma_wait3A_81] : memref<256xi32, #tpu.memory_space<vmem>> -> memref<128xi32, #tpu.memory_space<vmem>>
        %dma_wait3A_83 = arith.constant 0 : i32
        %dma_wait3A_84 = arith.constant 0 : i32
        %dma_wait3A_85 = tpu.memref_slice %arg10[%dma_wait3A_83, %dma_wait3A_84] : memref<10112x128xf32, #tpu.memory_space<vmem_shared>> -> memref<10112x128xf32, #tpu.memory_space<vmem_shared>>
        tpu.wait_indirect_dma semaphore(%run_scoped3A_67 : memref<!tpu.dma_semaphore, #tpu.memory_space<semaphore_mem>>) src(%dma_wait3A_80 : memref<128x128xf32, #tpu.memory_space<vmem>>) dst(%dma_wait3A_85 : memref<10112x128xf32, #tpu.memory_space<vmem_shared>>)
        tpu.yield
      }) : () -> ()
      %add3A_52 = arith.constant 1 : i32
      %add3A_53 = arith.addi %add3A_28, %add3A_52 : i32
      %lt3A = arith.constant 80 : i32
      %lt3A_54 = arith.cmpi slt, %add3A_53, %lt3A : i32
      %convert_element_type3A = arith.extui %lt3A_54 : i1 to i32
      %cond3A = arith.constant 0 : i32
      %cond3A_55 = arith.cmpi ne, %convert_element_type3A, %cond3A : i32
      scf.if %cond3A_55 {
        %add3A_67 = arith.constant 1 : i32
        %add3A_68 = arith.addi %add3A_28, %add3A_67 : i32
        %mul3A_69 = arith.constant 128 : i32
        %mul3A_70 = arith.muli %add3A_68, %mul3A_69 : i32
        "tpu.region"() ({
          %run_scoped3A_83 = tpu.sem_alloc : memref<!tpu.dma_semaphore, #tpu.memory_space<semaphore_mem>>
          %dma_start3A_84 = arith.constant 0 : i32
          %dma_start3A_85 = tpu.memref_slice %arg7[%dma_start3A_84] : memref<256xi32, #tpu.memory_space<vmem>> -> memref<128xi32, #tpu.memory_space<vmem>>
          %dma_start3A_86 = tpu.memref_slice %arg3[%add3A, %mul3A_70] : memref<32x10240xi32, #tpu.memory_space<hbm>> -> memref<1x128xi32, #tpu.memory_space<hbm>>
          %dma_start3A_87 = tpu.memref_squeeze %dma_start3A_86 : memref<1x128xi32, #tpu.memory_space<hbm>> -> memref<128xi32, #tpu.memory_space<hbm>>
          %dma_start3A_88 = arith.constant 0 : i32
          %dma_start3A_89 = tpu.memref_slice %arg7[%dma_start3A_88] : memref<256xi32, #tpu.memory_space<vmem>> -> memref<128xi32, #tpu.memory_space<vmem>>
          %dma_start3A_90 = tpu.memref_slice %arg3[%add3A, %mul3A_70] : memref<32x10240xi32, #tpu.memory_space<hbm>> -> memref<1x128xi32, #tpu.memory_space<hbm>>
          %dma_start3A_91 = tpu.memref_squeeze %dma_start3A_90 : memref<1x128xi32, #tpu.memory_space<hbm>> -> memref<128xi32, #tpu.memory_space<hbm>>
          tpu.enqueue_dma source(%dma_start3A_91 : memref<128xi32, #tpu.memory_space<hbm>>) target(%dma_start3A_89 : memref<128xi32, #tpu.memory_space<vmem>>) target_semaphore(%run_scoped3A_83 : memref<!tpu.dma_semaphore, #tpu.memory_space<semaphore_mem>>)
          %dma_wait3A_92 = arith.constant 0 : i32
          %dma_wait3A_93 = tpu.memref_slice %arg7[%dma_wait3A_92] : memref<256xi32, #tpu.memory_space<vmem>> -> memref<128xi32, #tpu.memory_space<vmem>>
          %dma_wait3A_94 = tpu.memref_slice %arg3[%add3A, %mul3A_70] : memref<32x10240xi32, #tpu.memory_space<hbm>> -> memref<1x128xi32, #tpu.memory_space<hbm>>
          %dma_wait3A_95 = tpu.memref_squeeze %dma_wait3A_94 : memref<1x128xi32, #tpu.memory_space<hbm>> -> memref<128xi32, #tpu.memory_space<hbm>>
          %dma_wait3A_96 = arith.constant 0 : i32
          %dma_wait3A_97 = tpu.memref_slice %arg7[%dma_wait3A_96] : memref<256xi32, #tpu.memory_space<vmem>> -> memref<128xi32, #tpu.memory_space<vmem>>
          %dma_wait3A_98 = tpu.memref_slice %arg3[%add3A, %mul3A_70] : memref<32x10240xi32, #tpu.memory_space<hbm>> -> memref<1x128xi32, #tpu.memory_space<hbm>>
          %dma_wait3A_99 = tpu.memref_squeeze %dma_wait3A_98 : memref<1x128xi32, #tpu.memory_space<hbm>> -> memref<128xi32, #tpu.memory_space<hbm>>
          tpu.wait_dma2 semaphore(%run_scoped3A_83 : memref<!tpu.dma_semaphore, #tpu.memory_space<semaphore_mem>>) src(%dma_wait3A_99 : memref<128xi32, #tpu.memory_space<hbm>>) dst(%dma_wait3A_97 : memref<128xi32, #tpu.memory_space<vmem>>)
          tpu.yield
        }) : () -> ()
        %mul3A_71 = arith.constant 128 : i32
        %mul3A_72 = arith.muli %add3A_68, %mul3A_71 : i32
        "tpu.region"() ({
          %run_scoped3A_83 = tpu.sem_alloc : memref<!tpu.dma_semaphore, #tpu.memory_space<semaphore_mem>>
          %dma_start3A_84 = arith.constant 0 : i32
          %dma_start3A_85 = tpu.memref_slice %arg8[%dma_start3A_84] : memref<256xi32, #tpu.memory_space<vmem>> -> memref<128xi32, #tpu.memory_space<vmem>>
          %dma_start3A_86 = tpu.memref_slice %arg4[%add3A, %mul3A_72] : memref<32x10240xi32, #tpu.memory_space<hbm>> -> memref<1x128xi32, #tpu.memory_space<hbm>>
          %dma_start3A_87 = tpu.memref_squeeze %dma_start3A_86 : memref<1x128xi32, #tpu.memory_space<hbm>> -> memref<128xi32, #tpu.memory_space<hbm>>
          %dma_start3A_88 = arith.constant 0 : i32
          %dma_start3A_89 = tpu.memref_slice %arg8[%dma_start3A_88] : memref<256xi32, #tpu.memory_space<vmem>> -> memref<128xi32, #tpu.memory_space<vmem>>
          %dma_start3A_90 = tpu.memref_slice %arg4[%add3A, %mul3A_72] : memref<32x10240xi32, #tpu.memory_space<hbm>> -> memref<1x128xi32, #tpu.memory_space<hbm>>
          %dma_start3A_91 = tpu.memref_squeeze %dma_start3A_90 : memref<1x128xi32, #tpu.memory_space<hbm>> -> memref<128xi32, #tpu.memory_space<hbm>>
          tpu.enqueue_dma source(%dma_start3A_91 : memref<128xi32, #tpu.memory_space<hbm>>) target(%dma_start3A_89 : memref<128xi32, #tpu.memory_space<vmem>>) target_semaphore(%run_scoped3A_83 : memref<!tpu.dma_semaphore, #tpu.memory_space<semaphore_mem>>)
          %dma_wait3A_92 = arith.constant 0 : i32
          %dma_wait3A_93 = tpu.memref_slice %arg8[%dma_wait3A_92] : memref<256xi32, #tpu.memory_space<vmem>> -> memref<128xi32, #tpu.memory_space<vmem>>
          %dma_wait3A_94 = tpu.memref_slice %arg4[%add3A, %mul3A_72] : memref<32x10240xi32, #tpu.memory_space<hbm>> -> memref<1x128xi32, #tpu.memory_space<hbm>>
          %dma_wait3A_95 = tpu.memref_squeeze %dma_wait3A_94 : memref<1x128xi32, #tpu.memory_space<hbm>> -> memref<128xi32, #tpu.memory_space<hbm>>
          %dma_wait3A_96 = arith.constant 0 : i32
          %dma_wait3A_97 = tpu.memref_slice %arg8[%dma_wait3A_96] : memref<256xi32, #tpu.memory_space<vmem>> -> memref<128xi32, #tpu.memory_space<vmem>>
          %dma_wait3A_98 = tpu.memref_slice %arg4[%add3A, %mul3A_72] : memref<32x10240xi32, #tpu.memory_space<hbm>> -> memref<1x128xi32, #tpu.memory_space<hbm>>
          %dma_wait3A_99 = tpu.memref_squeeze %dma_wait3A_98 : memref<1x128xi32, #tpu.memory_space<hbm>> -> memref<128xi32, #tpu.memory_space<hbm>>
          tpu.wait_dma2 semaphore(%run_scoped3A_83 : memref<!tpu.dma_semaphore, #tpu.memory_space<semaphore_mem>>) src(%dma_wait3A_99 : memref<128xi32, #tpu.memory_space<hbm>>) dst(%dma_wait3A_97 : memref<128xi32, #tpu.memory_space<vmem>>)
          tpu.yield
        }) : () -> ()
        %dma_start3A_73 = arith.constant 0 : i32
        %dma_start3A_74 = arith.constant 0 : i32
        %dma_start3A_75 = arith.constant 0 : i32
        %dma_start3A_76 = tpu.memref_slice %arg9[%dma_start3A_73, %dma_start3A_74, %dma_start3A_75] : memref<2x128x128xf32, #tpu.memory_space<vmem>> -> memref<1x128x128xf32, #tpu.memory_space<vmem>>
        %dma_start3A_77 = tpu.memref_squeeze %dma_start3A_76 : memref<1x128x128xf32, #tpu.memory_space<vmem>> -> memref<128x128xf32, #tpu.memory_space<vmem>>
        %dma_start3A_78 = arith.constant 0 : i32
        %dma_start3A_79 = tpu.memref_slice %arg7[%dma_start3A_78] : memref<256xi32, #tpu.memory_space<vmem>> -> memref<128xi32, #tpu.memory_space<vmem>>
        %dma_start3A_80 = arith.constant 0 : i32
        %dma_start3A_81 = arith.constant 0 : i32
        %dma_start3A_82 = tpu.memref_slice %arg2[%dma_start3A_80, %dma_start3A_81] : memref<10112x128xf32, #tpu.memory_space<hbm>> -> memref<10112x128xf32, #tpu.memory_space<hbm>>
        tpu.enqueue_indirect_dma source(%dma_start3A_82 : memref<10112x128xf32, #tpu.memory_space<hbm>>) target(%dma_start3A_77 : memref<128x128xf32, #tpu.memory_space<vmem>>) offsets(%dma_start3A_79 : memref<128xi32, #tpu.memory_space<vmem>>) semaphore(%arg11 : memref<!tpu.dma_semaphore, #tpu.memory_space<semaphore_mem>>)
      } else {
      }
      %dma_wait3A_56 = arith.constant 1 : i32
      %dma_wait3A_57 = arith.constant 0 : i32
      %dma_wait3A_58 = arith.constant 0 : i32
      %dma_wait3A_59 = tpu.memref_slice %arg9[%dma_wait3A_56, %dma_wait3A_57, %dma_wait3A_58] : memref<2x128x128xf32, #tpu.memory_space<vmem>> -> memref<1x128x128xf32, #tpu.memory_space<vmem>>
      %dma_wait3A_60 = tpu.memref_squeeze %dma_wait3A_59 : memref<1x128x128xf32, #tpu.memory_space<vmem>> -> memref<128x128xf32, #tpu.memory_space<vmem>>
      %dma_wait3A_61 = arith.constant 128 : i32
      %dma_wait3A_62 = tpu.memref_slice %arg7[%dma_wait3A_61] : memref<256xi32, #tpu.memory_space<vmem>> -> memref<128xi32, #tpu.memory_space<vmem>>
      %dma_wait3A_63 = arith.constant 0 : i32
      %dma_wait3A_64 = arith.constant 0 : i32
      %dma_wait3A_65 = tpu.memref_slice %arg2[%dma_wait3A_63, %dma_wait3A_64] : memref<10112x128xf32, #tpu.memory_space<hbm>> -> memref<10112x128xf32, #tpu.memory_space<hbm>>
      tpu.wait_indirect_dma semaphore(%arg12 : memref<!tpu.dma_semaphore, #tpu.memory_space<semaphore_mem>>) src(%dma_wait3A_65 : memref<10112x128xf32, #tpu.memory_space<hbm>>) dst(%dma_wait3A_60 : memref<128x128xf32, #tpu.memory_space<vmem>>)
      %run_scoped3A_66 = arith.constant 1 : i32
      "tpu.region"() ({
        %run_scoped3A_67 = tpu.sem_alloc : memref<!tpu.dma_semaphore, #tpu.memory_space<semaphore_mem>>
        %dma_start3A_68 = arith.constant 0 : i32
        %dma_start3A_69 = arith.constant 0 : i32
        %dma_start3A_70 = tpu.memref_slice %arg9[%run_scoped3A_66, %dma_start3A_68, %dma_start3A_69] : memref<2x128x128xf32, #tpu.memory_space<vmem>> -> memref<1x128x128xf32, #tpu.memory_space<vmem>>
        %dma_start3A_71 = tpu.memref_squeeze %dma_start3A_70 : memref<1x128x128xf32, #tpu.memory_space<vmem>> -> memref<128x128xf32, #tpu.memory_space<vmem>>
        %dma_start3A_72 = arith.constant 128 : i32
        %dma_start3A_73 = tpu.memref_slice %arg8[%dma_start3A_72] : memref<256xi32, #tpu.memory_space<vmem>> -> memref<128xi32, #tpu.memory_space<vmem>>
        %dma_start3A_74 = arith.constant 0 : i32
        %dma_start3A_75 = arith.constant 0 : i32
        %dma_start3A_76 = tpu.memref_slice %arg10[%dma_start3A_74, %dma_start3A_75] : memref<10112x128xf32, #tpu.memory_space<vmem_shared>> -> memref<10112x128xf32, #tpu.memory_space<vmem_shared>>
        tpu.enqueue_indirect_dma source(%dma_start3A_71 : memref<128x128xf32, #tpu.memory_space<vmem>>) target(%dma_start3A_76 : memref<10112x128xf32, #tpu.memory_space<vmem_shared>>) offsets(%dma_start3A_73 : memref<128xi32, #tpu.memory_space<vmem>>) semaphore(%run_scoped3A_67 : memref<!tpu.dma_semaphore, #tpu.memory_space<semaphore_mem>>) {add = true}
        %dma_wait3A_77 = arith.constant 0 : i32
        %dma_wait3A_78 = arith.constant 0 : i32
        %dma_wait3A_79 = tpu.memref_slice %arg9[%run_scoped3A_66, %dma_wait3A_77, %dma_wait3A_78] : memref<2x128x128xf32, #tpu.memory_space<vmem>> -> memref<1x128x128xf32, #tpu.memory_space<vmem>>
        %dma_wait3A_80 = tpu.memref_squeeze %dma_wait3A_79 : memref<1x128x128xf32, #tpu.memory_space<vmem>> -> memref<128x128xf32, #tpu.memory_space<vmem>>
        %dma_wait3A_81 = arith.constant 128 : i32
        %dma_wait3A_82 = tpu.memref_slice %arg8[%dma_wait3A_81] : memref<256xi32, #tpu.memory_space<vmem>> -> memref<128xi32, #tpu.memory_space<vmem>>
        %dma_wait3A_83 = arith.constant 0 : i32
        %dma_wait3A_84 = arith.constant 0 : i32
        %dma_wait3A_85 = tpu.memref_slice %arg10[%dma_wait3A_83, %dma_wait3A_84] : memref<10112x128xf32, #tpu.memory_space<vmem_shared>> -> memref<10112x128xf32, #tpu.memory_space<vmem_shared>>
        tpu.wait_indirect_dma semaphore(%run_scoped3A_67 : memref<!tpu.dma_semaphore, #tpu.memory_space<semaphore_mem>>) src(%dma_wait3A_80 : memref<128x128xf32, #tpu.memory_space<vmem>>) dst(%dma_wait3A_85 : memref<10112x128xf32, #tpu.memory_space<vmem_shared>>)
        tpu.yield
      }) : () -> ()
    }
    %scan3A_18 = arith.constant 40 : i32
    %barrier3A_19 = arith.constant 0 : index
    tpu.barrier barrier_id(%barrier3A_19)
    %mul3A_20 = arith.constant 632 : i32
    %mul3A_21 = arith.muli %arg1, %mul3A_20 : i32
    %mul3A_22 = arith.constant 632 : i32
    %mul3A_23 = arith.muli %arg1, %mul3A_22 : i32
    "tpu.region"() ({
      %run_scoped3A = tpu.sem_alloc : memref<!tpu.dma_semaphore, #tpu.memory_space<semaphore_mem>>
      %dma_start3A_24 = arith.constant 0 : i32
      %dma_start3A_25 = tpu.memref_slice %arg6[%arg0, %mul3A_23, %dma_start3A_24] : memref<2x10112x128xf32, #tpu.memory_space<hbm>> -> memref<1x632x128xf32, #tpu.memory_space<hbm>>
      %dma_start3A_26 = tpu.memref_squeeze %dma_start3A_25 : memref<1x632x128xf32, #tpu.memory_space<hbm>> -> memref<632x128xf32, #tpu.memory_space<hbm>>
      %dma_start3A_27 = arith.constant 0 : i32
      %dma_start3A_28 = tpu.memref_slice %arg10[%mul3A_21, %dma_start3A_27] : memref<10112x128xf32, #tpu.memory_space<vmem_shared>> -> memref<632x128xf32, #tpu.memory_space<vmem_shared>>
      tpu.enqueue_dma source(%dma_start3A_28 : memref<632x128xf32, #tpu.memory_space<vmem_shared>>) target(%dma_start3A_26 : memref<632x128xf32, #tpu.memory_space<hbm>>) target_semaphore(%run_scoped3A : memref<!tpu.dma_semaphore, #tpu.memory_space<semaphore_mem>>)
      %dma_wait3A = arith.constant 0 : i32
      %dma_wait3A_29 = tpu.memref_slice %arg6[%arg0, %mul3A_23, %dma_wait3A] : memref<2x10112x128xf32, #tpu.memory_space<hbm>> -> memref<1x632x128xf32, #tpu.memory_space<hbm>>
      %dma_wait3A_30 = tpu.memref_squeeze %dma_wait3A_29 : memref<1x632x128xf32, #tpu.memory_space<hbm>> -> memref<632x128xf32, #tpu.memory_space<hbm>>
      %dma_wait3A_31 = arith.constant 0 : i32
      %dma_wait3A_32 = tpu.memref_slice %arg10[%mul3A_21, %dma_wait3A_31] : memref<10112x128xf32, #tpu.memory_space<vmem_shared>> -> memref<632x128xf32, #tpu.memory_space<vmem_shared>>
      tpu.wait_dma2 semaphore(%run_scoped3A : memref<!tpu.dma_semaphore, #tpu.memory_space<semaphore_mem>>) src(%dma_wait3A_32 : memref<632x128xf32, #tpu.memory_space<vmem_shared>>) dst(%dma_wait3A_30 : memref<632x128xf32, #tpu.memory_space<hbm>>)
      tpu.yield
    }) : () -> ()
    return
  }
}

#map = affine_map<(d0, d1) -> (0, 0)>
#map1 = affine_map<(d0, d1) -> (0, 0, 0)>
module attributes {stable_mosaic.version = 14 : i64} {
  func.func @k(%arg0: i32, %arg1: i32, %arg2: memref<10112x128xf32, #tpu.memory_space<hbm>>, %arg3: memref<32x10240xi32, #tpu.memory_space<hbm>>, %arg4: memref<32x10240xi32, #tpu.memory_space<hbm>>, %arg5: memref<10112x128xf32, #tpu.memory_space<hbm>>, %arg6: memref<2x10112x128xf32, #tpu.memory_space<hbm>>, %arg7: memref<256xi32, #tpu.memory_space<vmem>>, %arg8: memref<256xi32, #tpu.memory_space<vmem>>, %arg9: memref<2x128x128xf32, #tpu.memory_space<vmem>>, %arg10: memref<10112x128xf32, #tpu.memory_space<vmem_shared>>, %arg11: memref<!tpu.dma_semaphore, #tpu.memory_space<semaphore_mem>>, %arg12: memref<!tpu.dma_semaphore, #tpu.memory_space<semaphore_mem>>) attributes {dimension_semantics = [#tpu.dimension_semantics<core_parallel>, #tpu.dimension_semantics<subcore_parallel>], iteration_bounds = array<i64: 2, 16>, scalar_prefetch = 0 : i64, scratch_operands = 6 : i64, tpu.core_type = #tpu.core_type<sc_vector_subcore>, window_params = [{transform_indices = #map}, {transform_indices = #map}, {transform_indices = #map}, {transform_indices = #map}, {transform_indices = #map1}]} {
    %mul3A = arith.constant 2 : i32
    %mul3A_0 = arith.muli %arg1, %mul3A : i32
    %add3A = arith.addi %mul3A_0, %arg0 : i32
    %mul3A_1 = arith.constant 632 : i32
    %mul3A_2 = arith.muli %arg1, %mul3A_1 : i32
    %mul3A_3 = arith.constant 632 : i32
    %mul3A_4 = arith.muli %arg1, %mul3A_3 : i32
    "tpu.region"() ({
      %run_scoped3A = tpu.sem_alloc : memref<!tpu.dma_semaphore, #tpu.memory_space<semaphore_mem>>
      %dma_start3A_24 = arith.constant 0 : i32
      %dma_start3A_25 = tpu.memref_slice %arg10[%mul3A_4, %dma_start3A_24] : memref<10112x128xf32, #tpu.memory_space<vmem_shared>> -> memref<632x128xf32, #tpu.memory_space<vmem_shared>>
      %dma_start3A_26 = arith.constant 0 : i32
      %dma_start3A_27 = tpu.memref_slice %arg5[%mul3A_2, %dma_start3A_26] : memref<10112x128xf32, #tpu.memory_space<hbm>> -> memref<632x128xf32, #tpu.memory_space<hbm>>
      tpu.enqueue_dma source(%dma_start3A_27 : memref<632x128xf32, #tpu.memory_space<hbm>>) target(%dma_start3A_25 : memref<632x128xf32, #tpu.memory_space<vmem_shared>>) target_semaphore(%run_scoped3A : memref<!tpu.dma_semaphore, #tpu.memory_space<semaphore_mem>>)
      %dma_wait3A = arith.constant 0 : i32
      %dma_wait3A_28 = tpu.memref_slice %arg10[%mul3A_4, %dma_wait3A] : memref<10112x128xf32, #tpu.memory_space<vmem_shared>> -> memref<632x128xf32, #tpu.memory_space<vmem_shared>>
      %dma_wait3A_29 = arith.constant 0 : i32
      %dma_wait3A_30 = tpu.memref_slice %arg5[%mul3A_2, %dma_wait3A_29] : memref<10112x128xf32, #tpu.memory_space<hbm>> -> memref<632x128xf32, #tpu.memory_space<hbm>>
      tpu.wait_dma2 semaphore(%run_scoped3A : memref<!tpu.dma_semaphore, #tpu.memory_space<semaphore_mem>>) src(%dma_wait3A_30 : memref<632x128xf32, #tpu.memory_space<hbm>>) dst(%dma_wait3A_28 : memref<632x128xf32, #tpu.memory_space<vmem_shared>>)
      tpu.yield
    }) : () -> ()
    %barrier3A = arith.constant 0 : index
    tpu.barrier barrier_id(%barrier3A)
    "tpu.region"() ({
      %run_scoped3A = tpu.sem_alloc : memref<!tpu.dma_semaphore, #tpu.memory_space<semaphore_mem>>
      %dma_start3A_24 = arith.constant 0 : i32
      %dma_start3A_25 = tpu.memref_slice %arg7[%dma_start3A_24] : memref<256xi32, #tpu.memory_space<vmem>> -> memref<128xi32, #tpu.memory_space<vmem>>
      %dma_start3A_26 = arith.constant 0 : i32
      %dma_start3A_27 = tpu.memref_slice %arg3[%add3A, %dma_start3A_26] : memref<32x10240xi32, #tpu.memory_space<hbm>> -> memref<1x128xi32, #tpu.memory_space<hbm>>
      %dma_start3A_28 = tpu.memref_squeeze %dma_start3A_27 : memref<1x128xi32, #tpu.memory_space<hbm>> -> memref<128xi32, #tpu.memory_space<hbm>>
      %dma_start3A_29 = arith.constant 0 : i32
      %dma_start3A_30 = tpu.memref_slice %arg7[%dma_start3A_29] : memref<256xi32, #tpu.memory_space<vmem>> -> memref<128xi32, #tpu.memory_space<vmem>>
      %dma_start3A_31 = arith.constant 0 : i32
      %dma_start3A_32 = tpu.memref_slice %arg3[%add3A, %dma_start3A_31] : memref<32x10240xi32, #tpu.memory_space<hbm>> -> memref<1x128xi32, #tpu.memory_space<hbm>>
      %dma_start3A_33 = tpu.memref_squeeze %dma_start3A_32 : memref<1x128xi32, #tpu.memory_space<hbm>> -> memref<128xi32, #tpu.memory_space<hbm>>
      tpu.enqueue_dma source(%dma_start3A_33 : memref<128xi32, #tpu.memory_space<hbm>>) target(%dma_start3A_30 : memref<128xi32, #tpu.memory_space<vmem>>) target_semaphore(%run_scoped3A : memref<!tpu.dma_semaphore, #tpu.memory_space<semaphore_mem>>)
      %dma_wait3A = arith.constant 0 : i32
      %dma_wait3A_34 = tpu.memref_slice %arg7[%dma_wait3A] : memref<256xi32, #tpu.memory_space<vmem>> -> memref<128xi32, #tpu.memory_space<vmem>>
      %dma_wait3A_35 = arith.constant 0 : i32
      %dma_wait3A_36 = tpu.memref_slice %arg3[%add3A, %dma_wait3A_35] : memref<32x10240xi32, #tpu.memory_space<hbm>> -> memref<1x128xi32, #tpu.memory_space<hbm>>
      %dma_wait3A_37 = tpu.memref_squeeze %dma_wait3A_36 : memref<1x128xi32, #tpu.memory_space<hbm>> -> memref<128xi32, #tpu.memory_space<hbm>>
      %dma_wait3A_38 = arith.constant 0 : i32
      %dma_wait3A_39 = tpu.memref_slice %arg7[%dma_wait3A_38] : memref<256xi32, #tpu.memory_space<vmem>> -> memref<128xi32, #tpu.memory_space<vmem>>
      %dma_wait3A_40 = arith.constant 0 : i32
      %dma_wait3A_41 = tpu.memref_slice %arg3[%add3A, %dma_wait3A_40] : memref<32x10240xi32, #tpu.memory_space<hbm>> -> memref<1x128xi32, #tpu.memory_space<hbm>>
      %dma_wait3A_42 = tpu.memref_squeeze %dma_wait3A_41 : memref<1x128xi32, #tpu.memory_space<hbm>> -> memref<128xi32, #tpu.memory_space<hbm>>
      tpu.wait_dma2 semaphore(%run_scoped3A : memref<!tpu.dma_semaphore, #tpu.memory_space<semaphore_mem>>) src(%dma_wait3A_42 : memref<128xi32, #tpu.memory_space<hbm>>) dst(%dma_wait3A_39 : memref<128xi32, #tpu.memory_space<vmem>>)
      tpu.yield
    }) : () -> ()
    "tpu.region"() ({
      %run_scoped3A = tpu.sem_alloc : memref<!tpu.dma_semaphore, #tpu.memory_space<semaphore_mem>>
      %dma_start3A_24 = arith.constant 0 : i32
      %dma_start3A_25 = tpu.memref_slice %arg8[%dma_start3A_24] : memref<256xi32, #tpu.memory_space<vmem>> -> memref<128xi32, #tpu.memory_space<vmem>>
      %dma_start3A_26 = arith.constant 0 : i32
      %dma_start3A_27 = tpu.memref_slice %arg4[%add3A, %dma_start3A_26] : memref<32x10240xi32, #tpu.memory_space<hbm>> -> memref<1x128xi32, #tpu.memory_space<hbm>>
      %dma_start3A_28 = tpu.memref_squeeze %dma_start3A_27 : memref<1x128xi32, #tpu.memory_space<hbm>> -> memref<128xi32, #tpu.memory_space<hbm>>
      %dma_start3A_29 = arith.constant 0 : i32
      %dma_start3A_30 = tpu.memref_slice %arg8[%dma_start3A_29] : memref<256xi32, #tpu.memory_space<vmem>> -> memref<128xi32, #tpu.memory_space<vmem>>
      %dma_start3A_31 = arith.constant 0 : i32
      %dma_start3A_32 = tpu.memref_slice %arg4[%add3A, %dma_start3A_31] : memref<32x10240xi32, #tpu.memory_space<hbm>> -> memref<1x128xi32, #tpu.memory_space<hbm>>
      %dma_start3A_33 = tpu.memref_squeeze %dma_start3A_32 : memref<1x128xi32, #tpu.memory_space<hbm>> -> memref<128xi32, #tpu.memory_space<hbm>>
      tpu.enqueue_dma source(%dma_start3A_33 : memref<128xi32, #tpu.memory_space<hbm>>) target(%dma_start3A_30 : memref<128xi32, #tpu.memory_space<vmem>>) target_semaphore(%run_scoped3A : memref<!tpu.dma_semaphore, #tpu.memory_space<semaphore_mem>>)
      %dma_wait3A = arith.constant 0 : i32
      %dma_wait3A_34 = tpu.memref_slice %arg8[%dma_wait3A] : memref<256xi32, #tpu.memory_space<vmem>> -> memref<128xi32, #tpu.memory_space<vmem>>
      %dma_wait3A_35 = arith.constant 0 : i32
      %dma_wait3A_36 = tpu.memref_slice %arg4[%add3A, %dma_wait3A_35] : memref<32x10240xi32, #tpu.memory_space<hbm>> -> memref<1x128xi32, #tpu.memory_space<hbm>>
      %dma_wait3A_37 = tpu.memref_squeeze %dma_wait3A_36 : memref<1x128xi32, #tpu.memory_space<hbm>> -> memref<128xi32, #tpu.memory_space<hbm>>
      %dma_wait3A_38 = arith.constant 0 : i32
      %dma_wait3A_39 = tpu.memref_slice %arg8[%dma_wait3A_38] : memref<256xi32, #tpu.memory_space<vmem>> -> memref<128xi32, #tpu.memory_space<vmem>>
      %dma_wait3A_40 = arith.constant 0 : i32
      %dma_wait3A_41 = tpu.memref_slice %arg4[%add3A, %dma_wait3A_40] : memref<32x10240xi32, #tpu.memory_space<hbm>> -> memref<1x128xi32, #tpu.memory_space<hbm>>
      %dma_wait3A_42 = tpu.memref_squeeze %dma_wait3A_41 : memref<1x128xi32, #tpu.memory_space<hbm>> -> memref<128xi32, #tpu.memory_space<hbm>>
      tpu.wait_dma2 semaphore(%run_scoped3A : memref<!tpu.dma_semaphore, #tpu.memory_space<semaphore_mem>>) src(%dma_wait3A_42 : memref<128xi32, #tpu.memory_space<hbm>>) dst(%dma_wait3A_39 : memref<128xi32, #tpu.memory_space<vmem>>)
      tpu.yield
    }) : () -> ()
    %dma_start3A = arith.constant 0 : i32
    %dma_start3A_5 = arith.constant 0 : i32
    %dma_start3A_6 = arith.constant 0 : i32
    %dma_start3A_7 = tpu.memref_slice %arg9[%dma_start3A, %dma_start3A_5, %dma_start3A_6] : memref<2x128x128xf32, #tpu.memory_space<vmem>> -> memref<1x128x128xf32, #tpu.memory_space<vmem>>
    %dma_start3A_8 = tpu.memref_squeeze %dma_start3A_7 : memref<1x128x128xf32, #tpu.memory_space<vmem>> -> memref<128x128xf32, #tpu.memory_space<vmem>>
    %dma_start3A_9 = arith.constant 0 : i32
    %dma_start3A_10 = tpu.memref_slice %arg7[%dma_start3A_9] : memref<256xi32, #tpu.memory_space<vmem>> -> memref<128xi32, #tpu.memory_space<vmem>>
    %dma_start3A_11 = arith.constant 0 : i32
    %dma_start3A_12 = arith.constant 0 : i32
    %dma_start3A_13 = tpu.memref_slice %arg2[%dma_start3A_11, %dma_start3A_12] : memref<10112x128xf32, #tpu.memory_space<hbm>> -> memref<10112x128xf32, #tpu.memory_space<hbm>>
    tpu.enqueue_indirect_dma source(%dma_start3A_13 : memref<10112x128xf32, #tpu.memory_space<hbm>>) target(%dma_start3A_8 : memref<128x128xf32, #tpu.memory_space<vmem>>) offsets(%dma_start3A_10 : memref<128xi32, #tpu.memory_space<vmem>>) semaphore(%arg11 : memref<!tpu.dma_semaphore, #tpu.memory_space<semaphore_mem>>)
    %scan3A = arith.constant 0 : i32
    %scan3A_14 = arith.constant 0 : i32
    %scan3A_15 = arith.constant 40 : i32
    %scan3A_16 = arith.addi %scan3A_14, %scan3A_15 : i32
    %scan3A_17 = arith.constant 1 : i32
    scf.for %scan3A_24 = %scan3A_14 to %scan3A_16 step %scan3A_17  : i32 {
      %mul3A_25 = arith.constant 2 : i32
      %mul3A_26 = arith.muli %mul3A_25, %scan3A_24 : i32
      %add3A_27 = arith.constant 1 : i32
      %add3A_28 = arith.addi %mul3A_26, %add3A_27 : i32
      %mul3A_29 = arith.constant 128 : i32
      %mul3A_30 = arith.muli %add3A_28, %mul3A_29 : i32
      "tpu.region"() ({
        %run_scoped3A_67 = tpu.sem_alloc : memref<!tpu.dma_semaphore, #tpu.memory_space<semaphore_mem>>
        %dma_start3A_68 = arith.constant 128 : i32
        %dma_start3A_69 = tpu.memref_slice %arg7[%dma_start3A_68] : memref<256xi32, #tpu.memory_space<vmem>> -> memref<128xi32, #tpu.memory_space<vmem>>
        %dma_start3A_70 = tpu.memref_slice %arg3[%add3A, %mul3A_30] : memref<32x10240xi32, #tpu.memory_space<hbm>> -> memref<1x128xi32, #tpu.memory_space<hbm>>
        %dma_start3A_71 = tpu.memref_squeeze %dma_start3A_70 : memref<1x128xi32, #tpu.memory_space<hbm>> -> memref<128xi32, #tpu.memory_space<hbm>>
        %dma_start3A_72 = arith.constant 128 : i32
        %dma_start3A_73 = tpu.memref_slice %arg7[%dma_start3A_72] : memref<256xi32, #tpu.memory_space<vmem>> -> memref<128xi32, #tpu.memory_space<vmem>>
        %dma_start3A_74 = tpu.memref_slice %arg3[%add3A, %mul3A_30] : memref<32x10240xi32, #tpu.memory_space<hbm>> -> memref<1x128xi32, #tpu.memory_space<hbm>>
        %dma_start3A_75 = tpu.memref_squeeze %dma_start3A_74 : memref<1x128xi32, #tpu.memory_space<hbm>> -> memref<128xi32, #tpu.memory_space<hbm>>
        tpu.enqueue_dma source(%dma_start3A_75 : memref<128xi32, #tpu.memory_space<hbm>>) target(%dma_start3A_73 : memref<128xi32, #tpu.memory_space<vmem>>) target_semaphore(%run_scoped3A_67 : memref<!tpu.dma_semaphore, #tpu.memory_space<semaphore_mem>>)
        %dma_wait3A_76 = arith.constant 128 : i32
        %dma_wait3A_77 = tpu.memref_slice %arg7[%dma_wait3A_76] : memref<256xi32, #tpu.memory_space<vmem>> -> memref<128xi32, #tpu.memory_space<vmem>>
        %dma_wait3A_78 = tpu.memref_slice %arg3[%add3A, %mul3A_30] : memref<32x10240xi32, #tpu.memory_space<hbm>> -> memref<1x128xi32, #tpu.memory_space<hbm>>
        %dma_wait3A_79 = tpu.memref_squeeze %dma_wait3A_78 : memref<1x128xi32, #tpu.memory_space<hbm>> -> memref<128xi32, #tpu.memory_space<hbm>>
        %dma_wait3A_80 = arith.constant 128 : i32
        %dma_wait3A_81 = tpu.memref_slice %arg7[%dma_wait3A_80] : memref<256xi32, #tpu.memory_space<vmem>> -> memref<128xi32, #tpu.memory_space<vmem>>
        %dma_wait3A_82 = tpu.memref_slice %arg3[%add3A, %mul3A_30] : memref<32x10240xi32, #tpu.memory_space<hbm>> -> memref<1x128xi32, #tpu.memory_space<hbm>>
        %dma_wait3A_83 = tpu.memref_squeeze %dma_wait3A_82 : memref<1x128xi32, #tpu.memory_space<hbm>> -> memref<128xi32, #tpu.memory_space<hbm>>
        tpu.wait_dma2 semaphore(%run_scoped3A_67 : memref<!tpu.dma_semaphore, #tpu.memory_space<semaphore_mem>>) src(%dma_wait3A_83 : memref<128xi32, #tpu.memory_space<hbm>>) dst(%dma_wait3A_81 : memref<128xi32, #tpu.memory_space<vmem>>)
        tpu.yield
      }) : () -> ()
      %mul3A_31 = arith.constant 128 : i32
      %mul3A_32 = arith.muli %add3A_28, %mul3A_31 : i32
      "tpu.region"() ({
        %run_scoped3A_67 = tpu.sem_alloc : memref<!tpu.dma_semaphore, #tpu.memory_space<semaphore_mem>>
        %dma_start3A_68 = arith.constant 128 : i32
        %dma_start3A_69 = tpu.memref_slice %arg8[%dma_start3A_68] : memref<256xi32, #tpu.memory_space<vmem>> -> memref<128xi32, #tpu.memory_space<vmem>>
        %dma_start3A_70 = tpu.memref_slice %arg4[%add3A, %mul3A_32] : memref<32x10240xi32, #tpu.memory_space<hbm>> -> memref<1x128xi32, #tpu.memory_space<hbm>>
        %dma_start3A_71 = tpu.memref_squeeze %dma_start3A_70 : memref<1x128xi32, #tpu.memory_space<hbm>> -> memref<128xi32, #tpu.memory_space<hbm>>
        %dma_start3A_72 = arith.constant 128 : i32
        %dma_start3A_73 = tpu.memref_slice %arg8[%dma_start3A_72] : memref<256xi32, #tpu.memory_space<vmem>> -> memref<128xi32, #tpu.memory_space<vmem>>
        %dma_start3A_74 = tpu.memref_slice %arg4[%add3A, %mul3A_32] : memref<32x10240xi32, #tpu.memory_space<hbm>> -> memref<1x128xi32, #tpu.memory_space<hbm>>
        %dma_start3A_75 = tpu.memref_squeeze %dma_start3A_74 : memref<1x128xi32, #tpu.memory_space<hbm>> -> memref<128xi32, #tpu.memory_space<hbm>>
        tpu.enqueue_dma source(%dma_start3A_75 : memref<128xi32, #tpu.memory_space<hbm>>) target(%dma_start3A_73 : memref<128xi32, #tpu.memory_space<vmem>>) target_semaphore(%run_scoped3A_67 : memref<!tpu.dma_semaphore, #tpu.memory_space<semaphore_mem>>)
        %dma_wait3A_76 = arith.constant 128 : i32
        %dma_wait3A_77 = tpu.memref_slice %arg8[%dma_wait3A_76] : memref<256xi32, #tpu.memory_space<vmem>> -> memref<128xi32, #tpu.memory_space<vmem>>
        %dma_wait3A_78 = tpu.memref_slice %arg4[%add3A, %mul3A_32] : memref<32x10240xi32, #tpu.memory_space<hbm>> -> memref<1x128xi32, #tpu.memory_space<hbm>>
        %dma_wait3A_79 = tpu.memref_squeeze %dma_wait3A_78 : memref<1x128xi32, #tpu.memory_space<hbm>> -> memref<128xi32, #tpu.memory_space<hbm>>
        %dma_wait3A_80 = arith.constant 128 : i32
        %dma_wait3A_81 = tpu.memref_slice %arg8[%dma_wait3A_80] : memref<256xi32, #tpu.memory_space<vmem>> -> memref<128xi32, #tpu.memory_space<vmem>>
        %dma_wait3A_82 = tpu.memref_slice %arg4[%add3A, %mul3A_32] : memref<32x10240xi32, #tpu.memory_space<hbm>> -> memref<1x128xi32, #tpu.memory_space<hbm>>
        %dma_wait3A_83 = tpu.memref_squeeze %dma_wait3A_82 : memref<1x128xi32, #tpu.memory_space<hbm>> -> memref<128xi32, #tpu.memory_space<hbm>>
        tpu.wait_dma2 semaphore(%run_scoped3A_67 : memref<!tpu.dma_semaphore, #tpu.memory_space<semaphore_mem>>) src(%dma_wait3A_83 : memref<128xi32, #tpu.memory_space<hbm>>) dst(%dma_wait3A_81 : memref<128xi32, #tpu.memory_space<vmem>>)
        tpu.yield
      }) : () -> ()
      %dma_start3A_33 = arith.constant 1 : i32
      %dma_start3A_34 = arith.constant 0 : i32
      %dma_start3A_35 = arith.constant 0 : i32
      %dma_start3A_36 = tpu.memref_slice %arg9[%dma_start3A_33, %dma_start3A_34, %dma_start3A_35] : memref<2x128x128xf32, #tpu.memory_space<vmem>> -> memref<1x128x128xf32, #tpu.memory_space<vmem>>
      %dma_start3A_37 = tpu.memref_squeeze %dma_start3A_36 : memref<1x128x128xf32, #tpu.memory_space<vmem>> -> memref<128x128xf32, #tpu.memory_space<vmem>>
      %dma_start3A_38 = arith.constant 128 : i32
      %dma_start3A_39 = tpu.memref_slice %arg7[%dma_start3A_38] : memref<256xi32, #tpu.memory_space<vmem>> -> memref<128xi32, #tpu.memory_space<vmem>>
      %dma_start3A_40 = arith.constant 0 : i32
      %dma_start3A_41 = arith.constant 0 : i32
      %dma_start3A_42 = tpu.memref_slice %arg2[%dma_start3A_40, %dma_start3A_41] : memref<10112x128xf32, #tpu.memory_space<hbm>> -> memref<10112x128xf32, #tpu.memory_space<hbm>>
      tpu.enqueue_indirect_dma source(%dma_start3A_42 : memref<10112x128xf32, #tpu.memory_space<hbm>>) target(%dma_start3A_37 : memref<128x128xf32, #tpu.memory_space<vmem>>) offsets(%dma_start3A_39 : memref<128xi32, #tpu.memory_space<vmem>>) semaphore(%arg12 : memref<!tpu.dma_semaphore, #tpu.memory_space<semaphore_mem>>)
      %dma_wait3A = arith.constant 0 : i32
      %dma_wait3A_43 = arith.constant 0 : i32
      %dma_wait3A_44 = arith.constant 0 : i32
      %dma_wait3A_45 = tpu.memref_slice %arg9[%dma_wait3A, %dma_wait3A_43, %dma_wait3A_44] : memref<2x128x128xf32, #tpu.memory_space<vmem>> -> memref<1x128x128xf32, #tpu.memory_space<vmem>>
      %dma_wait3A_46 = tpu.memref_squeeze %dma_wait3A_45 : memref<1x128x128xf32, #tpu.memory_space<vmem>> -> memref<128x128xf32, #tpu.memory_space<vmem>>
      %dma_wait3A_47 = arith.constant 0 : i32
      %dma_wait3A_48 = tpu.memref_slice %arg7[%dma_wait3A_47] : memref<256xi32, #tpu.memory_space<vmem>> -> memref<128xi32, #tpu.memory_space<vmem>>
      %dma_wait3A_49 = arith.constant 0 : i32
      %dma_wait3A_50 = arith.constant 0 : i32
      %dma_wait3A_51 = tpu.memref_slice %arg2[%dma_wait3A_49, %dma_wait3A_50] : memref<10112x128xf32, #tpu.memory_space<hbm>> -> memref<10112x128xf32, #tpu.memory_space<hbm>>
      tpu.wait_indirect_dma semaphore(%arg11 : memref<!tpu.dma_semaphore, #tpu.memory_space<semaphore_mem>>) src(%dma_wait3A_51 : memref<10112x128xf32, #tpu.memory_space<hbm>>) dst(%dma_wait3A_46 : memref<128x128xf32, #tpu.memory_space<vmem>>)
      %run_scoped3A = arith.constant 0 : i32
      "tpu.region"() ({
        %run_scoped3A_67 = tpu.sem_alloc : memref<!tpu.dma_semaphore, #tpu.memory_space<semaphore_mem>>
        %dma_start3A_68 = arith.constant 0 : i32
        %dma_start3A_69 = arith.constant 0 : i32
        %dma_start3A_70 = tpu.memref_slice %arg9[%run_scoped3A, %dma_start3A_68, %dma_start3A_69] : memref<2x128x128xf32, #tpu.memory_space<vmem>> -> memref<1x128x128xf32, #tpu.memory_space<vmem>>
        %dma_start3A_71 = tpu.memref_squeeze %dma_start3A_70 : memref<1x128x128xf32, #tpu.memory_space<vmem>> -> memref<128x128xf32, #tpu.memory_space<vmem>>
        %dma_start3A_72 = arith.constant 0 : i32
        %dma_start3A_73 = tpu.memref_slice %arg8[%dma_start3A_72] : memref<256xi32, #tpu.memory_space<vmem>> -> memref<128xi32, #tpu.memory_space<vmem>>
        %dma_start3A_74 = arith.constant 0 : i32
        %dma_start3A_75 = arith.constant 0 : i32
        %dma_start3A_76 = tpu.memref_slice %arg10[%dma_start3A_74, %dma_start3A_75] : memref<10112x128xf32, #tpu.memory_space<vmem_shared>> -> memref<10112x128xf32, #tpu.memory_space<vmem_shared>>
        tpu.enqueue_indirect_dma source(%dma_start3A_71 : memref<128x128xf32, #tpu.memory_space<vmem>>) target(%dma_start3A_76 : memref<10112x128xf32, #tpu.memory_space<vmem_shared>>) offsets(%dma_start3A_73 : memref<128xi32, #tpu.memory_space<vmem>>) semaphore(%run_scoped3A_67 : memref<!tpu.dma_semaphore, #tpu.memory_space<semaphore_mem>>) {add = true}
        %dma_wait3A_77 = arith.constant 0 : i32
        %dma_wait3A_78 = arith.constant 0 : i32
        %dma_wait3A_79 = tpu.memref_slice %arg9[%run_scoped3A, %dma_wait3A_77, %dma_wait3A_78] : memref<2x128x128xf32, #tpu.memory_space<vmem>> -> memref<1x128x128xf32, #tpu.memory_space<vmem>>
        %dma_wait3A_80 = tpu.memref_squeeze %dma_wait3A_79 : memref<1x128x128xf32, #tpu.memory_space<vmem>> -> memref<128x128xf32, #tpu.memory_space<vmem>>
        %dma_wait3A_81 = arith.constant 0 : i32
        %dma_wait3A_82 = tpu.memref_slice %arg8[%dma_wait3A_81] : memref<256xi32, #tpu.memory_space<vmem>> -> memref<128xi32, #tpu.memory_space<vmem>>
        %dma_wait3A_83 = arith.constant 0 : i32
        %dma_wait3A_84 = arith.constant 0 : i32
        %dma_wait3A_85 = tpu.memref_slice %arg10[%dma_wait3A_83, %dma_wait3A_84] : memref<10112x128xf32, #tpu.memory_space<vmem_shared>> -> memref<10112x128xf32, #tpu.memory_space<vmem_shared>>
        tpu.wait_indirect_dma semaphore(%run_scoped3A_67 : memref<!tpu.dma_semaphore, #tpu.memory_space<semaphore_mem>>) src(%dma_wait3A_80 : memref<128x128xf32, #tpu.memory_space<vmem>>) dst(%dma_wait3A_85 : memref<10112x128xf32, #tpu.memory_space<vmem_shared>>)
        tpu.yield
      }) : () -> ()
      %add3A_52 = arith.constant 1 : i32
      %add3A_53 = arith.addi %add3A_28, %add3A_52 : i32
      %lt3A = arith.constant 80 : i32
      %lt3A_54 = arith.cmpi slt, %add3A_53, %lt3A : i32
      %convert_element_type3A = arith.extui %lt3A_54 : i1 to i32
      %cond3A = arith.constant 0 : i32
      %cond3A_55 = arith.cmpi ne, %convert_element_type3A, %cond3A : i32
      scf.if %cond3A_55 {
        %add3A_67 = arith.constant 1 : i32
        %add3A_68 = arith.addi %add3A_28, %add3A_67 : i32
        %mul3A_69 = arith.constant 128 : i32
        %mul3A_70 = arith.muli %add3A_68, %mul3A_69 : i32
        "tpu.region"() ({
          %run_scoped3A_83 = tpu.sem_alloc : memref<!tpu.dma_semaphore, #tpu.memory_space<semaphore_mem>>
          %dma_start3A_84 = arith.constant 0 : i32
          %dma_start3A_85 = tpu.memref_slice %arg7[%dma_start3A_84] : memref<256xi32, #tpu.memory_space<vmem>> -> memref<128xi32, #tpu.memory_space<vmem>>
          %dma_start3A_86 = tpu.memref_slice %arg3[%add3A, %mul3A_70] : memref<32x10240xi32, #tpu.memory_space<hbm>> -> memref<1x128xi32, #tpu.memory_space<hbm>>
          %dma_start3A_87 = tpu.memref_squeeze %dma_start3A_86 : memref<1x128xi32, #tpu.memory_space<hbm>> -> memref<128xi32, #tpu.memory_space<hbm>>
          %dma_start3A_88 = arith.constant 0 : i32
          %dma_start3A_89 = tpu.memref_slice %arg7[%dma_start3A_88] : memref<256xi32, #tpu.memory_space<vmem>> -> memref<128xi32, #tpu.memory_space<vmem>>
          %dma_start3A_90 = tpu.memref_slice %arg3[%add3A, %mul3A_70] : memref<32x10240xi32, #tpu.memory_space<hbm>> -> memref<1x128xi32, #tpu.memory_space<hbm>>
          %dma_start3A_91 = tpu.memref_squeeze %dma_start3A_90 : memref<1x128xi32, #tpu.memory_space<hbm>> -> memref<128xi32, #tpu.memory_space<hbm>>
          tpu.enqueue_dma source(%dma_start3A_91 : memref<128xi32, #tpu.memory_space<hbm>>) target(%dma_start3A_89 : memref<128xi32, #tpu.memory_space<vmem>>) target_semaphore(%run_scoped3A_83 : memref<!tpu.dma_semaphore, #tpu.memory_space<semaphore_mem>>)
          %dma_wait3A_92 = arith.constant 0 : i32
          %dma_wait3A_93 = tpu.memref_slice %arg7[%dma_wait3A_92] : memref<256xi32, #tpu.memory_space<vmem>> -> memref<128xi32, #tpu.memory_space<vmem>>
          %dma_wait3A_94 = tpu.memref_slice %arg3[%add3A, %mul3A_70] : memref<32x10240xi32, #tpu.memory_space<hbm>> -> memref<1x128xi32, #tpu.memory_space<hbm>>
          %dma_wait3A_95 = tpu.memref_squeeze %dma_wait3A_94 : memref<1x128xi32, #tpu.memory_space<hbm>> -> memref<128xi32, #tpu.memory_space<hbm>>
          %dma_wait3A_96 = arith.constant 0 : i32
          %dma_wait3A_97 = tpu.memref_slice %arg7[%dma_wait3A_96] : memref<256xi32, #tpu.memory_space<vmem>> -> memref<128xi32, #tpu.memory_space<vmem>>
          %dma_wait3A_98 = tpu.memref_slice %arg3[%add3A, %mul3A_70] : memref<32x10240xi32, #tpu.memory_space<hbm>> -> memref<1x128xi32, #tpu.memory_space<hbm>>
          %dma_wait3A_99 = tpu.memref_squeeze %dma_wait3A_98 : memref<1x128xi32, #tpu.memory_space<hbm>> -> memref<128xi32, #tpu.memory_space<hbm>>
          tpu.wait_dma2 semaphore(%run_scoped3A_83 : memref<!tpu.dma_semaphore, #tpu.memory_space<semaphore_mem>>) src(%dma_wait3A_99 : memref<128xi32, #tpu.memory_space<hbm>>) dst(%dma_wait3A_97 : memref<128xi32, #tpu.memory_space<vmem>>)
          tpu.yield
        }) : () -> ()
        %mul3A_71 = arith.constant 128 : i32
        %mul3A_72 = arith.muli %add3A_68, %mul3A_71 : i32
        "tpu.region"() ({
          %run_scoped3A_83 = tpu.sem_alloc : memref<!tpu.dma_semaphore, #tpu.memory_space<semaphore_mem>>
          %dma_start3A_84 = arith.constant 0 : i32
          %dma_start3A_85 = tpu.memref_slice %arg8[%dma_start3A_84] : memref<256xi32, #tpu.memory_space<vmem>> -> memref<128xi32, #tpu.memory_space<vmem>>
          %dma_start3A_86 = tpu.memref_slice %arg4[%add3A, %mul3A_72] : memref<32x10240xi32, #tpu.memory_space<hbm>> -> memref<1x128xi32, #tpu.memory_space<hbm>>
          %dma_start3A_87 = tpu.memref_squeeze %dma_start3A_86 : memref<1x128xi32, #tpu.memory_space<hbm>> -> memref<128xi32, #tpu.memory_space<hbm>>
          %dma_start3A_88 = arith.constant 0 : i32
          %dma_start3A_89 = tpu.memref_slice %arg8[%dma_start3A_88] : memref<256xi32, #tpu.memory_space<vmem>> -> memref<128xi32, #tpu.memory_space<vmem>>
          %dma_start3A_90 = tpu.memref_slice %arg4[%add3A, %mul3A_72] : memref<32x10240xi32, #tpu.memory_space<hbm>> -> memref<1x128xi32, #tpu.memory_space<hbm>>
          %dma_start3A_91 = tpu.memref_squeeze %dma_start3A_90 : memref<1x128xi32, #tpu.memory_space<hbm>> -> memref<128xi32, #tpu.memory_space<hbm>>
          tpu.enqueue_dma source(%dma_start3A_91 : memref<128xi32, #tpu.memory_space<hbm>>) target(%dma_start3A_89 : memref<128xi32, #tpu.memory_space<vmem>>) target_semaphore(%run_scoped3A_83 : memref<!tpu.dma_semaphore, #tpu.memory_space<semaphore_mem>>)
          %dma_wait3A_92 = arith.constant 0 : i32
          %dma_wait3A_93 = tpu.memref_slice %arg8[%dma_wait3A_92] : memref<256xi32, #tpu.memory_space<vmem>> -> memref<128xi32, #tpu.memory_space<vmem>>
          %dma_wait3A_94 = tpu.memref_slice %arg4[%add3A, %mul3A_72] : memref<32x10240xi32, #tpu.memory_space<hbm>> -> memref<1x128xi32, #tpu.memory_space<hbm>>
          %dma_wait3A_95 = tpu.memref_squeeze %dma_wait3A_94 : memref<1x128xi32, #tpu.memory_space<hbm>> -> memref<128xi32, #tpu.memory_space<hbm>>
          %dma_wait3A_96 = arith.constant 0 : i32
          %dma_wait3A_97 = tpu.memref_slice %arg8[%dma_wait3A_96] : memref<256xi32, #tpu.memory_space<vmem>> -> memref<128xi32, #tpu.memory_space<vmem>>
          %dma_wait3A_98 = tpu.memref_slice %arg4[%add3A, %mul3A_72] : memref<32x10240xi32, #tpu.memory_space<hbm>> -> memref<1x128xi32, #tpu.memory_space<hbm>>
          %dma_wait3A_99 = tpu.memref_squeeze %dma_wait3A_98 : memref<1x128xi32, #tpu.memory_space<hbm>> -> memref<128xi32, #tpu.memory_space<hbm>>
          tpu.wait_dma2 semaphore(%run_scoped3A_83 : memref<!tpu.dma_semaphore, #tpu.memory_space<semaphore_mem>>) src(%dma_wait3A_99 : memref<128xi32, #tpu.memory_space<hbm>>) dst(%dma_wait3A_97 : memref<128xi32, #tpu.memory_space<vmem>>)
          tpu.yield
        }) : () -> ()
        %dma_start3A_73 = arith.constant 0 : i32
        %dma_start3A_74 = arith.constant 0 : i32
        %dma_start3A_75 = arith.constant 0 : i32
        %dma_start3A_76 = tpu.memref_slice %arg9[%dma_start3A_73, %dma_start3A_74, %dma_start3A_75] : memref<2x128x128xf32, #tpu.memory_space<vmem>> -> memref<1x128x128xf32, #tpu.memory_space<vmem>>
        %dma_start3A_77 = tpu.memref_squeeze %dma_start3A_76 : memref<1x128x128xf32, #tpu.memory_space<vmem>> -> memref<128x128xf32, #tpu.memory_space<vmem>>
        %dma_start3A_78 = arith.constant 0 : i32
        %dma_start3A_79 = tpu.memref_slice %arg7[%dma_start3A_78] : memref<256xi32, #tpu.memory_space<vmem>> -> memref<128xi32, #tpu.memory_space<vmem>>
        %dma_start3A_80 = arith.constant 0 : i32
        %dma_start3A_81 = arith.constant 0 : i32
        %dma_start3A_82 = tpu.memref_slice %arg2[%dma_start3A_80, %dma_start3A_81] : memref<10112x128xf32, #tpu.memory_space<hbm>> -> memref<10112x128xf32, #tpu.memory_space<hbm>>
        tpu.enqueue_indirect_dma source(%dma_start3A_82 : memref<10112x128xf32, #tpu.memory_space<hbm>>) target(%dma_start3A_77 : memref<128x128xf32, #tpu.memory_space<vmem>>) offsets(%dma_start3A_79 : memref<128xi32, #tpu.memory_space<vmem>>) semaphore(%arg11 : memref<!tpu.dma_semaphore, #tpu.memory_space<semaphore_mem>>)
      } else {
      }
      %dma_wait3A_56 = arith.constant 1 : i32
      %dma_wait3A_57 = arith.constant 0 : i32
      %dma_wait3A_58 = arith.constant 0 : i32
      %dma_wait3A_59 = tpu.memref_slice %arg9[%dma_wait3A_56, %dma_wait3A_57, %dma_wait3A_58] : memref<2x128x128xf32, #tpu.memory_space<vmem>> -> memref<1x128x128xf32, #tpu.memory_space<vmem>>
      %dma_wait3A_60 = tpu.memref_squeeze %dma_wait3A_59 : memref<1x128x128xf32, #tpu.memory_space<vmem>> -> memref<128x128xf32, #tpu.memory_space<vmem>>
      %dma_wait3A_61 = arith.constant 128 : i32
      %dma_wait3A_62 = tpu.memref_slice %arg7[%dma_wait3A_61] : memref<256xi32, #tpu.memory_space<vmem>> -> memref<128xi32, #tpu.memory_space<vmem>>
      %dma_wait3A_63 = arith.constant 0 : i32
      %dma_wait3A_64 = arith.constant 0 : i32
      %dma_wait3A_65 = tpu.memref_slice %arg2[%dma_wait3A_63, %dma_wait3A_64] : memref<10112x128xf32, #tpu.memory_space<hbm>> -> memref<10112x128xf32, #tpu.memory_space<hbm>>
      tpu.wait_indirect_dma semaphore(%arg12 : memref<!tpu.dma_semaphore, #tpu.memory_space<semaphore_mem>>) src(%dma_wait3A_65 : memref<10112x128xf32, #tpu.memory_space<hbm>>) dst(%dma_wait3A_60 : memref<128x128xf32, #tpu.memory_space<vmem>>)
      %run_scoped3A_66 = arith.constant 1 : i32
      "tpu.region"() ({
        %run_scoped3A_67 = tpu.sem_alloc : memref<!tpu.dma_semaphore, #tpu.memory_space<semaphore_mem>>
        %dma_start3A_68 = arith.constant 0 : i32
        %dma_start3A_69 = arith.constant 0 : i32
        %dma_start3A_70 = tpu.memref_slice %arg9[%run_scoped3A_66, %dma_start3A_68, %dma_start3A_69] : memref<2x128x128xf32, #tpu.memory_space<vmem>> -> memref<1x128x128xf32, #tpu.memory_space<vmem>>
        %dma_start3A_71 = tpu.memref_squeeze %dma_start3A_70 : memref<1x128x128xf32, #tpu.memory_space<vmem>> -> memref<128x128xf32, #tpu.memory_space<vmem>>
        %dma_start3A_72 = arith.constant 128 : i32
        %dma_start3A_73 = tpu.memref_slice %arg8[%dma_start3A_72] : memref<256xi32, #tpu.memory_space<vmem>> -> memref<128xi32, #tpu.memory_space<vmem>>
        %dma_start3A_74 = arith.constant 0 : i32
        %dma_start3A_75 = arith.constant 0 : i32
        %dma_start3A_76 = tpu.memref_slice %arg10[%dma_start3A_74, %dma_start3A_75] : memref<10112x128xf32, #tpu.memory_space<vmem_shared>> -> memref<10112x128xf32, #tpu.memory_space<vmem_shared>>
        tpu.enqueue_indirect_dma source(%dma_start3A_71 : memref<128x128xf32, #tpu.memory_space<vmem>>) target(%dma_start3A_76 : memref<10112x128xf32, #tpu.memory_space<vmem_shared>>) offsets(%dma_start3A_73 : memref<128xi32, #tpu.memory_space<vmem>>) semaphore(%run_scoped3A_67 : memref<!tpu.dma_semaphore, #tpu.memory_space<semaphore_mem>>) {add = true}
        %dma_wait3A_77 = arith.constant 0 : i32
        %dma_wait3A_78 = arith.constant 0 : i32
        %dma_wait3A_79 = tpu.memref_slice %arg9[%run_scoped3A_66, %dma_wait3A_77, %dma_wait3A_78] : memref<2x128x128xf32, #tpu.memory_space<vmem>> -> memref<1x128x128xf32, #tpu.memory_space<vmem>>
        %dma_wait3A_80 = tpu.memref_squeeze %dma_wait3A_79 : memref<1x128x128xf32, #tpu.memory_space<vmem>> -> memref<128x128xf32, #tpu.memory_space<vmem>>
        %dma_wait3A_81 = arith.constant 128 : i32
        %dma_wait3A_82 = tpu.memref_slice %arg8[%dma_wait3A_81] : memref<256xi32, #tpu.memory_space<vmem>> -> memref<128xi32, #tpu.memory_space<vmem>>
        %dma_wait3A_83 = arith.constant 0 : i32
        %dma_wait3A_84 = arith.constant 0 : i32
        %dma_wait3A_85 = tpu.memref_slice %arg10[%dma_wait3A_83, %dma_wait3A_84] : memref<10112x128xf32, #tpu.memory_space<vmem_shared>> -> memref<10112x128xf32, #tpu.memory_space<vmem_shared>>
        tpu.wait_indirect_dma semaphore(%run_scoped3A_67 : memref<!tpu.dma_semaphore, #tpu.memory_space<semaphore_mem>>) src(%dma_wait3A_80 : memref<128x128xf32, #tpu.memory_space<vmem>>) dst(%dma_wait3A_85 : memref<10112x128xf32, #tpu.memory_space<vmem_shared>>)
        tpu.yield
      }) : () -> ()
    }
    %scan3A_18 = arith.constant 40 : i32
    %barrier3A_19 = arith.constant 0 : index
    tpu.barrier barrier_id(%barrier3A_19)
    %mul3A_20 = arith.constant 632 : i32
    %mul3A_21 = arith.muli %arg1, %mul3A_20 : i32
    %mul3A_22 = arith.constant 632 : i32
    %mul3A_23 = arith.muli %arg1, %mul3A_22 : i32
    "tpu.region"() ({
      %run_scoped3A = tpu.sem_alloc : memref<!tpu.dma_semaphore, #tpu.memory_space<semaphore_mem>>
      %dma_start3A_24 = arith.constant 0 : i32
      %dma_start3A_25 = tpu.memref_slice %arg6[%arg0, %mul3A_23, %dma_start3A_24] : memref<2x10112x128xf32, #tpu.memory_space<hbm>> -> memref<1x632x128xf32, #tpu.memory_space<hbm>>
      %dma_start3A_26 = tpu.memref_squeeze %dma_start3A_25 : memref<1x632x128xf32, #tpu.memory_space<hbm>> -> memref<632x128xf32, #tpu.memory_space<hbm>>
      %dma_start3A_27 = arith.constant 0 : i32
      %dma_start3A_28 = tpu.memref_slice %arg10[%mul3A_21, %dma_start3A_27] : memref<10112x128xf32, #tpu.memory_space<vmem_shared>> -> memref<632x128xf32, #tpu.memory_space<vmem_shared>>
      tpu.enqueue_dma source(%dma_start3A_28 : memref<632x128xf32, #tpu.memory_space<vmem_shared>>) target(%dma_start3A_26 : memref<632x128xf32, #tpu.memory_space<hbm>>) target_semaphore(%run_scoped3A : memref<!tpu.dma_semaphore, #tpu.memory_space<semaphore_mem>>)
      %dma_wait3A = arith.constant 0 : i32
      %dma_wait3A_29 = tpu.memref_slice %arg6[%arg0, %mul3A_23, %dma_wait3A] : memref<2x10112x128xf32, #tpu.memory_space<hbm>> -> memref<1x632x128xf32, #tpu.memory_space<hbm>>
      %dma_wait3A_30 = tpu.memref_squeeze %dma_wait3A_29 : memref<1x632x128xf32, #tpu.memory_space<hbm>> -> memref<632x128xf32, #tpu.memory_space<hbm>>
      %dma_wait3A_31 = arith.constant 0 : i32
      %dma_wait3A_32 = tpu.memref_slice %arg10[%mul3A_21, %dma_wait3A_31] : memref<10112x128xf32, #tpu.memory_space<vmem_shared>> -> memref<632x128xf32, #tpu.memory_space<vmem_shared>>
      tpu.wait_dma2 semaphore(%run_scoped3A : memref<!tpu.dma_semaphore, #tpu.memory_space<semaphore_mem>>) src(%dma_wait3A_32 : memref<632x128xf32, #tpu.memory_space<vmem_shared>>) dst(%dma_wait3A_30 : memref<632x128xf32, #tpu.memory_space<hbm>>)
      tpu.yield
    }) : () -> ()
    return
  }
}

#map = affine_map<(d0, d1) -> (0, 0)>
#map1 = affine_map<(d0, d1) -> (0, 0, 0)>
module attributes {stable_mosaic.version = 14 : i64} {
  func.func @k(%arg0: i32, %arg1: i32, %arg2: memref<32x10240xi32, #tpu.memory_space<hbm>>, %arg3: memref<10112x128xf32, #tpu.memory_space<hbm>>, %arg4: memref<128x128xf32, #tpu.memory_space<hbm>>, %arg5: memref<2x10112x128xf32, #tpu.memory_space<hbm>>, %arg6: memref<256xi32, #tpu.memory_space<vmem>>, %arg7: memref<128x128xf32, #tpu.memory_space<vmem>>, %arg8: memref<10112x128xf32, #tpu.memory_space<vmem_shared>>, %arg9: memref<!tpu.dma_semaphore, #tpu.memory_space<semaphore_mem>>, %arg10: memref<!tpu.dma_semaphore, #tpu.memory_space<semaphore_mem>>) attributes {dimension_semantics = [#tpu.dimension_semantics<core_parallel>, #tpu.dimension_semantics<subcore_parallel>], iteration_bounds = array<i64: 2, 16>, scalar_prefetch = 0 : i64, scratch_operands = 5 : i64, tpu.core_type = #tpu.core_type<sc_vector_subcore>, window_params = [{transform_indices = #map}, {transform_indices = #map}, {transform_indices = #map}, {transform_indices = #map1}]} {
    %mul3A = arith.constant 2 : i32
    %mul3A_0 = arith.muli %arg1, %mul3A : i32
    %add3A = arith.addi %mul3A_0, %arg0 : i32
    %mul3A_1 = arith.constant 632 : i32
    %mul3A_2 = arith.muli %arg1, %mul3A_1 : i32
    %mul3A_3 = arith.constant 632 : i32
    %mul3A_4 = arith.muli %arg1, %mul3A_3 : i32
    "tpu.region"() ({
      %run_scoped3A = tpu.sem_alloc : memref<!tpu.dma_semaphore, #tpu.memory_space<semaphore_mem>>
      %dma_start3A_19 = arith.constant 0 : i32
      %dma_start3A_20 = tpu.memref_slice %arg8[%mul3A_4, %dma_start3A_19] : memref<10112x128xf32, #tpu.memory_space<vmem_shared>> -> memref<632x128xf32, #tpu.memory_space<vmem_shared>>
      %dma_start3A_21 = arith.constant 0 : i32
      %dma_start3A_22 = tpu.memref_slice %arg3[%mul3A_2, %dma_start3A_21] : memref<10112x128xf32, #tpu.memory_space<hbm>> -> memref<632x128xf32, #tpu.memory_space<hbm>>
      tpu.enqueue_dma source(%dma_start3A_22 : memref<632x128xf32, #tpu.memory_space<hbm>>) target(%dma_start3A_20 : memref<632x128xf32, #tpu.memory_space<vmem_shared>>) target_semaphore(%run_scoped3A : memref<!tpu.dma_semaphore, #tpu.memory_space<semaphore_mem>>)
      %dma_wait3A = arith.constant 0 : i32
      %dma_wait3A_23 = tpu.memref_slice %arg8[%mul3A_4, %dma_wait3A] : memref<10112x128xf32, #tpu.memory_space<vmem_shared>> -> memref<632x128xf32, #tpu.memory_space<vmem_shared>>
      %dma_wait3A_24 = arith.constant 0 : i32
      %dma_wait3A_25 = tpu.memref_slice %arg3[%mul3A_2, %dma_wait3A_24] : memref<10112x128xf32, #tpu.memory_space<hbm>> -> memref<632x128xf32, #tpu.memory_space<hbm>>
      tpu.wait_dma2 semaphore(%run_scoped3A : memref<!tpu.dma_semaphore, #tpu.memory_space<semaphore_mem>>) src(%dma_wait3A_25 : memref<632x128xf32, #tpu.memory_space<hbm>>) dst(%dma_wait3A_23 : memref<632x128xf32, #tpu.memory_space<vmem_shared>>)
      tpu.yield
    }) : () -> ()
    "tpu.region"() ({
      %run_scoped3A = tpu.sem_alloc : memref<!tpu.dma_semaphore, #tpu.memory_space<semaphore_mem>>
      tpu.enqueue_dma source(%arg4 : memref<128x128xf32, #tpu.memory_space<hbm>>) target(%arg7 : memref<128x128xf32, #tpu.memory_space<vmem>>) target_semaphore(%run_scoped3A : memref<!tpu.dma_semaphore, #tpu.memory_space<semaphore_mem>>)
      tpu.wait_dma2 semaphore(%run_scoped3A : memref<!tpu.dma_semaphore, #tpu.memory_space<semaphore_mem>>) src(%arg4 : memref<128x128xf32, #tpu.memory_space<hbm>>) dst(%arg7 : memref<128x128xf32, #tpu.memory_space<vmem>>)
      tpu.yield
    }) : () -> ()
    %barrier3A = arith.constant 0 : index
    tpu.barrier barrier_id(%barrier3A)
    "tpu.region"() ({
      %run_scoped3A = tpu.sem_alloc : memref<!tpu.dma_semaphore, #tpu.memory_space<semaphore_mem>>
      %dma_start3A_19 = arith.constant 0 : i32
      %dma_start3A_20 = tpu.memref_slice %arg6[%dma_start3A_19] : memref<256xi32, #tpu.memory_space<vmem>> -> memref<128xi32, #tpu.memory_space<vmem>>
      %dma_start3A_21 = arith.constant 0 : i32
      %dma_start3A_22 = tpu.memref_slice %arg2[%add3A, %dma_start3A_21] : memref<32x10240xi32, #tpu.memory_space<hbm>> -> memref<1x128xi32, #tpu.memory_space<hbm>>
      %dma_start3A_23 = tpu.memref_squeeze %dma_start3A_22 : memref<1x128xi32, #tpu.memory_space<hbm>> -> memref<128xi32, #tpu.memory_space<hbm>>
      %dma_start3A_24 = arith.constant 0 : i32
      %dma_start3A_25 = tpu.memref_slice %arg6[%dma_start3A_24] : memref<256xi32, #tpu.memory_space<vmem>> -> memref<128xi32, #tpu.memory_space<vmem>>
      %dma_start3A_26 = arith.constant 0 : i32
      %dma_start3A_27 = tpu.memref_slice %arg2[%add3A, %dma_start3A_26] : memref<32x10240xi32, #tpu.memory_space<hbm>> -> memref<1x128xi32, #tpu.memory_space<hbm>>
      %dma_start3A_28 = tpu.memref_squeeze %dma_start3A_27 : memref<1x128xi32, #tpu.memory_space<hbm>> -> memref<128xi32, #tpu.memory_space<hbm>>
      tpu.enqueue_dma source(%dma_start3A_28 : memref<128xi32, #tpu.memory_space<hbm>>) target(%dma_start3A_25 : memref<128xi32, #tpu.memory_space<vmem>>) target_semaphore(%run_scoped3A : memref<!tpu.dma_semaphore, #tpu.memory_space<semaphore_mem>>)
      %dma_wait3A = arith.constant 0 : i32
      %dma_wait3A_29 = tpu.memref_slice %arg6[%dma_wait3A] : memref<256xi32, #tpu.memory_space<vmem>> -> memref<128xi32, #tpu.memory_space<vmem>>
      %dma_wait3A_30 = arith.constant 0 : i32
      %dma_wait3A_31 = tpu.memref_slice %arg2[%add3A, %dma_wait3A_30] : memref<32x10240xi32, #tpu.memory_space<hbm>> -> memref<1x128xi32, #tpu.memory_space<hbm>>
      %dma_wait3A_32 = tpu.memref_squeeze %dma_wait3A_31 : memref<1x128xi32, #tpu.memory_space<hbm>> -> memref<128xi32, #tpu.memory_space<hbm>>
      %dma_wait3A_33 = arith.constant 0 : i32
      %dma_wait3A_34 = tpu.memref_slice %arg6[%dma_wait3A_33] : memref<256xi32, #tpu.memory_space<vmem>> -> memref<128xi32, #tpu.memory_space<vmem>>
      %dma_wait3A_35 = arith.constant 0 : i32
      %dma_wait3A_36 = tpu.memref_slice %arg2[%add3A, %dma_wait3A_35] : memref<32x10240xi32, #tpu.memory_space<hbm>> -> memref<1x128xi32, #tpu.memory_space<hbm>>
      %dma_wait3A_37 = tpu.memref_squeeze %dma_wait3A_36 : memref<1x128xi32, #tpu.memory_space<hbm>> -> memref<128xi32, #tpu.memory_space<hbm>>
      tpu.wait_dma2 semaphore(%run_scoped3A : memref<!tpu.dma_semaphore, #tpu.memory_space<semaphore_mem>>) src(%dma_wait3A_37 : memref<128xi32, #tpu.memory_space<hbm>>) dst(%dma_wait3A_34 : memref<128xi32, #tpu.memory_space<vmem>>)
      tpu.yield
    }) : () -> ()
    %dma_start3A = arith.constant 0 : i32
    %dma_start3A_5 = tpu.memref_slice %arg6[%dma_start3A] : memref<256xi32, #tpu.memory_space<vmem>> -> memref<128xi32, #tpu.memory_space<vmem>>
    %dma_start3A_6 = arith.constant 0 : i32
    %dma_start3A_7 = arith.constant 0 : i32
    %dma_start3A_8 = tpu.memref_slice %arg8[%dma_start3A_6, %dma_start3A_7] : memref<10112x128xf32, #tpu.memory_space<vmem_shared>> -> memref<10112x128xf32, #tpu.memory_space<vmem_shared>>
    tpu.enqueue_indirect_dma source(%arg7 : memref<128x128xf32, #tpu.memory_space<vmem>>) target(%dma_start3A_8 : memref<10112x128xf32, #tpu.memory_space<vmem_shared>>) offsets(%dma_start3A_5 : memref<128xi32, #tpu.memory_space<vmem>>) semaphore(%arg9 : memref<!tpu.dma_semaphore, #tpu.memory_space<semaphore_mem>>) {add = true}
    %scan3A = arith.constant 0 : i32
    %scan3A_9 = arith.constant 0 : i32
    %scan3A_10 = arith.constant 40 : i32
    %scan3A_11 = arith.addi %scan3A_9, %scan3A_10 : i32
    %scan3A_12 = arith.constant 1 : i32
    scf.for %scan3A_19 = %scan3A_9 to %scan3A_11 step %scan3A_12  : i32 {
      %mul3A_20 = arith.constant 2 : i32
      %mul3A_21 = arith.muli %mul3A_20, %scan3A_19 : i32
      %add3A_22 = arith.constant 1 : i32
      %add3A_23 = arith.addi %mul3A_21, %add3A_22 : i32
      %mul3A_24 = arith.constant 128 : i32
      %mul3A_25 = arith.muli %add3A_23, %mul3A_24 : i32
      "tpu.region"() ({
        %run_scoped3A = tpu.sem_alloc : memref<!tpu.dma_semaphore, #tpu.memory_space<semaphore_mem>>
        %dma_start3A_44 = arith.constant 128 : i32
        %dma_start3A_45 = tpu.memref_slice %arg6[%dma_start3A_44] : memref<256xi32, #tpu.memory_space<vmem>> -> memref<128xi32, #tpu.memory_space<vmem>>
        %dma_start3A_46 = tpu.memref_slice %arg2[%add3A, %mul3A_25] : memref<32x10240xi32, #tpu.memory_space<hbm>> -> memref<1x128xi32, #tpu.memory_space<hbm>>
        %dma_start3A_47 = tpu.memref_squeeze %dma_start3A_46 : memref<1x128xi32, #tpu.memory_space<hbm>> -> memref<128xi32, #tpu.memory_space<hbm>>
        %dma_start3A_48 = arith.constant 128 : i32
        %dma_start3A_49 = tpu.memref_slice %arg6[%dma_start3A_48] : memref<256xi32, #tpu.memory_space<vmem>> -> memref<128xi32, #tpu.memory_space<vmem>>
        %dma_start3A_50 = tpu.memref_slice %arg2[%add3A, %mul3A_25] : memref<32x10240xi32, #tpu.memory_space<hbm>> -> memref<1x128xi32, #tpu.memory_space<hbm>>
        %dma_start3A_51 = tpu.memref_squeeze %dma_start3A_50 : memref<1x128xi32, #tpu.memory_space<hbm>> -> memref<128xi32, #tpu.memory_space<hbm>>
        tpu.enqueue_dma source(%dma_start3A_51 : memref<128xi32, #tpu.memory_space<hbm>>) target(%dma_start3A_49 : memref<128xi32, #tpu.memory_space<vmem>>) target_semaphore(%run_scoped3A : memref<!tpu.dma_semaphore, #tpu.memory_space<semaphore_mem>>)
        %dma_wait3A_52 = arith.constant 128 : i32
        %dma_wait3A_53 = tpu.memref_slice %arg6[%dma_wait3A_52] : memref<256xi32, #tpu.memory_space<vmem>> -> memref<128xi32, #tpu.memory_space<vmem>>
        %dma_wait3A_54 = tpu.memref_slice %arg2[%add3A, %mul3A_25] : memref<32x10240xi32, #tpu.memory_space<hbm>> -> memref<1x128xi32, #tpu.memory_space<hbm>>
        %dma_wait3A_55 = tpu.memref_squeeze %dma_wait3A_54 : memref<1x128xi32, #tpu.memory_space<hbm>> -> memref<128xi32, #tpu.memory_space<hbm>>
        %dma_wait3A_56 = arith.constant 128 : i32
        %dma_wait3A_57 = tpu.memref_slice %arg6[%dma_wait3A_56] : memref<256xi32, #tpu.memory_space<vmem>> -> memref<128xi32, #tpu.memory_space<vmem>>
        %dma_wait3A_58 = tpu.memref_slice %arg2[%add3A, %mul3A_25] : memref<32x10240xi32, #tpu.memory_space<hbm>> -> memref<1x128xi32, #tpu.memory_space<hbm>>
        %dma_wait3A_59 = tpu.memref_squeeze %dma_wait3A_58 : memref<1x128xi32, #tpu.memory_space<hbm>> -> memref<128xi32, #tpu.memory_space<hbm>>
        tpu.wait_dma2 semaphore(%run_scoped3A : memref<!tpu.dma_semaphore, #tpu.memory_space<semaphore_mem>>) src(%dma_wait3A_59 : memref<128xi32, #tpu.memory_space<hbm>>) dst(%dma_wait3A_57 : memref<128xi32, #tpu.memory_space<vmem>>)
        tpu.yield
      }) : () -> ()
      %dma_start3A_26 = arith.constant 128 : i32
      %dma_start3A_27 = tpu.memref_slice %arg6[%dma_start3A_26] : memref<256xi32, #tpu.memory_space<vmem>> -> memref<128xi32, #tpu.memory_space<vmem>>
      %dma_start3A_28 = arith.constant 0 : i32
      %dma_start3A_29 = arith.constant 0 : i32
      %dma_start3A_30 = tpu.memref_slice %arg8[%dma_start3A_28, %dma_start3A_29] : memref<10112x128xf32, #tpu.memory_space<vmem_shared>> -> memref<10112x128xf32, #tpu.memory_space<vmem_shared>>
      tpu.enqueue_indirect_dma source(%arg7 : memref<128x128xf32, #tpu.memory_space<vmem>>) target(%dma_start3A_30 : memref<10112x128xf32, #tpu.memory_space<vmem_shared>>) offsets(%dma_start3A_27 : memref<128xi32, #tpu.memory_space<vmem>>) semaphore(%arg10 : memref<!tpu.dma_semaphore, #tpu.memory_space<semaphore_mem>>) {add = true}
      %dma_wait3A = arith.constant 0 : i32
      %dma_wait3A_31 = tpu.memref_slice %arg6[%dma_wait3A] : memref<256xi32, #tpu.memory_space<vmem>> -> memref<128xi32, #tpu.memory_space<vmem>>
      %dma_wait3A_32 = arith.constant 0 : i32
      %dma_wait3A_33 = arith.constant 0 : i32
      %dma_wait3A_34 = tpu.memref_slice %arg8[%dma_wait3A_32, %dma_wait3A_33] : memref<10112x128xf32, #tpu.memory_space<vmem_shared>> -> memref<10112x128xf32, #tpu.memory_space<vmem_shared>>
      tpu.wait_indirect_dma semaphore(%arg9 : memref<!tpu.dma_semaphore, #tpu.memory_space<semaphore_mem>>) src(%arg7 : memref<128x128xf32, #tpu.memory_space<vmem>>) dst(%dma_wait3A_34 : memref<10112x128xf32, #tpu.memory_space<vmem_shared>>)
      %add3A_35 = arith.constant 1 : i32
      %add3A_36 = arith.addi %add3A_23, %add3A_35 : i32
      %lt3A = arith.constant 80 : i32
      %lt3A_37 = arith.cmpi slt, %add3A_36, %lt3A : i32
      %convert_element_type3A = arith.extui %lt3A_37 : i1 to i32
      %cond3A = arith.constant 0 : i32
      %cond3A_38 = arith.cmpi ne, %convert_element_type3A, %cond3A : i32
      scf.if %cond3A_38 {
        %add3A_44 = arith.constant 1 : i32
        %add3A_45 = arith.addi %add3A_23, %add3A_44 : i32
        %mul3A_46 = arith.constant 128 : i32
        %mul3A_47 = arith.muli %add3A_45, %mul3A_46 : i32
        "tpu.region"() ({
          %run_scoped3A = tpu.sem_alloc : memref<!tpu.dma_semaphore, #tpu.memory_space<semaphore_mem>>
          %dma_start3A_53 = arith.constant 0 : i32
          %dma_start3A_54 = tpu.memref_slice %arg6[%dma_start3A_53] : memref<256xi32, #tpu.memory_space<vmem>> -> memref<128xi32, #tpu.memory_space<vmem>>
          %dma_start3A_55 = tpu.memref_slice %arg2[%add3A, %mul3A_47] : memref<32x10240xi32, #tpu.memory_space<hbm>> -> memref<1x128xi32, #tpu.memory_space<hbm>>
          %dma_start3A_56 = tpu.memref_squeeze %dma_start3A_55 : memref<1x128xi32, #tpu.memory_space<hbm>> -> memref<128xi32, #tpu.memory_space<hbm>>
          %dma_start3A_57 = arith.constant 0 : i32
          %dma_start3A_58 = tpu.memref_slice %arg6[%dma_start3A_57] : memref<256xi32, #tpu.memory_space<vmem>> -> memref<128xi32, #tpu.memory_space<vmem>>
          %dma_start3A_59 = tpu.memref_slice %arg2[%add3A, %mul3A_47] : memref<32x10240xi32, #tpu.memory_space<hbm>> -> memref<1x128xi32, #tpu.memory_space<hbm>>
          %dma_start3A_60 = tpu.memref_squeeze %dma_start3A_59 : memref<1x128xi32, #tpu.memory_space<hbm>> -> memref<128xi32, #tpu.memory_space<hbm>>
          tpu.enqueue_dma source(%dma_start3A_60 : memref<128xi32, #tpu.memory_space<hbm>>) target(%dma_start3A_58 : memref<128xi32, #tpu.memory_space<vmem>>) target_semaphore(%run_scoped3A : memref<!tpu.dma_semaphore, #tpu.memory_space<semaphore_mem>>)
          %dma_wait3A_61 = arith.constant 0 : i32
          %dma_wait3A_62 = tpu.memref_slice %arg6[%dma_wait3A_61] : memref<256xi32, #tpu.memory_space<vmem>> -> memref<128xi32, #tpu.memory_space<vmem>>
          %dma_wait3A_63 = tpu.memref_slice %arg2[%add3A, %mul3A_47] : memref<32x10240xi32, #tpu.memory_space<hbm>> -> memref<1x128xi32, #tpu.memory_space<hbm>>
          %dma_wait3A_64 = tpu.memref_squeeze %dma_wait3A_63 : memref<1x128xi32, #tpu.memory_space<hbm>> -> memref<128xi32, #tpu.memory_space<hbm>>
          %dma_wait3A_65 = arith.constant 0 : i32
          %dma_wait3A_66 = tpu.memref_slice %arg6[%dma_wait3A_65] : memref<256xi32, #tpu.memory_space<vmem>> -> memref<128xi32, #tpu.memory_space<vmem>>
          %dma_wait3A_67 = tpu.memref_slice %arg2[%add3A, %mul3A_47] : memref<32x10240xi32, #tpu.memory_space<hbm>> -> memref<1x128xi32, #tpu.memory_space<hbm>>
          %dma_wait3A_68 = tpu.memref_squeeze %dma_wait3A_67 : memref<1x128xi32, #tpu.memory_space<hbm>> -> memref<128xi32, #tpu.memory_space<hbm>>
          tpu.wait_dma2 semaphore(%run_scoped3A : memref<!tpu.dma_semaphore, #tpu.memory_space<semaphore_mem>>) src(%dma_wait3A_68 : memref<128xi32, #tpu.memory_space<hbm>>) dst(%dma_wait3A_66 : memref<128xi32, #tpu.memory_space<vmem>>)
          tpu.yield
        }) : () -> ()
        %dma_start3A_48 = arith.constant 0 : i32
        %dma_start3A_49 = tpu.memref_slice %arg6[%dma_start3A_48] : memref<256xi32, #tpu.memory_space<vmem>> -> memref<128xi32, #tpu.memory_space<vmem>>
        %dma_start3A_50 = arith.constant 0 : i32
        %dma_start3A_51 = arith.constant 0 : i32
        %dma_start3A_52 = tpu.memref_slice %arg8[%dma_start3A_50, %dma_start3A_51] : memref<10112x128xf32, #tpu.memory_space<vmem_shared>> -> memref<10112x128xf32, #tpu.memory_space<vmem_shared>>
        tpu.enqueue_indirect_dma source(%arg7 : memref<128x128xf32, #tpu.memory_space<vmem>>) target(%dma_start3A_52 : memref<10112x128xf32, #tpu.memory_space<vmem_shared>>) offsets(%dma_start3A_49 : memref<128xi32, #tpu.memory_space<vmem>>) semaphore(%arg9 : memref<!tpu.dma_semaphore, #tpu.memory_space<semaphore_mem>>) {add = true}
      } else {
      }
      %dma_wait3A_39 = arith.constant 128 : i32
      %dma_wait3A_40 = tpu.memref_slice %arg6[%dma_wait3A_39] : memref<256xi32, #tpu.memory_space<vmem>> -> memref<128xi32, #tpu.memory_space<vmem>>
      %dma_wait3A_41 = arith.constant 0 : i32
      %dma_wait3A_42 = arith.constant 0 : i32
      %dma_wait3A_43 = tpu.memref_slice %arg8[%dma_wait3A_41, %dma_wait3A_42] : memref<10112x128xf32, #tpu.memory_space<vmem_shared>> -> memref<10112x128xf32, #tpu.memory_space<vmem_shared>>
      tpu.wait_indirect_dma semaphore(%arg10 : memref<!tpu.dma_semaphore, #tpu.memory_space<semaphore_mem>>) src(%arg7 : memref<128x128xf32, #tpu.memory_space<vmem>>) dst(%dma_wait3A_43 : memref<10112x128xf32, #tpu.memory_space<vmem_shared>>)
    }
    %scan3A_13 = arith.constant 40 : i32
    %barrier3A_14 = arith.constant 0 : index
    tpu.barrier barrier_id(%barrier3A_14)
    %mul3A_15 = arith.constant 632 : i32
    %mul3A_16 = arith.muli %arg1, %mul3A_15 : i32
    %mul3A_17 = arith.constant 632 : i32
    %mul3A_18 = arith.muli %arg1, %mul3A_17 : i32
    "tpu.region"() ({
      %run_scoped3A = tpu.sem_alloc : memref<!tpu.dma_semaphore, #tpu.memory_space<semaphore_mem>>
      %dma_start3A_19 = arith.constant 0 : i32
      %dma_start3A_20 = tpu.memref_slice %arg5[%arg0, %mul3A_18, %dma_start3A_19] : memref<2x10112x128xf32, #tpu.memory_space<hbm>> -> memref<1x632x128xf32, #tpu.memory_space<hbm>>
      %dma_start3A_21 = tpu.memref_squeeze %dma_start3A_20 : memref<1x632x128xf32, #tpu.memory_space<hbm>> -> memref<632x128xf32, #tpu.memory_space<hbm>>
      %dma_start3A_22 = arith.constant 0 : i32
      %dma_start3A_23 = tpu.memref_slice %arg8[%mul3A_16, %dma_start3A_22] : memref<10112x128xf32, #tpu.memory_space<vmem_shared>> -> memref<632x128xf32, #tpu.memory_space<vmem_shared>>
      tpu.enqueue_dma source(%dma_start3A_23 : memref<632x128xf32, #tpu.memory_space<vmem_shared>>) target(%dma_start3A_21 : memref<632x128xf32, #tpu.memory_space<hbm>>) target_semaphore(%run_scoped3A : memref<!tpu.dma_semaphore, #tpu.memory_space<semaphore_mem>>)
      %dma_wait3A = arith.constant 0 : i32
      %dma_wait3A_24 = tpu.memref_slice %arg5[%arg0, %mul3A_18, %dma_wait3A] : memref<2x10112x128xf32, #tpu.memory_space<hbm>> -> memref<1x632x128xf32, #tpu.memory_space<hbm>>
      %dma_wait3A_25 = tpu.memref_squeeze %dma_wait3A_24 : memref<1x632x128xf32, #tpu.memory_space<hbm>> -> memref<632x128xf32, #tpu.memory_space<hbm>>
      %dma_wait3A_26 = arith.constant 0 : i32
      %dma_wait3A_27 = tpu.memref_slice %arg8[%mul3A_16, %dma_wait3A_26] : memref<10112x128xf32, #tpu.memory_space<vmem_shared>> -> memref<632x128xf32, #tpu.memory_space<vmem_shared>>
      tpu.wait_dma2 semaphore(%run_scoped3A : memref<!tpu.dma_semaphore, #tpu.memory_space<semaphore_mem>>) src(%dma_wait3A_27 : memref<632x128xf32, #tpu.memory_space<vmem_shared>>) dst(%dma_wait3A_25 : memref<632x128xf32, #tpu.memory_space<hbm>>)
      tpu.yield
    }) : () -> ()
    return
  }
}

#map = affine_map<(d0, d1) -> (0, 0)>
#map1 = affine_map<(d0, d1) -> (0, 0, 0)>
module attributes {stable_mosaic.version = 14 : i64} {
  func.func @k(%arg0: i32, %arg1: i32, %arg2: memref<10112x128xf32, #tpu.memory_space<hbm>>, %arg3: memref<32x10240xi32, #tpu.memory_space<hbm>>, %arg4: memref<32x10240xi32, #tpu.memory_space<hbm>>, %arg5: memref<10112x128xf32, #tpu.memory_space<hbm>>, %arg6: memref<2x10112x128xf32, #tpu.memory_space<hbm>>, %arg7: memref<256xi32, #tpu.memory_space<vmem>>, %arg8: memref<256xi32, #tpu.memory_space<vmem>>, %arg9: memref<2x128x128xf32, #tpu.memory_space<vmem>>, %arg10: memref<10112x128xf32, #tpu.memory_space<vmem_shared>>, %arg11: memref<!tpu.dma_semaphore, #tpu.memory_space<semaphore_mem>>, %arg12: memref<!tpu.dma_semaphore, #tpu.memory_space<semaphore_mem>>) attributes {dimension_semantics = [#tpu.dimension_semantics<core_parallel>, #tpu.dimension_semantics<subcore_parallel>], iteration_bounds = array<i64: 2, 16>, scalar_prefetch = 0 : i64, scratch_operands = 6 : i64, tpu.core_type = #tpu.core_type<sc_vector_subcore>, window_params = [{transform_indices = #map}, {transform_indices = #map}, {transform_indices = #map}, {transform_indices = #map}, {transform_indices = #map1}]} {
    %mul3A = arith.constant 2 : i32
    %mul3A_0 = arith.muli %arg1, %mul3A : i32
    %add3A = arith.addi %mul3A_0, %arg0 : i32
    %mul3A_1 = arith.constant 632 : i32
    %mul3A_2 = arith.muli %arg1, %mul3A_1 : i32
    %mul3A_3 = arith.constant 632 : i32
    %mul3A_4 = arith.muli %arg1, %mul3A_3 : i32
    "tpu.region"() ({
      %run_scoped3A = tpu.sem_alloc : memref<!tpu.dma_semaphore, #tpu.memory_space<semaphore_mem>>
      %dma_start3A_24 = arith.constant 0 : i32
      %dma_start3A_25 = tpu.memref_slice %arg10[%mul3A_4, %dma_start3A_24] : memref<10112x128xf32, #tpu.memory_space<vmem_shared>> -> memref<632x128xf32, #tpu.memory_space<vmem_shared>>
      %dma_start3A_26 = arith.constant 0 : i32
      %dma_start3A_27 = tpu.memref_slice %arg5[%mul3A_2, %dma_start3A_26] : memref<10112x128xf32, #tpu.memory_space<hbm>> -> memref<632x128xf32, #tpu.memory_space<hbm>>
      tpu.enqueue_dma source(%dma_start3A_27 : memref<632x128xf32, #tpu.memory_space<hbm>>) target(%dma_start3A_25 : memref<632x128xf32, #tpu.memory_space<vmem_shared>>) target_semaphore(%run_scoped3A : memref<!tpu.dma_semaphore, #tpu.memory_space<semaphore_mem>>)
      %dma_wait3A = arith.constant 0 : i32
      %dma_wait3A_28 = tpu.memref_slice %arg10[%mul3A_4, %dma_wait3A] : memref<10112x128xf32, #tpu.memory_space<vmem_shared>> -> memref<632x128xf32, #tpu.memory_space<vmem_shared>>
      %dma_wait3A_29 = arith.constant 0 : i32
      %dma_wait3A_30 = tpu.memref_slice %arg5[%mul3A_2, %dma_wait3A_29] : memref<10112x128xf32, #tpu.memory_space<hbm>> -> memref<632x128xf32, #tpu.memory_space<hbm>>
      tpu.wait_dma2 semaphore(%run_scoped3A : memref<!tpu.dma_semaphore, #tpu.memory_space<semaphore_mem>>) src(%dma_wait3A_30 : memref<632x128xf32, #tpu.memory_space<hbm>>) dst(%dma_wait3A_28 : memref<632x128xf32, #tpu.memory_space<vmem_shared>>)
      tpu.yield
    }) : () -> ()
    %barrier3A = arith.constant 0 : index
    tpu.barrier barrier_id(%barrier3A)
    "tpu.region"() ({
      %run_scoped3A = tpu.sem_alloc : memref<!tpu.dma_semaphore, #tpu.memory_space<semaphore_mem>>
      %dma_start3A_24 = arith.constant 0 : i32
      %dma_start3A_25 = tpu.memref_slice %arg7[%dma_start3A_24] : memref<256xi32, #tpu.memory_space<vmem>> -> memref<128xi32, #tpu.memory_space<vmem>>
      %dma_start3A_26 = arith.constant 0 : i32
      %dma_start3A_27 = tpu.memref_slice %arg3[%add3A, %dma_start3A_26] : memref<32x10240xi32, #tpu.memory_space<hbm>> -> memref<1x128xi32, #tpu.memory_space<hbm>>
      %dma_start3A_28 = tpu.memref_squeeze %dma_start3A_27 : memref<1x128xi32, #tpu.memory_space<hbm>> -> memref<128xi32, #tpu.memory_space<hbm>>
      %dma_start3A_29 = arith.constant 0 : i32
      %dma_start3A_30 = tpu.memref_slice %arg7[%dma_start3A_29] : memref<256xi32, #tpu.memory_space<vmem>> -> memref<128xi32, #tpu.memory_space<vmem>>
      %dma_start3A_31 = arith.constant 0 : i32
      %dma_start3A_32 = tpu.memref_slice %arg3[%add3A, %dma_start3A_31] : memref<32x10240xi32, #tpu.memory_space<hbm>> -> memref<1x128xi32, #tpu.memory_space<hbm>>
      %dma_start3A_33 = tpu.memref_squeeze %dma_start3A_32 : memref<1x128xi32, #tpu.memory_space<hbm>> -> memref<128xi32, #tpu.memory_space<hbm>>
      tpu.enqueue_dma source(%dma_start3A_33 : memref<128xi32, #tpu.memory_space<hbm>>) target(%dma_start3A_30 : memref<128xi32, #tpu.memory_space<vmem>>) target_semaphore(%run_scoped3A : memref<!tpu.dma_semaphore, #tpu.memory_space<semaphore_mem>>)
      %dma_wait3A = arith.constant 0 : i32
      %dma_wait3A_34 = tpu.memref_slice %arg7[%dma_wait3A] : memref<256xi32, #tpu.memory_space<vmem>> -> memref<128xi32, #tpu.memory_space<vmem>>
      %dma_wait3A_35 = arith.constant 0 : i32
      %dma_wait3A_36 = tpu.memref_slice %arg3[%add3A, %dma_wait3A_35] : memref<32x10240xi32, #tpu.memory_space<hbm>> -> memref<1x128xi32, #tpu.memory_space<hbm>>
      %dma_wait3A_37 = tpu.memref_squeeze %dma_wait3A_36 : memref<1x128xi32, #tpu.memory_space<hbm>> -> memref<128xi32, #tpu.memory_space<hbm>>
      %dma_wait3A_38 = arith.constant 0 : i32
      %dma_wait3A_39 = tpu.memref_slice %arg7[%dma_wait3A_38] : memref<256xi32, #tpu.memory_space<vmem>> -> memref<128xi32, #tpu.memory_space<vmem>>
      %dma_wait3A_40 = arith.constant 0 : i32
      %dma_wait3A_41 = tpu.memref_slice %arg3[%add3A, %dma_wait3A_40] : memref<32x10240xi32, #tpu.memory_space<hbm>> -> memref<1x128xi32, #tpu.memory_space<hbm>>
      %dma_wait3A_42 = tpu.memref_squeeze %dma_wait3A_41 : memref<1x128xi32, #tpu.memory_space<hbm>> -> memref<128xi32, #tpu.memory_space<hbm>>
      tpu.wait_dma2 semaphore(%run_scoped3A : memref<!tpu.dma_semaphore, #tpu.memory_space<semaphore_mem>>) src(%dma_wait3A_42 : memref<128xi32, #tpu.memory_space<hbm>>) dst(%dma_wait3A_39 : memref<128xi32, #tpu.memory_space<vmem>>)
      tpu.yield
    }) : () -> ()
    "tpu.region"() ({
      %run_scoped3A = tpu.sem_alloc : memref<!tpu.dma_semaphore, #tpu.memory_space<semaphore_mem>>
      %dma_start3A_24 = arith.constant 0 : i32
      %dma_start3A_25 = tpu.memref_slice %arg8[%dma_start3A_24] : memref<256xi32, #tpu.memory_space<vmem>> -> memref<128xi32, #tpu.memory_space<vmem>>
      %dma_start3A_26 = arith.constant 0 : i32
      %dma_start3A_27 = tpu.memref_slice %arg4[%add3A, %dma_start3A_26] : memref<32x10240xi32, #tpu.memory_space<hbm>> -> memref<1x128xi32, #tpu.memory_space<hbm>>
      %dma_start3A_28 = tpu.memref_squeeze %dma_start3A_27 : memref<1x128xi32, #tpu.memory_space<hbm>> -> memref<128xi32, #tpu.memory_space<hbm>>
      %dma_start3A_29 = arith.constant 0 : i32
      %dma_start3A_30 = tpu.memref_slice %arg8[%dma_start3A_29] : memref<256xi32, #tpu.memory_space<vmem>> -> memref<128xi32, #tpu.memory_space<vmem>>
      %dma_start3A_31 = arith.constant 0 : i32
      %dma_start3A_32 = tpu.memref_slice %arg4[%add3A, %dma_start3A_31] : memref<32x10240xi32, #tpu.memory_space<hbm>> -> memref<1x128xi32, #tpu.memory_space<hbm>>
      %dma_start3A_33 = tpu.memref_squeeze %dma_start3A_32 : memref<1x128xi32, #tpu.memory_space<hbm>> -> memref<128xi32, #tpu.memory_space<hbm>>
      tpu.enqueue_dma source(%dma_start3A_33 : memref<128xi32, #tpu.memory_space<hbm>>) target(%dma_start3A_30 : memref<128xi32, #tpu.memory_space<vmem>>) target_semaphore(%run_scoped3A : memref<!tpu.dma_semaphore, #tpu.memory_space<semaphore_mem>>)
      %dma_wait3A = arith.constant 0 : i32
      %dma_wait3A_34 = tpu.memref_slice %arg8[%dma_wait3A] : memref<256xi32, #tpu.memory_space<vmem>> -> memref<128xi32, #tpu.memory_space<vmem>>
      %dma_wait3A_35 = arith.constant 0 : i32
      %dma_wait3A_36 = tpu.memref_slice %arg4[%add3A, %dma_wait3A_35] : memref<32x10240xi32, #tpu.memory_space<hbm>> -> memref<1x128xi32, #tpu.memory_space<hbm>>
      %dma_wait3A_37 = tpu.memref_squeeze %dma_wait3A_36 : memref<1x128xi32, #tpu.memory_space<hbm>> -> memref<128xi32, #tpu.memory_space<hbm>>
      %dma_wait3A_38 = arith.constant 0 : i32
      %dma_wait3A_39 = tpu.memref_slice %arg8[%dma_wait3A_38] : memref<256xi32, #tpu.memory_space<vmem>> -> memref<128xi32, #tpu.memory_space<vmem>>
      %dma_wait3A_40 = arith.constant 0 : i32
      %dma_wait3A_41 = tpu.memref_slice %arg4[%add3A, %dma_wait3A_40] : memref<32x10240xi32, #tpu.memory_space<hbm>> -> memref<1x128xi32, #tpu.memory_space<hbm>>
      %dma_wait3A_42 = tpu.memref_squeeze %dma_wait3A_41 : memref<1x128xi32, #tpu.memory_space<hbm>> -> memref<128xi32, #tpu.memory_space<hbm>>
      tpu.wait_dma2 semaphore(%run_scoped3A : memref<!tpu.dma_semaphore, #tpu.memory_space<semaphore_mem>>) src(%dma_wait3A_42 : memref<128xi32, #tpu.memory_space<hbm>>) dst(%dma_wait3A_39 : memref<128xi32, #tpu.memory_space<vmem>>)
      tpu.yield
    }) : () -> ()
    %dma_start3A = arith.constant 0 : i32
    %dma_start3A_5 = arith.constant 0 : i32
    %dma_start3A_6 = arith.constant 0 : i32
    %dma_start3A_7 = tpu.memref_slice %arg9[%dma_start3A, %dma_start3A_5, %dma_start3A_6] : memref<2x128x128xf32, #tpu.memory_space<vmem>> -> memref<1x128x128xf32, #tpu.memory_space<vmem>>
    %dma_start3A_8 = tpu.memref_squeeze %dma_start3A_7 : memref<1x128x128xf32, #tpu.memory_space<vmem>> -> memref<128x128xf32, #tpu.memory_space<vmem>>
    %dma_start3A_9 = arith.constant 0 : i32
    %dma_start3A_10 = tpu.memref_slice %arg7[%dma_start3A_9] : memref<256xi32, #tpu.memory_space<vmem>> -> memref<128xi32, #tpu.memory_space<vmem>>
    %dma_start3A_11 = arith.constant 0 : i32
    %dma_start3A_12 = arith.constant 0 : i32
    %dma_start3A_13 = tpu.memref_slice %arg2[%dma_start3A_11, %dma_start3A_12] : memref<10112x128xf32, #tpu.memory_space<hbm>> -> memref<10112x128xf32, #tpu.memory_space<hbm>>
    tpu.enqueue_indirect_dma source(%dma_start3A_13 : memref<10112x128xf32, #tpu.memory_space<hbm>>) target(%dma_start3A_8 : memref<128x128xf32, #tpu.memory_space<vmem>>) offsets(%dma_start3A_10 : memref<128xi32, #tpu.memory_space<vmem>>) semaphore(%arg11 : memref<!tpu.dma_semaphore, #tpu.memory_space<semaphore_mem>>)
    %scan3A = arith.constant 0 : i32
    %scan3A_14 = arith.constant 0 : i32
    %scan3A_15 = arith.constant 40 : i32
    %scan3A_16 = arith.addi %scan3A_14, %scan3A_15 : i32
    %scan3A_17 = arith.constant 1 : i32
    scf.for %scan3A_24 = %scan3A_14 to %scan3A_16 step %scan3A_17  : i32 {
      %mul3A_25 = arith.constant 2 : i32
      %mul3A_26 = arith.muli %mul3A_25, %scan3A_24 : i32
      %add3A_27 = arith.constant 1 : i32
      %add3A_28 = arith.addi %mul3A_26, %add3A_27 : i32
      %mul3A_29 = arith.constant 128 : i32
      %mul3A_30 = arith.muli %add3A_28, %mul3A_29 : i32
      "tpu.region"() ({
        %run_scoped3A_67 = tpu.sem_alloc : memref<!tpu.dma_semaphore, #tpu.memory_space<semaphore_mem>>
        %dma_start3A_68 = arith.constant 128 : i32
        %dma_start3A_69 = tpu.memref_slice %arg7[%dma_start3A_68] : memref<256xi32, #tpu.memory_space<vmem>> -> memref<128xi32, #tpu.memory_space<vmem>>
        %dma_start3A_70 = tpu.memref_slice %arg3[%add3A, %mul3A_30] : memref<32x10240xi32, #tpu.memory_space<hbm>> -> memref<1x128xi32, #tpu.memory_space<hbm>>
        %dma_start3A_71 = tpu.memref_squeeze %dma_start3A_70 : memref<1x128xi32, #tpu.memory_space<hbm>> -> memref<128xi32, #tpu.memory_space<hbm>>
        %dma_start3A_72 = arith.constant 128 : i32
        %dma_start3A_73 = tpu.memref_slice %arg7[%dma_start3A_72] : memref<256xi32, #tpu.memory_space<vmem>> -> memref<128xi32, #tpu.memory_space<vmem>>
        %dma_start3A_74 = tpu.memref_slice %arg3[%add3A, %mul3A_30] : memref<32x10240xi32, #tpu.memory_space<hbm>> -> memref<1x128xi32, #tpu.memory_space<hbm>>
        %dma_start3A_75 = tpu.memref_squeeze %dma_start3A_74 : memref<1x128xi32, #tpu.memory_space<hbm>> -> memref<128xi32, #tpu.memory_space<hbm>>
        tpu.enqueue_dma source(%dma_start3A_75 : memref<128xi32, #tpu.memory_space<hbm>>) target(%dma_start3A_73 : memref<128xi32, #tpu.memory_space<vmem>>) target_semaphore(%run_scoped3A_67 : memref<!tpu.dma_semaphore, #tpu.memory_space<semaphore_mem>>)
        %dma_wait3A_76 = arith.constant 128 : i32
        %dma_wait3A_77 = tpu.memref_slice %arg7[%dma_wait3A_76] : memref<256xi32, #tpu.memory_space<vmem>> -> memref<128xi32, #tpu.memory_space<vmem>>
        %dma_wait3A_78 = tpu.memref_slice %arg3[%add3A, %mul3A_30] : memref<32x10240xi32, #tpu.memory_space<hbm>> -> memref<1x128xi32, #tpu.memory_space<hbm>>
        %dma_wait3A_79 = tpu.memref_squeeze %dma_wait3A_78 : memref<1x128xi32, #tpu.memory_space<hbm>> -> memref<128xi32, #tpu.memory_space<hbm>>
        %dma_wait3A_80 = arith.constant 128 : i32
        %dma_wait3A_81 = tpu.memref_slice %arg7[%dma_wait3A_80] : memref<256xi32, #tpu.memory_space<vmem>> -> memref<128xi32, #tpu.memory_space<vmem>>
        %dma_wait3A_82 = tpu.memref_slice %arg3[%add3A, %mul3A_30] : memref<32x10240xi32, #tpu.memory_space<hbm>> -> memref<1x128xi32, #tpu.memory_space<hbm>>
        %dma_wait3A_83 = tpu.memref_squeeze %dma_wait3A_82 : memref<1x128xi32, #tpu.memory_space<hbm>> -> memref<128xi32, #tpu.memory_space<hbm>>
        tpu.wait_dma2 semaphore(%run_scoped3A_67 : memref<!tpu.dma_semaphore, #tpu.memory_space<semaphore_mem>>) src(%dma_wait3A_83 : memref<128xi32, #tpu.memory_space<hbm>>) dst(%dma_wait3A_81 : memref<128xi32, #tpu.memory_space<vmem>>)
        tpu.yield
      }) : () -> ()
      %mul3A_31 = arith.constant 128 : i32
      %mul3A_32 = arith.muli %add3A_28, %mul3A_31 : i32
      "tpu.region"() ({
        %run_scoped3A_67 = tpu.sem_alloc : memref<!tpu.dma_semaphore, #tpu.memory_space<semaphore_mem>>
        %dma_start3A_68 = arith.constant 128 : i32
        %dma_start3A_69 = tpu.memref_slice %arg8[%dma_start3A_68] : memref<256xi32, #tpu.memory_space<vmem>> -> memref<128xi32, #tpu.memory_space<vmem>>
        %dma_start3A_70 = tpu.memref_slice %arg4[%add3A, %mul3A_32] : memref<32x10240xi32, #tpu.memory_space<hbm>> -> memref<1x128xi32, #tpu.memory_space<hbm>>
        %dma_start3A_71 = tpu.memref_squeeze %dma_start3A_70 : memref<1x128xi32, #tpu.memory_space<hbm>> -> memref<128xi32, #tpu.memory_space<hbm>>
        %dma_start3A_72 = arith.constant 128 : i32
        %dma_start3A_73 = tpu.memref_slice %arg8[%dma_start3A_72] : memref<256xi32, #tpu.memory_space<vmem>> -> memref<128xi32, #tpu.memory_space<vmem>>
        %dma_start3A_74 = tpu.memref_slice %arg4[%add3A, %mul3A_32] : memref<32x10240xi32, #tpu.memory_space<hbm>> -> memref<1x128xi32, #tpu.memory_space<hbm>>
        %dma_start3A_75 = tpu.memref_squeeze %dma_start3A_74 : memref<1x128xi32, #tpu.memory_space<hbm>> -> memref<128xi32, #tpu.memory_space<hbm>>
        tpu.enqueue_dma source(%dma_start3A_75 : memref<128xi32, #tpu.memory_space<hbm>>) target(%dma_start3A_73 : memref<128xi32, #tpu.memory_space<vmem>>) target_semaphore(%run_scoped3A_67 : memref<!tpu.dma_semaphore, #tpu.memory_space<semaphore_mem>>)
        %dma_wait3A_76 = arith.constant 128 : i32
        %dma_wait3A_77 = tpu.memref_slice %arg8[%dma_wait3A_76] : memref<256xi32, #tpu.memory_space<vmem>> -> memref<128xi32, #tpu.memory_space<vmem>>
        %dma_wait3A_78 = tpu.memref_slice %arg4[%add3A, %mul3A_32] : memref<32x10240xi32, #tpu.memory_space<hbm>> -> memref<1x128xi32, #tpu.memory_space<hbm>>
        %dma_wait3A_79 = tpu.memref_squeeze %dma_wait3A_78 : memref<1x128xi32, #tpu.memory_space<hbm>> -> memref<128xi32, #tpu.memory_space<hbm>>
        %dma_wait3A_80 = arith.constant 128 : i32
        %dma_wait3A_81 = tpu.memref_slice %arg8[%dma_wait3A_80] : memref<256xi32, #tpu.memory_space<vmem>> -> memref<128xi32, #tpu.memory_space<vmem>>
        %dma_wait3A_82 = tpu.memref_slice %arg4[%add3A, %mul3A_32] : memref<32x10240xi32, #tpu.memory_space<hbm>> -> memref<1x128xi32, #tpu.memory_space<hbm>>
        %dma_wait3A_83 = tpu.memref_squeeze %dma_wait3A_82 : memref<1x128xi32, #tpu.memory_space<hbm>> -> memref<128xi32, #tpu.memory_space<hbm>>
        tpu.wait_dma2 semaphore(%run_scoped3A_67 : memref<!tpu.dma_semaphore, #tpu.memory_space<semaphore_mem>>) src(%dma_wait3A_83 : memref<128xi32, #tpu.memory_space<hbm>>) dst(%dma_wait3A_81 : memref<128xi32, #tpu.memory_space<vmem>>)
        tpu.yield
      }) : () -> ()
      %dma_start3A_33 = arith.constant 1 : i32
      %dma_start3A_34 = arith.constant 0 : i32
      %dma_start3A_35 = arith.constant 0 : i32
      %dma_start3A_36 = tpu.memref_slice %arg9[%dma_start3A_33, %dma_start3A_34, %dma_start3A_35] : memref<2x128x128xf32, #tpu.memory_space<vmem>> -> memref<1x128x128xf32, #tpu.memory_space<vmem>>
      %dma_start3A_37 = tpu.memref_squeeze %dma_start3A_36 : memref<1x128x128xf32, #tpu.memory_space<vmem>> -> memref<128x128xf32, #tpu.memory_space<vmem>>
      %dma_start3A_38 = arith.constant 128 : i32
      %dma_start3A_39 = tpu.memref_slice %arg7[%dma_start3A_38] : memref<256xi32, #tpu.memory_space<vmem>> -> memref<128xi32, #tpu.memory_space<vmem>>
      %dma_start3A_40 = arith.constant 0 : i32
      %dma_start3A_41 = arith.constant 0 : i32
      %dma_start3A_42 = tpu.memref_slice %arg2[%dma_start3A_40, %dma_start3A_41] : memref<10112x128xf32, #tpu.memory_space<hbm>> -> memref<10112x128xf32, #tpu.memory_space<hbm>>
      tpu.enqueue_indirect_dma source(%dma_start3A_42 : memref<10112x128xf32, #tpu.memory_space<hbm>>) target(%dma_start3A_37 : memref<128x128xf32, #tpu.memory_space<vmem>>) offsets(%dma_start3A_39 : memref<128xi32, #tpu.memory_space<vmem>>) semaphore(%arg12 : memref<!tpu.dma_semaphore, #tpu.memory_space<semaphore_mem>>)
      %dma_wait3A = arith.constant 0 : i32
      %dma_wait3A_43 = arith.constant 0 : i32
      %dma_wait3A_44 = arith.constant 0 : i32
      %dma_wait3A_45 = tpu.memref_slice %arg9[%dma_wait3A, %dma_wait3A_43, %dma_wait3A_44] : memref<2x128x128xf32, #tpu.memory_space<vmem>> -> memref<1x128x128xf32, #tpu.memory_space<vmem>>
      %dma_wait3A_46 = tpu.memref_squeeze %dma_wait3A_45 : memref<1x128x128xf32, #tpu.memory_space<vmem>> -> memref<128x128xf32, #tpu.memory_space<vmem>>
      %dma_wait3A_47 = arith.constant 0 : i32
      %dma_wait3A_48 = tpu.memref_slice %arg7[%dma_wait3A_47] : memref<256xi32, #tpu.memory_space<vmem>> -> memref<128xi32, #tpu.memory_space<vmem>>
      %dma_wait3A_49 = arith.constant 0 : i32
      %dma_wait3A_50 = arith.constant 0 : i32
      %dma_wait3A_51 = tpu.memref_slice %arg2[%dma_wait3A_49, %dma_wait3A_50] : memref<10112x128xf32, #tpu.memory_space<hbm>> -> memref<10112x128xf32, #tpu.memory_space<hbm>>
      tpu.wait_indirect_dma semaphore(%arg11 : memref<!tpu.dma_semaphore, #tpu.memory_space<semaphore_mem>>) src(%dma_wait3A_51 : memref<10112x128xf32, #tpu.memory_space<hbm>>) dst(%dma_wait3A_46 : memref<128x128xf32, #tpu.memory_space<vmem>>)
      %run_scoped3A = arith.constant 0 : i32
      "tpu.region"() ({
        %run_scoped3A_67 = tpu.sem_alloc : memref<!tpu.dma_semaphore, #tpu.memory_space<semaphore_mem>>
        %dma_start3A_68 = arith.constant 0 : i32
        %dma_start3A_69 = arith.constant 0 : i32
        %dma_start3A_70 = tpu.memref_slice %arg9[%run_scoped3A, %dma_start3A_68, %dma_start3A_69] : memref<2x128x128xf32, #tpu.memory_space<vmem>> -> memref<1x128x128xf32, #tpu.memory_space<vmem>>
        %dma_start3A_71 = tpu.memref_squeeze %dma_start3A_70 : memref<1x128x128xf32, #tpu.memory_space<vmem>> -> memref<128x128xf32, #tpu.memory_space<vmem>>
        %dma_start3A_72 = arith.constant 0 : i32
        %dma_start3A_73 = tpu.memref_slice %arg8[%dma_start3A_72] : memref<256xi32, #tpu.memory_space<vmem>> -> memref<128xi32, #tpu.memory_space<vmem>>
        %dma_start3A_74 = arith.constant 0 : i32
        %dma_start3A_75 = arith.constant 0 : i32
        %dma_start3A_76 = tpu.memref_slice %arg10[%dma_start3A_74, %dma_start3A_75] : memref<10112x128xf32, #tpu.memory_space<vmem_shared>> -> memref<10112x128xf32, #tpu.memory_space<vmem_shared>>
        tpu.enqueue_indirect_dma source(%dma_start3A_71 : memref<128x128xf32, #tpu.memory_space<vmem>>) target(%dma_start3A_76 : memref<10112x128xf32, #tpu.memory_space<vmem_shared>>) offsets(%dma_start3A_73 : memref<128xi32, #tpu.memory_space<vmem>>) semaphore(%run_scoped3A_67 : memref<!tpu.dma_semaphore, #tpu.memory_space<semaphore_mem>>) {add = true}
        %dma_wait3A_77 = arith.constant 0 : i32
        %dma_wait3A_78 = arith.constant 0 : i32
        %dma_wait3A_79 = tpu.memref_slice %arg9[%run_scoped3A, %dma_wait3A_77, %dma_wait3A_78] : memref<2x128x128xf32, #tpu.memory_space<vmem>> -> memref<1x128x128xf32, #tpu.memory_space<vmem>>
        %dma_wait3A_80 = tpu.memref_squeeze %dma_wait3A_79 : memref<1x128x128xf32, #tpu.memory_space<vmem>> -> memref<128x128xf32, #tpu.memory_space<vmem>>
        %dma_wait3A_81 = arith.constant 0 : i32
        %dma_wait3A_82 = tpu.memref_slice %arg8[%dma_wait3A_81] : memref<256xi32, #tpu.memory_space<vmem>> -> memref<128xi32, #tpu.memory_space<vmem>>
        %dma_wait3A_83 = arith.constant 0 : i32
        %dma_wait3A_84 = arith.constant 0 : i32
        %dma_wait3A_85 = tpu.memref_slice %arg10[%dma_wait3A_83, %dma_wait3A_84] : memref<10112x128xf32, #tpu.memory_space<vmem_shared>> -> memref<10112x128xf32, #tpu.memory_space<vmem_shared>>
        tpu.wait_indirect_dma semaphore(%run_scoped3A_67 : memref<!tpu.dma_semaphore, #tpu.memory_space<semaphore_mem>>) src(%dma_wait3A_80 : memref<128x128xf32, #tpu.memory_space<vmem>>) dst(%dma_wait3A_85 : memref<10112x128xf32, #tpu.memory_space<vmem_shared>>)
        tpu.yield
      }) : () -> ()
      %add3A_52 = arith.constant 1 : i32
      %add3A_53 = arith.addi %add3A_28, %add3A_52 : i32
      %lt3A = arith.constant 80 : i32
      %lt3A_54 = arith.cmpi slt, %add3A_53, %lt3A : i32
      %convert_element_type3A = arith.extui %lt3A_54 : i1 to i32
      %cond3A = arith.constant 0 : i32
      %cond3A_55 = arith.cmpi ne, %convert_element_type3A, %cond3A : i32
      scf.if %cond3A_55 {
        %add3A_67 = arith.constant 1 : i32
        %add3A_68 = arith.addi %add3A_28, %add3A_67 : i32
        %mul3A_69 = arith.constant 128 : i32
        %mul3A_70 = arith.muli %add3A_68, %mul3A_69 : i32
        "tpu.region"() ({
          %run_scoped3A_83 = tpu.sem_alloc : memref<!tpu.dma_semaphore, #tpu.memory_space<semaphore_mem>>
          %dma_start3A_84 = arith.constant 0 : i32
          %dma_start3A_85 = tpu.memref_slice %arg7[%dma_start3A_84] : memref<256xi32, #tpu.memory_space<vmem>> -> memref<128xi32, #tpu.memory_space<vmem>>
          %dma_start3A_86 = tpu.memref_slice %arg3[%add3A, %mul3A_70] : memref<32x10240xi32, #tpu.memory_space<hbm>> -> memref<1x128xi32, #tpu.memory_space<hbm>>
          %dma_start3A_87 = tpu.memref_squeeze %dma_start3A_86 : memref<1x128xi32, #tpu.memory_space<hbm>> -> memref<128xi32, #tpu.memory_space<hbm>>
          %dma_start3A_88 = arith.constant 0 : i32
          %dma_start3A_89 = tpu.memref_slice %arg7[%dma_start3A_88] : memref<256xi32, #tpu.memory_space<vmem>> -> memref<128xi32, #tpu.memory_space<vmem>>
          %dma_start3A_90 = tpu.memref_slice %arg3[%add3A, %mul3A_70] : memref<32x10240xi32, #tpu.memory_space<hbm>> -> memref<1x128xi32, #tpu.memory_space<hbm>>
          %dma_start3A_91 = tpu.memref_squeeze %dma_start3A_90 : memref<1x128xi32, #tpu.memory_space<hbm>> -> memref<128xi32, #tpu.memory_space<hbm>>
          tpu.enqueue_dma source(%dma_start3A_91 : memref<128xi32, #tpu.memory_space<hbm>>) target(%dma_start3A_89 : memref<128xi32, #tpu.memory_space<vmem>>) target_semaphore(%run_scoped3A_83 : memref<!tpu.dma_semaphore, #tpu.memory_space<semaphore_mem>>)
          %dma_wait3A_92 = arith.constant 0 : i32
          %dma_wait3A_93 = tpu.memref_slice %arg7[%dma_wait3A_92] : memref<256xi32, #tpu.memory_space<vmem>> -> memref<128xi32, #tpu.memory_space<vmem>>
          %dma_wait3A_94 = tpu.memref_slice %arg3[%add3A, %mul3A_70] : memref<32x10240xi32, #tpu.memory_space<hbm>> -> memref<1x128xi32, #tpu.memory_space<hbm>>
          %dma_wait3A_95 = tpu.memref_squeeze %dma_wait3A_94 : memref<1x128xi32, #tpu.memory_space<hbm>> -> memref<128xi32, #tpu.memory_space<hbm>>
          %dma_wait3A_96 = arith.constant 0 : i32
          %dma_wait3A_97 = tpu.memref_slice %arg7[%dma_wait3A_96] : memref<256xi32, #tpu.memory_space<vmem>> -> memref<128xi32, #tpu.memory_space<vmem>>
          %dma_wait3A_98 = tpu.memref_slice %arg3[%add3A, %mul3A_70] : memref<32x10240xi32, #tpu.memory_space<hbm>> -> memref<1x128xi32, #tpu.memory_space<hbm>>
          %dma_wait3A_99 = tpu.memref_squeeze %dma_wait3A_98 : memref<1x128xi32, #tpu.memory_space<hbm>> -> memref<128xi32, #tpu.memory_space<hbm>>
          tpu.wait_dma2 semaphore(%run_scoped3A_83 : memref<!tpu.dma_semaphore, #tpu.memory_space<semaphore_mem>>) src(%dma_wait3A_99 : memref<128xi32, #tpu.memory_space<hbm>>) dst(%dma_wait3A_97 : memref<128xi32, #tpu.memory_space<vmem>>)
          tpu.yield
        }) : () -> ()
        %mul3A_71 = arith.constant 128 : i32
        %mul3A_72 = arith.muli %add3A_68, %mul3A_71 : i32
        "tpu.region"() ({
          %run_scoped3A_83 = tpu.sem_alloc : memref<!tpu.dma_semaphore, #tpu.memory_space<semaphore_mem>>
          %dma_start3A_84 = arith.constant 0 : i32
          %dma_start3A_85 = tpu.memref_slice %arg8[%dma_start3A_84] : memref<256xi32, #tpu.memory_space<vmem>> -> memref<128xi32, #tpu.memory_space<vmem>>
          %dma_start3A_86 = tpu.memref_slice %arg4[%add3A, %mul3A_72] : memref<32x10240xi32, #tpu.memory_space<hbm>> -> memref<1x128xi32, #tpu.memory_space<hbm>>
          %dma_start3A_87 = tpu.memref_squeeze %dma_start3A_86 : memref<1x128xi32, #tpu.memory_space<hbm>> -> memref<128xi32, #tpu.memory_space<hbm>>
          %dma_start3A_88 = arith.constant 0 : i32
          %dma_start3A_89 = tpu.memref_slice %arg8[%dma_start3A_88] : memref<256xi32, #tpu.memory_space<vmem>> -> memref<128xi32, #tpu.memory_space<vmem>>
          %dma_start3A_90 = tpu.memref_slice %arg4[%add3A, %mul3A_72] : memref<32x10240xi32, #tpu.memory_space<hbm>> -> memref<1x128xi32, #tpu.memory_space<hbm>>
          %dma_start3A_91 = tpu.memref_squeeze %dma_start3A_90 : memref<1x128xi32, #tpu.memory_space<hbm>> -> memref<128xi32, #tpu.memory_space<hbm>>
          tpu.enqueue_dma source(%dma_start3A_91 : memref<128xi32, #tpu.memory_space<hbm>>) target(%dma_start3A_89 : memref<128xi32, #tpu.memory_space<vmem>>) target_semaphore(%run_scoped3A_83 : memref<!tpu.dma_semaphore, #tpu.memory_space<semaphore_mem>>)
          %dma_wait3A_92 = arith.constant 0 : i32
          %dma_wait3A_93 = tpu.memref_slice %arg8[%dma_wait3A_92] : memref<256xi32, #tpu.memory_space<vmem>> -> memref<128xi32, #tpu.memory_space<vmem>>
          %dma_wait3A_94 = tpu.memref_slice %arg4[%add3A, %mul3A_72] : memref<32x10240xi32, #tpu.memory_space<hbm>> -> memref<1x128xi32, #tpu.memory_space<hbm>>
          %dma_wait3A_95 = tpu.memref_squeeze %dma_wait3A_94 : memref<1x128xi32, #tpu.memory_space<hbm>> -> memref<128xi32, #tpu.memory_space<hbm>>
          %dma_wait3A_96 = arith.constant 0 : i32
          %dma_wait3A_97 = tpu.memref_slice %arg8[%dma_wait3A_96] : memref<256xi32, #tpu.memory_space<vmem>> -> memref<128xi32, #tpu.memory_space<vmem>>
          %dma_wait3A_98 = tpu.memref_slice %arg4[%add3A, %mul3A_72] : memref<32x10240xi32, #tpu.memory_space<hbm>> -> memref<1x128xi32, #tpu.memory_space<hbm>>
          %dma_wait3A_99 = tpu.memref_squeeze %dma_wait3A_98 : memref<1x128xi32, #tpu.memory_space<hbm>> -> memref<128xi32, #tpu.memory_space<hbm>>
          tpu.wait_dma2 semaphore(%run_scoped3A_83 : memref<!tpu.dma_semaphore, #tpu.memory_space<semaphore_mem>>) src(%dma_wait3A_99 : memref<128xi32, #tpu.memory_space<hbm>>) dst(%dma_wait3A_97 : memref<128xi32, #tpu.memory_space<vmem>>)
          tpu.yield
        }) : () -> ()
        %dma_start3A_73 = arith.constant 0 : i32
        %dma_start3A_74 = arith.constant 0 : i32
        %dma_start3A_75 = arith.constant 0 : i32
        %dma_start3A_76 = tpu.memref_slice %arg9[%dma_start3A_73, %dma_start3A_74, %dma_start3A_75] : memref<2x128x128xf32, #tpu.memory_space<vmem>> -> memref<1x128x128xf32, #tpu.memory_space<vmem>>
        %dma_start3A_77 = tpu.memref_squeeze %dma_start3A_76 : memref<1x128x128xf32, #tpu.memory_space<vmem>> -> memref<128x128xf32, #tpu.memory_space<vmem>>
        %dma_start3A_78 = arith.constant 0 : i32
        %dma_start3A_79 = tpu.memref_slice %arg7[%dma_start3A_78] : memref<256xi32, #tpu.memory_space<vmem>> -> memref<128xi32, #tpu.memory_space<vmem>>
        %dma_start3A_80 = arith.constant 0 : i32
        %dma_start3A_81 = arith.constant 0 : i32
        %dma_start3A_82 = tpu.memref_slice %arg2[%dma_start3A_80, %dma_start3A_81] : memref<10112x128xf32, #tpu.memory_space<hbm>> -> memref<10112x128xf32, #tpu.memory_space<hbm>>
        tpu.enqueue_indirect_dma source(%dma_start3A_82 : memref<10112x128xf32, #tpu.memory_space<hbm>>) target(%dma_start3A_77 : memref<128x128xf32, #tpu.memory_space<vmem>>) offsets(%dma_start3A_79 : memref<128xi32, #tpu.memory_space<vmem>>) semaphore(%arg11 : memref<!tpu.dma_semaphore, #tpu.memory_space<semaphore_mem>>)
      } else {
      }
      %dma_wait3A_56 = arith.constant 1 : i32
      %dma_wait3A_57 = arith.constant 0 : i32
      %dma_wait3A_58 = arith.constant 0 : i32
      %dma_wait3A_59 = tpu.memref_slice %arg9[%dma_wait3A_56, %dma_wait3A_57, %dma_wait3A_58] : memref<2x128x128xf32, #tpu.memory_space<vmem>> -> memref<1x128x128xf32, #tpu.memory_space<vmem>>
      %dma_wait3A_60 = tpu.memref_squeeze %dma_wait3A_59 : memref<1x128x128xf32, #tpu.memory_space<vmem>> -> memref<128x128xf32, #tpu.memory_space<vmem>>
      %dma_wait3A_61 = arith.constant 128 : i32
      %dma_wait3A_62 = tpu.memref_slice %arg7[%dma_wait3A_61] : memref<256xi32, #tpu.memory_space<vmem>> -> memref<128xi32, #tpu.memory_space<vmem>>
      %dma_wait3A_63 = arith.constant 0 : i32
      %dma_wait3A_64 = arith.constant 0 : i32
      %dma_wait3A_65 = tpu.memref_slice %arg2[%dma_wait3A_63, %dma_wait3A_64] : memref<10112x128xf32, #tpu.memory_space<hbm>> -> memref<10112x128xf32, #tpu.memory_space<hbm>>
      tpu.wait_indirect_dma semaphore(%arg12 : memref<!tpu.dma_semaphore, #tpu.memory_space<semaphore_mem>>) src(%dma_wait3A_65 : memref<10112x128xf32, #tpu.memory_space<hbm>>) dst(%dma_wait3A_60 : memref<128x128xf32, #tpu.memory_space<vmem>>)
      %run_scoped3A_66 = arith.constant 1 : i32
      "tpu.region"() ({
        %run_scoped3A_67 = tpu.sem_alloc : memref<!tpu.dma_semaphore, #tpu.memory_space<semaphore_mem>>
        %dma_start3A_68 = arith.constant 0 : i32
        %dma_start3A_69 = arith.constant 0 : i32
        %dma_start3A_70 = tpu.memref_slice %arg9[%run_scoped3A_66, %dma_start3A_68, %dma_start3A_69] : memref<2x128x128xf32, #tpu.memory_space<vmem>> -> memref<1x128x128xf32, #tpu.memory_space<vmem>>
        %dma_start3A_71 = tpu.memref_squeeze %dma_start3A_70 : memref<1x128x128xf32, #tpu.memory_space<vmem>> -> memref<128x128xf32, #tpu.memory_space<vmem>>
        %dma_start3A_72 = arith.constant 128 : i32
        %dma_start3A_73 = tpu.memref_slice %arg8[%dma_start3A_72] : memref<256xi32, #tpu.memory_space<vmem>> -> memref<128xi32, #tpu.memory_space<vmem>>
        %dma_start3A_74 = arith.constant 0 : i32
        %dma_start3A_75 = arith.constant 0 : i32
        %dma_start3A_76 = tpu.memref_slice %arg10[%dma_start3A_74, %dma_start3A_75] : memref<10112x128xf32, #tpu.memory_space<vmem_shared>> -> memref<10112x128xf32, #tpu.memory_space<vmem_shared>>
        tpu.enqueue_indirect_dma source(%dma_start3A_71 : memref<128x128xf32, #tpu.memory_space<vmem>>) target(%dma_start3A_76 : memref<10112x128xf32, #tpu.memory_space<vmem_shared>>) offsets(%dma_start3A_73 : memref<128xi32, #tpu.memory_space<vmem>>) semaphore(%run_scoped3A_67 : memref<!tpu.dma_semaphore, #tpu.memory_space<semaphore_mem>>) {add = true}
        %dma_wait3A_77 = arith.constant 0 : i32
        %dma_wait3A_78 = arith.constant 0 : i32
        %dma_wait3A_79 = tpu.memref_slice %arg9[%run_scoped3A_66, %dma_wait3A_77, %dma_wait3A_78] : memref<2x128x128xf32, #tpu.memory_space<vmem>> -> memref<1x128x128xf32, #tpu.memory_space<vmem>>
        %dma_wait3A_80 = tpu.memref_squeeze %dma_wait3A_79 : memref<1x128x128xf32, #tpu.memory_space<vmem>> -> memref<128x128xf32, #tpu.memory_space<vmem>>
        %dma_wait3A_81 = arith.constant 128 : i32
        %dma_wait3A_82 = tpu.memref_slice %arg8[%dma_wait3A_81] : memref<256xi32, #tpu.memory_space<vmem>> -> memref<128xi32, #tpu.memory_space<vmem>>
        %dma_wait3A_83 = arith.constant 0 : i32
        %dma_wait3A_84 = arith.constant 0 : i32
        %dma_wait3A_85 = tpu.memref_slice %arg10[%dma_wait3A_83, %dma_wait3A_84] : memref<10112x128xf32, #tpu.memory_space<vmem_shared>> -> memref<10112x128xf32, #tpu.memory_space<vmem_shared>>
        tpu.wait_indirect_dma semaphore(%run_scoped3A_67 : memref<!tpu.dma_semaphore, #tpu.memory_space<semaphore_mem>>) src(%dma_wait3A_80 : memref<128x128xf32, #tpu.memory_space<vmem>>) dst(%dma_wait3A_85 : memref<10112x128xf32, #tpu.memory_space<vmem_shared>>)
        tpu.yield
      }) : () -> ()
    }
    %scan3A_18 = arith.constant 40 : i32
    %barrier3A_19 = arith.constant 0 : index
    tpu.barrier barrier_id(%barrier3A_19)
    %mul3A_20 = arith.constant 632 : i32
    %mul3A_21 = arith.muli %arg1, %mul3A_20 : i32
    %mul3A_22 = arith.constant 632 : i32
    %mul3A_23 = arith.muli %arg1, %mul3A_22 : i32
    "tpu.region"() ({
      %run_scoped3A = tpu.sem_alloc : memref<!tpu.dma_semaphore, #tpu.memory_space<semaphore_mem>>
      %dma_start3A_24 = arith.constant 0 : i32
      %dma_start3A_25 = tpu.memref_slice %arg6[%arg0, %mul3A_23, %dma_start3A_24] : memref<2x10112x128xf32, #tpu.memory_space<hbm>> -> memref<1x632x128xf32, #tpu.memory_space<hbm>>
      %dma_start3A_26 = tpu.memref_squeeze %dma_start3A_25 : memref<1x632x128xf32, #tpu.memory_space<hbm>> -> memref<632x128xf32, #tpu.memory_space<hbm>>
      %dma_start3A_27 = arith.constant 0 : i32
      %dma_start3A_28 = tpu.memref_slice %arg10[%mul3A_21, %dma_start3A_27] : memref<10112x128xf32, #tpu.memory_space<vmem_shared>> -> memref<632x128xf32, #tpu.memory_space<vmem_shared>>
      tpu.enqueue_dma source(%dma_start3A_28 : memref<632x128xf32, #tpu.memory_space<vmem_shared>>) target(%dma_start3A_26 : memref<632x128xf32, #tpu.memory_space<hbm>>) target_semaphore(%run_scoped3A : memref<!tpu.dma_semaphore, #tpu.memory_space<semaphore_mem>>)
      %dma_wait3A = arith.constant 0 : i32
      %dma_wait3A_29 = tpu.memref_slice %arg6[%arg0, %mul3A_23, %dma_wait3A] : memref<2x10112x128xf32, #tpu.memory_space<hbm>> -> memref<1x632x128xf32, #tpu.memory_space<hbm>>
      %dma_wait3A_30 = tpu.memref_squeeze %dma_wait3A_29 : memref<1x632x128xf32, #tpu.memory_space<hbm>> -> memref<632x128xf32, #tpu.memory_space<hbm>>
      %dma_wait3A_31 = arith.constant 0 : i32
      %dma_wait3A_32 = tpu.memref_slice %arg10[%mul3A_21, %dma_wait3A_31] : memref<10112x128xf32, #tpu.memory_space<vmem_shared>> -> memref<632x128xf32, #tpu.memory_space<vmem_shared>>
      tpu.wait_dma2 semaphore(%run_scoped3A : memref<!tpu.dma_semaphore, #tpu.memory_space<semaphore_mem>>) src(%dma_wait3A_32 : memref<632x128xf32, #tpu.memory_space<vmem_shared>>) dst(%dma_wait3A_30 : memref<632x128xf32, #tpu.memory_space<hbm>>)
      tpu.yield
    }) : () -> ()
    return
  }
}

#map = affine_map<(d0, d1) -> (0, 0)>
#map1 = affine_map<(d0, d1) -> (0, 0, 0)>
module attributes {stable_mosaic.version = 14 : i64} {
  func.func @k(%arg0: i32, %arg1: i32, %arg2: memref<10112x128xf32, #tpu.memory_space<hbm>>, %arg3: memref<32x10240xi32, #tpu.memory_space<hbm>>, %arg4: memref<32x10240xi32, #tpu.memory_space<hbm>>, %arg5: memref<10112x128xf32, #tpu.memory_space<hbm>>, %arg6: memref<2x10112x128xf32, #tpu.memory_space<hbm>>, %arg7: memref<256xi32, #tpu.memory_space<vmem>>, %arg8: memref<256xi32, #tpu.memory_space<vmem>>, %arg9: memref<2x128x128xf32, #tpu.memory_space<vmem>>, %arg10: memref<10112x128xf32, #tpu.memory_space<vmem_shared>>, %arg11: memref<!tpu.dma_semaphore, #tpu.memory_space<semaphore_mem>>, %arg12: memref<!tpu.dma_semaphore, #tpu.memory_space<semaphore_mem>>) attributes {dimension_semantics = [#tpu.dimension_semantics<core_parallel>, #tpu.dimension_semantics<subcore_parallel>], iteration_bounds = array<i64: 2, 16>, scalar_prefetch = 0 : i64, scratch_operands = 6 : i64, tpu.core_type = #tpu.core_type<sc_vector_subcore>, window_params = [{transform_indices = #map}, {transform_indices = #map}, {transform_indices = #map}, {transform_indices = #map}, {transform_indices = #map1}]} {
    %mul3A = arith.constant 2 : i32
    %mul3A_0 = arith.muli %arg1, %mul3A : i32
    %add3A = arith.addi %mul3A_0, %arg0 : i32
    %mul3A_1 = arith.constant 632 : i32
    %mul3A_2 = arith.muli %arg1, %mul3A_1 : i32
    %mul3A_3 = arith.constant 632 : i32
    %mul3A_4 = arith.muli %arg1, %mul3A_3 : i32
    "tpu.region"() ({
      %run_scoped3A = tpu.sem_alloc : memref<!tpu.dma_semaphore, #tpu.memory_space<semaphore_mem>>
      %dma_start3A_24 = arith.constant 0 : i32
      %dma_start3A_25 = tpu.memref_slice %arg10[%mul3A_4, %dma_start3A_24] : memref<10112x128xf32, #tpu.memory_space<vmem_shared>> -> memref<632x128xf32, #tpu.memory_space<vmem_shared>>
      %dma_start3A_26 = arith.constant 0 : i32
      %dma_start3A_27 = tpu.memref_slice %arg5[%mul3A_2, %dma_start3A_26] : memref<10112x128xf32, #tpu.memory_space<hbm>> -> memref<632x128xf32, #tpu.memory_space<hbm>>
      tpu.enqueue_dma source(%dma_start3A_27 : memref<632x128xf32, #tpu.memory_space<hbm>>) target(%dma_start3A_25 : memref<632x128xf32, #tpu.memory_space<vmem_shared>>) target_semaphore(%run_scoped3A : memref<!tpu.dma_semaphore, #tpu.memory_space<semaphore_mem>>)
      %dma_wait3A = arith.constant 0 : i32
      %dma_wait3A_28 = tpu.memref_slice %arg10[%mul3A_4, %dma_wait3A] : memref<10112x128xf32, #tpu.memory_space<vmem_shared>> -> memref<632x128xf32, #tpu.memory_space<vmem_shared>>
      %dma_wait3A_29 = arith.constant 0 : i32
      %dma_wait3A_30 = tpu.memref_slice %arg5[%mul3A_2, %dma_wait3A_29] : memref<10112x128xf32, #tpu.memory_space<hbm>> -> memref<632x128xf32, #tpu.memory_space<hbm>>
      tpu.wait_dma2 semaphore(%run_scoped3A : memref<!tpu.dma_semaphore, #tpu.memory_space<semaphore_mem>>) src(%dma_wait3A_30 : memref<632x128xf32, #tpu.memory_space<hbm>>) dst(%dma_wait3A_28 : memref<632x128xf32, #tpu.memory_space<vmem_shared>>)
      tpu.yield
    }) : () -> ()
    %barrier3A = arith.constant 0 : index
    tpu.barrier barrier_id(%barrier3A)
    "tpu.region"() ({
      %run_scoped3A = tpu.sem_alloc : memref<!tpu.dma_semaphore, #tpu.memory_space<semaphore_mem>>
      %dma_start3A_24 = arith.constant 0 : i32
      %dma_start3A_25 = tpu.memref_slice %arg7[%dma_start3A_24] : memref<256xi32, #tpu.memory_space<vmem>> -> memref<128xi32, #tpu.memory_space<vmem>>
      %dma_start3A_26 = arith.constant 0 : i32
      %dma_start3A_27 = tpu.memref_slice %arg3[%add3A, %dma_start3A_26] : memref<32x10240xi32, #tpu.memory_space<hbm>> -> memref<1x128xi32, #tpu.memory_space<hbm>>
      %dma_start3A_28 = tpu.memref_squeeze %dma_start3A_27 : memref<1x128xi32, #tpu.memory_space<hbm>> -> memref<128xi32, #tpu.memory_space<hbm>>
      %dma_start3A_29 = arith.constant 0 : i32
      %dma_start3A_30 = tpu.memref_slice %arg7[%dma_start3A_29] : memref<256xi32, #tpu.memory_space<vmem>> -> memref<128xi32, #tpu.memory_space<vmem>>
      %dma_start3A_31 = arith.constant 0 : i32
      %dma_start3A_32 = tpu.memref_slice %arg3[%add3A, %dma_start3A_31] : memref<32x10240xi32, #tpu.memory_space<hbm>> -> memref<1x128xi32, #tpu.memory_space<hbm>>
      %dma_start3A_33 = tpu.memref_squeeze %dma_start3A_32 : memref<1x128xi32, #tpu.memory_space<hbm>> -> memref<128xi32, #tpu.memory_space<hbm>>
      tpu.enqueue_dma source(%dma_start3A_33 : memref<128xi32, #tpu.memory_space<hbm>>) target(%dma_start3A_30 : memref<128xi32, #tpu.memory_space<vmem>>) target_semaphore(%run_scoped3A : memref<!tpu.dma_semaphore, #tpu.memory_space<semaphore_mem>>)
      %dma_wait3A = arith.constant 0 : i32
      %dma_wait3A_34 = tpu.memref_slice %arg7[%dma_wait3A] : memref<256xi32, #tpu.memory_space<vmem>> -> memref<128xi32, #tpu.memory_space<vmem>>
      %dma_wait3A_35 = arith.constant 0 : i32
      %dma_wait3A_36 = tpu.memref_slice %arg3[%add3A, %dma_wait3A_35] : memref<32x10240xi32, #tpu.memory_space<hbm>> -> memref<1x128xi32, #tpu.memory_space<hbm>>
      %dma_wait3A_37 = tpu.memref_squeeze %dma_wait3A_36 : memref<1x128xi32, #tpu.memory_space<hbm>> -> memref<128xi32, #tpu.memory_space<hbm>>
      %dma_wait3A_38 = arith.constant 0 : i32
      %dma_wait3A_39 = tpu.memref_slice %arg7[%dma_wait3A_38] : memref<256xi32, #tpu.memory_space<vmem>> -> memref<128xi32, #tpu.memory_space<vmem>>
      %dma_wait3A_40 = arith.constant 0 : i32
      %dma_wait3A_41 = tpu.memref_slice %arg3[%add3A, %dma_wait3A_40] : memref<32x10240xi32, #tpu.memory_space<hbm>> -> memref<1x128xi32, #tpu.memory_space<hbm>>
      %dma_wait3A_42 = tpu.memref_squeeze %dma_wait3A_41 : memref<1x128xi32, #tpu.memory_space<hbm>> -> memref<128xi32, #tpu.memory_space<hbm>>
      tpu.wait_dma2 semaphore(%run_scoped3A : memref<!tpu.dma_semaphore, #tpu.memory_space<semaphore_mem>>) src(%dma_wait3A_42 : memref<128xi32, #tpu.memory_space<hbm>>) dst(%dma_wait3A_39 : memref<128xi32, #tpu.memory_space<vmem>>)
      tpu.yield
    }) : () -> ()
    "tpu.region"() ({
      %run_scoped3A = tpu.sem_alloc : memref<!tpu.dma_semaphore, #tpu.memory_space<semaphore_mem>>
      %dma_start3A_24 = arith.constant 0 : i32
      %dma_start3A_25 = tpu.memref_slice %arg8[%dma_start3A_24] : memref<256xi32, #tpu.memory_space<vmem>> -> memref<128xi32, #tpu.memory_space<vmem>>
      %dma_start3A_26 = arith.constant 0 : i32
      %dma_start3A_27 = tpu.memref_slice %arg4[%add3A, %dma_start3A_26] : memref<32x10240xi32, #tpu.memory_space<hbm>> -> memref<1x128xi32, #tpu.memory_space<hbm>>
      %dma_start3A_28 = tpu.memref_squeeze %dma_start3A_27 : memref<1x128xi32, #tpu.memory_space<hbm>> -> memref<128xi32, #tpu.memory_space<hbm>>
      %dma_start3A_29 = arith.constant 0 : i32
      %dma_start3A_30 = tpu.memref_slice %arg8[%dma_start3A_29] : memref<256xi32, #tpu.memory_space<vmem>> -> memref<128xi32, #tpu.memory_space<vmem>>
      %dma_start3A_31 = arith.constant 0 : i32
      %dma_start3A_32 = tpu.memref_slice %arg4[%add3A, %dma_start3A_31] : memref<32x10240xi32, #tpu.memory_space<hbm>> -> memref<1x128xi32, #tpu.memory_space<hbm>>
      %dma_start3A_33 = tpu.memref_squeeze %dma_start3A_32 : memref<1x128xi32, #tpu.memory_space<hbm>> -> memref<128xi32, #tpu.memory_space<hbm>>
      tpu.enqueue_dma source(%dma_start3A_33 : memref<128xi32, #tpu.memory_space<hbm>>) target(%dma_start3A_30 : memref<128xi32, #tpu.memory_space<vmem>>) target_semaphore(%run_scoped3A : memref<!tpu.dma_semaphore, #tpu.memory_space<semaphore_mem>>)
      %dma_wait3A = arith.constant 0 : i32
      %dma_wait3A_34 = tpu.memref_slice %arg8[%dma_wait3A] : memref<256xi32, #tpu.memory_space<vmem>> -> memref<128xi32, #tpu.memory_space<vmem>>
      %dma_wait3A_35 = arith.constant 0 : i32
      %dma_wait3A_36 = tpu.memref_slice %arg4[%add3A, %dma_wait3A_35] : memref<32x10240xi32, #tpu.memory_space<hbm>> -> memref<1x128xi32, #tpu.memory_space<hbm>>
      %dma_wait3A_37 = tpu.memref_squeeze %dma_wait3A_36 : memref<1x128xi32, #tpu.memory_space<hbm>> -> memref<128xi32, #tpu.memory_space<hbm>>
      %dma_wait3A_38 = arith.constant 0 : i32
      %dma_wait3A_39 = tpu.memref_slice %arg8[%dma_wait3A_38] : memref<256xi32, #tpu.memory_space<vmem>> -> memref<128xi32, #tpu.memory_space<vmem>>
      %dma_wait3A_40 = arith.constant 0 : i32
      %dma_wait3A_41 = tpu.memref_slice %arg4[%add3A, %dma_wait3A_40] : memref<32x10240xi32, #tpu.memory_space<hbm>> -> memref<1x128xi32, #tpu.memory_space<hbm>>
      %dma_wait3A_42 = tpu.memref_squeeze %dma_wait3A_41 : memref<1x128xi32, #tpu.memory_space<hbm>> -> memref<128xi32, #tpu.memory_space<hbm>>
      tpu.wait_dma2 semaphore(%run_scoped3A : memref<!tpu.dma_semaphore, #tpu.memory_space<semaphore_mem>>) src(%dma_wait3A_42 : memref<128xi32, #tpu.memory_space<hbm>>) dst(%dma_wait3A_39 : memref<128xi32, #tpu.memory_space<vmem>>)
      tpu.yield
    }) : () -> ()
    %dma_start3A = arith.constant 0 : i32
    %dma_start3A_5 = arith.constant 0 : i32
    %dma_start3A_6 = arith.constant 0 : i32
    %dma_start3A_7 = tpu.memref_slice %arg9[%dma_start3A, %dma_start3A_5, %dma_start3A_6] : memref<2x128x128xf32, #tpu.memory_space<vmem>> -> memref<1x128x128xf32, #tpu.memory_space<vmem>>
    %dma_start3A_8 = tpu.memref_squeeze %dma_start3A_7 : memref<1x128x128xf32, #tpu.memory_space<vmem>> -> memref<128x128xf32, #tpu.memory_space<vmem>>
    %dma_start3A_9 = arith.constant 0 : i32
    %dma_start3A_10 = tpu.memref_slice %arg7[%dma_start3A_9] : memref<256xi32, #tpu.memory_space<vmem>> -> memref<128xi32, #tpu.memory_space<vmem>>
    %dma_start3A_11 = arith.constant 0 : i32
    %dma_start3A_12 = arith.constant 0 : i32
    %dma_start3A_13 = tpu.memref_slice %arg2[%dma_start3A_11, %dma_start3A_12] : memref<10112x128xf32, #tpu.memory_space<hbm>> -> memref<10112x128xf32, #tpu.memory_space<hbm>>
    tpu.enqueue_indirect_dma source(%dma_start3A_13 : memref<10112x128xf32, #tpu.memory_space<hbm>>) target(%dma_start3A_8 : memref<128x128xf32, #tpu.memory_space<vmem>>) offsets(%dma_start3A_10 : memref<128xi32, #tpu.memory_space<vmem>>) semaphore(%arg11 : memref<!tpu.dma_semaphore, #tpu.memory_space<semaphore_mem>>)
    %scan3A = arith.constant 0 : i32
    %scan3A_14 = arith.constant 0 : i32
    %scan3A_15 = arith.constant 40 : i32
    %scan3A_16 = arith.addi %scan3A_14, %scan3A_15 : i32
    %scan3A_17 = arith.constant 1 : i32
    scf.for %scan3A_24 = %scan3A_14 to %scan3A_16 step %scan3A_17  : i32 {
      %mul3A_25 = arith.constant 2 : i32
      %mul3A_26 = arith.muli %mul3A_25, %scan3A_24 : i32
      %add3A_27 = arith.constant 1 : i32
      %add3A_28 = arith.addi %mul3A_26, %add3A_27 : i32
      %mul3A_29 = arith.constant 128 : i32
      %mul3A_30 = arith.muli %add3A_28, %mul3A_29 : i32
      "tpu.region"() ({
        %run_scoped3A_67 = tpu.sem_alloc : memref<!tpu.dma_semaphore, #tpu.memory_space<semaphore_mem>>
        %dma_start3A_68 = arith.constant 128 : i32
        %dma_start3A_69 = tpu.memref_slice %arg7[%dma_start3A_68] : memref<256xi32, #tpu.memory_space<vmem>> -> memref<128xi32, #tpu.memory_space<vmem>>
        %dma_start3A_70 = tpu.memref_slice %arg3[%add3A, %mul3A_30] : memref<32x10240xi32, #tpu.memory_space<hbm>> -> memref<1x128xi32, #tpu.memory_space<hbm>>
        %dma_start3A_71 = tpu.memref_squeeze %dma_start3A_70 : memref<1x128xi32, #tpu.memory_space<hbm>> -> memref<128xi32, #tpu.memory_space<hbm>>
        %dma_start3A_72 = arith.constant 128 : i32
        %dma_start3A_73 = tpu.memref_slice %arg7[%dma_start3A_72] : memref<256xi32, #tpu.memory_space<vmem>> -> memref<128xi32, #tpu.memory_space<vmem>>
        %dma_start3A_74 = tpu.memref_slice %arg3[%add3A, %mul3A_30] : memref<32x10240xi32, #tpu.memory_space<hbm>> -> memref<1x128xi32, #tpu.memory_space<hbm>>
        %dma_start3A_75 = tpu.memref_squeeze %dma_start3A_74 : memref<1x128xi32, #tpu.memory_space<hbm>> -> memref<128xi32, #tpu.memory_space<hbm>>
        tpu.enqueue_dma source(%dma_start3A_75 : memref<128xi32, #tpu.memory_space<hbm>>) target(%dma_start3A_73 : memref<128xi32, #tpu.memory_space<vmem>>) target_semaphore(%run_scoped3A_67 : memref<!tpu.dma_semaphore, #tpu.memory_space<semaphore_mem>>)
        %dma_wait3A_76 = arith.constant 128 : i32
        %dma_wait3A_77 = tpu.memref_slice %arg7[%dma_wait3A_76] : memref<256xi32, #tpu.memory_space<vmem>> -> memref<128xi32, #tpu.memory_space<vmem>>
        %dma_wait3A_78 = tpu.memref_slice %arg3[%add3A, %mul3A_30] : memref<32x10240xi32, #tpu.memory_space<hbm>> -> memref<1x128xi32, #tpu.memory_space<hbm>>
        %dma_wait3A_79 = tpu.memref_squeeze %dma_wait3A_78 : memref<1x128xi32, #tpu.memory_space<hbm>> -> memref<128xi32, #tpu.memory_space<hbm>>
        %dma_wait3A_80 = arith.constant 128 : i32
        %dma_wait3A_81 = tpu.memref_slice %arg7[%dma_wait3A_80] : memref<256xi32, #tpu.memory_space<vmem>> -> memref<128xi32, #tpu.memory_space<vmem>>
        %dma_wait3A_82 = tpu.memref_slice %arg3[%add3A, %mul3A_30] : memref<32x10240xi32, #tpu.memory_space<hbm>> -> memref<1x128xi32, #tpu.memory_space<hbm>>
        %dma_wait3A_83 = tpu.memref_squeeze %dma_wait3A_82 : memref<1x128xi32, #tpu.memory_space<hbm>> -> memref<128xi32, #tpu.memory_space<hbm>>
        tpu.wait_dma2 semaphore(%run_scoped3A_67 : memref<!tpu.dma_semaphore, #tpu.memory_space<semaphore_mem>>) src(%dma_wait3A_83 : memref<128xi32, #tpu.memory_space<hbm>>) dst(%dma_wait3A_81 : memref<128xi32, #tpu.memory_space<vmem>>)
        tpu.yield
      }) : () -> ()
      %mul3A_31 = arith.constant 128 : i32
      %mul3A_32 = arith.muli %add3A_28, %mul3A_31 : i32
      "tpu.region"() ({
        %run_scoped3A_67 = tpu.sem_alloc : memref<!tpu.dma_semaphore, #tpu.memory_space<semaphore_mem>>
        %dma_start3A_68 = arith.constant 128 : i32
        %dma_start3A_69 = tpu.memref_slice %arg8[%dma_start3A_68] : memref<256xi32, #tpu.memory_space<vmem>> -> memref<128xi32, #tpu.memory_space<vmem>>
        %dma_start3A_70 = tpu.memref_slice %arg4[%add3A, %mul3A_32] : memref<32x10240xi32, #tpu.memory_space<hbm>> -> memref<1x128xi32, #tpu.memory_space<hbm>>
        %dma_start3A_71 = tpu.memref_squeeze %dma_start3A_70 : memref<1x128xi32, #tpu.memory_space<hbm>> -> memref<128xi32, #tpu.memory_space<hbm>>
        %dma_start3A_72 = arith.constant 128 : i32
        %dma_start3A_73 = tpu.memref_slice %arg8[%dma_start3A_72] : memref<256xi32, #tpu.memory_space<vmem>> -> memref<128xi32, #tpu.memory_space<vmem>>
        %dma_start3A_74 = tpu.memref_slice %arg4[%add3A, %mul3A_32] : memref<32x10240xi32, #tpu.memory_space<hbm>> -> memref<1x128xi32, #tpu.memory_space<hbm>>
        %dma_start3A_75 = tpu.memref_squeeze %dma_start3A_74 : memref<1x128xi32, #tpu.memory_space<hbm>> -> memref<128xi32, #tpu.memory_space<hbm>>
        tpu.enqueue_dma source(%dma_start3A_75 : memref<128xi32, #tpu.memory_space<hbm>>) target(%dma_start3A_73 : memref<128xi32, #tpu.memory_space<vmem>>) target_semaphore(%run_scoped3A_67 : memref<!tpu.dma_semaphore, #tpu.memory_space<semaphore_mem>>)
        %dma_wait3A_76 = arith.constant 128 : i32
        %dma_wait3A_77 = tpu.memref_slice %arg8[%dma_wait3A_76] : memref<256xi32, #tpu.memory_space<vmem>> -> memref<128xi32, #tpu.memory_space<vmem>>
        %dma_wait3A_78 = tpu.memref_slice %arg4[%add3A, %mul3A_32] : memref<32x10240xi32, #tpu.memory_space<hbm>> -> memref<1x128xi32, #tpu.memory_space<hbm>>
        %dma_wait3A_79 = tpu.memref_squeeze %dma_wait3A_78 : memref<1x128xi32, #tpu.memory_space<hbm>> -> memref<128xi32, #tpu.memory_space<hbm>>
        %dma_wait3A_80 = arith.constant 128 : i32
        %dma_wait3A_81 = tpu.memref_slice %arg8[%dma_wait3A_80] : memref<256xi32, #tpu.memory_space<vmem>> -> memref<128xi32, #tpu.memory_space<vmem>>
        %dma_wait3A_82 = tpu.memref_slice %arg4[%add3A, %mul3A_32] : memref<32x10240xi32, #tpu.memory_space<hbm>> -> memref<1x128xi32, #tpu.memory_space<hbm>>
        %dma_wait3A_83 = tpu.memref_squeeze %dma_wait3A_82 : memref<1x128xi32, #tpu.memory_space<hbm>> -> memref<128xi32, #tpu.memory_space<hbm>>
        tpu.wait_dma2 semaphore(%run_scoped3A_67 : memref<!tpu.dma_semaphore, #tpu.memory_space<semaphore_mem>>) src(%dma_wait3A_83 : memref<128xi32, #tpu.memory_space<hbm>>) dst(%dma_wait3A_81 : memref<128xi32, #tpu.memory_space<vmem>>)
        tpu.yield
      }) : () -> ()
      %dma_start3A_33 = arith.constant 1 : i32
      %dma_start3A_34 = arith.constant 0 : i32
      %dma_start3A_35 = arith.constant 0 : i32
      %dma_start3A_36 = tpu.memref_slice %arg9[%dma_start3A_33, %dma_start3A_34, %dma_start3A_35] : memref<2x128x128xf32, #tpu.memory_space<vmem>> -> memref<1x128x128xf32, #tpu.memory_space<vmem>>
      %dma_start3A_37 = tpu.memref_squeeze %dma_start3A_36 : memref<1x128x128xf32, #tpu.memory_space<vmem>> -> memref<128x128xf32, #tpu.memory_space<vmem>>
      %dma_start3A_38 = arith.constant 128 : i32
      %dma_start3A_39 = tpu.memref_slice %arg7[%dma_start3A_38] : memref<256xi32, #tpu.memory_space<vmem>> -> memref<128xi32, #tpu.memory_space<vmem>>
      %dma_start3A_40 = arith.constant 0 : i32
      %dma_start3A_41 = arith.constant 0 : i32
      %dma_start3A_42 = tpu.memref_slice %arg2[%dma_start3A_40, %dma_start3A_41] : memref<10112x128xf32, #tpu.memory_space<hbm>> -> memref<10112x128xf32, #tpu.memory_space<hbm>>
      tpu.enqueue_indirect_dma source(%dma_start3A_42 : memref<10112x128xf32, #tpu.memory_space<hbm>>) target(%dma_start3A_37 : memref<128x128xf32, #tpu.memory_space<vmem>>) offsets(%dma_start3A_39 : memref<128xi32, #tpu.memory_space<vmem>>) semaphore(%arg12 : memref<!tpu.dma_semaphore, #tpu.memory_space<semaphore_mem>>)
      %dma_wait3A = arith.constant 0 : i32
      %dma_wait3A_43 = arith.constant 0 : i32
      %dma_wait3A_44 = arith.constant 0 : i32
      %dma_wait3A_45 = tpu.memref_slice %arg9[%dma_wait3A, %dma_wait3A_43, %dma_wait3A_44] : memref<2x128x128xf32, #tpu.memory_space<vmem>> -> memref<1x128x128xf32, #tpu.memory_space<vmem>>
      %dma_wait3A_46 = tpu.memref_squeeze %dma_wait3A_45 : memref<1x128x128xf32, #tpu.memory_space<vmem>> -> memref<128x128xf32, #tpu.memory_space<vmem>>
      %dma_wait3A_47 = arith.constant 0 : i32
      %dma_wait3A_48 = tpu.memref_slice %arg7[%dma_wait3A_47] : memref<256xi32, #tpu.memory_space<vmem>> -> memref<128xi32, #tpu.memory_space<vmem>>
      %dma_wait3A_49 = arith.constant 0 : i32
      %dma_wait3A_50 = arith.constant 0 : i32
      %dma_wait3A_51 = tpu.memref_slice %arg2[%dma_wait3A_49, %dma_wait3A_50] : memref<10112x128xf32, #tpu.memory_space<hbm>> -> memref<10112x128xf32, #tpu.memory_space<hbm>>
      tpu.wait_indirect_dma semaphore(%arg11 : memref<!tpu.dma_semaphore, #tpu.memory_space<semaphore_mem>>) src(%dma_wait3A_51 : memref<10112x128xf32, #tpu.memory_space<hbm>>) dst(%dma_wait3A_46 : memref<128x128xf32, #tpu.memory_space<vmem>>)
      %run_scoped3A = arith.constant 0 : i32
      "tpu.region"() ({
        %run_scoped3A_67 = tpu.sem_alloc : memref<!tpu.dma_semaphore, #tpu.memory_space<semaphore_mem>>
        %dma_start3A_68 = arith.constant 0 : i32
        %dma_start3A_69 = arith.constant 0 : i32
        %dma_start3A_70 = tpu.memref_slice %arg9[%run_scoped3A, %dma_start3A_68, %dma_start3A_69] : memref<2x128x128xf32, #tpu.memory_space<vmem>> -> memref<1x128x128xf32, #tpu.memory_space<vmem>>
        %dma_start3A_71 = tpu.memref_squeeze %dma_start3A_70 : memref<1x128x128xf32, #tpu.memory_space<vmem>> -> memref<128x128xf32, #tpu.memory_space<vmem>>
        %dma_start3A_72 = arith.constant 0 : i32
        %dma_start3A_73 = tpu.memref_slice %arg8[%dma_start3A_72] : memref<256xi32, #tpu.memory_space<vmem>> -> memref<128xi32, #tpu.memory_space<vmem>>
        %dma_start3A_74 = arith.constant 0 : i32
        %dma_start3A_75 = arith.constant 0 : i32
        %dma_start3A_76 = tpu.memref_slice %arg10[%dma_start3A_74, %dma_start3A_75] : memref<10112x128xf32, #tpu.memory_space<vmem_shared>> -> memref<10112x128xf32, #tpu.memory_space<vmem_shared>>
        tpu.enqueue_indirect_dma source(%dma_start3A_71 : memref<128x128xf32, #tpu.memory_space<vmem>>) target(%dma_start3A_76 : memref<10112x128xf32, #tpu.memory_space<vmem_shared>>) offsets(%dma_start3A_73 : memref<128xi32, #tpu.memory_space<vmem>>) semaphore(%run_scoped3A_67 : memref<!tpu.dma_semaphore, #tpu.memory_space<semaphore_mem>>) {add = true}
        %dma_wait3A_77 = arith.constant 0 : i32
        %dma_wait3A_78 = arith.constant 0 : i32
        %dma_wait3A_79 = tpu.memref_slice %arg9[%run_scoped3A, %dma_wait3A_77, %dma_wait3A_78] : memref<2x128x128xf32, #tpu.memory_space<vmem>> -> memref<1x128x128xf32, #tpu.memory_space<vmem>>
        %dma_wait3A_80 = tpu.memref_squeeze %dma_wait3A_79 : memref<1x128x128xf32, #tpu.memory_space<vmem>> -> memref<128x128xf32, #tpu.memory_space<vmem>>
        %dma_wait3A_81 = arith.constant 0 : i32
        %dma_wait3A_82 = tpu.memref_slice %arg8[%dma_wait3A_81] : memref<256xi32, #tpu.memory_space<vmem>> -> memref<128xi32, #tpu.memory_space<vmem>>
        %dma_wait3A_83 = arith.constant 0 : i32
        %dma_wait3A_84 = arith.constant 0 : i32
        %dma_wait3A_85 = tpu.memref_slice %arg10[%dma_wait3A_83, %dma_wait3A_84] : memref<10112x128xf32, #tpu.memory_space<vmem_shared>> -> memref<10112x128xf32, #tpu.memory_space<vmem_shared>>
        tpu.wait_indirect_dma semaphore(%run_scoped3A_67 : memref<!tpu.dma_semaphore, #tpu.memory_space<semaphore_mem>>) src(%dma_wait3A_80 : memref<128x128xf32, #tpu.memory_space<vmem>>) dst(%dma_wait3A_85 : memref<10112x128xf32, #tpu.memory_space<vmem_shared>>)
        tpu.yield
      }) : () -> ()
      %add3A_52 = arith.constant 1 : i32
      %add3A_53 = arith.addi %add3A_28, %add3A_52 : i32
      %lt3A = arith.constant 80 : i32
      %lt3A_54 = arith.cmpi slt, %add3A_53, %lt3A : i32
      %convert_element_type3A = arith.extui %lt3A_54 : i1 to i32
      %cond3A = arith.constant 0 : i32
      %cond3A_55 = arith.cmpi ne, %convert_element_type3A, %cond3A : i32
      scf.if %cond3A_55 {
        %add3A_67 = arith.constant 1 : i32
        %add3A_68 = arith.addi %add3A_28, %add3A_67 : i32
        %mul3A_69 = arith.constant 128 : i32
        %mul3A_70 = arith.muli %add3A_68, %mul3A_69 : i32
        "tpu.region"() ({
          %run_scoped3A_83 = tpu.sem_alloc : memref<!tpu.dma_semaphore, #tpu.memory_space<semaphore_mem>>
          %dma_start3A_84 = arith.constant 0 : i32
          %dma_start3A_85 = tpu.memref_slice %arg7[%dma_start3A_84] : memref<256xi32, #tpu.memory_space<vmem>> -> memref<128xi32, #tpu.memory_space<vmem>>
          %dma_start3A_86 = tpu.memref_slice %arg3[%add3A, %mul3A_70] : memref<32x10240xi32, #tpu.memory_space<hbm>> -> memref<1x128xi32, #tpu.memory_space<hbm>>
          %dma_start3A_87 = tpu.memref_squeeze %dma_start3A_86 : memref<1x128xi32, #tpu.memory_space<hbm>> -> memref<128xi32, #tpu.memory_space<hbm>>
          %dma_start3A_88 = arith.constant 0 : i32
          %dma_start3A_89 = tpu.memref_slice %arg7[%dma_start3A_88] : memref<256xi32, #tpu.memory_space<vmem>> -> memref<128xi32, #tpu.memory_space<vmem>>
          %dma_start3A_90 = tpu.memref_slice %arg3[%add3A, %mul3A_70] : memref<32x10240xi32, #tpu.memory_space<hbm>> -> memref<1x128xi32, #tpu.memory_space<hbm>>
          %dma_start3A_91 = tpu.memref_squeeze %dma_start3A_90 : memref<1x128xi32, #tpu.memory_space<hbm>> -> memref<128xi32, #tpu.memory_space<hbm>>
          tpu.enqueue_dma source(%dma_start3A_91 : memref<128xi32, #tpu.memory_space<hbm>>) target(%dma_start3A_89 : memref<128xi32, #tpu.memory_space<vmem>>) target_semaphore(%run_scoped3A_83 : memref<!tpu.dma_semaphore, #tpu.memory_space<semaphore_mem>>)
          %dma_wait3A_92 = arith.constant 0 : i32
          %dma_wait3A_93 = tpu.memref_slice %arg7[%dma_wait3A_92] : memref<256xi32, #tpu.memory_space<vmem>> -> memref<128xi32, #tpu.memory_space<vmem>>
          %dma_wait3A_94 = tpu.memref_slice %arg3[%add3A, %mul3A_70] : memref<32x10240xi32, #tpu.memory_space<hbm>> -> memref<1x128xi32, #tpu.memory_space<hbm>>
          %dma_wait3A_95 = tpu.memref_squeeze %dma_wait3A_94 : memref<1x128xi32, #tpu.memory_space<hbm>> -> memref<128xi32, #tpu.memory_space<hbm>>
          %dma_wait3A_96 = arith.constant 0 : i32
          %dma_wait3A_97 = tpu.memref_slice %arg7[%dma_wait3A_96] : memref<256xi32, #tpu.memory_space<vmem>> -> memref<128xi32, #tpu.memory_space<vmem>>
          %dma_wait3A_98 = tpu.memref_slice %arg3[%add3A, %mul3A_70] : memref<32x10240xi32, #tpu.memory_space<hbm>> -> memref<1x128xi32, #tpu.memory_space<hbm>>
          %dma_wait3A_99 = tpu.memref_squeeze %dma_wait3A_98 : memref<1x128xi32, #tpu.memory_space<hbm>> -> memref<128xi32, #tpu.memory_space<hbm>>
          tpu.wait_dma2 semaphore(%run_scoped3A_83 : memref<!tpu.dma_semaphore, #tpu.memory_space<semaphore_mem>>) src(%dma_wait3A_99 : memref<128xi32, #tpu.memory_space<hbm>>) dst(%dma_wait3A_97 : memref<128xi32, #tpu.memory_space<vmem>>)
          tpu.yield
        }) : () -> ()
        %mul3A_71 = arith.constant 128 : i32
        %mul3A_72 = arith.muli %add3A_68, %mul3A_71 : i32
        "tpu.region"() ({
          %run_scoped3A_83 = tpu.sem_alloc : memref<!tpu.dma_semaphore, #tpu.memory_space<semaphore_mem>>
          %dma_start3A_84 = arith.constant 0 : i32
          %dma_start3A_85 = tpu.memref_slice %arg8[%dma_start3A_84] : memref<256xi32, #tpu.memory_space<vmem>> -> memref<128xi32, #tpu.memory_space<vmem>>
          %dma_start3A_86 = tpu.memref_slice %arg4[%add3A, %mul3A_72] : memref<32x10240xi32, #tpu.memory_space<hbm>> -> memref<1x128xi32, #tpu.memory_space<hbm>>
          %dma_start3A_87 = tpu.memref_squeeze %dma_start3A_86 : memref<1x128xi32, #tpu.memory_space<hbm>> -> memref<128xi32, #tpu.memory_space<hbm>>
          %dma_start3A_88 = arith.constant 0 : i32
          %dma_start3A_89 = tpu.memref_slice %arg8[%dma_start3A_88] : memref<256xi32, #tpu.memory_space<vmem>> -> memref<128xi32, #tpu.memory_space<vmem>>
          %dma_start3A_90 = tpu.memref_slice %arg4[%add3A, %mul3A_72] : memref<32x10240xi32, #tpu.memory_space<hbm>> -> memref<1x128xi32, #tpu.memory_space<hbm>>
          %dma_start3A_91 = tpu.memref_squeeze %dma_start3A_90 : memref<1x128xi32, #tpu.memory_space<hbm>> -> memref<128xi32, #tpu.memory_space<hbm>>
          tpu.enqueue_dma source(%dma_start3A_91 : memref<128xi32, #tpu.memory_space<hbm>>) target(%dma_start3A_89 : memref<128xi32, #tpu.memory_space<vmem>>) target_semaphore(%run_scoped3A_83 : memref<!tpu.dma_semaphore, #tpu.memory_space<semaphore_mem>>)
          %dma_wait3A_92 = arith.constant 0 : i32
          %dma_wait3A_93 = tpu.memref_slice %arg8[%dma_wait3A_92] : memref<256xi32, #tpu.memory_space<vmem>> -> memref<128xi32, #tpu.memory_space<vmem>>
          %dma_wait3A_94 = tpu.memref_slice %arg4[%add3A, %mul3A_72] : memref<32x10240xi32, #tpu.memory_space<hbm>> -> memref<1x128xi32, #tpu.memory_space<hbm>>
          %dma_wait3A_95 = tpu.memref_squeeze %dma_wait3A_94 : memref<1x128xi32, #tpu.memory_space<hbm>> -> memref<128xi32, #tpu.memory_space<hbm>>
          %dma_wait3A_96 = arith.constant 0 : i32
          %dma_wait3A_97 = tpu.memref_slice %arg8[%dma_wait3A_96] : memref<256xi32, #tpu.memory_space<vmem>> -> memref<128xi32, #tpu.memory_space<vmem>>
          %dma_wait3A_98 = tpu.memref_slice %arg4[%add3A, %mul3A_72] : memref<32x10240xi32, #tpu.memory_space<hbm>> -> memref<1x128xi32, #tpu.memory_space<hbm>>
          %dma_wait3A_99 = tpu.memref_squeeze %dma_wait3A_98 : memref<1x128xi32, #tpu.memory_space<hbm>> -> memref<128xi32, #tpu.memory_space<hbm>>
          tpu.wait_dma2 semaphore(%run_scoped3A_83 : memref<!tpu.dma_semaphore, #tpu.memory_space<semaphore_mem>>) src(%dma_wait3A_99 : memref<128xi32, #tpu.memory_space<hbm>>) dst(%dma_wait3A_97 : memref<128xi32, #tpu.memory_space<vmem>>)
          tpu.yield
        }) : () -> ()
        %dma_start3A_73 = arith.constant 0 : i32
        %dma_start3A_74 = arith.constant 0 : i32
        %dma_start3A_75 = arith.constant 0 : i32
        %dma_start3A_76 = tpu.memref_slice %arg9[%dma_start3A_73, %dma_start3A_74, %dma_start3A_75] : memref<2x128x128xf32, #tpu.memory_space<vmem>> -> memref<1x128x128xf32, #tpu.memory_space<vmem>>
        %dma_start3A_77 = tpu.memref_squeeze %dma_start3A_76 : memref<1x128x128xf32, #tpu.memory_space<vmem>> -> memref<128x128xf32, #tpu.memory_space<vmem>>
        %dma_start3A_78 = arith.constant 0 : i32
        %dma_start3A_79 = tpu.memref_slice %arg7[%dma_start3A_78] : memref<256xi32, #tpu.memory_space<vmem>> -> memref<128xi32, #tpu.memory_space<vmem>>
        %dma_start3A_80 = arith.constant 0 : i32
        %dma_start3A_81 = arith.constant 0 : i32
        %dma_start3A_82 = tpu.memref_slice %arg2[%dma_start3A_80, %dma_start3A_81] : memref<10112x128xf32, #tpu.memory_space<hbm>> -> memref<10112x128xf32, #tpu.memory_space<hbm>>
        tpu.enqueue_indirect_dma source(%dma_start3A_82 : memref<10112x128xf32, #tpu.memory_space<hbm>>) target(%dma_start3A_77 : memref<128x128xf32, #tpu.memory_space<vmem>>) offsets(%dma_start3A_79 : memref<128xi32, #tpu.memory_space<vmem>>) semaphore(%arg11 : memref<!tpu.dma_semaphore, #tpu.memory_space<semaphore_mem>>)
      } else {
      }
      %dma_wait3A_56 = arith.constant 1 : i32
      %dma_wait3A_57 = arith.constant 0 : i32
      %dma_wait3A_58 = arith.constant 0 : i32
      %dma_wait3A_59 = tpu.memref_slice %arg9[%dma_wait3A_56, %dma_wait3A_57, %dma_wait3A_58] : memref<2x128x128xf32, #tpu.memory_space<vmem>> -> memref<1x128x128xf32, #tpu.memory_space<vmem>>
      %dma_wait3A_60 = tpu.memref_squeeze %dma_wait3A_59 : memref<1x128x128xf32, #tpu.memory_space<vmem>> -> memref<128x128xf32, #tpu.memory_space<vmem>>
      %dma_wait3A_61 = arith.constant 128 : i32
      %dma_wait3A_62 = tpu.memref_slice %arg7[%dma_wait3A_61] : memref<256xi32, #tpu.memory_space<vmem>> -> memref<128xi32, #tpu.memory_space<vmem>>
      %dma_wait3A_63 = arith.constant 0 : i32
      %dma_wait3A_64 = arith.constant 0 : i32
      %dma_wait3A_65 = tpu.memref_slice %arg2[%dma_wait3A_63, %dma_wait3A_64] : memref<10112x128xf32, #tpu.memory_space<hbm>> -> memref<10112x128xf32, #tpu.memory_space<hbm>>
      tpu.wait_indirect_dma semaphore(%arg12 : memref<!tpu.dma_semaphore, #tpu.memory_space<semaphore_mem>>) src(%dma_wait3A_65 : memref<10112x128xf32, #tpu.memory_space<hbm>>) dst(%dma_wait3A_60 : memref<128x128xf32, #tpu.memory_space<vmem>>)
      %run_scoped3A_66 = arith.constant 1 : i32
      "tpu.region"() ({
        %run_scoped3A_67 = tpu.sem_alloc : memref<!tpu.dma_semaphore, #tpu.memory_space<semaphore_mem>>
        %dma_start3A_68 = arith.constant 0 : i32
        %dma_start3A_69 = arith.constant 0 : i32
        %dma_start3A_70 = tpu.memref_slice %arg9[%run_scoped3A_66, %dma_start3A_68, %dma_start3A_69] : memref<2x128x128xf32, #tpu.memory_space<vmem>> -> memref<1x128x128xf32, #tpu.memory_space<vmem>>
        %dma_start3A_71 = tpu.memref_squeeze %dma_start3A_70 : memref<1x128x128xf32, #tpu.memory_space<vmem>> -> memref<128x128xf32, #tpu.memory_space<vmem>>
        %dma_start3A_72 = arith.constant 128 : i32
        %dma_start3A_73 = tpu.memref_slice %arg8[%dma_start3A_72] : memref<256xi32, #tpu.memory_space<vmem>> -> memref<128xi32, #tpu.memory_space<vmem>>
        %dma_start3A_74 = arith.constant 0 : i32
        %dma_start3A_75 = arith.constant 0 : i32
        %dma_start3A_76 = tpu.memref_slice %arg10[%dma_start3A_74, %dma_start3A_75] : memref<10112x128xf32, #tpu.memory_space<vmem_shared>> -> memref<10112x128xf32, #tpu.memory_space<vmem_shared>>
        tpu.enqueue_indirect_dma source(%dma_start3A_71 : memref<128x128xf32, #tpu.memory_space<vmem>>) target(%dma_start3A_76 : memref<10112x128xf32, #tpu.memory_space<vmem_shared>>) offsets(%dma_start3A_73 : memref<128xi32, #tpu.memory_space<vmem>>) semaphore(%run_scoped3A_67 : memref<!tpu.dma_semaphore, #tpu.memory_space<semaphore_mem>>) {add = true}
        %dma_wait3A_77 = arith.constant 0 : i32
        %dma_wait3A_78 = arith.constant 0 : i32
        %dma_wait3A_79 = tpu.memref_slice %arg9[%run_scoped3A_66, %dma_wait3A_77, %dma_wait3A_78] : memref<2x128x128xf32, #tpu.memory_space<vmem>> -> memref<1x128x128xf32, #tpu.memory_space<vmem>>
        %dma_wait3A_80 = tpu.memref_squeeze %dma_wait3A_79 : memref<1x128x128xf32, #tpu.memory_space<vmem>> -> memref<128x128xf32, #tpu.memory_space<vmem>>
        %dma_wait3A_81 = arith.constant 128 : i32
        %dma_wait3A_82 = tpu.memref_slice %arg8[%dma_wait3A_81] : memref<256xi32, #tpu.memory_space<vmem>> -> memref<128xi32, #tpu.memory_space<vmem>>
        %dma_wait3A_83 = arith.constant 0 : i32
        %dma_wait3A_84 = arith.constant 0 : i32
        %dma_wait3A_85 = tpu.memref_slice %arg10[%dma_wait3A_83, %dma_wait3A_84] : memref<10112x128xf32, #tpu.memory_space<vmem_shared>> -> memref<10112x128xf32, #tpu.memory_space<vmem_shared>>
        tpu.wait_indirect_dma semaphore(%run_scoped3A_67 : memref<!tpu.dma_semaphore, #tpu.memory_space<semaphore_mem>>) src(%dma_wait3A_80 : memref<128x128xf32, #tpu.memory_space<vmem>>) dst(%dma_wait3A_85 : memref<10112x128xf32, #tpu.memory_space<vmem_shared>>)
        tpu.yield
      }) : () -> ()
    }
    %scan3A_18 = arith.constant 40 : i32
    %barrier3A_19 = arith.constant 0 : index
    tpu.barrier barrier_id(%barrier3A_19)
    %mul3A_20 = arith.constant 632 : i32
    %mul3A_21 = arith.muli %arg1, %mul3A_20 : i32
    %mul3A_22 = arith.constant 632 : i32
    %mul3A_23 = arith.muli %arg1, %mul3A_22 : i32
    "tpu.region"() ({
      %run_scoped3A = tpu.sem_alloc : memref<!tpu.dma_semaphore, #tpu.memory_space<semaphore_mem>>
      %dma_start3A_24 = arith.constant 0 : i32
      %dma_start3A_25 = tpu.memref_slice %arg6[%arg0, %mul3A_23, %dma_start3A_24] : memref<2x10112x128xf32, #tpu.memory_space<hbm>> -> memref<1x632x128xf32, #tpu.memory_space<hbm>>
      %dma_start3A_26 = tpu.memref_squeeze %dma_start3A_25 : memref<1x632x128xf32, #tpu.memory_space<hbm>> -> memref<632x128xf32, #tpu.memory_space<hbm>>
      %dma_start3A_27 = arith.constant 0 : i32
      %dma_start3A_28 = tpu.memref_slice %arg10[%mul3A_21, %dma_start3A_27] : memref<10112x128xf32, #tpu.memory_space<vmem_shared>> -> memref<632x128xf32, #tpu.memory_space<vmem_shared>>
      tpu.enqueue_dma source(%dma_start3A_28 : memref<632x128xf32, #tpu.memory_space<vmem_shared>>) target(%dma_start3A_26 : memref<632x128xf32, #tpu.memory_space<hbm>>) target_semaphore(%run_scoped3A : memref<!tpu.dma_semaphore, #tpu.memory_space<semaphore_mem>>)
      %dma_wait3A = arith.constant 0 : i32
      %dma_wait3A_29 = tpu.memref_slice %arg6[%arg0, %mul3A_23, %dma_wait3A] : memref<2x10112x128xf32, #tpu.memory_space<hbm>> -> memref<1x632x128xf32, #tpu.memory_space<hbm>>
      %dma_wait3A_30 = tpu.memref_squeeze %dma_wait3A_29 : memref<1x632x128xf32, #tpu.memory_space<hbm>> -> memref<632x128xf32, #tpu.memory_space<hbm>>
      %dma_wait3A_31 = arith.constant 0 : i32
      %dma_wait3A_32 = tpu.memref_slice %arg10[%mul3A_21, %dma_wait3A_31] : memref<10112x128xf32, #tpu.memory_space<vmem_shared>> -> memref<632x128xf32, #tpu.memory_space<vmem_shared>>
      tpu.wait_dma2 semaphore(%run_scoped3A : memref<!tpu.dma_semaphore, #tpu.memory_space<semaphore_mem>>) src(%dma_wait3A_32 : memref<632x128xf32, #tpu.memory_space<vmem_shared>>) dst(%dma_wait3A_30 : memref<632x128xf32, #tpu.memory_space<hbm>>)
      tpu.yield
    }) : () -> ()
    return
  }
}

#map = affine_map<(d0, d1) -> (0, 0)>
#map1 = affine_map<(d0, d1) -> (0, 0, 0)>
module attributes {stable_mosaic.version = 14 : i64} {
  func.func @k(%arg0: i32, %arg1: i32, %arg2: memref<10112x128xf32, #tpu.memory_space<hbm>>, %arg3: memref<32x10240xi32, #tpu.memory_space<hbm>>, %arg4: memref<32x10240xi32, #tpu.memory_space<hbm>>, %arg5: memref<10112x128xf32, #tpu.memory_space<hbm>>, %arg6: memref<2x10112x128xf32, #tpu.memory_space<hbm>>, %arg7: memref<256xi32, #tpu.memory_space<vmem>>, %arg8: memref<256xi32, #tpu.memory_space<vmem>>, %arg9: memref<2x128x128xf32, #tpu.memory_space<vmem>>, %arg10: memref<10112x128xf32, #tpu.memory_space<vmem_shared>>, %arg11: memref<!tpu.dma_semaphore, #tpu.memory_space<semaphore_mem>>, %arg12: memref<!tpu.dma_semaphore, #tpu.memory_space<semaphore_mem>>) attributes {dimension_semantics = [#tpu.dimension_semantics<core_parallel>, #tpu.dimension_semantics<subcore_parallel>], iteration_bounds = array<i64: 2, 16>, scalar_prefetch = 0 : i64, scratch_operands = 6 : i64, tpu.core_type = #tpu.core_type<sc_vector_subcore>, window_params = [{transform_indices = #map}, {transform_indices = #map}, {transform_indices = #map}, {transform_indices = #map}, {transform_indices = #map1}]} {
    %mul3A = arith.constant 2 : i32
    %mul3A_0 = arith.muli %arg1, %mul3A : i32
    %add3A = arith.addi %mul3A_0, %arg0 : i32
    %mul3A_1 = arith.constant 632 : i32
    %mul3A_2 = arith.muli %arg1, %mul3A_1 : i32
    %mul3A_3 = arith.constant 632 : i32
    %mul3A_4 = arith.muli %arg1, %mul3A_3 : i32
    "tpu.region"() ({
      %run_scoped3A = tpu.sem_alloc : memref<!tpu.dma_semaphore, #tpu.memory_space<semaphore_mem>>
      %dma_start3A_24 = arith.constant 0 : i32
      %dma_start3A_25 = tpu.memref_slice %arg10[%mul3A_4, %dma_start3A_24] : memref<10112x128xf32, #tpu.memory_space<vmem_shared>> -> memref<632x128xf32, #tpu.memory_space<vmem_shared>>
      %dma_start3A_26 = arith.constant 0 : i32
      %dma_start3A_27 = tpu.memref_slice %arg5[%mul3A_2, %dma_start3A_26] : memref<10112x128xf32, #tpu.memory_space<hbm>> -> memref<632x128xf32, #tpu.memory_space<hbm>>
      tpu.enqueue_dma source(%dma_start3A_27 : memref<632x128xf32, #tpu.memory_space<hbm>>) target(%dma_start3A_25 : memref<632x128xf32, #tpu.memory_space<vmem_shared>>) target_semaphore(%run_scoped3A : memref<!tpu.dma_semaphore, #tpu.memory_space<semaphore_mem>>)
      %dma_wait3A = arith.constant 0 : i32
      %dma_wait3A_28 = tpu.memref_slice %arg10[%mul3A_4, %dma_wait3A] : memref<10112x128xf32, #tpu.memory_space<vmem_shared>> -> memref<632x128xf32, #tpu.memory_space<vmem_shared>>
      %dma_wait3A_29 = arith.constant 0 : i32
      %dma_wait3A_30 = tpu.memref_slice %arg5[%mul3A_2, %dma_wait3A_29] : memref<10112x128xf32, #tpu.memory_space<hbm>> -> memref<632x128xf32, #tpu.memory_space<hbm>>
      tpu.wait_dma2 semaphore(%run_scoped3A : memref<!tpu.dma_semaphore, #tpu.memory_space<semaphore_mem>>) src(%dma_wait3A_30 : memref<632x128xf32, #tpu.memory_space<hbm>>) dst(%dma_wait3A_28 : memref<632x128xf32, #tpu.memory_space<vmem_shared>>)
      tpu.yield
    }) : () -> ()
    %barrier3A = arith.constant 0 : index
    tpu.barrier barrier_id(%barrier3A)
    "tpu.region"() ({
      %run_scoped3A = tpu.sem_alloc : memref<!tpu.dma_semaphore, #tpu.memory_space<semaphore_mem>>
      %dma_start3A_24 = arith.constant 0 : i32
      %dma_start3A_25 = tpu.memref_slice %arg7[%dma_start3A_24] : memref<256xi32, #tpu.memory_space<vmem>> -> memref<128xi32, #tpu.memory_space<vmem>>
      %dma_start3A_26 = arith.constant 0 : i32
      %dma_start3A_27 = tpu.memref_slice %arg3[%add3A, %dma_start3A_26] : memref<32x10240xi32, #tpu.memory_space<hbm>> -> memref<1x128xi32, #tpu.memory_space<hbm>>
      %dma_start3A_28 = tpu.memref_squeeze %dma_start3A_27 : memref<1x128xi32, #tpu.memory_space<hbm>> -> memref<128xi32, #tpu.memory_space<hbm>>
      %dma_start3A_29 = arith.constant 0 : i32
      %dma_start3A_30 = tpu.memref_slice %arg7[%dma_start3A_29] : memref<256xi32, #tpu.memory_space<vmem>> -> memref<128xi32, #tpu.memory_space<vmem>>
      %dma_start3A_31 = arith.constant 0 : i32
      %dma_start3A_32 = tpu.memref_slice %arg3[%add3A, %dma_start3A_31] : memref<32x10240xi32, #tpu.memory_space<hbm>> -> memref<1x128xi32, #tpu.memory_space<hbm>>
      %dma_start3A_33 = tpu.memref_squeeze %dma_start3A_32 : memref<1x128xi32, #tpu.memory_space<hbm>> -> memref<128xi32, #tpu.memory_space<hbm>>
      tpu.enqueue_dma source(%dma_start3A_33 : memref<128xi32, #tpu.memory_space<hbm>>) target(%dma_start3A_30 : memref<128xi32, #tpu.memory_space<vmem>>) target_semaphore(%run_scoped3A : memref<!tpu.dma_semaphore, #tpu.memory_space<semaphore_mem>>)
      %dma_wait3A = arith.constant 0 : i32
      %dma_wait3A_34 = tpu.memref_slice %arg7[%dma_wait3A] : memref<256xi32, #tpu.memory_space<vmem>> -> memref<128xi32, #tpu.memory_space<vmem>>
      %dma_wait3A_35 = arith.constant 0 : i32
      %dma_wait3A_36 = tpu.memref_slice %arg3[%add3A, %dma_wait3A_35] : memref<32x10240xi32, #tpu.memory_space<hbm>> -> memref<1x128xi32, #tpu.memory_space<hbm>>
      %dma_wait3A_37 = tpu.memref_squeeze %dma_wait3A_36 : memref<1x128xi32, #tpu.memory_space<hbm>> -> memref<128xi32, #tpu.memory_space<hbm>>
      %dma_wait3A_38 = arith.constant 0 : i32
      %dma_wait3A_39 = tpu.memref_slice %arg7[%dma_wait3A_38] : memref<256xi32, #tpu.memory_space<vmem>> -> memref<128xi32, #tpu.memory_space<vmem>>
      %dma_wait3A_40 = arith.constant 0 : i32
      %dma_wait3A_41 = tpu.memref_slice %arg3[%add3A, %dma_wait3A_40] : memref<32x10240xi32, #tpu.memory_space<hbm>> -> memref<1x128xi32, #tpu.memory_space<hbm>>
      %dma_wait3A_42 = tpu.memref_squeeze %dma_wait3A_41 : memref<1x128xi32, #tpu.memory_space<hbm>> -> memref<128xi32, #tpu.memory_space<hbm>>
      tpu.wait_dma2 semaphore(%run_scoped3A : memref<!tpu.dma_semaphore, #tpu.memory_space<semaphore_mem>>) src(%dma_wait3A_42 : memref<128xi32, #tpu.memory_space<hbm>>) dst(%dma_wait3A_39 : memref<128xi32, #tpu.memory_space<vmem>>)
      tpu.yield
    }) : () -> ()
    "tpu.region"() ({
      %run_scoped3A = tpu.sem_alloc : memref<!tpu.dma_semaphore, #tpu.memory_space<semaphore_mem>>
      %dma_start3A_24 = arith.constant 0 : i32
      %dma_start3A_25 = tpu.memref_slice %arg8[%dma_start3A_24] : memref<256xi32, #tpu.memory_space<vmem>> -> memref<128xi32, #tpu.memory_space<vmem>>
      %dma_start3A_26 = arith.constant 0 : i32
      %dma_start3A_27 = tpu.memref_slice %arg4[%add3A, %dma_start3A_26] : memref<32x10240xi32, #tpu.memory_space<hbm>> -> memref<1x128xi32, #tpu.memory_space<hbm>>
      %dma_start3A_28 = tpu.memref_squeeze %dma_start3A_27 : memref<1x128xi32, #tpu.memory_space<hbm>> -> memref<128xi32, #tpu.memory_space<hbm>>
      %dma_start3A_29 = arith.constant 0 : i32
      %dma_start3A_30 = tpu.memref_slice %arg8[%dma_start3A_29] : memref<256xi32, #tpu.memory_space<vmem>> -> memref<128xi32, #tpu.memory_space<vmem>>
      %dma_start3A_31 = arith.constant 0 : i32
      %dma_start3A_32 = tpu.memref_slice %arg4[%add3A, %dma_start3A_31] : memref<32x10240xi32, #tpu.memory_space<hbm>> -> memref<1x128xi32, #tpu.memory_space<hbm>>
      %dma_start3A_33 = tpu.memref_squeeze %dma_start3A_32 : memref<1x128xi32, #tpu.memory_space<hbm>> -> memref<128xi32, #tpu.memory_space<hbm>>
      tpu.enqueue_dma source(%dma_start3A_33 : memref<128xi32, #tpu.memory_space<hbm>>) target(%dma_start3A_30 : memref<128xi32, #tpu.memory_space<vmem>>) target_semaphore(%run_scoped3A : memref<!tpu.dma_semaphore, #tpu.memory_space<semaphore_mem>>)
      %dma_wait3A = arith.constant 0 : i32
      %dma_wait3A_34 = tpu.memref_slice %arg8[%dma_wait3A] : memref<256xi32, #tpu.memory_space<vmem>> -> memref<128xi32, #tpu.memory_space<vmem>>
      %dma_wait3A_35 = arith.constant 0 : i32
      %dma_wait3A_36 = tpu.memref_slice %arg4[%add3A, %dma_wait3A_35] : memref<32x10240xi32, #tpu.memory_space<hbm>> -> memref<1x128xi32, #tpu.memory_space<hbm>>
      %dma_wait3A_37 = tpu.memref_squeeze %dma_wait3A_36 : memref<1x128xi32, #tpu.memory_space<hbm>> -> memref<128xi32, #tpu.memory_space<hbm>>
      %dma_wait3A_38 = arith.constant 0 : i32
      %dma_wait3A_39 = tpu.memref_slice %arg8[%dma_wait3A_38] : memref<256xi32, #tpu.memory_space<vmem>> -> memref<128xi32, #tpu.memory_space<vmem>>
      %dma_wait3A_40 = arith.constant 0 : i32
      %dma_wait3A_41 = tpu.memref_slice %arg4[%add3A, %dma_wait3A_40] : memref<32x10240xi32, #tpu.memory_space<hbm>> -> memref<1x128xi32, #tpu.memory_space<hbm>>
      %dma_wait3A_42 = tpu.memref_squeeze %dma_wait3A_41 : memref<1x128xi32, #tpu.memory_space<hbm>> -> memref<128xi32, #tpu.memory_space<hbm>>
      tpu.wait_dma2 semaphore(%run_scoped3A : memref<!tpu.dma_semaphore, #tpu.memory_space<semaphore_mem>>) src(%dma_wait3A_42 : memref<128xi32, #tpu.memory_space<hbm>>) dst(%dma_wait3A_39 : memref<128xi32, #tpu.memory_space<vmem>>)
      tpu.yield
    }) : () -> ()
    %dma_start3A = arith.constant 0 : i32
    %dma_start3A_5 = arith.constant 0 : i32
    %dma_start3A_6 = arith.constant 0 : i32
    %dma_start3A_7 = tpu.memref_slice %arg9[%dma_start3A, %dma_start3A_5, %dma_start3A_6] : memref<2x128x128xf32, #tpu.memory_space<vmem>> -> memref<1x128x128xf32, #tpu.memory_space<vmem>>
    %dma_start3A_8 = tpu.memref_squeeze %dma_start3A_7 : memref<1x128x128xf32, #tpu.memory_space<vmem>> -> memref<128x128xf32, #tpu.memory_space<vmem>>
    %dma_start3A_9 = arith.constant 0 : i32
    %dma_start3A_10 = tpu.memref_slice %arg7[%dma_start3A_9] : memref<256xi32, #tpu.memory_space<vmem>> -> memref<128xi32, #tpu.memory_space<vmem>>
    %dma_start3A_11 = arith.constant 0 : i32
    %dma_start3A_12 = arith.constant 0 : i32
    %dma_start3A_13 = tpu.memref_slice %arg2[%dma_start3A_11, %dma_start3A_12] : memref<10112x128xf32, #tpu.memory_space<hbm>> -> memref<10112x128xf32, #tpu.memory_space<hbm>>
    tpu.enqueue_indirect_dma source(%dma_start3A_13 : memref<10112x128xf32, #tpu.memory_space<hbm>>) target(%dma_start3A_8 : memref<128x128xf32, #tpu.memory_space<vmem>>) offsets(%dma_start3A_10 : memref<128xi32, #tpu.memory_space<vmem>>) semaphore(%arg11 : memref<!tpu.dma_semaphore, #tpu.memory_space<semaphore_mem>>)
    %scan3A = arith.constant 0 : i32
    %scan3A_14 = arith.constant 0 : i32
    %scan3A_15 = arith.constant 40 : i32
    %scan3A_16 = arith.addi %scan3A_14, %scan3A_15 : i32
    %scan3A_17 = arith.constant 1 : i32
    scf.for %scan3A_24 = %scan3A_14 to %scan3A_16 step %scan3A_17  : i32 {
      %mul3A_25 = arith.constant 2 : i32
      %mul3A_26 = arith.muli %mul3A_25, %scan3A_24 : i32
      %add3A_27 = arith.constant 1 : i32
      %add3A_28 = arith.addi %mul3A_26, %add3A_27 : i32
      %mul3A_29 = arith.constant 128 : i32
      %mul3A_30 = arith.muli %add3A_28, %mul3A_29 : i32
      "tpu.region"() ({
        %run_scoped3A_67 = tpu.sem_alloc : memref<!tpu.dma_semaphore, #tpu.memory_space<semaphore_mem>>
        %dma_start3A_68 = arith.constant 128 : i32
        %dma_start3A_69 = tpu.memref_slice %arg7[%dma_start3A_68] : memref<256xi32, #tpu.memory_space<vmem>> -> memref<128xi32, #tpu.memory_space<vmem>>
        %dma_start3A_70 = tpu.memref_slice %arg3[%add3A, %mul3A_30] : memref<32x10240xi32, #tpu.memory_space<hbm>> -> memref<1x128xi32, #tpu.memory_space<hbm>>
        %dma_start3A_71 = tpu.memref_squeeze %dma_start3A_70 : memref<1x128xi32, #tpu.memory_space<hbm>> -> memref<128xi32, #tpu.memory_space<hbm>>
        %dma_start3A_72 = arith.constant 128 : i32
        %dma_start3A_73 = tpu.memref_slice %arg7[%dma_start3A_72] : memref<256xi32, #tpu.memory_space<vmem>> -> memref<128xi32, #tpu.memory_space<vmem>>
        %dma_start3A_74 = tpu.memref_slice %arg3[%add3A, %mul3A_30] : memref<32x10240xi32, #tpu.memory_space<hbm>> -> memref<1x128xi32, #tpu.memory_space<hbm>>
        %dma_start3A_75 = tpu.memref_squeeze %dma_start3A_74 : memref<1x128xi32, #tpu.memory_space<hbm>> -> memref<128xi32, #tpu.memory_space<hbm>>
        tpu.enqueue_dma source(%dma_start3A_75 : memref<128xi32, #tpu.memory_space<hbm>>) target(%dma_start3A_73 : memref<128xi32, #tpu.memory_space<vmem>>) target_semaphore(%run_scoped3A_67 : memref<!tpu.dma_semaphore, #tpu.memory_space<semaphore_mem>>)
        %dma_wait3A_76 = arith.constant 128 : i32
        %dma_wait3A_77 = tpu.memref_slice %arg7[%dma_wait3A_76] : memref<256xi32, #tpu.memory_space<vmem>> -> memref<128xi32, #tpu.memory_space<vmem>>
        %dma_wait3A_78 = tpu.memref_slice %arg3[%add3A, %mul3A_30] : memref<32x10240xi32, #tpu.memory_space<hbm>> -> memref<1x128xi32, #tpu.memory_space<hbm>>
        %dma_wait3A_79 = tpu.memref_squeeze %dma_wait3A_78 : memref<1x128xi32, #tpu.memory_space<hbm>> -> memref<128xi32, #tpu.memory_space<hbm>>
        %dma_wait3A_80 = arith.constant 128 : i32
        %dma_wait3A_81 = tpu.memref_slice %arg7[%dma_wait3A_80] : memref<256xi32, #tpu.memory_space<vmem>> -> memref<128xi32, #tpu.memory_space<vmem>>
        %dma_wait3A_82 = tpu.memref_slice %arg3[%add3A, %mul3A_30] : memref<32x10240xi32, #tpu.memory_space<hbm>> -> memref<1x128xi32, #tpu.memory_space<hbm>>
        %dma_wait3A_83 = tpu.memref_squeeze %dma_wait3A_82 : memref<1x128xi32, #tpu.memory_space<hbm>> -> memref<128xi32, #tpu.memory_space<hbm>>
        tpu.wait_dma2 semaphore(%run_scoped3A_67 : memref<!tpu.dma_semaphore, #tpu.memory_space<semaphore_mem>>) src(%dma_wait3A_83 : memref<128xi32, #tpu.memory_space<hbm>>) dst(%dma_wait3A_81 : memref<128xi32, #tpu.memory_space<vmem>>)
        tpu.yield
      }) : () -> ()
      %mul3A_31 = arith.constant 128 : i32
      %mul3A_32 = arith.muli %add3A_28, %mul3A_31 : i32
      "tpu.region"() ({
        %run_scoped3A_67 = tpu.sem_alloc : memref<!tpu.dma_semaphore, #tpu.memory_space<semaphore_mem>>
        %dma_start3A_68 = arith.constant 128 : i32
        %dma_start3A_69 = tpu.memref_slice %arg8[%dma_start3A_68] : memref<256xi32, #tpu.memory_space<vmem>> -> memref<128xi32, #tpu.memory_space<vmem>>
        %dma_start3A_70 = tpu.memref_slice %arg4[%add3A, %mul3A_32] : memref<32x10240xi32, #tpu.memory_space<hbm>> -> memref<1x128xi32, #tpu.memory_space<hbm>>
        %dma_start3A_71 = tpu.memref_squeeze %dma_start3A_70 : memref<1x128xi32, #tpu.memory_space<hbm>> -> memref<128xi32, #tpu.memory_space<hbm>>
        %dma_start3A_72 = arith.constant 128 : i32
        %dma_start3A_73 = tpu.memref_slice %arg8[%dma_start3A_72] : memref<256xi32, #tpu.memory_space<vmem>> -> memref<128xi32, #tpu.memory_space<vmem>>
        %dma_start3A_74 = tpu.memref_slice %arg4[%add3A, %mul3A_32] : memref<32x10240xi32, #tpu.memory_space<hbm>> -> memref<1x128xi32, #tpu.memory_space<hbm>>
        %dma_start3A_75 = tpu.memref_squeeze %dma_start3A_74 : memref<1x128xi32, #tpu.memory_space<hbm>> -> memref<128xi32, #tpu.memory_space<hbm>>
        tpu.enqueue_dma source(%dma_start3A_75 : memref<128xi32, #tpu.memory_space<hbm>>) target(%dma_start3A_73 : memref<128xi32, #tpu.memory_space<vmem>>) target_semaphore(%run_scoped3A_67 : memref<!tpu.dma_semaphore, #tpu.memory_space<semaphore_mem>>)
        %dma_wait3A_76 = arith.constant 128 : i32
        %dma_wait3A_77 = tpu.memref_slice %arg8[%dma_wait3A_76] : memref<256xi32, #tpu.memory_space<vmem>> -> memref<128xi32, #tpu.memory_space<vmem>>
        %dma_wait3A_78 = tpu.memref_slice %arg4[%add3A, %mul3A_32] : memref<32x10240xi32, #tpu.memory_space<hbm>> -> memref<1x128xi32, #tpu.memory_space<hbm>>
        %dma_wait3A_79 = tpu.memref_squeeze %dma_wait3A_78 : memref<1x128xi32, #tpu.memory_space<hbm>> -> memref<128xi32, #tpu.memory_space<hbm>>
        %dma_wait3A_80 = arith.constant 128 : i32
        %dma_wait3A_81 = tpu.memref_slice %arg8[%dma_wait3A_80] : memref<256xi32, #tpu.memory_space<vmem>> -> memref<128xi32, #tpu.memory_space<vmem>>
        %dma_wait3A_82 = tpu.memref_slice %arg4[%add3A, %mul3A_32] : memref<32x10240xi32, #tpu.memory_space<hbm>> -> memref<1x128xi32, #tpu.memory_space<hbm>>
        %dma_wait3A_83 = tpu.memref_squeeze %dma_wait3A_82 : memref<1x128xi32, #tpu.memory_space<hbm>> -> memref<128xi32, #tpu.memory_space<hbm>>
        tpu.wait_dma2 semaphore(%run_scoped3A_67 : memref<!tpu.dma_semaphore, #tpu.memory_space<semaphore_mem>>) src(%dma_wait3A_83 : memref<128xi32, #tpu.memory_space<hbm>>) dst(%dma_wait3A_81 : memref<128xi32, #tpu.memory_space<vmem>>)
        tpu.yield
      }) : () -> ()
      %dma_start3A_33 = arith.constant 1 : i32
      %dma_start3A_34 = arith.constant 0 : i32
      %dma_start3A_35 = arith.constant 0 : i32
      %dma_start3A_36 = tpu.memref_slice %arg9[%dma_start3A_33, %dma_start3A_34, %dma_start3A_35] : memref<2x128x128xf32, #tpu.memory_space<vmem>> -> memref<1x128x128xf32, #tpu.memory_space<vmem>>
      %dma_start3A_37 = tpu.memref_squeeze %dma_start3A_36 : memref<1x128x128xf32, #tpu.memory_space<vmem>> -> memref<128x128xf32, #tpu.memory_space<vmem>>
      %dma_start3A_38 = arith.constant 128 : i32
      %dma_start3A_39 = tpu.memref_slice %arg7[%dma_start3A_38] : memref<256xi32, #tpu.memory_space<vmem>> -> memref<128xi32, #tpu.memory_space<vmem>>
      %dma_start3A_40 = arith.constant 0 : i32
      %dma_start3A_41 = arith.constant 0 : i32
      %dma_start3A_42 = tpu.memref_slice %arg2[%dma_start3A_40, %dma_start3A_41] : memref<10112x128xf32, #tpu.memory_space<hbm>> -> memref<10112x128xf32, #tpu.memory_space<hbm>>
      tpu.enqueue_indirect_dma source(%dma_start3A_42 : memref<10112x128xf32, #tpu.memory_space<hbm>>) target(%dma_start3A_37 : memref<128x128xf32, #tpu.memory_space<vmem>>) offsets(%dma_start3A_39 : memref<128xi32, #tpu.memory_space<vmem>>) semaphore(%arg12 : memref<!tpu.dma_semaphore, #tpu.memory_space<semaphore_mem>>)
      %dma_wait3A = arith.constant 0 : i32
      %dma_wait3A_43 = arith.constant 0 : i32
      %dma_wait3A_44 = arith.constant 0 : i32
      %dma_wait3A_45 = tpu.memref_slice %arg9[%dma_wait3A, %dma_wait3A_43, %dma_wait3A_44] : memref<2x128x128xf32, #tpu.memory_space<vmem>> -> memref<1x128x128xf32, #tpu.memory_space<vmem>>
      %dma_wait3A_46 = tpu.memref_squeeze %dma_wait3A_45 : memref<1x128x128xf32, #tpu.memory_space<vmem>> -> memref<128x128xf32, #tpu.memory_space<vmem>>
      %dma_wait3A_47 = arith.constant 0 : i32
      %dma_wait3A_48 = tpu.memref_slice %arg7[%dma_wait3A_47] : memref<256xi32, #tpu.memory_space<vmem>> -> memref<128xi32, #tpu.memory_space<vmem>>
      %dma_wait3A_49 = arith.constant 0 : i32
      %dma_wait3A_50 = arith.constant 0 : i32
      %dma_wait3A_51 = tpu.memref_slice %arg2[%dma_wait3A_49, %dma_wait3A_50] : memref<10112x128xf32, #tpu.memory_space<hbm>> -> memref<10112x128xf32, #tpu.memory_space<hbm>>
      tpu.wait_indirect_dma semaphore(%arg11 : memref<!tpu.dma_semaphore, #tpu.memory_space<semaphore_mem>>) src(%dma_wait3A_51 : memref<10112x128xf32, #tpu.memory_space<hbm>>) dst(%dma_wait3A_46 : memref<128x128xf32, #tpu.memory_space<vmem>>)
      %run_scoped3A = arith.constant 0 : i32
      "tpu.region"() ({
        %run_scoped3A_67 = tpu.sem_alloc : memref<!tpu.dma_semaphore, #tpu.memory_space<semaphore_mem>>
        %dma_start3A_68 = arith.constant 0 : i32
        %dma_start3A_69 = arith.constant 0 : i32
        %dma_start3A_70 = tpu.memref_slice %arg9[%run_scoped3A, %dma_start3A_68, %dma_start3A_69] : memref<2x128x128xf32, #tpu.memory_space<vmem>> -> memref<1x128x128xf32, #tpu.memory_space<vmem>>
        %dma_start3A_71 = tpu.memref_squeeze %dma_start3A_70 : memref<1x128x128xf32, #tpu.memory_space<vmem>> -> memref<128x128xf32, #tpu.memory_space<vmem>>
        %dma_start3A_72 = arith.constant 0 : i32
        %dma_start3A_73 = tpu.memref_slice %arg8[%dma_start3A_72] : memref<256xi32, #tpu.memory_space<vmem>> -> memref<128xi32, #tpu.memory_space<vmem>>
        %dma_start3A_74 = arith.constant 0 : i32
        %dma_start3A_75 = arith.constant 0 : i32
        %dma_start3A_76 = tpu.memref_slice %arg10[%dma_start3A_74, %dma_start3A_75] : memref<10112x128xf32, #tpu.memory_space<vmem_shared>> -> memref<10112x128xf32, #tpu.memory_space<vmem_shared>>
        tpu.enqueue_indirect_dma source(%dma_start3A_71 : memref<128x128xf32, #tpu.memory_space<vmem>>) target(%dma_start3A_76 : memref<10112x128xf32, #tpu.memory_space<vmem_shared>>) offsets(%dma_start3A_73 : memref<128xi32, #tpu.memory_space<vmem>>) semaphore(%run_scoped3A_67 : memref<!tpu.dma_semaphore, #tpu.memory_space<semaphore_mem>>) {add = true}
        %dma_wait3A_77 = arith.constant 0 : i32
        %dma_wait3A_78 = arith.constant 0 : i32
        %dma_wait3A_79 = tpu.memref_slice %arg9[%run_scoped3A, %dma_wait3A_77, %dma_wait3A_78] : memref<2x128x128xf32, #tpu.memory_space<vmem>> -> memref<1x128x128xf32, #tpu.memory_space<vmem>>
        %dma_wait3A_80 = tpu.memref_squeeze %dma_wait3A_79 : memref<1x128x128xf32, #tpu.memory_space<vmem>> -> memref<128x128xf32, #tpu.memory_space<vmem>>
        %dma_wait3A_81 = arith.constant 0 : i32
        %dma_wait3A_82 = tpu.memref_slice %arg8[%dma_wait3A_81] : memref<256xi32, #tpu.memory_space<vmem>> -> memref<128xi32, #tpu.memory_space<vmem>>
        %dma_wait3A_83 = arith.constant 0 : i32
        %dma_wait3A_84 = arith.constant 0 : i32
        %dma_wait3A_85 = tpu.memref_slice %arg10[%dma_wait3A_83, %dma_wait3A_84] : memref<10112x128xf32, #tpu.memory_space<vmem_shared>> -> memref<10112x128xf32, #tpu.memory_space<vmem_shared>>
        tpu.wait_indirect_dma semaphore(%run_scoped3A_67 : memref<!tpu.dma_semaphore, #tpu.memory_space<semaphore_mem>>) src(%dma_wait3A_80 : memref<128x128xf32, #tpu.memory_space<vmem>>) dst(%dma_wait3A_85 : memref<10112x128xf32, #tpu.memory_space<vmem_shared>>)
        tpu.yield
      }) : () -> ()
      %add3A_52 = arith.constant 1 : i32
      %add3A_53 = arith.addi %add3A_28, %add3A_52 : i32
      %lt3A = arith.constant 80 : i32
      %lt3A_54 = arith.cmpi slt, %add3A_53, %lt3A : i32
      %convert_element_type3A = arith.extui %lt3A_54 : i1 to i32
      %cond3A = arith.constant 0 : i32
      %cond3A_55 = arith.cmpi ne, %convert_element_type3A, %cond3A : i32
      scf.if %cond3A_55 {
        %add3A_67 = arith.constant 1 : i32
        %add3A_68 = arith.addi %add3A_28, %add3A_67 : i32
        %mul3A_69 = arith.constant 128 : i32
        %mul3A_70 = arith.muli %add3A_68, %mul3A_69 : i32
        "tpu.region"() ({
          %run_scoped3A_83 = tpu.sem_alloc : memref<!tpu.dma_semaphore, #tpu.memory_space<semaphore_mem>>
          %dma_start3A_84 = arith.constant 0 : i32
          %dma_start3A_85 = tpu.memref_slice %arg7[%dma_start3A_84] : memref<256xi32, #tpu.memory_space<vmem>> -> memref<128xi32, #tpu.memory_space<vmem>>
          %dma_start3A_86 = tpu.memref_slice %arg3[%add3A, %mul3A_70] : memref<32x10240xi32, #tpu.memory_space<hbm>> -> memref<1x128xi32, #tpu.memory_space<hbm>>
          %dma_start3A_87 = tpu.memref_squeeze %dma_start3A_86 : memref<1x128xi32, #tpu.memory_space<hbm>> -> memref<128xi32, #tpu.memory_space<hbm>>
          %dma_start3A_88 = arith.constant 0 : i32
          %dma_start3A_89 = tpu.memref_slice %arg7[%dma_start3A_88] : memref<256xi32, #tpu.memory_space<vmem>> -> memref<128xi32, #tpu.memory_space<vmem>>
          %dma_start3A_90 = tpu.memref_slice %arg3[%add3A, %mul3A_70] : memref<32x10240xi32, #tpu.memory_space<hbm>> -> memref<1x128xi32, #tpu.memory_space<hbm>>
          %dma_start3A_91 = tpu.memref_squeeze %dma_start3A_90 : memref<1x128xi32, #tpu.memory_space<hbm>> -> memref<128xi32, #tpu.memory_space<hbm>>
          tpu.enqueue_dma source(%dma_start3A_91 : memref<128xi32, #tpu.memory_space<hbm>>) target(%dma_start3A_89 : memref<128xi32, #tpu.memory_space<vmem>>) target_semaphore(%run_scoped3A_83 : memref<!tpu.dma_semaphore, #tpu.memory_space<semaphore_mem>>)
          %dma_wait3A_92 = arith.constant 0 : i32
          %dma_wait3A_93 = tpu.memref_slice %arg7[%dma_wait3A_92] : memref<256xi32, #tpu.memory_space<vmem>> -> memref<128xi32, #tpu.memory_space<vmem>>
          %dma_wait3A_94 = tpu.memref_slice %arg3[%add3A, %mul3A_70] : memref<32x10240xi32, #tpu.memory_space<hbm>> -> memref<1x128xi32, #tpu.memory_space<hbm>>
          %dma_wait3A_95 = tpu.memref_squeeze %dma_wait3A_94 : memref<1x128xi32, #tpu.memory_space<hbm>> -> memref<128xi32, #tpu.memory_space<hbm>>
          %dma_wait3A_96 = arith.constant 0 : i32
          %dma_wait3A_97 = tpu.memref_slice %arg7[%dma_wait3A_96] : memref<256xi32, #tpu.memory_space<vmem>> -> memref<128xi32, #tpu.memory_space<vmem>>
          %dma_wait3A_98 = tpu.memref_slice %arg3[%add3A, %mul3A_70] : memref<32x10240xi32, #tpu.memory_space<hbm>> -> memref<1x128xi32, #tpu.memory_space<hbm>>
          %dma_wait3A_99 = tpu.memref_squeeze %dma_wait3A_98 : memref<1x128xi32, #tpu.memory_space<hbm>> -> memref<128xi32, #tpu.memory_space<hbm>>
          tpu.wait_dma2 semaphore(%run_scoped3A_83 : memref<!tpu.dma_semaphore, #tpu.memory_space<semaphore_mem>>) src(%dma_wait3A_99 : memref<128xi32, #tpu.memory_space<hbm>>) dst(%dma_wait3A_97 : memref<128xi32, #tpu.memory_space<vmem>>)
          tpu.yield
        }) : () -> ()
        %mul3A_71 = arith.constant 128 : i32
        %mul3A_72 = arith.muli %add3A_68, %mul3A_71 : i32
        "tpu.region"() ({
          %run_scoped3A_83 = tpu.sem_alloc : memref<!tpu.dma_semaphore, #tpu.memory_space<semaphore_mem>>
          %dma_start3A_84 = arith.constant 0 : i32
          %dma_start3A_85 = tpu.memref_slice %arg8[%dma_start3A_84] : memref<256xi32, #tpu.memory_space<vmem>> -> memref<128xi32, #tpu.memory_space<vmem>>
          %dma_start3A_86 = tpu.memref_slice %arg4[%add3A, %mul3A_72] : memref<32x10240xi32, #tpu.memory_space<hbm>> -> memref<1x128xi32, #tpu.memory_space<hbm>>
          %dma_start3A_87 = tpu.memref_squeeze %dma_start3A_86 : memref<1x128xi32, #tpu.memory_space<hbm>> -> memref<128xi32, #tpu.memory_space<hbm>>
          %dma_start3A_88 = arith.constant 0 : i32
          %dma_start3A_89 = tpu.memref_slice %arg8[%dma_start3A_88] : memref<256xi32, #tpu.memory_space<vmem>> -> memref<128xi32, #tpu.memory_space<vmem>>
          %dma_start3A_90 = tpu.memref_slice %arg4[%add3A, %mul3A_72] : memref<32x10240xi32, #tpu.memory_space<hbm>> -> memref<1x128xi32, #tpu.memory_space<hbm>>
          %dma_start3A_91 = tpu.memref_squeeze %dma_start3A_90 : memref<1x128xi32, #tpu.memory_space<hbm>> -> memref<128xi32, #tpu.memory_space<hbm>>
          tpu.enqueue_dma source(%dma_start3A_91 : memref<128xi32, #tpu.memory_space<hbm>>) target(%dma_start3A_89 : memref<128xi32, #tpu.memory_space<vmem>>) target_semaphore(%run_scoped3A_83 : memref<!tpu.dma_semaphore, #tpu.memory_space<semaphore_mem>>)
          %dma_wait3A_92 = arith.constant 0 : i32
          %dma_wait3A_93 = tpu.memref_slice %arg8[%dma_wait3A_92] : memref<256xi32, #tpu.memory_space<vmem>> -> memref<128xi32, #tpu.memory_space<vmem>>
          %dma_wait3A_94 = tpu.memref_slice %arg4[%add3A, %mul3A_72] : memref<32x10240xi32, #tpu.memory_space<hbm>> -> memref<1x128xi32, #tpu.memory_space<hbm>>
          %dma_wait3A_95 = tpu.memref_squeeze %dma_wait3A_94 : memref<1x128xi32, #tpu.memory_space<hbm>> -> memref<128xi32, #tpu.memory_space<hbm>>
          %dma_wait3A_96 = arith.constant 0 : i32
          %dma_wait3A_97 = tpu.memref_slice %arg8[%dma_wait3A_96] : memref<256xi32, #tpu.memory_space<vmem>> -> memref<128xi32, #tpu.memory_space<vmem>>
          %dma_wait3A_98 = tpu.memref_slice %arg4[%add3A, %mul3A_72] : memref<32x10240xi32, #tpu.memory_space<hbm>> -> memref<1x128xi32, #tpu.memory_space<hbm>>
          %dma_wait3A_99 = tpu.memref_squeeze %dma_wait3A_98 : memref<1x128xi32, #tpu.memory_space<hbm>> -> memref<128xi32, #tpu.memory_space<hbm>>
          tpu.wait_dma2 semaphore(%run_scoped3A_83 : memref<!tpu.dma_semaphore, #tpu.memory_space<semaphore_mem>>) src(%dma_wait3A_99 : memref<128xi32, #tpu.memory_space<hbm>>) dst(%dma_wait3A_97 : memref<128xi32, #tpu.memory_space<vmem>>)
          tpu.yield
        }) : () -> ()
        %dma_start3A_73 = arith.constant 0 : i32
        %dma_start3A_74 = arith.constant 0 : i32
        %dma_start3A_75 = arith.constant 0 : i32
        %dma_start3A_76 = tpu.memref_slice %arg9[%dma_start3A_73, %dma_start3A_74, %dma_start3A_75] : memref<2x128x128xf32, #tpu.memory_space<vmem>> -> memref<1x128x128xf32, #tpu.memory_space<vmem>>
        %dma_start3A_77 = tpu.memref_squeeze %dma_start3A_76 : memref<1x128x128xf32, #tpu.memory_space<vmem>> -> memref<128x128xf32, #tpu.memory_space<vmem>>
        %dma_start3A_78 = arith.constant 0 : i32
        %dma_start3A_79 = tpu.memref_slice %arg7[%dma_start3A_78] : memref<256xi32, #tpu.memory_space<vmem>> -> memref<128xi32, #tpu.memory_space<vmem>>
        %dma_start3A_80 = arith.constant 0 : i32
        %dma_start3A_81 = arith.constant 0 : i32
        %dma_start3A_82 = tpu.memref_slice %arg2[%dma_start3A_80, %dma_start3A_81] : memref<10112x128xf32, #tpu.memory_space<hbm>> -> memref<10112x128xf32, #tpu.memory_space<hbm>>
        tpu.enqueue_indirect_dma source(%dma_start3A_82 : memref<10112x128xf32, #tpu.memory_space<hbm>>) target(%dma_start3A_77 : memref<128x128xf32, #tpu.memory_space<vmem>>) offsets(%dma_start3A_79 : memref<128xi32, #tpu.memory_space<vmem>>) semaphore(%arg11 : memref<!tpu.dma_semaphore, #tpu.memory_space<semaphore_mem>>)
      } else {
      }
      %dma_wait3A_56 = arith.constant 1 : i32
      %dma_wait3A_57 = arith.constant 0 : i32
      %dma_wait3A_58 = arith.constant 0 : i32
      %dma_wait3A_59 = tpu.memref_slice %arg9[%dma_wait3A_56, %dma_wait3A_57, %dma_wait3A_58] : memref<2x128x128xf32, #tpu.memory_space<vmem>> -> memref<1x128x128xf32, #tpu.memory_space<vmem>>
      %dma_wait3A_60 = tpu.memref_squeeze %dma_wait3A_59 : memref<1x128x128xf32, #tpu.memory_space<vmem>> -> memref<128x128xf32, #tpu.memory_space<vmem>>
      %dma_wait3A_61 = arith.constant 128 : i32
      %dma_wait3A_62 = tpu.memref_slice %arg7[%dma_wait3A_61] : memref<256xi32, #tpu.memory_space<vmem>> -> memref<128xi32, #tpu.memory_space<vmem>>
      %dma_wait3A_63 = arith.constant 0 : i32
      %dma_wait3A_64 = arith.constant 0 : i32
      %dma_wait3A_65 = tpu.memref_slice %arg2[%dma_wait3A_63, %dma_wait3A_64] : memref<10112x128xf32, #tpu.memory_space<hbm>> -> memref<10112x128xf32, #tpu.memory_space<hbm>>
      tpu.wait_indirect_dma semaphore(%arg12 : memref<!tpu.dma_semaphore, #tpu.memory_space<semaphore_mem>>) src(%dma_wait3A_65 : memref<10112x128xf32, #tpu.memory_space<hbm>>) dst(%dma_wait3A_60 : memref<128x128xf32, #tpu.memory_space<vmem>>)
      %run_scoped3A_66 = arith.constant 1 : i32
      "tpu.region"() ({
        %run_scoped3A_67 = tpu.sem_alloc : memref<!tpu.dma_semaphore, #tpu.memory_space<semaphore_mem>>
        %dma_start3A_68 = arith.constant 0 : i32
        %dma_start3A_69 = arith.constant 0 : i32
        %dma_start3A_70 = tpu.memref_slice %arg9[%run_scoped3A_66, %dma_start3A_68, %dma_start3A_69] : memref<2x128x128xf32, #tpu.memory_space<vmem>> -> memref<1x128x128xf32, #tpu.memory_space<vmem>>
        %dma_start3A_71 = tpu.memref_squeeze %dma_start3A_70 : memref<1x128x128xf32, #tpu.memory_space<vmem>> -> memref<128x128xf32, #tpu.memory_space<vmem>>
        %dma_start3A_72 = arith.constant 128 : i32
        %dma_start3A_73 = tpu.memref_slice %arg8[%dma_start3A_72] : memref<256xi32, #tpu.memory_space<vmem>> -> memref<128xi32, #tpu.memory_space<vmem>>
        %dma_start3A_74 = arith.constant 0 : i32
        %dma_start3A_75 = arith.constant 0 : i32
        %dma_start3A_76 = tpu.memref_slice %arg10[%dma_start3A_74, %dma_start3A_75] : memref<10112x128xf32, #tpu.memory_space<vmem_shared>> -> memref<10112x128xf32, #tpu.memory_space<vmem_shared>>
        tpu.enqueue_indirect_dma source(%dma_start3A_71 : memref<128x128xf32, #tpu.memory_space<vmem>>) target(%dma_start3A_76 : memref<10112x128xf32, #tpu.memory_space<vmem_shared>>) offsets(%dma_start3A_73 : memref<128xi32, #tpu.memory_space<vmem>>) semaphore(%run_scoped3A_67 : memref<!tpu.dma_semaphore, #tpu.memory_space<semaphore_mem>>) {add = true}
        %dma_wait3A_77 = arith.constant 0 : i32
        %dma_wait3A_78 = arith.constant 0 : i32
        %dma_wait3A_79 = tpu.memref_slice %arg9[%run_scoped3A_66, %dma_wait3A_77, %dma_wait3A_78] : memref<2x128x128xf32, #tpu.memory_space<vmem>> -> memref<1x128x128xf32, #tpu.memory_space<vmem>>
        %dma_wait3A_80 = tpu.memref_squeeze %dma_wait3A_79 : memref<1x128x128xf32, #tpu.memory_space<vmem>> -> memref<128x128xf32, #tpu.memory_space<vmem>>
        %dma_wait3A_81 = arith.constant 128 : i32
        %dma_wait3A_82 = tpu.memref_slice %arg8[%dma_wait3A_81] : memref<256xi32, #tpu.memory_space<vmem>> -> memref<128xi32, #tpu.memory_space<vmem>>
        %dma_wait3A_83 = arith.constant 0 : i32
        %dma_wait3A_84 = arith.constant 0 : i32
        %dma_wait3A_85 = tpu.memref_slice %arg10[%dma_wait3A_83, %dma_wait3A_84] : memref<10112x128xf32, #tpu.memory_space<vmem_shared>> -> memref<10112x128xf32, #tpu.memory_space<vmem_shared>>
        tpu.wait_indirect_dma semaphore(%run_scoped3A_67 : memref<!tpu.dma_semaphore, #tpu.memory_space<semaphore_mem>>) src(%dma_wait3A_80 : memref<128x128xf32, #tpu.memory_space<vmem>>) dst(%dma_wait3A_85 : memref<10112x128xf32, #tpu.memory_space<vmem_shared>>)
        tpu.yield
      }) : () -> ()
    }
    %scan3A_18 = arith.constant 40 : i32
    %barrier3A_19 = arith.constant 0 : index
    tpu.barrier barrier_id(%barrier3A_19)
    %mul3A_20 = arith.constant 632 : i32
    %mul3A_21 = arith.muli %arg1, %mul3A_20 : i32
    %mul3A_22 = arith.constant 632 : i32
    %mul3A_23 = arith.muli %arg1, %mul3A_22 : i32
    "tpu.region"() ({
      %run_scoped3A = tpu.sem_alloc : memref<!tpu.dma_semaphore, #tpu.memory_space<semaphore_mem>>
      %dma_start3A_24 = arith.constant 0 : i32
      %dma_start3A_25 = tpu.memref_slice %arg6[%arg0, %mul3A_23, %dma_start3A_24] : memref<2x10112x128xf32, #tpu.memory_space<hbm>> -> memref<1x632x128xf32, #tpu.memory_space<hbm>>
      %dma_start3A_26 = tpu.memref_squeeze %dma_start3A_25 : memref<1x632x128xf32, #tpu.memory_space<hbm>> -> memref<632x128xf32, #tpu.memory_space<hbm>>
      %dma_start3A_27 = arith.constant 0 : i32
      %dma_start3A_28 = tpu.memref_slice %arg10[%mul3A_21, %dma_start3A_27] : memref<10112x128xf32, #tpu.memory_space<vmem_shared>> -> memref<632x128xf32, #tpu.memory_space<vmem_shared>>
      tpu.enqueue_dma source(%dma_start3A_28 : memref<632x128xf32, #tpu.memory_space<vmem_shared>>) target(%dma_start3A_26 : memref<632x128xf32, #tpu.memory_space<hbm>>) target_semaphore(%run_scoped3A : memref<!tpu.dma_semaphore, #tpu.memory_space<semaphore_mem>>)
      %dma_wait3A = arith.constant 0 : i32
      %dma_wait3A_29 = tpu.memref_slice %arg6[%arg0, %mul3A_23, %dma_wait3A] : memref<2x10112x128xf32, #tpu.memory_space<hbm>> -> memref<1x632x128xf32, #tpu.memory_space<hbm>>
      %dma_wait3A_30 = tpu.memref_squeeze %dma_wait3A_29 : memref<1x632x128xf32, #tpu.memory_space<hbm>> -> memref<632x128xf32, #tpu.memory_space<hbm>>
      %dma_wait3A_31 = arith.constant 0 : i32
      %dma_wait3A_32 = tpu.memref_slice %arg10[%mul3A_21, %dma_wait3A_31] : memref<10112x128xf32, #tpu.memory_space<vmem_shared>> -> memref<632x128xf32, #tpu.memory_space<vmem_shared>>
      tpu.wait_dma2 semaphore(%run_scoped3A : memref<!tpu.dma_semaphore, #tpu.memory_space<semaphore_mem>>) src(%dma_wait3A_32 : memref<632x128xf32, #tpu.memory_space<vmem_shared>>) dst(%dma_wait3A_30 : memref<632x128xf32, #tpu.memory_space<hbm>>)
      tpu.yield
    }) : () -> ()
    return
  }
}

module attributes {stable_mosaic.version = 14 : i64} {
  func.func @body(%arg0: i32, %arg1: memref<1264x128xf32, #tpu.memory_space<vmem>>, %arg2: memref<1264x128xf32, #tpu.memory_space<vmem>>, %arg3: memref<2x1264x128xf32, #tpu.memory_space<vmem>>, %arg4: memref<1264x128xf32, #tpu.memory_space<vmem>>, %arg5: memref<128x256xf32, #tpu.memory_space<vmem>>, %arg6: memref<128x256xf32, #tpu.memory_space<vmem>>, %arg7: memref<1x256xf32, #tpu.memory_space<vmem>>, %arg8: memref<256x128xf32, #tpu.memory_space<vmem>>, %arg9: memref<1264x256xf32, #tpu.memory_space<vmem>>, %arg10: memref<1264x128xf32, #tpu.memory_space<vmem>>) attributes {dimension_semantics = [#tpu.dimension_semantics<arbitrary>], iteration_bounds = array<i64: 8>, scalar_prefetch = 0 : i64, scratch_operands = 0 : i64, tpu.core_type = #tpu.core_type<tc>, window_params = [{transform_indices = @transform_0, window_bounds = array<i64: 1264, 128>}, {transform_indices = @transform_1, window_bounds = array<i64: 1264, 128>}, {transform_indices = @transform_2, window_bounds = array<i64: 2, 1264, 128>}, {transform_indices = @transform_3, window_bounds = array<i64: 1264, 128>}, {pipeline_mode = #tpu.pipeline_mode<synchronous>, transform_indices = @transform_4, window_bounds = array<i64: 128, 256>}, {pipeline_mode = #tpu.pipeline_mode<synchronous>, transform_indices = @transform_5, window_bounds = array<i64: 128, 256>}, {pipeline_mode = #tpu.pipeline_mode<synchronous>, transform_indices = @transform_6, window_bounds = array<i64: 1, 256>}, {pipeline_mode = #tpu.pipeline_mode<synchronous>, transform_indices = @transform_7, window_bounds = array<i64: 256, 128>}, {transform_indices = @transform_8, window_bounds = array<i64: 1264, 256>}, {transform_indices = @transform_9, window_bounds = array<i64: 1264, 128>}]} {
    %get3A = arith.constant 0 : index
    %get3A_0 = arith.constant 0 : index
    %get3A_1 = arith.constant 0 : index
    %get3A_2 = vector.load %arg3[%get3A, %get3A_0, %get3A_1] : memref<2x1264x128xf32, #tpu.memory_space<vmem>>, vector<1x1264x128xf32>
    %get3A_3 = vector.shape_cast %get3A_2 : vector<1x1264x128xf32> to vector<1264x128xf32>
    %get3A_4 = arith.constant 1 : index
    %get3A_5 = arith.constant 0 : index
    %get3A_6 = arith.constant 0 : index
    %get3A_7 = vector.load %arg3[%get3A_4, %get3A_5, %get3A_6] : memref<2x1264x128xf32, #tpu.memory_space<vmem>>, vector<1x1264x128xf32>
    %get3A_8 = vector.shape_cast %get3A_7 : vector<1x1264x128xf32> to vector<1264x128xf32>
    %add3A = arith.addf %get3A_3, %get3A_8 : vector<1264x128xf32>
    %slice3A = vector.extract_strided_slice %add3A {offsets = [0, 0], sizes = [1264, 1], strides = [1, 1]} : vector<1264x128xf32> to vector<1264x1xf32>
    %max3A = arith.constant 1.000000e+00 : f32
    %max3A_9 = vector.broadcast %max3A : f32 to vector<1264x1xf32>
    %max3A_10 = arith.maximumf %slice3A, %max3A_9 : vector<1264x1xf32>
    %get3A_11 = arith.constant 0 : index
    %get3A_12 = arith.constant 0 : index
    %get3A_13 = vector.load %arg1[%get3A_11, %get3A_12] : memref<1264x128xf32, #tpu.memory_space<vmem>>, vector<1264x128xf32>
    %get3A_14 = arith.constant 0 : index
    %get3A_15 = arith.constant 0 : index
    %get3A_16 = vector.load %arg2[%get3A_14, %get3A_15] : memref<1264x128xf32, #tpu.memory_space<vmem>>, vector<1264x128xf32>
    %add3A_17 = arith.addf %get3A_13, %get3A_16 : vector<1264x128xf32>
    %div3A = vector.broadcast %max3A_10 : vector<1264x1xf32> to vector<1264x128xf32>
    %div3A_18 = arith.divf %add3A_17, %div3A : vector<1264x128xf32>
    %get3A_19 = arith.constant 0 : index
    %get3A_20 = arith.constant 0 : index
    %get3A_21 = vector.load %arg5[%get3A_19, %get3A_20] : memref<128x256xf32, #tpu.memory_space<vmem>>, vector<128x256xf32>
    %dot_general3A = arith.constant dense<0.000000e+00> : vector<1264x256xf32>
    %dot_general3A_22 = tpu.matmul %div3A_18, %get3A_21, %dot_general3A {dimension_numbers = #tpu.dot_dimension_numbers<[1], [0], [0], [1], [0, 0, 1, 1], [], []>, transpose_lhs_hint = false} : vector<1264x128xf32>, vector<128x256xf32>, vector<1264x256xf32> -> vector<1264x256xf32>
    %get3A_23 = arith.constant 0 : index
    %get3A_24 = arith.constant 0 : index
    %get3A_25 = vector.load %arg4[%get3A_23, %get3A_24] : memref<1264x128xf32, #tpu.memory_space<vmem>>, vector<1264x128xf32>
    %get3A_26 = arith.constant 0 : index
    %get3A_27 = arith.constant 0 : index
    %get3A_28 = vector.load %arg6[%get3A_26, %get3A_27] : memref<128x256xf32, #tpu.memory_space<vmem>>, vector<128x256xf32>
    %dot_general3A_29 = arith.constant dense<0.000000e+00> : vector<1264x256xf32>
    %dot_general3A_30 = tpu.matmul %get3A_25, %get3A_28, %dot_general3A_29 {dimension_numbers = #tpu.dot_dimension_numbers<[1], [0], [0], [1], [0, 0, 1, 1], [], []>, transpose_lhs_hint = false} : vector<1264x128xf32>, vector<128x256xf32>, vector<1264x256xf32> -> vector<1264x256xf32>
    %add3A_31 = arith.addf %dot_general3A_22, %dot_general3A_30 : vector<1264x256xf32>
    %get3A_32 = arith.constant 0 : index
    %get3A_33 = arith.constant 0 : index
    %get3A_34 = vector.load %arg7[%get3A_32, %get3A_33] : memref<1x256xf32, #tpu.memory_space<vmem>>, vector<1x256xf32>
    %add3A_35 = vector.broadcast %get3A_34 : vector<1x256xf32> to vector<1264x256xf32>
    %add3A_36 = arith.addf %add3A_31, %add3A_35 : vector<1264x256xf32>
    %max3A_37 = arith.constant 0.000000e+00 : f32
    %max3A_38 = vector.broadcast %max3A_37 : f32 to vector<1264x256xf32>
    %max3A_39 = arith.maximumf %add3A_36, %max3A_38 : vector<1264x256xf32>
    %swap3A = arith.constant 0 : index
    %swap3A_40 = arith.constant 0 : index
    %swap3A_41 = vector.load %arg9[%swap3A, %swap3A_40] : memref<1264x256xf32, #tpu.memory_space<vmem>>, vector<1264x256xf32>
    tpu.vector_store %arg9[%swap3A, %swap3A_40], %max3A_39 {strides = array<i32>} : memref<1264x256xf32, #tpu.memory_space<vmem>>, vector<1264x256xf32>,
    %get3A_42 = arith.constant 0 : index
    %get3A_43 = arith.constant 0 : index
    %get3A_44 = vector.load %arg8[%get3A_42, %get3A_43] : memref<256x128xf32, #tpu.memory_space<vmem>>, vector<256x128xf32>
    %dot_general3A_45 = arith.constant dense<0.000000e+00> : vector<1264x128xf32>
    %dot_general3A_46 = tpu.matmul %max3A_39, %get3A_44, %dot_general3A_45 {dimension_numbers = #tpu.dot_dimension_numbers<[1], [0], [0], [1], [0, 0, 1, 1], [], []>, transpose_lhs_hint = false} : vector<1264x256xf32>, vector<256x128xf32>, vector<1264x128xf32> -> vector<1264x128xf32>
    %swap3A_47 = arith.constant 0 : index
    %swap3A_48 = arith.constant 0 : index
    %swap3A_49 = vector.load %arg10[%swap3A_47, %swap3A_48] : memref<1264x128xf32, #tpu.memory_space<vmem>>, vector<1264x128xf32>
    tpu.vector_store %arg10[%swap3A_47, %swap3A_48], %dot_general3A_46 {strides = array<i32>} : memref<1264x128xf32, #tpu.memory_space<vmem>>, vector<1264x128xf32>,
    return
  }
  func.func @transform_0(%arg0: i32) -> (i32, i32) {
    %c0_i32 = arith.constant 0 : i32
    %c0_i32_0 = arith.constant 0 : i32
    return %arg0, %c0_i32 : i32, i32
  }
  func.func @transform_1(%arg0: i32) -> (i32, i32) {
    %c0_i32 = arith.constant 0 : i32
    %c0_i32_0 = arith.constant 0 : i32
    return %arg0, %c0_i32 : i32, i32
  }
  func.func @transform_2(%arg0: i32) -> (i32, i32, i32) {
    %c0_i32 = arith.constant 0 : i32
    %c0_i32_0 = arith.constant 0 : i32
    %c0_i32_1 = arith.constant 0 : i32
    return %c0_i32, %arg0, %c0_i32_0 : i32, i32, i32
  }
  func.func @transform_3(%arg0: i32) -> (i32, i32) {
    %c0_i32 = arith.constant 0 : i32
    %c0_i32_0 = arith.constant 0 : i32
    return %arg0, %c0_i32 : i32, i32
  }
  func.func @transform_4(%arg0: i32) -> (i32, i32) {
    %c0_i32 = arith.constant 0 : i32
    %c0_i32_0 = arith.constant 0 : i32
    %c0_i32_1 = arith.constant 0 : i32
    return %c0_i32, %c0_i32_0 : i32, i32
  }
  func.func @transform_5(%arg0: i32) -> (i32, i32) {
    %c0_i32 = arith.constant 0 : i32
    %c0_i32_0 = arith.constant 0 : i32
    %c0_i32_1 = arith.constant 0 : i32
    return %c0_i32, %c0_i32_0 : i32, i32
  }
  func.func @transform_6(%arg0: i32) -> (i32, i32) {
    %c0_i32 = arith.constant 0 : i32
    %c0_i32_0 = arith.constant 0 : i32
    %c0_i32_1 = arith.constant 0 : i32
    return %c0_i32, %c0_i32_0 : i32, i32
  }
  func.func @transform_7(%arg0: i32) -> (i32, i32) {
    %c0_i32 = arith.constant 0 : i32
    %c0_i32_0 = arith.constant 0 : i32
    %c0_i32_1 = arith.constant 0 : i32
    return %c0_i32, %c0_i32_0 : i32, i32
  }
  func.func @transform_8(%arg0: i32) -> (i32, i32) {
    %c0_i32 = arith.constant 0 : i32
    %c0_i32_0 = arith.constant 0 : i32
    return %arg0, %c0_i32 : i32, i32
  }
  func.func @transform_9(%arg0: i32) -> (i32, i32) {
    %c0_i32 = arith.constant 0 : i32
    %c0_i32_0 = arith.constant 0 : i32
    return %arg0, %c0_i32 : i32, i32
  }
}

module attributes {stable_mosaic.version = 14 : i64} {
  func.func @body(%arg0: i32, %arg1: memref<1264x128xf32, #tpu.memory_space<vmem>>, %arg2: memref<1264x128xf32, #tpu.memory_space<vmem>>, %arg3: memref<2x1264x128xf32, #tpu.memory_space<vmem>>, %arg4: memref<1264x256xf32, #tpu.memory_space<vmem>>, %arg5: memref<256x128xf32, #tpu.memory_space<vmem>>, %arg6: memref<1x128xf32, #tpu.memory_space<vmem>>, %arg7: memref<1264x128xf32, #tpu.memory_space<vmem>>) attributes {dimension_semantics = [#tpu.dimension_semantics<arbitrary>], iteration_bounds = array<i64: 8>, scalar_prefetch = 0 : i64, scratch_operands = 0 : i64, tpu.core_type = #tpu.core_type<tc>, window_params = [{transform_indices = @transform_0, window_bounds = array<i64: 1264, 128>}, {transform_indices = @transform_1, window_bounds = array<i64: 1264, 128>}, {transform_indices = @transform_2, window_bounds = array<i64: 2, 1264, 128>}, {transform_indices = @transform_3, window_bounds = array<i64: 1264, 256>}, {pipeline_mode = #tpu.pipeline_mode<synchronous>, transform_indices = @transform_4, window_bounds = array<i64: 256, 128>}, {pipeline_mode = #tpu.pipeline_mode<synchronous>, transform_indices = @transform_5, window_bounds = array<i64: 1, 128>}, {transform_indices = @transform_6, window_bounds = array<i64: 1264, 128>}]} {
    %get3A = arith.constant 0 : index
    %get3A_0 = arith.constant 0 : index
    %get3A_1 = arith.constant 0 : index
    %get3A_2 = vector.load %arg3[%get3A, %get3A_0, %get3A_1] : memref<2x1264x128xf32, #tpu.memory_space<vmem>>, vector<1x1264x128xf32>
    %get3A_3 = vector.shape_cast %get3A_2 : vector<1x1264x128xf32> to vector<1264x128xf32>
    %get3A_4 = arith.constant 1 : index
    %get3A_5 = arith.constant 0 : index
    %get3A_6 = arith.constant 0 : index
    %get3A_7 = vector.load %arg3[%get3A_4, %get3A_5, %get3A_6] : memref<2x1264x128xf32, #tpu.memory_space<vmem>>, vector<1x1264x128xf32>
    %get3A_8 = vector.shape_cast %get3A_7 : vector<1x1264x128xf32> to vector<1264x128xf32>
    %add3A = arith.addf %get3A_3, %get3A_8 : vector<1264x128xf32>
    %slice3A = vector.extract_strided_slice %add3A {offsets = [0, 0], sizes = [1264, 1], strides = [1, 1]} : vector<1264x128xf32> to vector<1264x1xf32>
    %max3A = arith.constant 1.000000e+00 : f32
    %max3A_9 = vector.broadcast %max3A : f32 to vector<1264x1xf32>
    %max3A_10 = arith.maximumf %slice3A, %max3A_9 : vector<1264x1xf32>
    %get3A_11 = arith.constant 0 : index
    %get3A_12 = arith.constant 0 : index
    %get3A_13 = vector.load %arg1[%get3A_11, %get3A_12] : memref<1264x128xf32, #tpu.memory_space<vmem>>, vector<1264x128xf32>
    %get3A_14 = arith.constant 0 : index
    %get3A_15 = arith.constant 0 : index
    %get3A_16 = vector.load %arg2[%get3A_14, %get3A_15] : memref<1264x128xf32, #tpu.memory_space<vmem>>, vector<1264x128xf32>
    %add3A_17 = arith.addf %get3A_13, %get3A_16 : vector<1264x128xf32>
    %div3A = vector.broadcast %max3A_10 : vector<1264x1xf32> to vector<1264x128xf32>
    %div3A_18 = arith.divf %add3A_17, %div3A : vector<1264x128xf32>
    %get3A_19 = arith.constant 0 : index
    %get3A_20 = arith.constant 0 : index
    %get3A_21 = vector.load %arg4[%get3A_19, %get3A_20] : memref<1264x256xf32, #tpu.memory_space<vmem>>, vector<1264x256xf32>
    %get3A_22 = arith.constant 0 : index
    %get3A_23 = arith.constant 0 : index
    %get3A_24 = vector.load %arg5[%get3A_22, %get3A_23] : memref<256x128xf32, #tpu.memory_space<vmem>>, vector<256x128xf32>
    %dot_general3A = arith.constant dense<0.000000e+00> : vector<1264x128xf32>
    %dot_general3A_25 = tpu.matmul %get3A_21, %get3A_24, %dot_general3A {dimension_numbers = #tpu.dot_dimension_numbers<[1], [0], [0], [1], [0, 0, 1, 1], [], []>, transpose_lhs_hint = false} : vector<1264x256xf32>, vector<256x128xf32>, vector<1264x128xf32> -> vector<1264x128xf32>
    %add3A_26 = arith.addf %div3A_18, %dot_general3A_25 : vector<1264x128xf32>
    %get3A_27 = arith.constant 0 : index
    %get3A_28 = arith.constant 0 : index
    %get3A_29 = vector.load %arg6[%get3A_27, %get3A_28] : memref<1x128xf32, #tpu.memory_space<vmem>>, vector<1x128xf32>
    %add3A_30 = vector.broadcast %get3A_29 : vector<1x128xf32> to vector<1264x128xf32>
    %add3A_31 = arith.addf %add3A_26, %add3A_30 : vector<1264x128xf32>
    %max3A_32 = arith.constant 0.000000e+00 : f32
    %max3A_33 = vector.broadcast %max3A_32 : f32 to vector<1264x128xf32>
    %max3A_34 = arith.maximumf %add3A_31, %max3A_33 : vector<1264x128xf32>
    %swap3A = arith.constant 0 : index
    %swap3A_35 = arith.constant 0 : index
    %swap3A_36 = vector.load %arg7[%swap3A, %swap3A_35] : memref<1264x128xf32, #tpu.memory_space<vmem>>, vector<1264x128xf32>
    tpu.vector_store %arg7[%swap3A, %swap3A_35], %max3A_34 {strides = array<i32>} : memref<1264x128xf32, #tpu.memory_space<vmem>>, vector<1264x128xf32>,
    return
  }
  func.func @transform_0(%arg0: i32) -> (i32, i32) {
    %c0_i32 = arith.constant 0 : i32
    %c0_i32_0 = arith.constant 0 : i32
    return %arg0, %c0_i32 : i32, i32
  }
  func.func @transform_1(%arg0: i32) -> (i32, i32) {
    %c0_i32 = arith.constant 0 : i32
    %c0_i32_0 = arith.constant 0 : i32
    return %arg0, %c0_i32 : i32, i32
  }
  func.func @transform_2(%arg0: i32) -> (i32, i32, i32) {
    %c0_i32 = arith.constant 0 : i32
    %c0_i32_0 = arith.constant 0 : i32
    %c0_i32_1 = arith.constant 0 : i32
    return %c0_i32, %arg0, %c0_i32_0 : i32, i32, i32
  }
  func.func @transform_3(%arg0: i32) -> (i32, i32) {
    %c0_i32 = arith.constant 0 : i32
    %c0_i32_0 = arith.constant 0 : i32
    return %arg0, %c0_i32 : i32, i32
  }
  func.func @transform_4(%arg0: i32) -> (i32, i32) {
    %c0_i32 = arith.constant 0 : i32
    %c0_i32_0 = arith.constant 0 : i32
    %c0_i32_1 = arith.constant 0 : i32
    return %c0_i32, %c0_i32_0 : i32, i32
  }
  func.func @transform_5(%arg0: i32) -> (i32, i32) {
    %c0_i32 = arith.constant 0 : i32
    %c0_i32_0 = arith.constant 0 : i32
    %c0_i32_1 = arith.constant 0 : i32
    return %c0_i32, %c0_i32_0 : i32, i32
  }
  func.func @transform_6(%arg0: i32) -> (i32, i32) {
    %c0_i32 = arith.constant 0 : i32
    %c0_i32_0 = arith.constant 0 : i32
    return %arg0, %c0_i32 : i32, i32
  }
}

module attributes {stable_mosaic.version = 14 : i64} {
  func.func @body(%arg0: i32, %arg1: memref<1264x128xf32, #tpu.memory_space<vmem>>, %arg2: memref<1264x128xf32, #tpu.memory_space<vmem>>, %arg3: memref<2x1264x128xf32, #tpu.memory_space<vmem>>, %arg4: memref<1264x128xf32, #tpu.memory_space<vmem>>, %arg5: memref<128x128xf32, #tpu.memory_space<vmem>>, %arg6: memref<128x128xf32, #tpu.memory_space<vmem>>, %arg7: memref<1x128xf32, #tpu.memory_space<vmem>>, %arg8: memref<1264x128xf32, #tpu.memory_space<vmem>>) attributes {dimension_semantics = [#tpu.dimension_semantics<arbitrary>], iteration_bounds = array<i64: 8>, scalar_prefetch = 0 : i64, scratch_operands = 0 : i64, tpu.core_type = #tpu.core_type<tc>, window_params = [{transform_indices = @transform_0, window_bounds = array<i64: 1264, 128>}, {transform_indices = @transform_1, window_bounds = array<i64: 1264, 128>}, {transform_indices = @transform_2, window_bounds = array<i64: 2, 1264, 128>}, {transform_indices = @transform_3, window_bounds = array<i64: 1264, 128>}, {pipeline_mode = #tpu.pipeline_mode<synchronous>, transform_indices = @transform_4, window_bounds = array<i64: 128, 128>}, {pipeline_mode = #tpu.pipeline_mode<synchronous>, transform_indices = @transform_5, window_bounds = array<i64: 128, 128>}, {pipeline_mode = #tpu.pipeline_mode<synchronous>, transform_indices = @transform_6, window_bounds = array<i64: 1, 128>}, {transform_indices = @transform_7, window_bounds = array<i64: 1264, 128>}]} {
    %get3A = arith.constant 0 : index
    %get3A_0 = arith.constant 0 : index
    %get3A_1 = arith.constant 0 : index
    %get3A_2 = vector.load %arg3[%get3A, %get3A_0, %get3A_1] : memref<2x1264x128xf32, #tpu.memory_space<vmem>>, vector<1x1264x128xf32>
    %get3A_3 = vector.shape_cast %get3A_2 : vector<1x1264x128xf32> to vector<1264x128xf32>
    %get3A_4 = arith.constant 1 : index
    %get3A_5 = arith.constant 0 : index
    %get3A_6 = arith.constant 0 : index
    %get3A_7 = vector.load %arg3[%get3A_4, %get3A_5, %get3A_6] : memref<2x1264x128xf32, #tpu.memory_space<vmem>>, vector<1x1264x128xf32>
    %get3A_8 = vector.shape_cast %get3A_7 : vector<1x1264x128xf32> to vector<1264x128xf32>
    %add3A = arith.addf %get3A_3, %get3A_8 : vector<1264x128xf32>
    %slice3A = vector.extract_strided_slice %add3A {offsets = [0, 0], sizes = [1264, 1], strides = [1, 1]} : vector<1264x128xf32> to vector<1264x1xf32>
    %max3A = arith.constant 1.000000e+00 : f32
    %max3A_9 = vector.broadcast %max3A : f32 to vector<1264x1xf32>
    %max3A_10 = arith.maximumf %slice3A, %max3A_9 : vector<1264x1xf32>
    %get3A_11 = arith.constant 0 : index
    %get3A_12 = arith.constant 0 : index
    %get3A_13 = vector.load %arg1[%get3A_11, %get3A_12] : memref<1264x128xf32, #tpu.memory_space<vmem>>, vector<1264x128xf32>
    %get3A_14 = arith.constant 0 : index
    %get3A_15 = arith.constant 0 : index
    %get3A_16 = vector.load %arg2[%get3A_14, %get3A_15] : memref<1264x128xf32, #tpu.memory_space<vmem>>, vector<1264x128xf32>
    %add3A_17 = arith.addf %get3A_13, %get3A_16 : vector<1264x128xf32>
    %div3A = vector.broadcast %max3A_10 : vector<1264x1xf32> to vector<1264x128xf32>
    %div3A_18 = arith.divf %add3A_17, %div3A : vector<1264x128xf32>
    %get3A_19 = arith.constant 0 : index
    %get3A_20 = arith.constant 0 : index
    %get3A_21 = vector.load %arg5[%get3A_19, %get3A_20] : memref<128x128xf32, #tpu.memory_space<vmem>>, vector<128x128xf32>
    %dot_general3A = arith.constant dense<0.000000e+00> : vector<1264x128xf32>
    %dot_general3A_22 = tpu.matmul %div3A_18, %get3A_21, %dot_general3A {dimension_numbers = #tpu.dot_dimension_numbers<[1], [0], [0], [1], [0, 0, 1, 1], [], []>, transpose_lhs_hint = false} : vector<1264x128xf32>, vector<128x128xf32>, vector<1264x128xf32> -> vector<1264x128xf32>
    %get3A_23 = arith.constant 0 : index
    %get3A_24 = arith.constant 0 : index
    %get3A_25 = vector.load %arg4[%get3A_23, %get3A_24] : memref<1264x128xf32, #tpu.memory_space<vmem>>, vector<1264x128xf32>
    %get3A_26 = arith.constant 0 : index
    %get3A_27 = arith.constant 0 : index
    %get3A_28 = vector.load %arg6[%get3A_26, %get3A_27] : memref<128x128xf32, #tpu.memory_space<vmem>>, vector<128x128xf32>
    %dot_general3A_29 = arith.constant dense<0.000000e+00> : vector<1264x128xf32>
    %dot_general3A_30 = tpu.matmul %get3A_25, %get3A_28, %dot_general3A_29 {dimension_numbers = #tpu.dot_dimension_numbers<[1], [0], [0], [1], [0, 0, 1, 1], [], []>, transpose_lhs_hint = false} : vector<1264x128xf32>, vector<128x128xf32>, vector<1264x128xf32> -> vector<1264x128xf32>
    %add3A_31 = arith.addf %dot_general3A_22, %dot_general3A_30 : vector<1264x128xf32>
    %get3A_32 = arith.constant 0 : index
    %get3A_33 = arith.constant 0 : index
    %get3A_34 = vector.load %arg7[%get3A_32, %get3A_33] : memref<1x128xf32, #tpu.memory_space<vmem>>, vector<1x128xf32>
    %add3A_35 = vector.broadcast %get3A_34 : vector<1x128xf32> to vector<1264x128xf32>
    %add3A_36 = arith.addf %add3A_31, %add3A_35 : vector<1264x128xf32>
    %max3A_37 = arith.constant 0.000000e+00 : f32
    %max3A_38 = vector.broadcast %max3A_37 : f32 to vector<1264x128xf32>
    %max3A_39 = arith.maximumf %add3A_36, %max3A_38 : vector<1264x128xf32>
    %swap3A = arith.constant 0 : index
    %swap3A_40 = arith.constant 0 : index
    %swap3A_41 = vector.load %arg8[%swap3A, %swap3A_40] : memref<1264x128xf32, #tpu.memory_space<vmem>>, vector<1264x128xf32>
    tpu.vector_store %arg8[%swap3A, %swap3A_40], %max3A_39 {strides = array<i32>} : memref<1264x128xf32, #tpu.memory_space<vmem>>, vector<1264x128xf32>,
    return
  }
  func.func @transform_0(%arg0: i32) -> (i32, i32) {
    %c0_i32 = arith.constant 0 : i32
    %c0_i32_0 = arith.constant 0 : i32
    return %arg0, %c0_i32 : i32, i32
  }
  func.func @transform_1(%arg0: i32) -> (i32, i32) {
    %c0_i32 = arith.constant 0 : i32
    %c0_i32_0 = arith.constant 0 : i32
    return %arg0, %c0_i32 : i32, i32
  }
  func.func @transform_2(%arg0: i32) -> (i32, i32, i32) {
    %c0_i32 = arith.constant 0 : i32
    %c0_i32_0 = arith.constant 0 : i32
    %c0_i32_1 = arith.constant 0 : i32
    return %c0_i32, %arg0, %c0_i32_0 : i32, i32, i32
  }
  func.func @transform_3(%arg0: i32) -> (i32, i32) {
    %c0_i32 = arith.constant 0 : i32
    %c0_i32_0 = arith.constant 0 : i32
    return %arg0, %c0_i32 : i32, i32
  }
  func.func @transform_4(%arg0: i32) -> (i32, i32) {
    %c0_i32 = arith.constant 0 : i32
    %c0_i32_0 = arith.constant 0 : i32
    %c0_i32_1 = arith.constant 0 : i32
    return %c0_i32, %c0_i32_0 : i32, i32
  }
  func.func @transform_5(%arg0: i32) -> (i32, i32) {
    %c0_i32 = arith.constant 0 : i32
    %c0_i32_0 = arith.constant 0 : i32
    %c0_i32_1 = arith.constant 0 : i32
    return %c0_i32, %c0_i32_0 : i32, i32
  }
  func.func @transform_6(%arg0: i32) -> (i32, i32) {
    %c0_i32 = arith.constant 0 : i32
    %c0_i32_0 = arith.constant 0 : i32
    %c0_i32_1 = arith.constant 0 : i32
    return %c0_i32, %c0_i32_0 : i32, i32
  }
  func.func @transform_7(%arg0: i32) -> (i32, i32) {
    %c0_i32 = arith.constant 0 : i32
    %c0_i32_0 = arith.constant 0 : i32
    return %arg0, %c0_i32 : i32, i32
  }
}

module attributes {stable_mosaic.version = 14 : i64} {
  func.func @body(%arg0: i32, %arg1: memref<1264x128xf32, #tpu.memory_space<vmem>>, %arg2: memref<1264x128xf32, #tpu.memory_space<vmem>>, %arg3: memref<2x1264x128xf32, #tpu.memory_space<vmem>>, %arg4: memref<1264x128xf32, #tpu.memory_space<vmem>>, %arg5: memref<128x128xf32, #tpu.memory_space<vmem>>, %arg6: memref<128x128xf32, #tpu.memory_space<vmem>>, %arg7: memref<1x128xf32, #tpu.memory_space<vmem>>, %arg8: memref<128x128xf32, #tpu.memory_space<vmem>>, %arg9: memref<1264x128xf32, #tpu.memory_space<vmem>>, %arg10: memref<1264x128xf32, #tpu.memory_space<vmem>>) attributes {dimension_semantics = [#tpu.dimension_semantics<arbitrary>], iteration_bounds = array<i64: 8>, scalar_prefetch = 0 : i64, scratch_operands = 0 : i64, tpu.core_type = #tpu.core_type<tc>, window_params = [{transform_indices = @transform_0, window_bounds = array<i64: 1264, 128>}, {transform_indices = @transform_1, window_bounds = array<i64: 1264, 128>}, {transform_indices = @transform_2, window_bounds = array<i64: 2, 1264, 128>}, {transform_indices = @transform_3, window_bounds = array<i64: 1264, 128>}, {pipeline_mode = #tpu.pipeline_mode<synchronous>, transform_indices = @transform_4, window_bounds = array<i64: 128, 128>}, {pipeline_mode = #tpu.pipeline_mode<synchronous>, transform_indices = @transform_5, window_bounds = array<i64: 128, 128>}, {pipeline_mode = #tpu.pipeline_mode<synchronous>, transform_indices = @transform_6, window_bounds = array<i64: 1, 128>}, {pipeline_mode = #tpu.pipeline_mode<synchronous>, transform_indices = @transform_7, window_bounds = array<i64: 128, 128>}, {transform_indices = @transform_8, window_bounds = array<i64: 1264, 128>}, {transform_indices = @transform_9, window_bounds = array<i64: 1264, 128>}]} {
    %get3A = arith.constant 0 : index
    %get3A_0 = arith.constant 0 : index
    %get3A_1 = arith.constant 0 : index
    %get3A_2 = vector.load %arg3[%get3A, %get3A_0, %get3A_1] : memref<2x1264x128xf32, #tpu.memory_space<vmem>>, vector<1x1264x128xf32>
    %get3A_3 = vector.shape_cast %get3A_2 : vector<1x1264x128xf32> to vector<1264x128xf32>
    %get3A_4 = arith.constant 1 : index
    %get3A_5 = arith.constant 0 : index
    %get3A_6 = arith.constant 0 : index
    %get3A_7 = vector.load %arg3[%get3A_4, %get3A_5, %get3A_6] : memref<2x1264x128xf32, #tpu.memory_space<vmem>>, vector<1x1264x128xf32>
    %get3A_8 = vector.shape_cast %get3A_7 : vector<1x1264x128xf32> to vector<1264x128xf32>
    %add3A = arith.addf %get3A_3, %get3A_8 : vector<1264x128xf32>
    %slice3A = vector.extract_strided_slice %add3A {offsets = [0, 0], sizes = [1264, 1], strides = [1, 1]} : vector<1264x128xf32> to vector<1264x1xf32>
    %max3A = arith.constant 1.000000e+00 : f32
    %max3A_9 = vector.broadcast %max3A : f32 to vector<1264x1xf32>
    %max3A_10 = arith.maximumf %slice3A, %max3A_9 : vector<1264x1xf32>
    %get3A_11 = arith.constant 0 : index
    %get3A_12 = arith.constant 0 : index
    %get3A_13 = vector.load %arg1[%get3A_11, %get3A_12] : memref<1264x128xf32, #tpu.memory_space<vmem>>, vector<1264x128xf32>
    %get3A_14 = arith.constant 0 : index
    %get3A_15 = arith.constant 0 : index
    %get3A_16 = vector.load %arg2[%get3A_14, %get3A_15] : memref<1264x128xf32, #tpu.memory_space<vmem>>, vector<1264x128xf32>
    %add3A_17 = arith.addf %get3A_13, %get3A_16 : vector<1264x128xf32>
    %div3A = vector.broadcast %max3A_10 : vector<1264x1xf32> to vector<1264x128xf32>
    %div3A_18 = arith.divf %add3A_17, %div3A : vector<1264x128xf32>
    %get3A_19 = arith.constant 0 : index
    %get3A_20 = arith.constant 0 : index
    %get3A_21 = vector.load %arg5[%get3A_19, %get3A_20] : memref<128x128xf32, #tpu.memory_space<vmem>>, vector<128x128xf32>
    %dot_general3A = arith.constant dense<0.000000e+00> : vector<1264x128xf32>
    %dot_general3A_22 = tpu.matmul %div3A_18, %get3A_21, %dot_general3A {dimension_numbers = #tpu.dot_dimension_numbers<[1], [0], [0], [1], [0, 0, 1, 1], [], []>, transpose_lhs_hint = false} : vector<1264x128xf32>, vector<128x128xf32>, vector<1264x128xf32> -> vector<1264x128xf32>
    %get3A_23 = arith.constant 0 : index
    %get3A_24 = arith.constant 0 : index
    %get3A_25 = vector.load %arg4[%get3A_23, %get3A_24] : memref<1264x128xf32, #tpu.memory_space<vmem>>, vector<1264x128xf32>
    %get3A_26 = arith.constant 0 : index
    %get3A_27 = arith.constant 0 : index
    %get3A_28 = vector.load %arg6[%get3A_26, %get3A_27] : memref<128x128xf32, #tpu.memory_space<vmem>>, vector<128x128xf32>
    %dot_general3A_29 = arith.constant dense<0.000000e+00> : vector<1264x128xf32>
    %dot_general3A_30 = tpu.matmul %get3A_25, %get3A_28, %dot_general3A_29 {dimension_numbers = #tpu.dot_dimension_numbers<[1], [0], [0], [1], [0, 0, 1, 1], [], []>, transpose_lhs_hint = false} : vector<1264x128xf32>, vector<128x128xf32>, vector<1264x128xf32> -> vector<1264x128xf32>
    %add3A_31 = arith.addf %dot_general3A_22, %dot_general3A_30 : vector<1264x128xf32>
    %get3A_32 = arith.constant 0 : index
    %get3A_33 = arith.constant 0 : index
    %get3A_34 = vector.load %arg7[%get3A_32, %get3A_33] : memref<1x128xf32, #tpu.memory_space<vmem>>, vector<1x128xf32>
    %add3A_35 = vector.broadcast %get3A_34 : vector<1x128xf32> to vector<1264x128xf32>
    %add3A_36 = arith.addf %add3A_31, %add3A_35 : vector<1264x128xf32>
    %max3A_37 = arith.constant 0.000000e+00 : f32
    %max3A_38 = vector.broadcast %max3A_37 : f32 to vector<1264x128xf32>
    %max3A_39 = arith.maximumf %add3A_36, %max3A_38 : vector<1264x128xf32>
    %swap3A = arith.constant 0 : index
    %swap3A_40 = arith.constant 0 : index
    %swap3A_41 = vector.load %arg9[%swap3A, %swap3A_40] : memref<1264x128xf32, #tpu.memory_space<vmem>>, vector<1264x128xf32>
    tpu.vector_store %arg9[%swap3A, %swap3A_40], %max3A_39 {strides = array<i32>} : memref<1264x128xf32, #tpu.memory_space<vmem>>, vector<1264x128xf32>,
    %get3A_42 = arith.constant 0 : index
    %get3A_43 = arith.constant 0 : index
    %get3A_44 = vector.load %arg8[%get3A_42, %get3A_43] : memref<128x128xf32, #tpu.memory_space<vmem>>, vector<128x128xf32>
    %dot_general3A_45 = arith.constant dense<0.000000e+00> : vector<1264x128xf32>
    %dot_general3A_46 = tpu.matmul %max3A_39, %get3A_44, %dot_general3A_45 {dimension_numbers = #tpu.dot_dimension_numbers<[1], [0], [0], [1], [0, 0, 1, 1], [], []>, transpose_lhs_hint = false} : vector<1264x128xf32>, vector<128x128xf32>, vector<1264x128xf32> -> vector<1264x128xf32>
    %swap3A_47 = arith.constant 0 : index
    %swap3A_48 = arith.constant 0 : index
    %swap3A_49 = vector.load %arg10[%swap3A_47, %swap3A_48] : memref<1264x128xf32, #tpu.memory_space<vmem>>, vector<1264x128xf32>
    tpu.vector_store %arg10[%swap3A_47, %swap3A_48], %dot_general3A_46 {strides = array<i32>} : memref<1264x128xf32, #tpu.memory_space<vmem>>, vector<1264x128xf32>,
    return
  }
  func.func @transform_0(%arg0: i32) -> (i32, i32) {
    %c0_i32 = arith.constant 0 : i32
    %c0_i32_0 = arith.constant 0 : i32
    return %arg0, %c0_i32 : i32, i32
  }
  func.func @transform_1(%arg0: i32) -> (i32, i32) {
    %c0_i32 = arith.constant 0 : i32
    %c0_i32_0 = arith.constant 0 : i32
    return %arg0, %c0_i32 : i32, i32
  }
  func.func @transform_2(%arg0: i32) -> (i32, i32, i32) {
    %c0_i32 = arith.constant 0 : i32
    %c0_i32_0 = arith.constant 0 : i32
    %c0_i32_1 = arith.constant 0 : i32
    return %c0_i32, %arg0, %c0_i32_0 : i32, i32, i32
  }
  func.func @transform_3(%arg0: i32) -> (i32, i32) {
    %c0_i32 = arith.constant 0 : i32
    %c0_i32_0 = arith.constant 0 : i32
    return %arg0, %c0_i32 : i32, i32
  }
  func.func @transform_4(%arg0: i32) -> (i32, i32) {
    %c0_i32 = arith.constant 0 : i32
    %c0_i32_0 = arith.constant 0 : i32
    %c0_i32_1 = arith.constant 0 : i32
    return %c0_i32, %c0_i32_0 : i32, i32
  }
  func.func @transform_5(%arg0: i32) -> (i32, i32) {
    %c0_i32 = arith.constant 0 : i32
    %c0_i32_0 = arith.constant 0 : i32
    %c0_i32_1 = arith.constant 0 : i32
    return %c0_i32, %c0_i32_0 : i32, i32
  }
  func.func @transform_6(%arg0: i32) -> (i32, i32) {
    %c0_i32 = arith.constant 0 : i32
    %c0_i32_0 = arith.constant 0 : i32
    %c0_i32_1 = arith.constant 0 : i32
    return %c0_i32, %c0_i32_0 : i32, i32
  }
  func.func @transform_7(%arg0: i32) -> (i32, i32) {
    %c0_i32 = arith.constant 0 : i32
    %c0_i32_0 = arith.constant 0 : i32
    %c0_i32_1 = arith.constant 0 : i32
    return %c0_i32, %c0_i32_0 : i32, i32
  }
  func.func @transform_8(%arg0: i32) -> (i32, i32) {
    %c0_i32 = arith.constant 0 : i32
    %c0_i32_0 = arith.constant 0 : i32
    return %arg0, %c0_i32 : i32, i32
  }
  func.func @transform_9(%arg0: i32) -> (i32, i32) {
    %c0_i32 = arith.constant 0 : i32
    %c0_i32_0 = arith.constant 0 : i32
    return %arg0, %c0_i32 : i32, i32
  }
}

module attributes {stable_mosaic.version = 14 : i64} {
  func.func @body(%arg0: i32, %arg1: memref<1264x128xf32, #tpu.memory_space<vmem>>, %arg2: memref<1264x128xf32, #tpu.memory_space<vmem>>, %arg3: memref<2x1264x128xf32, #tpu.memory_space<vmem>>, %arg4: memref<1264x128xf32, #tpu.memory_space<vmem>>, %arg5: memref<128x64xf32, #tpu.memory_space<vmem>>, %arg6: memref<1x64xf32, #tpu.memory_space<vmem>>, %arg7: memref<1x64xf32, #tpu.memory_space<vmem>>, %arg8: memref<1x64xf32, #tpu.memory_space<vmem>>, %arg9: memref<1x64xf32, #tpu.memory_space<vmem>>, %arg10: memref<1x128xf32, #tpu.memory_space<vmem>>) attributes {dimension_semantics = [#tpu.dimension_semantics<arbitrary>], iteration_bounds = array<i64: 8>, scalar_prefetch = 0 : i64, scratch_operands = 2 : i64, tpu.core_type = #tpu.core_type<tc>, window_params = [{transform_indices = @transform_0, window_bounds = array<i64: 1264, 128>}, {transform_indices = @transform_1, window_bounds = array<i64: 1264, 128>}, {transform_indices = @transform_2, window_bounds = array<i64: 2, 1264, 128>}, {transform_indices = @transform_3, window_bounds = array<i64: 1264, 128>}, {pipeline_mode = #tpu.pipeline_mode<synchronous>, transform_indices = @transform_4, window_bounds = array<i64: 128, 64>}, {pipeline_mode = #tpu.pipeline_mode<synchronous>, transform_indices = @transform_5, window_bounds = array<i64: 1, 64>}, {pipeline_mode = #tpu.pipeline_mode<synchronous>, transform_indices = @transform_6, window_bounds = array<i64: 1, 64>}, {pipeline_mode = #tpu.pipeline_mode<synchronous>, transform_indices = @transform_7, window_bounds = array<i64: 1, 64>}]} {
    %eq3A = arith.constant 0 : i32
    %eq3A_0 = arith.cmpi eq, %arg0, %eq3A : i32
    %convert_element_type3A = arith.extui %eq3A_0 : i1 to i32
    %cond3A = arith.constant 0 : i32
    %cond3A_1 = arith.cmpi ne, %convert_element_type3A, %cond3A : i32
    scf.if %cond3A_1 {
      %broadcast_in_dim3A_58 = arith.constant 0.000000e+00 : f32
      %broadcast_in_dim3A_59 = vector.broadcast %broadcast_in_dim3A_58 : f32 to vector<1x64xf32>
      %swap3A_60 = arith.constant 0 : index
      %swap3A_61 = arith.constant 0 : index
      %swap3A_62 = vector.load %arg9[%swap3A_60, %swap3A_61] : memref<1x64xf32, #tpu.memory_space<vmem>>, vector<1x64xf32>
      tpu.vector_store %arg9[%swap3A_60, %swap3A_61], %broadcast_in_dim3A_59 {strides = array<i32>} : memref<1x64xf32, #tpu.memory_space<vmem>>, vector<1x64xf32>,
      %broadcast_in_dim3A_63 = arith.constant 0.000000e+00 : f32
      %broadcast_in_dim3A_64 = vector.broadcast %broadcast_in_dim3A_63 : f32 to vector<1x128xf32>
      %swap3A_65 = arith.constant 0 : index
      %swap3A_66 = arith.constant 0 : index
      %swap3A_67 = vector.load %arg10[%swap3A_65, %swap3A_66] : memref<1x128xf32, #tpu.memory_space<vmem>>, vector<1x128xf32>
      tpu.vector_store %arg10[%swap3A_65, %swap3A_66], %broadcast_in_dim3A_64 {strides = array<i32>} : memref<1x128xf32, #tpu.memory_space<vmem>>, vector<1x128xf32>,
    } else {
    }
    %get3A = arith.constant 0 : index
    %get3A_2 = arith.constant 0 : index
    %get3A_3 = arith.constant 0 : index
    %get3A_4 = vector.load %arg3[%get3A, %get3A_2, %get3A_3] : memref<2x1264x128xf32, #tpu.memory_space<vmem>>, vector<1x1264x128xf32>
    %get3A_5 = vector.shape_cast %get3A_4 : vector<1x1264x128xf32> to vector<1264x128xf32>
    %get3A_6 = arith.constant 1 : index
    %get3A_7 = arith.constant 0 : index
    %get3A_8 = arith.constant 0 : index
    %get3A_9 = vector.load %arg3[%get3A_6, %get3A_7, %get3A_8] : memref<2x1264x128xf32, #tpu.memory_space<vmem>>, vector<1x1264x128xf32>
    %get3A_10 = vector.shape_cast %get3A_9 : vector<1x1264x128xf32> to vector<1264x128xf32>
    %add3A = arith.addf %get3A_5, %get3A_10 : vector<1264x128xf32>
    %slice3A = vector.extract_strided_slice %add3A {offsets = [0, 0], sizes = [1264, 1], strides = [1, 1]} : vector<1264x128xf32> to vector<1264x1xf32>
    %max3A = arith.constant 1.000000e+00 : f32
    %max3A_11 = vector.broadcast %max3A : f32 to vector<1264x1xf32>
    %max3A_12 = arith.maximumf %slice3A, %max3A_11 : vector<1264x1xf32>
    %mul3A = arith.constant 1264 : i32
    %mul3A_13 = arith.muli %arg0, %mul3A : i32
    %iota3A = tpu.iota {dimensions = array<i32: 0>} : vector<1264x1xi32>
    %add3A_14 = vector.broadcast %mul3A_13 : i32 to vector<1264x1xi32>
    %add3A_15 = arith.addi %add3A_14, %iota3A : vector<1264x1xi32>
    %lt3A = arith.constant 10000 : i32
    %lt3A_16 = vector.broadcast %lt3A : i32 to vector<1264x1xi32>
    %lt3A_17 = arith.cmpi slt, %add3A_15, %lt3A_16 : vector<1264x1xi32>
    %convert_element_type3A_18 = arith.extui %lt3A_17 : vector<1264x1xi1> to vector<1264x1xi32>
    %convert_element_type3A_19 = arith.sitofp %convert_element_type3A_18 : vector<1264x1xi32> to vector<1264x1xf32>
    %get3A_20 = arith.constant 0 : index
    %get3A_21 = arith.constant 0 : index
    %get3A_22 = vector.load %arg1[%get3A_20, %get3A_21] : memref<1264x128xf32, #tpu.memory_space<vmem>>, vector<1264x128xf32>
    %get3A_23 = arith.constant 0 : index
    %get3A_24 = arith.constant 0 : index
    %get3A_25 = vector.load %arg2[%get3A_23, %get3A_24] : memref<1264x128xf32, #tpu.memory_space<vmem>>, vector<1264x128xf32>
    %add3A_26 = arith.addf %get3A_22, %get3A_25 : vector<1264x128xf32>
    %slice3A_27 = vector.extract_strided_slice %add3A_26 {offsets = [0, 0], sizes = [1264, 64], strides = [1, 1]} : vector<1264x128xf32> to vector<1264x64xf32>
    %div3A = vector.broadcast %max3A_12 : vector<1264x1xf32> to vector<1264x64xf32>
    %div3A_28 = arith.divf %slice3A_27, %div3A : vector<1264x64xf32>
    %mul3A_29 = vector.broadcast %convert_element_type3A_19 : vector<1264x1xf32> to vector<1264x64xf32>
    %mul3A_30 = arith.mulf %div3A_28, %mul3A_29 : vector<1264x64xf32>
    %get3A_31 = arith.constant 0 : index
    %get3A_32 = arith.constant 0 : index
    %get3A_33 = vector.load %arg9[%get3A_31, %get3A_32] : memref<1x64xf32, #tpu.memory_space<vmem>>, vector<1x64xf32>
    %reduce_sum3A = arith.constant dense<0.000000e+00> : vector<64xf32>
    %reduce_sum3A_34 = vector.multi_reduction <add>, %mul3A_30, %reduce_sum3A [0] : vector<1264x64xf32> to vector<64xf32>
    %broadcast_in_dim3A = vector.shape_cast %reduce_sum3A_34 : vector<64xf32> to vector<1x64xf32>
    %add3A_35 = arith.addf %get3A_33, %broadcast_in_dim3A : vector<1x64xf32>
    %swap3A = arith.constant 0 : index
    %swap3A_36 = arith.constant 0 : index
    %swap3A_37 = vector.load %arg9[%swap3A, %swap3A_36] : memref<1x64xf32, #tpu.memory_space<vmem>>, vector<1x64xf32>
    tpu.vector_store %arg9[%swap3A, %swap3A_36], %add3A_35 {strides = array<i32>} : memref<1x64xf32, #tpu.memory_space<vmem>>, vector<1x64xf32>,
    %get3A_38 = arith.constant 0 : index
    %get3A_39 = arith.constant 0 : index
    %get3A_40 = vector.load %arg10[%get3A_38, %get3A_39] : memref<1x128xf32, #tpu.memory_space<vmem>>, vector<1x128xf32>
    %get3A_41 = arith.constant 0 : index
    %get3A_42 = arith.constant 0 : index
    %get3A_43 = vector.load %arg4[%get3A_41, %get3A_42] : memref<1264x128xf32, #tpu.memory_space<vmem>>, vector<1264x128xf32>
    %mul3A_44 = vector.broadcast %convert_element_type3A_19 : vector<1264x1xf32> to vector<1264x128xf32>
    %mul3A_45 = arith.mulf %get3A_43, %mul3A_44 : vector<1264x128xf32>
    %reduce_sum3A_46 = arith.constant dense<0.000000e+00> : vector<128xf32>
    %reduce_sum3A_47 = vector.multi_reduction <add>, %mul3A_45, %reduce_sum3A_46 [0] : vector<1264x128xf32> to vector<128xf32>
    %broadcast_in_dim3A_48 = vector.shape_cast %reduce_sum3A_47 : vector<128xf32> to vector<1x128xf32>
    %add3A_49 = arith.addf %get3A_40, %broadcast_in_dim3A_48 : vector<1x128xf32>
    %swap3A_50 = arith.constant 0 : index
    %swap3A_51 = arith.constant 0 : index
    %swap3A_52 = vector.load %arg10[%swap3A_50, %swap3A_51] : memref<1x128xf32, #tpu.memory_space<vmem>>, vector<1x128xf32>
    tpu.vector_store %arg10[%swap3A_50, %swap3A_51], %add3A_49 {strides = array<i32>} : memref<1x128xf32, #tpu.memory_space<vmem>>, vector<1x128xf32>,
    %eq3A_53 = arith.constant 7 : i32
    %eq3A_54 = arith.cmpi eq, %arg0, %eq3A_53 : i32
    %convert_element_type3A_55 = arith.extui %eq3A_54 : i1 to i32
    %cond3A_56 = arith.constant 0 : i32
    %cond3A_57 = arith.cmpi ne, %convert_element_type3A_55, %cond3A_56 : i32
    scf.if %cond3A_57 {
      %get3A_58 = arith.constant 0 : index
      %get3A_59 = arith.constant 0 : index
      %get3A_60 = vector.load %arg9[%get3A_58, %get3A_59] : memref<1x64xf32, #tpu.memory_space<vmem>>, vector<1x64xf32>
      %get3A_61 = arith.constant 0 : index
      %get3A_62 = arith.constant 0 : index
      %get3A_63 = vector.load %arg10[%get3A_61, %get3A_62] : memref<1x128xf32, #tpu.memory_space<vmem>>, vector<1x128xf32>
      %get3A_64 = arith.constant 0 : index
      %get3A_65 = arith.constant 0 : index
      %get3A_66 = vector.load %arg5[%get3A_64, %get3A_65] : memref<128x64xf32, #tpu.memory_space<vmem>>, vector<128x64xf32>
      %dot_general3A = arith.constant dense<0.000000e+00> : vector<1x64xf32>
      %dot_general3A_67 = tpu.matmul %get3A_63, %get3A_66, %dot_general3A {dimension_numbers = #tpu.dot_dimension_numbers<[1], [0], [0], [1], [0, 0, 1, 1], [], []>, transpose_lhs_hint = false} : vector<1x128xf32>, vector<128x64xf32>, vector<1x64xf32> -> vector<1x64xf32>
      %add3A_68 = arith.addf %get3A_60, %dot_general3A_67 : vector<1x64xf32>
      %div3A_69 = arith.constant 1.000000e+04 : f32
      %div3A_70 = vector.broadcast %div3A_69 : f32 to vector<1x64xf32>
      %div3A_71 = arith.divf %add3A_68, %div3A_70 : vector<1x64xf32>
      %get3A_72 = arith.constant 0 : index
      %get3A_73 = arith.constant 0 : index
      %get3A_74 = vector.load %arg6[%get3A_72, %get3A_73] : memref<1x64xf32, #tpu.memory_space<vmem>>, vector<1x64xf32>
      %add3A_75 = arith.addf %div3A_71, %get3A_74 : vector<1x64xf32>
      %reduce_max3A = arith.constant dense<0xFF800000> : vector<1xf32>
      %reduce_max3A_76 = vector.multi_reduction <maximumf>, %add3A_75, %reduce_max3A [1] : vector<1x64xf32> to vector<1xf32>
      %broadcast_in_dim3A_77 = vector.shape_cast %reduce_max3A_76 : vector<1xf32> to vector<1x1xf32>
      %sub3A = vector.broadcast %broadcast_in_dim3A_77 : vector<1x1xf32> to vector<1x64xf32>
      %sub3A_78 = arith.subf %add3A_75, %sub3A : vector<1x64xf32>
      %exp3A = math.exp %sub3A_78 : vector<1x64xf32>
      %reduce_sum3A_79 = arith.constant dense<0.000000e+00> : vector<1xf32>
      %reduce_sum3A_80 = vector.multi_reduction <add>, %exp3A, %reduce_sum3A_79 [1] : vector<1x64xf32> to vector<1xf32>
      %broadcast_in_dim3A_81 = vector.shape_cast %reduce_sum3A_80 : vector<1xf32> to vector<1x1xf32>
      %log3A = math.log %broadcast_in_dim3A_81 : vector<1x1xf32>
      %add3A_82 = arith.addf %log3A, %broadcast_in_dim3A_77 : vector<1x1xf32>
      %swap3A_83 = arith.constant 0 : index
      %swap3A_84 = arith.constant 0 : index
      %swap3A_85 = vector.load %arg7[%swap3A_83, %swap3A_84] : memref<1x64xf32, #tpu.memory_space<vmem>>, vector<1x64xf32>
      tpu.vector_store %arg7[%swap3A_83, %swap3A_84], %add3A_75 {strides = array<i32>} : memref<1x64xf32, #tpu.memory_space<vmem>>, vector<1x64xf32>,
      %sub3A_86 = vector.broadcast %add3A_82 : vector<1x1xf32> to vector<1x64xf32>
      %sub3A_87 = arith.subf %add3A_75, %sub3A_86 : vector<1x64xf32>
      %swap3A_88 = arith.constant 0 : index
      %swap3A_89 = arith.constant 0 : index
      %swap3A_90 = vector.load %arg8[%swap3A_88, %swap3A_89] : memref<1x64xf32, #tpu.memory_space<vmem>>, vector<1x64xf32>
      tpu.vector_store %arg8[%swap3A_88, %swap3A_89], %sub3A_87 {strides = array<i32>} : memref<1x64xf32, #tpu.memory_space<vmem>>, vector<1x64xf32>,
    } else {
    }
    return
  }
  func.func @transform_0(%arg0: i32) -> (i32, i32) {
    %c0_i32 = arith.constant 0 : i32
    %c0_i32_0 = arith.constant 0 : i32
    return %arg0, %c0_i32 : i32, i32
  }
  func.func @transform_1(%arg0: i32) -> (i32, i32) {
    %c0_i32 = arith.constant 0 : i32
    %c0_i32_0 = arith.constant 0 : i32
    return %arg0, %c0_i32 : i32, i32
  }
  func.func @transform_2(%arg0: i32) -> (i32, i32, i32) {
    %c0_i32 = arith.constant 0 : i32
    %c0_i32_0 = arith.constant 0 : i32
    %c0_i32_1 = arith.constant 0 : i32
    return %c0_i32, %arg0, %c0_i32_0 : i32, i32, i32
  }
  func.func @transform_3(%arg0: i32) -> (i32, i32) {
    %c0_i32 = arith.constant 0 : i32
    %c0_i32_0 = arith.constant 0 : i32
    return %arg0, %c0_i32 : i32, i32
  }
  func.func @transform_4(%arg0: i32) -> (i32, i32) {
    %c0_i32 = arith.constant 0 : i32
    %c0_i32_0 = arith.constant 0 : i32
    %c0_i32_1 = arith.constant 0 : i32
    return %c0_i32, %c0_i32_0 : i32, i32
  }
  func.func @transform_5(%arg0: i32) -> (i32, i32) {
    %c0_i32 = arith.constant 0 : i32
    %c0_i32_0 = arith.constant 0 : i32
    %c0_i32_1 = arith.constant 0 : i32
    return %c0_i32, %c0_i32_0 : i32, i32
  }
  func.func @transform_6(%arg0: i32) -> (i32, i32) {
    %c0_i32 = arith.constant 0 : i32
    %c0_i32_0 = arith.constant 0 : i32
    %c0_i32_1 = arith.constant 0 : i32
    return %c0_i32, %c0_i32_0 : i32, i32
  }
  func.func @transform_7(%arg0: i32) -> (i32, i32) {
    %c0_i32 = arith.constant 0 : i32
    %c0_i32_0 = arith.constant 0 : i32
    %c0_i32_1 = arith.constant 0 : i32
    return %c0_i32, %c0_i32_0 : i32, i32
  }
}

</mosaic_0001>

<sc_bundles>
// kernel: kernel.15.cloned.1.call-start
scs
__scs_entry_jumppad:
0x0: {  	(pc) =	sbr.rel $0x88, $3  }
0x1: {  	(tag) =	ssettag $0x0;
	lr =	simm.s32 $0x1  }
0x2: {  	[smem:$0x3F93] =	sst lr;
	_ =	strace $0xD0000000  }
0x3: {  	_ = 	snop  }
0x4: {  	_ = 	snop  }
0x5: {  	_ = 	snop  }
0x6: {  	_ = 	snop  }
0x7: {  	_ = 	snop  }
__scs_overlays_trampoline_lowered:
0x8: {  	[smem:$0x3FA2] =	sst s0  }
0x9: {  	[smem:$0x3FA3] =	sst s1  }
0xa: {  	[smem:$0x3FA4] =	sst s2  }
0xb: {  	[smem:$0x3FA5] =	sst s3  }
0xc: {  	[smem:$0x3FA6] =	sst s4  }
0xd: {  	[smem:$0x3FA7] =	sst s5  }
0xe: {  	[smem:$0x3FA8] =	sst s6  }
0xf: {  	[smem:$0x3FA9] =	sst s7  }
0x10: {  	[smem:$0x3FAA] =	sst s8  }
0x11: {  	[smem:$0x3FAB] =	sst s9;
	s0 =	simm.s32 @!p0 $0x0  }
0x12: {  	s1 =	sld [smem:$0x3F91];
	s0 =	simm.s32 @p0 $0x1  }
0x13: {  	[smem:$0x3FAC] =	sst s0;
	s0 =	simm.s32 @!p1 $0x0  }
0x14: {  	s2 =	sld [smem:$0x3F90];
	s0 =	simm.s32 @p1 $0x1  }
0x15: {  	[smem:$0x3FAD] =	sst s0;
	s0 =	simm.s32 @!p2 $0x0  }
0x16: {  	s3 =	sld [smem:$0x3FDB];
	s0 =	simm.s32 @p2 $0x1  }
0x17: {  	s4 =	simm.s32 $0x1BF5;
	[smem:$0x3FAF] =	sst s0  }
0x18: {  	s0 =	sld [smem:$0x3F92];
	_ =	swait.ge [sflag:s4], $0x0  }
0x19: {  	s7 =	sld [smem:$0x3F93]  }
0x1a: {  	s8 =	sadd.s32 $0xFFFFE003, lr  }
0x1b: {  	s9 =	sadd.s32 $0xFFFFFEF7, lr;
	s5 =	simm.s32 $0xFFFFFFFF;
	p2 =	slt.u32 s8, $0xFFFFF086  }
0x1c: {  	p1 =	slt.u32 s9, $0xF7A;
	s5 =	simm.s32 @!p2 $0x0  }
0x1d: {  	s5 =	simm.s32 @p1 $0x1;
	p0 =	seq.s32 s7, s2  }
0x1e: {  	s7 =	smul.u32 @!p0 $0xF7A, s2;
	p2 =	seq.s32 @!p0 s5, $0x0  }
0x1f: {  	s9 =	smul.u32 $0xF7A, s1;
	s8 =	simm.s32 @!p0 $0x1BF5;
	p2 =	por !p2, p0  }
0x20: {  	[sflag:s8] =	ssyncset.s32 @!p0 $0xFFFFF086;
	s6 =	sadd.s32 @!p0 s3, s7;
	s7 =	simm.s32 @!p0 $0x108  }
0x21: {  	s3 =	sadd.s32 s3, s9;
	s6 =	sadd.s32 @!p0 $0x88, s6;
	s7 =	simm.s32 @p2 $0x1082  }
0x22: {  	[simem:s7], [sflag:s8] =	dma.local @!p0 [hbm:s6], $0xF7A  }
0x23: {  	s9 =	sor.u32 $0xD0000000, s2;
	s6 =	simm.s32 $0x108;
	_ =	swait.ge @!p0 [sflag:s8], $0x0  }
0x24: {  	s3 =	sadd.s32 $0x88, s3;
	s6 =	simm.s32 @!p1 $0x1082;
	[sflag:s4] =	ssyncset.s32 $0xFFFFF086  }
0x25: {  	[simem:s6], [sflag:s4] =	dma.local [hbm:s3], $0xF7A  }
0x26: {  	[smem:$0x3F93] =	sst s1;
	(tag) =	ssettag s2;
	_ =	strace s9  }
0x27: {  	s1 =	sld [smem:$0x3FA3]  }
0x28: {  	s2 =	sld [smem:$0x3FA4]  }
0x29: {  	s4 =	sld [smem:$0x3FA6]  }
0x2a: {  	p0 =	seq.s32 s5, $0x0;
	s5 =	sld [smem:$0x3FA7]  }
0x2b: {  	s6 =	sld [smem:$0x3FA8]  }
0x2c: {  	s7 =	sld [smem:$0x3FA9]  }
0x2d: {  	s3 =	simm.s32 $0x108;
	s8 =	sld [smem:$0x3FAA]  }
0x2e: {  	s3 =	simm.s32 @!p0 $0x1082;
	s9 =	sld [smem:$0x3FAB]  }
0x2f: {  	lr =	sadd.s32 s0, s3;
	s0 =	sld [smem:$0x3FA2]  }
0x30: {  	s3 =	sld [smem:$0x3FA5]  }
0x31: {  	[smem:$0x3FAE] =	sst s10  }
0x32: {  	s10 =	sld [smem:$0x3FAC];
	_ =	sdelay $0x3  }
0x33: {  	p0 =	seq.s32 s10, $0x1;
	s10 =	sld [smem:$0x3FAE];
	_ =	sdelay $0x3  }
0x34: {  	[smem:$0x3FAE] =	sst s10  }
0x35: {  	s10 =	sld [smem:$0x3FAD];
	_ =	sdelay $0x3  }
0x36: {  	p1 =	seq.s32 s10, $0x1;
	s10 =	sld [smem:$0x3FAE];
	_ =	sdelay $0x3  }
0x37: {  	[smem:$0x3FAE] =	sst s10  }
0x38: {  	s10 =	sld [smem:$0x3FAF]  }
0x39: {  	_ = 	snop;
	(pc) =	sbr.ind lr, $3  }
0x3a: {  	_ = 	snop  }
0x3b: {  	_ = 	snop  }
0x3c: {  	p2 =	seq.s32 s10, $0x1;
	s10 =	sld [smem:$0x3FAE]  }
0x3d: {  	_ =	shalt  }
0x3e: {  	_ =	shalt  }
0x3f: {  	_ =	shalt  }
0x40: {  	_ =	shalt  }
0x41: {  	_ =	shalt  }
0x42: {  	_ =	shalt  }
0x43: {  	_ =	shalt  }
0x44: {  	_ =	shalt  }
0x45: {  	_ =	shalt  }
0x46: {  	_ =	shalt  }
0x47: {  	_ =	shalt  }
0x48: {  	_ =	shalt  }
0x49: {  	_ =	shalt  }
0x4a: {  	_ =	shalt  }
0x4b: {  	_ =	shalt  }
0x4c: {  	_ =	shalt  }
0x4d: {  	_ =	shalt  }
0x4e: {  	_ =	shalt  }
0x4f: {  	_ =	shalt  }
0x50: {  	_ =	shalt  }
0x51: {  	_ =	shalt  }
0x52: {  	_ =	shalt  }
0x53: {  	_ =	shalt  }
0x54: {  	_ =	shalt  }
0x55: {  	_ =	shalt  }
0x56: {  	_ =	shalt  }
0x57: {  	_ =	shalt  }
0x58: {  	_ =	shalt  }
0x59: {  	_ =	shalt  }
0x5a: {  	_ =	shalt  }
0x5b: {  	_ =	shalt  }
0x5c: {  	_ =	shalt  }
0x5d: {  	_ =	shalt  }
0x5e: {  	_ =	shalt  }
0x5f: {  	_ =	shalt  }
0x60: {  	_ =	shalt  }
0x61: {  	_ =	shalt  }
0x62: {  	_ =	shalt  }
0x63: {  	_ =	shalt  }
0x64: {  	_ =	shalt  }
0x65: {  	_ =	shalt  }
0x66: {  	_ =	shalt  }
0x67: {  	_ =	shalt  }
0x68: {  	_ =	shalt  }
0x69: {  	_ =	shalt  }
0x6a: {  	_ =	shalt  }
0x6b: {  	_ =	shalt  }
0x6c: {  	_ =	shalt  }
0x6d: {  	_ =	shalt  }
0x6e: {  	_ =	shalt  }
0x6f: {  	_ =	shalt  }
0x70: {  	_ =	shalt  }
0x71: {  	_ =	shalt  }
0x72: {  	_ =	shalt  }
0x73: {  	_ =	shalt  }
0x74: {  	_ =	shalt  }
0x75: {  	_ =	shalt  }
0x76: {  	_ =	shalt  }
0x77: {  	_ =	shalt  }
0x78: {  	_ =	shalt  }
0x79: {  	_ =	shalt  }
0x7a: {  	_ =	shalt  }
0x7b: {  	_ =	shalt  }
0x7c: {  	_ =	shalt  }
0x7d: {  	_ =	shalt  }
0x7e: {  	_ =	shalt  }
0x7f: {  	_ =	shalt  }
0x80: {  	_ =	shalt  }
0x81: {  	_ =	shalt  }
0x82: {  	_ =	shalt  }
0x83: {  	_ =	shalt  }
0x84: {  	_ =	shalt  }
0x85: {  	_ =	shalt  }
0x86: {  	_ =	shalt  }
0x87: {  	_ =	shalt  }
.Lfunc_end0:
.L_simem_size_0:
called_computation_lowered:
.L_overlay_start_0:
0x88: {  	s2 =	sld [smem:$0x3FD9]  }
0x89: {  	s3 =	sld [smem:$0x3FFE];
	_ =	sdelay $0x1  }
0x8a: {  	s1 =	srdreg.scid  }
0x8b: {  	s0 =	sand.u32 $0x1, s1  }
0x8c: {  	s17 =	sshll.u32 s0, $0xA;
	s2 =	sadd.s32 s3, s2  }
0x8d: {  	s2 =	sadd.s32 s2, s17  }
0x8e: {  	[smem:$0x3FBA] =	sst s2  }
0x8f: {  	_ = 	snop  }
0x90: {  	(tm) =	ssettm $0x1  }
0x91: {  	s18 =	sld [smem:$0x3FFB];
	_ =	sdelay $0x3  }
0x92: {  	_ =	strace s18  }
0x93: {  	s2 =	sld [smem:$0x3FFC];
	_ =	sdelay $0x3  }
0x94: {  	_ =	strace s2  }
0x95: {  	s2 =	sld [smem:$0x3FFD];
	_ =	sdelay $0x3  }
0x96: {  	_ =	strace s2  }
0x97: {  	_ =	strace $0x8FFFFFFF  }
0x98: {  	s19 =	sld [smem:$0x3FDB];
	_ =	sdelay $0x1  }
0x99: {  	s20 =	simm.s32 $_scs_section_size  }
0x9a: {  	s4 =	simm.s32 $_size__tile_overlayer_lowered;
	s5 =	simm.s32 $_tile_overlayer_lowered  }
0x9b: {  	s6 =	simm.s32 $0x1BFF;
	s21 =	sshll.u32 s5, $0x1;
	s3 =	sadd.s32 s20, s19  }
0x9c: {  	s22 =	simm.s32 $0x0;
	s4 =	sshll.u32 s4, $0x1;
	s5 =	sadd.s32 s21, s3  }
0x9d: {  	[timem:s22], [sflag:s6] =	dma.local [hbm:s5], s4  }
0x9e: {  	_ =	swait.ge [sflag:s6], s4  }
0x9f: {  	s4 =	ssub.s32 $0x0, s4;
	[sflag:s6] =	ssyncset.done $0x0  }
0xa0: {  	[sflag:s6] =	ssyncadd.s32 s4;
	_ =	sdelay $0x1  }
0xa1: {  	s23 =	simm.s32 $0x1B8B  }
0xa2: {  	_ =	swait.ge [sflag:s23], $0x1  }
0xa3: {  	[sflag:s23] =	ssyncset.done $0x0  }
0xa4: {  	[sflag:s23] =	ssyncadd.s32 $0xFFFFFFFF  }
0xa5: {  	s4 =	sld [smem:$0x0]  }
0xa6: {  	s5 =	sand.u32 $0xFFFFFFFE, s1  }
0xa7: {  	p0 =	sne.s32 s1, s5  }
0xa8: {  	s5 =	sshll.u32 @p0 s5, $0xE  }
0xa9: {  	s5 =	sadd.s32 @p0 $0x11B8D, s5;
	s6 =	sshll.u32 @p0 s4, $0x11  }
0xaa: {  	s5 =	sor.u32 @p0 s6, s5  }
0xab: {  	[sflag:s5] =	ssyncadd.remote.s32 @p0 $0x1;
	_ =	sdelay $0x1  }
0xac: {  	s5 =	simm.s32 @p0 $0x1B8D  }
0xad: {  	_ =	swait.eq @p0 [sflag:s5], $0x1  }
0xae: {  	[sflag:s5] =	ssyncadd.s32 @p0 $0xFFFFFFFF  }
0xaf: {  	s6 =	sshll.u32 @!p0 s1, $0xE  }
0xb0: {  	s6 =	sor.u32 @!p0 $0x4000, s6;
	s5 =	simm.s32 @!p0 $0x1B8D  }
0xb1: {  	s4 =	sshll.u32 @!p0 s4, $0x11;
	s6 =	sadd.s32 @!p0 $0x11B8D, s6;
	_ =	swait.eq @!p0 [sflag:s5], $0x1  }
0xb2: {  	s4 =	sor.u32 @!p0 s4, s6;
	[sflag:s5] =	ssyncadd.s32 @!p0 $0xFFFFFFFF  }
0xb3: {  	s25 =	simm.s32 $0x1B8E;
	s24 =	sld [smem:$0x3FFE];
	[sflag:s4] =	ssyncadd.remote.s32 @!p0 $0x1  }
0xb4: {  	s26 =	simm.s32 $execute0_lowered;
	[smem:$0x3FD2] =	sst s25  }
0xb5: {  	s5 =	sshll.u32 s26, $0x1;
	_ =	strace $0x80000049;
	[dreg:$0x1] =	wrdreg $0xFFFFFFFF  }
0xb6: {  	s28 =	simm.s32 $_size_execute0_lowered;
	s3 =	sadd.s32 s3, s5;
	[dreg:$0x0] =	wrdreg $0x0  }
0xb7: {  	s5 =	sshll.u32 s28, $0x1;
	[dreg:$0x2] =	wrdreg s3  }
0xb8: {  	[dreg:$0x3] =	wrdreg s5  }
0xb9: {  	[dreg:$0x4] =	wrdreg $0xC0  }
0xba: {  	_ =	task [dreg:s22], $0x5FFFF  }
0xbb: {  	[dreg:$0x1] =	wrdreg $0xFFFFFFFF  }
0xbc: {  	[dreg:$0x0] =	wrdreg $0x60  }
0xbd: {  	[dreg:$0x2] =	wrdreg s24  }
0xbe: {  	[dreg:$0x3] =	wrdreg $0x41000  }
0xbf: {  	[dreg:$0x4] =	wrdreg $0x9  }
0xc0: {  	_ =	task.clear_ibuf [dreg:s22], $0x5FFFF;
	_ =	strace $0x90000049  }
0xc1: {  	s29 =	simm.s32 $0x9;
	_ =	strace $0x8000004B  }
0xc2: {  	_ =	swait.ge [sflag:s29], $0x1  }
0xc3: {  	[sflag:s29] =	ssyncadd.s32 $0xFFFFFFFF  }
0xc4: {  	_ =	strace $0x9000004B  }
0xc5: {  	_ =	sfence  }
0xc6: {  	s30 =	sld [smem:$0x0];
	_ =	sdelay $0x2  }
0xc7: {  	s31 =	sshll.u32 s1, $0xD;
	s1 =	sshrl.u32 s1, $0x2  }
0xc8: {  	s4 =	sand.u32 $0x4000, s31;
	s1 =	sadd.s32 s1, s30  }
0xc9: {  	s0 =	sor.u32 s4, s0;
	s1 =	sshll.u32 s1, $0x11  }
0xca: {  	s0 =	sor.u32 s1, s0  }
0xcb: {  	s0 =	sadd.s32 $0x8F2B, s0  }
0xcc: {  	[sflag:s0] =	ssyncadd.remote.s32 $0x1  }
0xcd: {  	_ =	sfence.sel $0xFFFF  }
0xce: {  	[dreg:$0x0] =	wrdreg $0xFFFFFFFF;
	(pc) =	sbr.abs _section_cstart, $3  }
0xcf: {  	[dreg:$0x1] =	wrdreg $0xFFFFFFFF  }
0xd0: {  	_ =	task.clear_ibuf [dreg:s22], $0x2FFFF;
	_ =	strace $0x9FFFFFFF  }
0xd1: {  	(tm) =	ssettm $0x7FFFFFFF  }
tec
execute0_lowered:
.L_overlay_start_1:
0x0: {  	(tag) =	ssettag $0x1  }
0x1: {  	s6 =	rddreg [dreg:$0x0]  }
0x2: {  	s2 =	rddreg [dreg:$0x1]  }
0x3: {  	s0 =	rddreg [dreg:$0x2];
	s1 =	stileid.u32  }
0x4: {  	s4 =	srdreg.scid;
	s3 =	simm.s32 $0x0;
	s15 =	simm.s32 $0x3  }
0x5: {  	s16 =	simm.s32 $0x100;
	s17 =	simm.s32 $0x80;
	s18 =	simm.s32 $0x1  }
0x6: {  	s19 =	simm.s32 $0x2;
	s20 =	simm.s32 $0x0;
	s5 =	smul.u32 $0x13C00, s1  }
0x7: {  	s7 =	sand.u32 $0x1, s4;
	[smem:$0x7FF] =	sst s3;
	s4 =	sadd.s32 $0x6800, s6  }
0x8: {  	s12 =	smul.u32 $0x4F000, s1;
	s25 =	sshrl.u32 s1, $0x2;
	s26 =	sshll.u32 s1, $0x8  }
0x9: {  	s30 =	sshll.u32 s1, $0x6;
	s8 =	smul.u32 $0x13C000, s7;
	_ =	strace $0x8000004A  }
0xa: {  	s23 =	ssub.s32 $0x2, s7;
	s13 =	sshll.u32 s7, $0x7;
	s28 =	sand.u32 $0x300, s26  }
0xb: {  	s7 =	sor.u32 $0x1C03, s30;
	s9 =	sshrl.u32 s5, $0x3;
	s11 =	sshrl.u32 s23, $0x1  }
0xc: {  	s24 =	sshrl.u32 s12, $0x2;
	s29 =	sor.u32 s13, s28;
	s5 =	sadd.s32 s5, s8  }
0xd: {  	s9 =	sadd.s32 s9, s6;
	s8 =	smul.u32 $0x14000, s25;
	s10 =	sshrl.u32 s5, $0x3  }
0xe: {  	s11 =	ssub.s32 s23, s11;
	s5 =	sadd.s32 $0xB8800, s6;
	s10 =	sadd.s32 s10, s6  }
0xf: {  	s6 =	sadd.s32 $0x42000, s9;
	s9 =	sor.u32 s8, s29;
	s8 =	sor.u32 s28, s8  }
0x10: {  	s14 =	sadd.s32 s24, s2;
	s9 =	sshrl.u32 s9, $0x3;
	s31 =	sor.u32 s13, s8  }
0x11: {  	s14 =	sshrl.u32 s14, $0x3;
	s8 =	sadd.s32 s4, s9;
	s13 =	sor.u32 $0x400, s31  }
0x12: {  	s9 =	sadd.s32 $0xB9000, s10;
	s10 =	smax.u32 s11, $0x1;
	s13 =	sshrl.u32 s13, $0x3  }
0x13: {  	s12 =	sor.u32 $0x800, s31;
	s11 =	sadd.s32 $0x2780, s8;
	s13 =	sadd.s32 s13, s4  }
.LBB2_1:
0x14: {  	[spmem:s14], [sflag:s7] =	dma.local [hbm:s6], $0x2780  }
0x15: {  	_ =	swait.ge [sflag:s15], $0x2780  }
0x16: {  	[sflag:s15] =	ssyncset.done $0x0  }
0x17: {  	[sflag:s15] =	ssyncadd.s32 $0xFFFFD880  }
0x18: {  	[tilespmem:s16], [sflag:$0x3] =	stream.linear.gather [hbm4b:s5+s3], $0x4000, $0x38;
	[tilespmem:$0x17D00] =	vst v63  }
0x19: {  	_ =	swait.ge [sflag:s15], $0x4000  }
0x1a: {  	[sflag:s15] =	ssyncset.done $0x0  }
0x1b: {  	[sflag:s15] =	ssyncadd.s32 $0xFFFFC000  }
0x1c: {  	[bflag:$0x0] =	sbarrier.arrive $0xFFFF  }
0x1d: {  	[tilespmem:s3], [sflag:$0x3] =	stream.linear.gather [hbm4b:s8+s3], $0x80, $0x38;
	[tilespmem:$0x17D00] =	vst v63  }
0x1e: {  	_ =	swait.ge [sflag:s15], $0x80  }
0x1f: {  	[sflag:s15] =	ssyncset.done $0x0  }
0x20: {  	[sflag:s15] =	ssyncadd.s32 $0xFFFFFF80  }
0x21: {  	[spmem:s2] =	stream.indirect.scatter.add.f32 [tilespmem:s16], [sflag:$0x1], $0x80, s3, s17, $0xb8;
	[tilespmem:$0x17D00] =	vst v63  }
0x22: {  	s21 =	sadd.s32 $0x0, s13  }
0x23: {  	[tilespmem:s17], [sflag:$0x3] =	stream.linear.gather [hbm4b:s21+s3], $0x80, $0x38;
	[tilespmem:$0x17D00] =	vst v63  }
0x24: {  	_ =	swait.ge [sflag:s15], $0x80  }
0x25: {  	[sflag:s15] =	ssyncset.done $0x0  }
0x26: {  	[sflag:s15] =	ssyncadd.s32 $0xFFFFFF80  }
0x27: {  	[spmem:s2] =	stream.indirect.scatter.add.f32 [tilespmem:s16], [sflag:$0x2], $0x80, s17, s17, $0xb8;
	[tilespmem:$0x17D00] =	vst v63  }
0x28: {  	_ =	swait.ge [sflag:s18], $0x4000  }
0x29: {  	s31 =	sshrl.u32 s12, $0x3;
	[sflag:s18] =	ssyncset.done $0x0  }
0x2a: {  	s21 =	sadd.s32 s4, s31;
	[sflag:s18] =	ssyncadd.s32 $0xFFFFC000  }
0x2b: {  	[tilespmem:s3], [sflag:$0x3] =	stream.linear.gather [hbm4b:s21+s3], $0x80, $0x38;
	[tilespmem:$0x17D00] =	vst v63  }
0x2c: {  	_ =	swait.ge [sflag:s15], $0x80  }
0x2d: {  	[sflag:s15] =	ssyncset.done $0x0  }
0x2e: {  	[sflag:s15] =	ssyncadd.s32 $0xFFFFFF80  }
0x2f: {  	[spmem:s2] =	stream.indirect.scatter.add.f32 [tilespmem:s16], [sflag:$0x1], $0x80, s3, s17, $0xb8;
	[tilespmem:$0x17D00] =	vst v63  }
0x30: {  	s22 =	simm.s32 $0x100;
	_ =	swait.ge [sflag:s19], $0x4000  }
0x31: {  	s23 =	simm.s32 $0x200;
	s21 =	sadd.s32 $0x800, s12;
	[sflag:s19] =	ssyncset.done $0x0  }
.LBB2_2:
0x32: {  	s24 =	sadd.s32 s22, s13  }
0x33: {  	[sflag:s19] =	ssyncadd.s32 $0xFFFFC000;
	s22 =	smov.u32 s23;
	s25 =	sadd.s32 $0x100, s23  }
0x34: {  	[tilespmem:s17], [sflag:$0x3] =	stream.linear.gather [hbm4b:s24+s3], $0x80, $0x38;
	[tilespmem:$0x17D00] =	vst v63  }
0x35: {  	p0 =	sne.s32 s23, $0x2600;
	_ =	swait.ge [sflag:s15], $0x80  }
0x36: {  	[sflag:s15] =	ssyncset.done $0x0  }
0x37: {  	[sflag:s15] =	ssyncadd.s32 $0xFFFFFF80  }
0x38: {  	[spmem:s2] =	stream.indirect.scatter.add.f32 [tilespmem:s16], [sflag:$0x2], $0x80, s17, s17, $0xb8;
	[tilespmem:$0x17D00] =	vst v63  }
0x39: {  	_ =	swait.ge [sflag:s18], $0x4000  }
0x3a: {  	s23 =	sshrl.u32 s21, $0x3;
	[sflag:s18] =	ssyncset.done $0x0  }
0x3b: {  	s23 =	sadd.s32 s4, s23;
	[sflag:s18] =	ssyncadd.s32 $0xFFFFC000  }
0x3c: {  	[tilespmem:s3], [sflag:$0x3] =	stream.linear.gather [hbm4b:s23+s3], $0x80, $0x38;
	[tilespmem:$0x17D00] =	vst v63  }
0x3d: {  	_ =	swait.ge [sflag:s15], $0x80  }
.Ltmp0:
0x3e: {  	[sflag:s15] =	ssyncset.done $0x0;
	(pc) =	sbr.rel @p0 .LBB2_2-.Ltmp0, $4  }
0x3f: {  	[sflag:s15] =	ssyncadd.s32 $0xFFFFFF80  }
0x40: {  	[spmem:s2] =	stream.indirect.scatter.add.f32 [tilespmem:s16], [sflag:$0x1], $0x80, s3, s17, $0xb8;
	[tilespmem:$0x17D00] =	vst v63  }
0x41: {  	_ =	swait.ge [sflag:s19], $0x4000  }
0x42: {  	s21 =	sadd.s32 $0x800, s21;
	s23 =	smov.u32 s25;
	[sflag:s19] =	ssyncset.done $0x0  }
0x43: {  	s22 =	sadd.s32 s22, s13;
	[sflag:s19] =	ssyncadd.s32 $0xFFFFC000  }
0x44: {  	[tilespmem:s17], [sflag:$0x3] =	stream.linear.gather [hbm4b:s22+s3], $0x80, $0x38;
	[tilespmem:$0x17D00] =	vst v63  }
0x45: {  	_ =	swait.ge [sflag:s15], $0x80  }
0x46: {  	[sflag:s15] =	ssyncset.done $0x0  }
0x47: {  	[sflag:s15] =	ssyncadd.s32 $0xFFFFFF80  }
0x48: {  	[spmem:s2] =	stream.indirect.scatter.add.f32 [tilespmem:s16], [sflag:$0x2], $0x80, s17, s17, $0xb8;
	[tilespmem:$0x17D00] =	vst v63  }
0x49: {  	_ =	swait.ge [sflag:s18], $0x4000  }
0x4a: {  	s21 =	sshrl.u32 s21, $0x3;
	[sflag:s18] =	ssyncset.done $0x0  }
0x4b: {  	s21 =	sadd.s32 s4, s21;
	[sflag:s18] =	ssyncadd.s32 $0xFFFFC000  }
0x4c: {  	[tilespmem:s3], [sflag:$0x3] =	stream.linear.gather [hbm4b:s21+s3], $0x80, $0x38;
	[tilespmem:$0x17D00] =	vst v63  }
0x4d: {  	_ =	swait.ge [sflag:s15], $0x80  }
0x4e: {  	[sflag:s15] =	ssyncset.done $0x0  }
0x4f: {  	[sflag:s15] =	ssyncadd.s32 $0xFFFFFF80  }
0x50: {  	[spmem:s2] =	stream.indirect.scatter.add.f32 [tilespmem:s16], [sflag:$0x1], $0x80, s3, s17, $0xb8;
	[tilespmem:$0x17D00] =	vst v63  }
0x51: {  	_ =	swait.ge [sflag:s19], $0x4000  }
0x52: {  	[sflag:s19] =	ssyncset.done $0x0  }
0x53: {  	[sflag:s19] =	ssyncadd.s32 $0xFFFFC000  }
0x54: {  	[tilespmem:s17], [sflag:$0x3] =	stream.linear.gather [hbm4b:s11+s3], $0x80, $0x38;
	[tilespmem:$0x17D00] =	vst v63  }
0x55: {  	_ =	swait.ge [sflag:s15], $0x80  }
0x56: {  	[sflag:s15] =	ssyncset.done $0x0  }
0x57: {  	[sflag:s15] =	ssyncadd.s32 $0xFFFFFF80  }
0x58: {  	[spmem:s2] =	stream.indirect.scatter.add.f32 [tilespmem:s16], [sflag:$0x2], $0x80, s17, s17, $0xb8;
	[tilespmem:$0x17D00] =	vst v63  }
0x59: {  	_ =	swait.ge [sflag:s18], $0x4000  }
0x5a: {  	[sflag:s18] =	ssyncset.done $0x0  }
0x5b: {  	[sflag:s18] =	ssyncadd.s32 $0xFFFFC000  }
0x5c: {  	_ =	swait.ge [sflag:s19], $0x4000  }
0x5d: {  	s20 =	sadd.s32 $0x1, s20;
	[sflag:s19] =	ssyncset.done $0x0  }
0x5e: {  	p0 =	sne.s32 s20, s10;
	[sflag:s19] =	ssyncadd.s32 $0xFFFFC000  }
.Ltmp1:
0x5f: {  	[bflag:$0x0] =	sbarrier.arrive $0xFFFF;
	(pc) =	sbr.rel @p0 .LBB2_1-.Ltmp1, $4  }
0x60: {  	[hbm:s9], [sflag:s7] =	dma.local [spmem:s14], $0x2780  }
0x61: {  	_ =	swait.ge [sflag:s15], $0x2780  }
0x62: {  	[sflag:s15] =	ssyncset.done $0x0  }
0x63: {  	[sflag:s15] =	ssyncadd.s32 $0xFFFFD880  }
0x64: {  	_ =	sfence.sel $0x180000  }
0x65: {  	[bflag:$0x0] =	sbarrier.arrive $0xFFFF  }
0x66: {  	p0 =	sne.s32 s1, $0x0;
	_ =	strace $0x9000004A  }
0x67: {  	s0 =	sadd.s32 @!p0 $0x100000, s0;
	[bflag:$0x2] =	sbarrier.arrive $0xFFFF  }
0x68: {  	[sflag:s0] =	ssyncadd.tile.s32 @!p0 $0x1;
	_ =	shalt  }
.Lfunc_end2:
_tile_overlayer_lowered:
.L_overlay_start_2:
0x69: {  	(tag) =	ssettag $0x2  }
0x6a: {  	s0 =	rddreg [dreg:$0x0];
	s2 =	stileid.u32  }
0x6b: {  	s1 =	rddreg [dreg:$0x1];
	p0 =	sne.s32 s2, $0x0  }
0x6c: {  	s3 =	rddreg [dreg:$0x2];
	[bflag:$0x3] =	sbarrier.arrive $0xFFFF;
	s2 =	simm.s32 @!p0 $0x1C03  }
0x6d: {  	[timem:s3], [sflag:s2] =	dma.local @!p0 [hbm:s0], s1  }
0x6e: {  	s0 =	simm.s32 @!p0 $0x3  }
0x6f: {  	_ =	swait.ge @!p0 [sflag:s0], s1  }
0x70: {  	s1 =	ssub.s32 @!p0 $0x0, s1;
	[sflag:s0] =	ssyncset.done @!p0 $0x0  }
0x71: {  	[sflag:s0] =	ssyncadd.s32 @!p0 s1  }
0x72: {  	[bflag:$0x3] =	sbarrier.arrive $0xFFFF  }
0x73: {  	_ =	shalt  }

// kernel: kernel.18.cloned.1.call-start
scs
__scs_entry_jumppad:
0x0: {  	(pc) =	sbr.rel $0x88, $3  }
0x1: {  	(tag) =	ssettag $0x0;
	lr =	simm.s32 $0x1  }
0x2: {  	[smem:$0x3F93] =	sst lr;
	_ =	strace $0xD0000000  }
0x3: {  	_ = 	snop  }
0x4: {  	_ = 	snop  }
0x5: {  	_ = 	snop  }
0x6: {  	_ = 	snop  }
0x7: {  	_ = 	snop  }
__scs_overlays_trampoline_lowered:
0x8: {  	[smem:$0x3FA2] =	sst s0  }
0x9: {  	[smem:$0x3FA3] =	sst s1  }
0xa: {  	[smem:$0x3FA4] =	sst s2  }
0xb: {  	[smem:$0x3FA5] =	sst s3  }
0xc: {  	[smem:$0x3FA6] =	sst s4  }
0xd: {  	[smem:$0x3FA7] =	sst s5  }
0xe: {  	[smem:$0x3FA8] =	sst s6  }
0xf: {  	[smem:$0x3FA9] =	sst s7  }
0x10: {  	[smem:$0x3FAA] =	sst s8  }
0x11: {  	[smem:$0x3FAB] =	sst s9;
	s0 =	simm.s32 @!p0 $0x0  }
0x12: {  	s1 =	sld [smem:$0x3F91];
	s0 =	simm.s32 @p0 $0x1  }
0x13: {  	[smem:$0x3FAC] =	sst s0;
	s0 =	simm.s32 @!p1 $0x0  }
0x14: {  	s2 =	sld [smem:$0x3F90];
	s0 =	simm.s32 @p1 $0x1  }
0x15: {  	[smem:$0x3FAD] =	sst s0;
	s0 =	simm.s32 @!p2 $0x0  }
0x16: {  	s3 =	sld [smem:$0x3FDB];
	s0 =	simm.s32 @p2 $0x1  }
0x17: {  	s4 =	simm.s32 $0x1BF5;
	[smem:$0x3FAF] =	sst s0  }
0x18: {  	s0 =	sld [smem:$0x3F92];
	_ =	swait.ge [sflag:s4], $0x0  }
0x19: {  	s7 =	sld [smem:$0x3F93]  }
0x1a: {  	s8 =	sadd.s32 $0xFFFFE003, lr  }
0x1b: {  	s9 =	sadd.s32 $0xFFFFFEF7, lr;
	s5 =	simm.s32 $0xFFFFFFFF;
	p2 =	slt.u32 s8, $0xFFFFF086  }
0x1c: {  	p1 =	slt.u32 s9, $0xF7A;
	s5 =	simm.s32 @!p2 $0x0  }
0x1d: {  	s5 =	simm.s32 @p1 $0x1;
	p0 =	seq.s32 s7, s2  }
0x1e: {  	s7 =	smul.u32 @!p0 $0xF7A, s2;
	p2 =	seq.s32 @!p0 s5, $0x0  }
0x1f: {  	s9 =	smul.u32 $0xF7A, s1;
	s8 =	simm.s32 @!p0 $0x1BF5;
	p2 =	por !p2, p0  }
0x20: {  	[sflag:s8] =	ssyncset.s32 @!p0 $0xFFFFF086;
	s6 =	sadd.s32 @!p0 s3, s7;
	s7 =	simm.s32 @!p0 $0x108  }
0x21: {  	s3 =	sadd.s32 s3, s9;
	s6 =	sadd.s32 @!p0 $0x88, s6;
	s7 =	simm.s32 @p2 $0x1082  }
0x22: {  	[simem:s7], [sflag:s8] =	dma.local @!p0 [hbm:s6], $0xF7A  }
0x23: {  	s9 =	sor.u32 $0xD0000000, s2;
	s6 =	simm.s32 $0x108;
	_ =	swait.ge @!p0 [sflag:s8], $0x0  }
0x24: {  	s3 =	sadd.s32 $0x88, s3;
	s6 =	simm.s32 @!p1 $0x1082;
	[sflag:s4] =	ssyncset.s32 $0xFFFFF086  }
0x25: {  	[simem:s6], [sflag:s4] =	dma.local [hbm:s3], $0xF7A  }
0x26: {  	[smem:$0x3F93] =	sst s1;
	(tag) =	ssettag s2;
	_ =	strace s9  }
0x27: {  	s1 =	sld [smem:$0x3FA3]  }
0x28: {  	s2 =	sld [smem:$0x3FA4]  }
0x29: {  	s4 =	sld [smem:$0x3FA6]  }
0x2a: {  	p0 =	seq.s32 s5, $0x0;
	s5 =	sld [smem:$0x3FA7]  }
0x2b: {  	s6 =	sld [smem:$0x3FA8]  }
0x2c: {  	s7 =	sld [smem:$0x3FA9]  }
0x2d: {  	s3 =	simm.s32 $0x108;
	s8 =	sld [smem:$0x3FAA]  }
0x2e: {  	s3 =	simm.s32 @!p0 $0x1082;
	s9 =	sld [smem:$0x3FAB]  }
0x2f: {  	lr =	sadd.s32 s0, s3;
	s0 =	sld [smem:$0x3FA2]  }
0x30: {  	s3 =	sld [smem:$0x3FA5]  }
0x31: {  	[smem:$0x3FAE] =	sst s10  }
0x32: {  	s10 =	sld [smem:$0x3FAC];
	_ =	sdelay $0x3  }
0x33: {  	p0 =	seq.s32 s10, $0x1;
	s10 =	sld [smem:$0x3FAE];
	_ =	sdelay $0x3  }
0x34: {  	[smem:$0x3FAE] =	sst s10  }
0x35: {  	s10 =	sld [smem:$0x3FAD];
	_ =	sdelay $0x3  }
0x36: {  	p1 =	seq.s32 s10, $0x1;
	s10 =	sld [smem:$0x3FAE];
	_ =	sdelay $0x3  }
0x37: {  	[smem:$0x3FAE] =	sst s10  }
0x38: {  	s10 =	sld [smem:$0x3FAF]  }
0x39: {  	_ = 	snop;
	(pc) =	sbr.ind lr, $3  }
0x3a: {  	_ = 	snop  }
0x3b: {  	_ = 	snop  }
0x3c: {  	p2 =	seq.s32 s10, $0x1;
	s10 =	sld [smem:$0x3FAE]  }
0x3d: {  	_ =	shalt  }
0x3e: {  	_ =	shalt  }
0x3f: {  	_ =	shalt  }
0x40: {  	_ =	shalt  }
0x41: {  	_ =	shalt  }
0x42: {  	_ =	shalt  }
0x43: {  	_ =	shalt  }
0x44: {  	_ =	shalt  }
0x45: {  	_ =	shalt  }
0x46: {  	_ =	shalt  }
0x47: {  	_ =	shalt  }
0x48: {  	_ =	shalt  }
0x49: {  	_ =	shalt  }
0x4a: {  	_ =	shalt  }
0x4b: {  	_ =	shalt  }
0x4c: {  	_ =	shalt  }
0x4d: {  	_ =	shalt  }
0x4e: {  	_ =	shalt  }
0x4f: {  	_ =	shalt  }
0x50: {  	_ =	shalt  }
0x51: {  	_ =	shalt  }
0x52: {  	_ =	shalt  }
0x53: {  	_ =	shalt  }
0x54: {  	_ =	shalt  }
0x55: {  	_ =	shalt  }
0x56: {  	_ =	shalt  }
0x57: {  	_ =	shalt  }
0x58: {  	_ =	shalt  }
0x59: {  	_ =	shalt  }
0x5a: {  	_ =	shalt  }
0x5b: {  	_ =	shalt  }
0x5c: {  	_ =	shalt  }
0x5d: {  	_ =	shalt  }
0x5e: {  	_ =	shalt  }
0x5f: {  	_ =	shalt  }
0x60: {  	_ =	shalt  }
0x61: {  	_ =	shalt  }
0x62: {  	_ =	shalt  }
0x63: {  	_ =	shalt  }
0x64: {  	_ =	shalt  }
0x65: {  	_ =	shalt  }
0x66: {  	_ =	shalt  }
0x67: {  	_ =	shalt  }
0x68: {  	_ =	shalt  }
0x69: {  	_ =	shalt  }
0x6a: {  	_ =	shalt  }
0x6b: {  	_ =	shalt  }
0x6c: {  	_ =	shalt  }
0x6d: {  	_ =	shalt  }
0x6e: {  	_ =	shalt  }
0x6f: {  	_ =	shalt  }
0x70: {  	_ =	shalt  }
0x71: {  	_ =	shalt  }
0x72: {  	_ =	shalt  }
0x73: {  	_ =	shalt  }
0x74: {  	_ =	shalt  }
0x75: {  	_ =	shalt  }
0x76: {  	_ =	shalt  }
0x77: {  	_ =	shalt  }
0x78: {  	_ =	shalt  }
0x79: {  	_ =	shalt  }
0x7a: {  	_ =	shalt  }
0x7b: {  	_ =	shalt  }
0x7c: {  	_ =	shalt  }
0x7d: {  	_ =	shalt  }
0x7e: {  	_ =	shalt  }
0x7f: {  	_ =	shalt  }
0x80: {  	_ =	shalt  }
0x81: {  	_ =	shalt  }
0x82: {  	_ =	shalt  }
0x83: {  	_ =	shalt  }
0x84: {  	_ =	shalt  }
0x85: {  	_ =	shalt  }
0x86: {  	_ =	shalt  }
0x87: {  	_ =	shalt  }
.Lfunc_end0:
.L_simem_size_0:
called_computation.1_lowered:
.L_overlay_start_0:
0x88: {  	s2 =	sld [smem:$0x3FD9]  }
0x89: {  	s3 =	sld [smem:$0x3FFE];
	_ =	sdelay $0x1  }
0x8a: {  	s1 =	srdreg.scid  }
0x8b: {  	s0 =	sand.u32 $0x1, s1  }
0x8c: {  	s16 =	sshll.u32 s0, $0xA;
	s2 =	sadd.s32 s3, s2  }
0x8d: {  	s2 =	sadd.s32 s2, s16  }
0x8e: {  	[smem:$0x3FBA] =	sst s2  }
0x8f: {  	_ = 	snop  }
0x90: {  	(tm) =	ssettm $0x1  }
0x91: {  	s17 =	sld [smem:$0x3FFB];
	_ =	sdelay $0x3  }
0x92: {  	_ =	strace s17  }
0x93: {  	s2 =	sld [smem:$0x3FFC];
	_ =	sdelay $0x3  }
0x94: {  	_ =	strace s2  }
0x95: {  	s2 =	sld [smem:$0x3FFD];
	_ =	sdelay $0x3  }
0x96: {  	_ =	strace s2  }
0x97: {  	_ =	strace $0x8FFFFFFF  }
0x98: {  	s18 =	sld [smem:$0x3FDB];
	_ =	sdelay $0x1  }
0x99: {  	s19 =	simm.s32 $_scs_section_size  }
0x9a: {  	s4 =	simm.s32 $_size__tile_overlayer_lowered;
	s5 =	simm.s32 $_tile_overlayer_lowered  }
0x9b: {  	s22 =	simm.s32 $0x1BFF;
	s21 =	sshll.u32 s5, $0x1;
	s2 =	sadd.s32 s19, s18  }
0x9c: {  	s6 =	simm.s32 $0x0;
	s20 =	sshll.u32 s4, $0x1;
	s4 =	sadd.s32 s21, s2  }
0x9d: {  	[timem:s6], [sflag:s22] =	dma.local [hbm:s4], s20  }
0x9e: {  	_ =	swait.ge [sflag:s22], s20  }
0x9f: {  	s3 =	ssub.s32 $0x0, s20;
	[sflag:s22] =	ssyncset.done $0x0  }
0xa0: {  	[sflag:s22] =	ssyncadd.s32 s3;
	_ =	sdelay $0x1  }
0xa1: {  	s23 =	simm.s32 $0x1B8B  }
0xa2: {  	_ =	swait.ge [sflag:s23], $0x1  }
0xa3: {  	[sflag:s23] =	ssyncset.done $0x0  }
0xa4: {  	s25 =	simm.s32 $0x1B8E;
	s24 =	sld [smem:$0x3FFE];
	[sflag:s23] =	ssyncadd.s32 $0xFFFFFFFF  }
0xa5: {  	s26 =	simm.s32 $execute0_lowered;
	[smem:$0x3FD2] =	sst s25  }
0xa6: {  	s4 =	sshll.u32 s26, $0x1;
	_ =	strace $0x80000046;
	[dreg:$0x1] =	wrdreg $0xFFFFFFFF  }
0xa7: {  	s28 =	simm.s32 $_size_execute0_lowered;
	s2 =	sadd.s32 s2, s4;
	[dreg:$0x0] =	wrdreg $0x0  }
0xa8: {  	s4 =	sshll.u32 s28, $0x1;
	[dreg:$0x2] =	wrdreg s2  }
0xa9: {  	[dreg:$0x3] =	wrdreg s4  }
0xaa: {  	[dreg:$0x4] =	wrdreg $0xC0  }
0xab: {  	_ =	task [dreg:s6], $0x5FFFF  }
0xac: {  	[dreg:$0x1] =	wrdreg $0xFFFFFFFF  }
0xad: {  	[dreg:$0x0] =	wrdreg $0x60  }
0xae: {  	[dreg:$0x2] =	wrdreg s24  }
0xaf: {  	[dreg:$0x3] =	wrdreg $0x82000  }
0xb0: {  	[dreg:$0x4] =	wrdreg $0xA  }
0xb1: {  	_ =	task.clear_ibuf [dreg:s6], $0x5FFFF;
	_ =	strace $0x90000046  }
0xb2: {  	s29 =	simm.s32 $0xA;
	_ =	strace $0x80000048  }
0xb3: {  	_ =	swait.ge [sflag:s29], $0x1  }
0xb4: {  	[sflag:s29] =	ssyncadd.s32 $0xFFFFFFFF  }
0xb5: {  	_ =	strace $0x90000048  }
0xb6: {  	_ =	sfence  }
0xb7: {  	s30 =	sld [smem:$0x0];
	_ =	sdelay $0x2  }
0xb8: {  	s31 =	sshll.u32 s1, $0xD;
	s1 =	sshrl.u32 s1, $0x2  }
0xb9: {  	s3 =	sand.u32 $0x4000, s31;
	s1 =	sadd.s32 s1, s30  }
0xba: {  	s0 =	sor.u32 s3, s0;
	s1 =	sshll.u32 s1, $0x11  }
0xbb: {  	s0 =	sor.u32 s1, s0  }
0xbc: {  	s0 =	sadd.s32 $0x8F2B, s0  }
0xbd: {  	[sflag:s0] =	ssyncadd.remote.s32 $0x1  }
0xbe: {  	_ =	sfence.sel $0xFFFF  }
0xbf: {  	[dreg:$0x0] =	wrdreg $0xFFFFFFFF;
	(pc) =	sbr.abs _section_cstart, $3  }
0xc0: {  	[dreg:$0x1] =	wrdreg $0xFFFFFFFF  }
0xc1: {  	_ =	task.clear_ibuf [dreg:s6], $0x2FFFF;
	_ =	strace $0x9FFFFFFF  }
0xc2: {  	(tm) =	ssettm $0x7FFFFFFF  }
0xc3: {  	_ =	shalt  }
tec
execute0_lowered:
.L_overlay_start_1:
0x0: {  	(tag) =	ssettag $0x1  }
0x1: {  	s0 =	rddreg [dreg:$0x0]  }
0x2: {  	s2 =	rddreg [dreg:$0x1];
	s1 =	stileid.u32  }
0x3: {  	s4 =	srdreg.scid;
	s3 =	simm.s32 $0x0;
	s19 =	simm.s32 $0x3  }
0x4: {  	s20 =	simm.s32 $0x100;
	s21 =	simm.s32 $0x80;
	s28 =	simm.s32 $0x0  }
0x5: {  	s7 =	smul.u32 $0x13C00, s1;
	s8 =	sand.u32 $0x1, s4;
	[smem:$0x7FF] =	sst s3  }
0x6: {  	s4 =	sadd.s32 $0x1A800, s0;
	s5 =	sadd.s32 $0x10800, s0;
	s6 =	sadd.s32 $0x6800, s0  }
0x7: {  	s11 =	smul.u32 $0x4F000, s1;
	s12 =	sshrl.u32 s1, $0x2;
	s13 =	sshll.u32 s1, $0x8  }
0x8: {  	s25 =	sshll.u32 s1, $0x6;
	s9 =	smul.u32 $0x13C000, s8;
	_ =	strace $0x80000047  }
0x9: {  	s10 =	ssub.s32 $0x2, s8;
	s12 =	smul.u32 $0x14000, s12;
	s14 =	sshll.u32 s8, $0x7  }
0xa: {  	s13 =	sand.u32 $0x300, s13;
	s8 =	sor.u32 $0x1C03, s25;
	s25 =	simm.s32 $0x1  }
0xb: {  	s22 =	sshrl.u32 s10, $0x1;
	s23 =	sshrl.u32 s11, $0x2;
	s24 =	sor.u32 s14, s13  }
0xc: {  	s9 =	sadd.s32 s7, s9;
	s7 =	sshrl.u32 s7, $0x3;
	s15 =	ssub.s32 s10, s22  }
0xd: {  	s18 =	sadd.s32 s23, s2;
	s22 =	simm.s32 $0x200;
	s23 =	simm.s32 $0x180  }
0xe: {  	s9 =	sshrl.u32 s9, $0x3;
	s7 =	sadd.s32 s7, s0;
	s18 =	sshrl.u32 s18, $0x3  }
0xf: {  	s0 =	sadd.s32 s9, s0;
	s9 =	sor.u32 s12, s24;
	s26 =	sadd.s32 $0x42000, s7  }
0x10: {  	s12 =	sor.u32 s13, s12;
	s24 =	simm.s32 $0x4200;
	[dreg:$0x3] =	wrdreg s26  }
0x11: {  	s16 =	sshrl.u32 s9, $0x3;
	s11 =	sadd.s32 $0x69800, s0;
	s30 =	sor.u32 s14, s12  }
0x12: {  	s12 =	smax.u32 s15, $0x1;
	s26 =	simm.s32 $0x2;
	s9 =	sadd.s32 s5, s16  }
0x13: {  	s10 =	sadd.s32 s6, s16;
	s29 =	sadd.s32 $0x2780, s16;
	s17 =	sor.u32 $0x400, s30  }
0x14: {  	s15 =	sor.u32 $0x800, s30;
	s13 =	sadd.s32 s5, s29;
	s31 =	sshrl.u32 s17, $0x3  }
0x15: {  	s14 =	sadd.s32 s6, s29;
	s16 =	sadd.s32 s31, s6;
	s17 =	sadd.s32 s31, s5  }
.LBB2_1:
0x16: {  	s0 =	rddreg [dreg:$0x3]  }
0x17: {  	[spmem:s18], [sflag:s8] =	dma.local [hbm:s0], $0x2780  }
0x18: {  	_ =	swait.ge [sflag:s19], $0x2780  }
0x19: {  	[sflag:s19] =	ssyncset.done $0x0  }
0x1a: {  	[sflag:s19] =	ssyncadd.s32 $0xFFFFD880  }
0x1b: {  	[bflag:$0x0] =	sbarrier.arrive $0xFFFF  }
0x1c: {  	[tilespmem:s3], [sflag:$0x3] =	stream.linear.gather [hbm4b:s9+s3], $0x80, $0x38;
	[tilespmem:$0x1BE00] =	vst v63  }
0x1d: {  	_ =	swait.ge [sflag:s19], $0x80  }
0x1e: {  	[sflag:s19] =	ssyncset.done $0x0  }
0x1f: {  	[sflag:s19] =	ssyncadd.s32 $0xFFFFFF80  }
0x20: {  	[tilespmem:s20], [sflag:$0x3] =	stream.linear.gather [hbm4b:s10+s3], $0x80, $0x38;
	[tilespmem:$0x1BE00] =	vst v63  }
0x21: {  	_ =	swait.ge [sflag:s19], $0x80  }
0x22: {  	[sflag:s19] =	ssyncset.done $0x0  }
0x23: {  	[sflag:s19] =	ssyncadd.s32 $0xFFFFFF80  }
0x24: {  	[tilespmem:s22], [sflag:$0x1] =	stream.indirect.gather [hbm4b:s4+s21], $0x80, s3, s21, $0xb8;
	[tilespmem:$0x1BE00] =	vst v63  }
0x25: {  	s7 =	sadd.s32 $0x0, s17  }
0x26: {  	[tilespmem:s21], [sflag:$0x3] =	stream.linear.gather [hbm4b:s7+s3], $0x80, $0x38;
	[tilespmem:$0x1BE00] =	vst v63  }
0x27: {  	_ =	swait.ge [sflag:s19], $0x80  }
0x28: {  	[sflag:s19] =	ssyncset.done $0x0  }
0x29: {  	s1 =	sadd.s32 $0x0, s16;
	[sflag:s19] =	ssyncadd.s32 $0xFFFFFF80  }
0x2a: {  	[tilespmem:s23], [sflag:$0x3] =	stream.linear.gather [hbm4b:s1+s3], $0x80, $0x38;
	[tilespmem:$0x1BE00] =	vst v63  }
0x2b: {  	_ =	swait.ge [sflag:s19], $0x80  }
0x2c: {  	[sflag:s19] =	ssyncset.done $0x0  }
0x2d: {  	[sflag:s19] =	ssyncadd.s32 $0xFFFFFF80  }
0x2e: {  	[tilespmem:s24], [sflag:$0x2] =	stream.indirect.gather [hbm4b:s4+s21], $0x80, s21, s21, $0xb8;
	[tilespmem:$0x1BE00] =	vst v63  }
0x2f: {  	_ =	swait.ge [sflag:s25], $0x4000  }
0x30: {  	[sflag:s25] =	ssyncset.done $0x0  }
0x31: {  	[sflag:s25] =	ssyncadd.s32 $0xFFFFC000  }
0x32: {  	[spmem:s2] =	stream.indirect.scatter.add.f32 [tilespmem:s22], [sflag:$0x3], $0x80, s20, s21, $0xb8;
	[tilespmem:$0x1BE00] =	vst v63  }
0x33: {  	_ =	swait.ge [sflag:s19], $0x4000  }
0x34: {  	s7 =	sshrl.u32 s15, $0x3;
	[sflag:s19] =	ssyncset.done $0x0  }
0x35: {  	s29 =	sadd.s32 s5, s7;
	[sflag:s19] =	ssyncadd.s32 $0xFFFFC000  }
0x36: {  	[tilespmem:s3], [sflag:$0x3] =	stream.linear.gather [hbm4b:s29+s3], $0x80, $0x38;
	[tilespmem:$0x1BE00] =	vst v63  }
0x37: {  	_ =	swait.ge [sflag:s19], $0x80  }
0x38: {  	[sflag:s19] =	ssyncset.done $0x0  }
0x39: {  	s0 =	sadd.s32 s6, s7;
	[sflag:s19] =	ssyncadd.s32 $0xFFFFFF80  }
0x3a: {  	[tilespmem:s20], [sflag:$0x3] =	stream.linear.gather [hbm4b:s0+s3], $0x80, $0x38;
	[tilespmem:$0x1BE00] =	vst v63  }
0x3b: {  	_ =	swait.ge [sflag:s19], $0x80  }
0x3c: {  	[sflag:s19] =	ssyncset.done $0x0  }
0x3d: {  	[sflag:s19] =	ssyncadd.s32 $0xFFFFFF80  }
0x3e: {  	[tilespmem:s22], [sflag:$0x1] =	stream.indirect.gather [hbm4b:s4+s21], $0x80, s3, s21, $0xb8;
	[tilespmem:$0x1BE00] =	vst v63  }
0x3f: {  	_ =	swait.ge [sflag:s26], $0x4000  }
0x40: {  	[sflag:s26] =	ssyncset.done $0x0  }
0x41: {  	[sflag:s26] =	ssyncadd.s32 $0xFFFFC000  }
0x42: {  	[spmem:s2] =	stream.indirect.scatter.add.f32 [tilespmem:s24], [sflag:$0x3], $0x80, s23, s21, $0xb8;
	[tilespmem:$0x1BE00] =	vst v63  }
0x43: {  	s30 =	simm.s32 $0x100;
	_ =	swait.ge [sflag:s19], $0x4000  }
0x44: {  	s31 =	simm.s32 $0x200;
	s29 =	sadd.s32 $0x800, s15;
	[sflag:s19] =	ssyncset.done $0x0  }
.LBB2_2:
0x45: {  	s1 =	sadd.s32 s30, s17  }
0x46: {  	[sflag:s19] =	ssyncadd.s32 $0xFFFFC000;
	s7 =	smov.u32 s31;
	s0 =	sadd.s32 $0x100, s31  }
0x47: {  	[tilespmem:s21], [sflag:$0x3] =	stream.linear.gather [hbm4b:s1+s3], $0x80, $0x38;
	[tilespmem:$0x1BE00] =	vst v63  }
0x48: {  	p0 =	sne.s32 s31, $0x2600;
	_ =	swait.ge [sflag:s19], $0x80  }
0x49: {  	[sflag:s19] =	ssyncset.done $0x0  }
0x4a: {  	s1 =	sadd.s32 s30, s16;
	s30 =	smov.u32 s7;
	[sflag:s19] =	ssyncadd.s32 $0xFFFFFF80  }
0x4b: {  	[tilespmem:s23], [sflag:$0x3] =	stream.linear.gather [hbm4b:s1+s3], $0x80, $0x38;
	[tilespmem:$0x1BE00] =	vst v63  }
0x4c: {  	_ =	swait.ge [sflag:s19], $0x80  }
0x4d: {  	[sflag:s19] =	ssyncset.done $0x0  }
0x4e: {  	[sflag:s19] =	ssyncadd.s32 $0xFFFFFF80  }
0x4f: {  	[tilespmem:s24], [sflag:$0x2] =	stream.indirect.gather [hbm4b:s4+s21], $0x80, s21, s21, $0xb8;
	[tilespmem:$0x1BE00] =	vst v63  }
0x50: {  	_ =	swait.ge [sflag:s25], $0x4000  }
0x51: {  	[sflag:s25] =	ssyncset.done $0x0  }
0x52: {  	[sflag:s25] =	ssyncadd.s32 $0xFFFFC000  }
0x53: {  	[spmem:s2] =	stream.indirect.scatter.add.f32 [tilespmem:s22], [sflag:$0x3], $0x80, s20, s21, $0xb8;
	[tilespmem:$0x1BE00] =	vst v63  }
0x54: {  	_ =	swait.ge [sflag:s19], $0x4000  }
0x55: {  	s1 =	sshrl.u32 s29, $0x3;
	[sflag:s19] =	ssyncset.done $0x0  }
0x56: {  	s7 =	sadd.s32 s5, s1;
	[sflag:s19] =	ssyncadd.s32 $0xFFFFC000  }
0x57: {  	[tilespmem:s3], [sflag:$0x3] =	stream.linear.gather [hbm4b:s7+s3], $0x80, $0x38;
	[tilespmem:$0x1BE00] =	vst v63  }
0x58: {  	_ =	swait.ge [sflag:s19], $0x80  }
0x59: {  	[sflag:s19] =	ssyncset.done $0x0  }
0x5a: {  	s1 =	sadd.s32 s6, s1;
	[sflag:s19] =	ssyncadd.s32 $0xFFFFFF80  }
0x5b: {  	[tilespmem:s20], [sflag:$0x3] =	stream.linear.gather [hbm4b:s1+s3], $0x80, $0x38;
	[tilespmem:$0x1BE00] =	vst v63  }
0x5c: {  	_ =	swait.ge [sflag:s19], $0x80  }
0x5d: {  	[sflag:s19] =	ssyncset.done $0x0  }
0x5e: {  	[sflag:s19] =	ssyncadd.s32 $0xFFFFFF80  }
0x5f: {  	[tilespmem:s22], [sflag:$0x1] =	stream.indirect.gather [hbm4b:s4+s21], $0x80, s3, s21, $0xb8;
	[tilespmem:$0x1BE00] =	vst v63  }
0x60: {  	_ =	swait.ge [sflag:s26], $0x4000  }
.Ltmp0:
0x61: {  	[sflag:s26] =	ssyncset.done $0x0;
	(pc) =	sbr.rel @p0 .LBB2_2-.Ltmp0, $4  }
0x62: {  	[sflag:s26] =	ssyncadd.s32 $0xFFFFC000  }
0x63: {  	[spmem:s2] =	stream.indirect.scatter.add.f32 [tilespmem:s24], [sflag:$0x3], $0x80, s23, s21, $0xb8;
	[tilespmem:$0x1BE00] =	vst v63  }
0x64: {  	_ =	swait.ge [sflag:s19], $0x4000  }
0x65: {  	s31 =	smov.u32 s0;
	s29 =	sadd.s32 $0x800, s29;
	[sflag:s19] =	ssyncset.done $0x0  }
0x66: {  	s0 =	sadd.s32 s30, s17;
	[sflag:s19] =	ssyncadd.s32 $0xFFFFC000  }
0x67: {  	[tilespmem:s21], [sflag:$0x3] =	stream.linear.gather [hbm4b:s0+s3], $0x80, $0x38;
	[tilespmem:$0x1BE00] =	vst v63  }
0x68: {  	_ =	swait.ge [sflag:s19], $0x80  }
0x69: {  	[sflag:s19] =	ssyncset.done $0x0  }
0x6a: {  	s30 =	sadd.s32 s30, s16;
	[sflag:s19] =	ssyncadd.s32 $0xFFFFFF80  }
0x6b: {  	[tilespmem:s23], [sflag:$0x3] =	stream.linear.gather [hbm4b:s30+s3], $0x80, $0x38;
	[tilespmem:$0x1BE00] =	vst v63  }
0x6c: {  	_ =	swait.ge [sflag:s19], $0x80  }
0x6d: {  	[sflag:s19] =	ssyncset.done $0x0  }
0x6e: {  	[sflag:s19] =	ssyncadd.s32 $0xFFFFFF80  }
0x6f: {  	[tilespmem:s24], [sflag:$0x2] =	stream.indirect.gather [hbm4b:s4+s21], $0x80, s21, s21, $0xb8;
	[tilespmem:$0x1BE00] =	vst v63  }
0x70: {  	_ =	swait.ge [sflag:s25], $0x4000  }
0x71: {  	[sflag:s25] =	ssyncset.done $0x0  }
0x72: {  	[sflag:s25] =	ssyncadd.s32 $0xFFFFC000  }
0x73: {  	[spmem:s2] =	stream.indirect.scatter.add.f32 [tilespmem:s22], [sflag:$0x3], $0x80, s20, s21, $0xb8;
	[tilespmem:$0x1BE00] =	vst v63  }
0x74: {  	_ =	swait.ge [sflag:s19], $0x4000  }
0x75: {  	s31 =	sshrl.u32 s29, $0x3;
	[sflag:s19] =	ssyncset.done $0x0  }
0x76: {  	s1 =	sadd.s32 s5, s31;
	[sflag:s19] =	ssyncadd.s32 $0xFFFFC000  }
0x77: {  	[tilespmem:s3], [sflag:$0x3] =	stream.linear.gather [hbm4b:s1+s3], $0x80, $0x38;
	[tilespmem:$0x1BE00] =	vst v63  }
0x78: {  	_ =	swait.ge [sflag:s19], $0x80  }
0x79: {  	[sflag:s19] =	ssyncset.done $0x0  }
0x7a: {  	s0 =	sadd.s32 s6, s31;
	[sflag:s19] =	ssyncadd.s32 $0xFFFFFF80  }
0x7b: {  	[tilespmem:s20], [sflag:$0x3] =	stream.linear.gather [hbm4b:s0+s3], $0x80, $0x38;
	[tilespmem:$0x1BE00] =	vst v63  }
0x7c: {  	_ =	swait.ge [sflag:s19], $0x80  }
0x7d: {  	[sflag:s19] =	ssyncset.done $0x0  }
0x7e: {  	[sflag:s19] =	ssyncadd.s32 $0xFFFFFF80  }
0x7f: {  	[tilespmem:s22], [sflag:$0x1] =	stream.indirect.gather [hbm4b:s4+s21], $0x80, s3, s21, $0xb8;
	[tilespmem:$0x1BE00] =	vst v63  }
0x80: {  	_ =	swait.ge [sflag:s26], $0x4000  }
0x81: {  	[sflag:s26] =	ssyncset.done $0x0  }
0x82: {  	[sflag:s26] =	ssyncadd.s32 $0xFFFFC000  }
0x83: {  	[spmem:s2] =	stream.indirect.scatter.add.f32 [tilespmem:s24], [sflag:$0x3], $0x80, s23, s21, $0xb8;
	[tilespmem:$0x1BE00] =	vst v63  }
0x84: {  	_ =	swait.ge [sflag:s19], $0x4000  }
0x85: {  	[sflag:s19] =	ssyncset.done $0x0  }
0x86: {  	[sflag:s19] =	ssyncadd.s32 $0xFFFFC000  }
0x87: {  	[tilespmem:s21], [sflag:$0x3] =	stream.linear.gather [hbm4b:s13+s3], $0x80, $0x38;
	[tilespmem:$0x1BE00] =	vst v63  }
0x88: {  	_ =	swait.ge [sflag:s19], $0x80  }
0x89: {  	[sflag:s19] =	ssyncset.done $0x0  }
0x8a: {  	[sflag:s19] =	ssyncadd.s32 $0xFFFFFF80  }
0x8b: {  	[tilespmem:s23], [sflag:$0x3] =	stream.linear.gather [hbm4b:s14+s3], $0x80, $0x38;
	[tilespmem:$0x1BE00] =	vst v63  }
0x8c: {  	_ =	swait.ge [sflag:s19], $0x80  }
0x8d: {  	[sflag:s19] =	ssyncset.done $0x0  }
0x8e: {  	[sflag:s19] =	ssyncadd.s32 $0xFFFFFF80  }
0x8f: {  	[tilespmem:s24], [sflag:$0x2] =	stream.indirect.gather [hbm4b:s4+s21], $0x80, s21, s21, $0xb8;
	[tilespmem:$0x1BE00] =	vst v63  }
0x90: {  	_ =	swait.ge [sflag:s25], $0x4000  }
0x91: {  	[sflag:s25] =	ssyncset.done $0x0  }
0x92: {  	[sflag:s25] =	ssyncadd.s32 $0xFFFFC000  }
0x93: {  	[spmem:s2] =	stream.indirect.scatter.add.f32 [tilespmem:s22], [sflag:$0x3], $0x80, s20, s21, $0xb8;
	[tilespmem:$0x1BE00] =	vst v63  }
0x94: {  	_ =	swait.ge [sflag:s19], $0x4000  }
0x95: {  	[sflag:s19] =	ssyncset.done $0x0  }
0x96: {  	[sflag:s19] =	ssyncadd.s32 $0xFFFFC000  }
0x97: {  	_ =	swait.ge [sflag:s26], $0x4000  }
0x98: {  	[sflag:s26] =	ssyncset.done $0x0  }
0x99: {  	[sflag:s26] =	ssyncadd.s32 $0xFFFFC000  }
0x9a: {  	[spmem:s2] =	stream.indirect.scatter.add.f32 [tilespmem:s24], [sflag:$0x3], $0x80, s23, s21, $0xb8;
	[tilespmem:$0x1BE00] =	vst v63  }
0x9b: {  	_ =	swait.ge [sflag:s19], $0x4000  }
0x9c: {  	s28 =	sadd.s32 $0x1, s28;
	[sflag:s19] =	ssyncset.done $0x0  }
0x9d: {  	p0 =	sne.s32 s28, s12;
	[sflag:s19] =	ssyncadd.s32 $0xFFFFC000  }
.Ltmp1:
0x9e: {  	[bflag:$0x0] =	sbarrier.arrive $0xFFFF;
	(pc) =	sbr.rel @p0 .LBB2_1-.Ltmp1, $4  }
0x9f: {  	[hbm:s11], [sflag:s8] =	dma.local [spmem:s18], $0x2780  }
0xa0: {  	_ =	swait.ge [sflag:s19], $0x2780  }
0xa1: {  	[sflag:s19] =	ssyncset.done $0x0  }
0xa2: {  	[sflag:s19] =	ssyncadd.s32 $0xFFFFD880  }
0xa3: {  	_ =	sfence.sel $0x180000  }
0xa4: {  	[bflag:$0x0] =	sbarrier.arrive $0xFFFF  }
0xa5: {  	_ =	strace $0x90000047  }
0xa6: {  	s0 =	stileid.u32;
	[bflag:$0x2] =	sbarrier.arrive $0xFFFF  }
0xa7: {  	p0 =	sne.s32 s0, $0x0;
	s0 =	rddreg [dreg:$0x2]  }
0xa8: {  	s0 =	sadd.s32 @!p0 $0x100000, s0  }
0xa9: {  	[sflag:s0] =	ssyncadd.tile.s32 @!p0 $0x1;
	_ =	shalt  }
.Lfunc_end2:
_tile_overlayer_lowered:
.L_overlay_start_2:
0xaa: {  	(tag) =	ssettag $0x2  }
0xab: {  	s0 =	rddreg [dreg:$0x0];
	s2 =	stileid.u32  }
0xac: {  	s1 =	rddreg [dreg:$0x1];
	p0 =	sne.s32 s2, $0x0  }
0xad: {  	s3 =	rddreg [dreg:$0x2];
	[bflag:$0x3] =	sbarrier.arrive $0xFFFF;
	s2 =	simm.s32 @!p0 $0x1C03  }
0xae: {  	[timem:s3], [sflag:s2] =	dma.local @!p0 [hbm:s0], s1  }
0xaf: {  	s0 =	simm.s32 @!p0 $0x3  }
0xb0: {  	_ =	swait.ge @!p0 [sflag:s0], s1  }
0xb1: {  	s1 =	ssub.s32 @!p0 $0x0, s1;
	[sflag:s0] =	ssyncset.done @!p0 $0x0  }
0xb2: {  	[sflag:s0] =	ssyncadd.s32 @!p0 s1  }
0xb3: {  	[bflag:$0x3] =	sbarrier.arrive $0xFFFF  }
0xb4: {  	_ =	shalt  }

// kernel: kernel.21.cloned.1.call-start
scs
__scs_entry_jumppad:
0x0: {  	(pc) =	sbr.rel $0x88, $3  }
0x1: {  	(tag) =	ssettag $0x0;
	lr =	simm.s32 $0x1  }
0x2: {  	[smem:$0x3F93] =	sst lr;
	_ =	strace $0xD0000000  }
0x3: {  	_ = 	snop  }
0x4: {  	_ = 	snop  }
0x5: {  	_ = 	snop  }
0x6: {  	_ = 	snop  }
0x7: {  	_ = 	snop  }
__scs_overlays_trampoline_lowered:
0x8: {  	[smem:$0x3FA2] =	sst s0  }
0x9: {  	[smem:$0x3FA3] =	sst s1  }
0xa: {  	[smem:$0x3FA4] =	sst s2  }
0xb: {  	[smem:$0x3FA5] =	sst s3  }
0xc: {  	[smem:$0x3FA6] =	sst s4  }
0xd: {  	[smem:$0x3FA7] =	sst s5  }
0xe: {  	[smem:$0x3FA8] =	sst s6  }
0xf: {  	[smem:$0x3FA9] =	sst s7  }
0x10: {  	[smem:$0x3FAA] =	sst s8  }
0x11: {  	[smem:$0x3FAB] =	sst s9;
	s0 =	simm.s32 @!p0 $0x0  }
0x12: {  	s1 =	sld [smem:$0x3F91];
	s0 =	simm.s32 @p0 $0x1  }
0x13: {  	[smem:$0x3FAC] =	sst s0;
	s0 =	simm.s32 @!p1 $0x0  }
0x14: {  	s2 =	sld [smem:$0x3F90];
	s0 =	simm.s32 @p1 $0x1  }
0x15: {  	[smem:$0x3FAD] =	sst s0;
	s0 =	simm.s32 @!p2 $0x0  }
0x16: {  	s3 =	sld [smem:$0x3FDB];
	s0 =	simm.s32 @p2 $0x1  }
0x17: {  	s4 =	simm.s32 $0x1BF5;
	[smem:$0x3FAF] =	sst s0  }
0x18: {  	s0 =	sld [smem:$0x3F92];
	_ =	swait.ge [sflag:s4], $0x0  }
0x19: {  	s7 =	sld [smem:$0x3F93]  }
0x1a: {  	s8 =	sadd.s32 $0xFFFFE003, lr  }
0x1b: {  	s9 =	sadd.s32 $0xFFFFFEF7, lr;
	s5 =	simm.s32 $0xFFFFFFFF;
	p2 =	slt.u32 s8, $0xFFFFF086  }
0x1c: {  	p1 =	slt.u32 s9, $0xF7A;
	s5 =	simm.s32 @!p2 $0x0  }
0x1d: {  	s5 =	simm.s32 @p1 $0x1;
	p0 =	seq.s32 s7, s2  }
0x1e: {  	s7 =	smul.u32 @!p0 $0xF7A, s2;
	p2 =	seq.s32 @!p0 s5, $0x0  }
0x1f: {  	s9 =	smul.u32 $0xF7A, s1;
	s8 =	simm.s32 @!p0 $0x1BF5;
	p2 =	por !p2, p0  }
0x20: {  	[sflag:s8] =	ssyncset.s32 @!p0 $0xFFFFF086;
	s6 =	sadd.s32 @!p0 s3, s7;
	s7 =	simm.s32 @!p0 $0x108  }
0x21: {  	s3 =	sadd.s32 s3, s9;
	s6 =	sadd.s32 @!p0 $0x88, s6;
	s7 =	simm.s32 @p2 $0x1082  }
0x22: {  	[simem:s7], [sflag:s8] =	dma.local @!p0 [hbm:s6], $0xF7A  }
0x23: {  	s9 =	sor.u32 $0xD0000000, s2;
	s6 =	simm.s32 $0x108;
	_ =	swait.ge @!p0 [sflag:s8], $0x0  }
0x24: {  	s3 =	sadd.s32 $0x88, s3;
	s6 =	simm.s32 @!p1 $0x1082;
	[sflag:s4] =	ssyncset.s32 $0xFFFFF086  }
0x25: {  	[simem:s6], [sflag:s4] =	dma.local [hbm:s3], $0xF7A  }
0x26: {  	[smem:$0x3F93] =	sst s1;
	(tag) =	ssettag s2;
	_ =	strace s9  }
0x27: {  	s1 =	sld [smem:$0x3FA3]  }
0x28: {  	s2 =	sld [smem:$0x3FA4]  }
0x29: {  	s4 =	sld [smem:$0x3FA6]  }
0x2a: {  	p0 =	seq.s32 s5, $0x0;
	s5 =	sld [smem:$0x3FA7]  }
0x2b: {  	s6 =	sld [smem:$0x3FA8]  }
0x2c: {  	s7 =	sld [smem:$0x3FA9]  }
0x2d: {  	s3 =	simm.s32 $0x108;
	s8 =	sld [smem:$0x3FAA]  }
0x2e: {  	s3 =	simm.s32 @!p0 $0x1082;
	s9 =	sld [smem:$0x3FAB]  }
0x2f: {  	lr =	sadd.s32 s0, s3;
	s0 =	sld [smem:$0x3FA2]  }
0x30: {  	s3 =	sld [smem:$0x3FA5]  }
0x31: {  	[smem:$0x3FAE] =	sst s10  }
0x32: {  	s10 =	sld [smem:$0x3FAC];
	_ =	sdelay $0x3  }
0x33: {  	p0 =	seq.s32 s10, $0x1;
	s10 =	sld [smem:$0x3FAE];
	_ =	sdelay $0x3  }
0x34: {  	[smem:$0x3FAE] =	sst s10  }
0x35: {  	s10 =	sld [smem:$0x3FAD];
	_ =	sdelay $0x3  }
0x36: {  	p1 =	seq.s32 s10, $0x1;
	s10 =	sld [smem:$0x3FAE];
	_ =	sdelay $0x3  }
0x37: {  	[smem:$0x3FAE] =	sst s10  }
0x38: {  	s10 =	sld [smem:$0x3FAF]  }
0x39: {  	_ = 	snop;
	(pc) =	sbr.ind lr, $3  }
0x3a: {  	_ = 	snop  }
0x3b: {  	_ = 	snop  }
0x3c: {  	p2 =	seq.s32 s10, $0x1;
	s10 =	sld [smem:$0x3FAE]  }
0x3d: {  	_ =	shalt  }
0x3e: {  	_ =	shalt  }
0x3f: {  	_ =	shalt  }
0x40: {  	_ =	shalt  }
0x41: {  	_ =	shalt  }
0x42: {  	_ =	shalt  }
0x43: {  	_ =	shalt  }
0x44: {  	_ =	shalt  }
0x45: {  	_ =	shalt  }
0x46: {  	_ =	shalt  }
0x47: {  	_ =	shalt  }
0x48: {  	_ =	shalt  }
0x49: {  	_ =	shalt  }
0x4a: {  	_ =	shalt  }
0x4b: {  	_ =	shalt  }
0x4c: {  	_ =	shalt  }
0x4d: {  	_ =	shalt  }
0x4e: {  	_ =	shalt  }
0x4f: {  	_ =	shalt  }
0x50: {  	_ =	shalt  }
0x51: {  	_ =	shalt  }
0x52: {  	_ =	shalt  }
0x53: {  	_ =	shalt  }
0x54: {  	_ =	shalt  }
0x55: {  	_ =	shalt  }
0x56: {  	_ =	shalt  }
0x57: {  	_ =	shalt  }
0x58: {  	_ =	shalt  }
0x59: {  	_ =	shalt  }
0x5a: {  	_ =	shalt  }
0x5b: {  	_ =	shalt  }
0x5c: {  	_ =	shalt  }
0x5d: {  	_ =	shalt  }
0x5e: {  	_ =	shalt  }
0x5f: {  	_ =	shalt  }
0x60: {  	_ =	shalt  }
0x61: {  	_ =	shalt  }
0x62: {  	_ =	shalt  }
0x63: {  	_ =	shalt  }
0x64: {  	_ =	shalt  }
0x65: {  	_ =	shalt  }
0x66: {  	_ =	shalt  }
0x67: {  	_ =	shalt  }
0x68: {  	_ =	shalt  }
0x69: {  	_ =	shalt  }
0x6a: {  	_ =	shalt  }
0x6b: {  	_ =	shalt  }
0x6c: {  	_ =	shalt  }
0x6d: {  	_ =	shalt  }
0x6e: {  	_ =	shalt  }
0x6f: {  	_ =	shalt  }
0x70: {  	_ =	shalt  }
0x71: {  	_ =	shalt  }
0x72: {  	_ =	shalt  }
0x73: {  	_ =	shalt  }
0x74: {  	_ =	shalt  }
0x75: {  	_ =	shalt  }
0x76: {  	_ =	shalt  }
0x77: {  	_ =	shalt  }
0x78: {  	_ =	shalt  }
0x79: {  	_ =	shalt  }
0x7a: {  	_ =	shalt  }
0x7b: {  	_ =	shalt  }
0x7c: {  	_ =	shalt  }
0x7d: {  	_ =	shalt  }
0x7e: {  	_ =	shalt  }
0x7f: {  	_ =	shalt  }
0x80: {  	_ =	shalt  }
0x81: {  	_ =	shalt  }
0x82: {  	_ =	shalt  }
0x83: {  	_ =	shalt  }
0x84: {  	_ =	shalt  }
0x85: {  	_ =	shalt  }
0x86: {  	_ =	shalt  }
0x87: {  	_ =	shalt  }
.Lfunc_end0:
.L_simem_size_0:
called_computation.2_lowered:
.L_overlay_start_0:
0x88: {  	s2 =	sld [smem:$0x3FD9]  }
0x89: {  	s3 =	sld [smem:$0x3FFE];
	_ =	sdelay $0x1  }
0x8a: {  	s1 =	srdreg.scid  }
0x8b: {  	s0 =	sand.u32 $0x1, s1  }
0x8c: {  	s16 =	sshll.u32 s0, $0xA;
	s2 =	sadd.s32 s3, s2  }
0x8d: {  	s2 =	sadd.s32 s2, s16  }
0x8e: {  	[smem:$0x3FBA] =	sst s2  }
0x8f: {  	_ = 	snop  }
0x90: {  	(tm) =	ssettm $0x1  }
0x91: {  	s17 =	sld [smem:$0x3FFB];
	_ =	sdelay $0x3  }
0x92: {  	_ =	strace s17  }
0x93: {  	s2 =	sld [smem:$0x3FFC];
	_ =	sdelay $0x3  }
0x94: {  	_ =	strace s2  }
0x95: {  	s2 =	sld [smem:$0x3FFD];
	_ =	sdelay $0x3  }
0x96: {  	_ =	strace s2  }
0x97: {  	_ =	strace $0x8FFFFFFF  }
0x98: {  	s18 =	sld [smem:$0x3FDB];
	_ =	sdelay $0x1  }
0x99: {  	s19 =	simm.s32 $_scs_section_size  }
0x9a: {  	s4 =	simm.s32 $_size__tile_overlayer_lowered;
	s5 =	simm.s32 $_tile_overlayer_lowered  }
0x9b: {  	s22 =	simm.s32 $0x1BFF;
	s21 =	sshll.u32 s5, $0x1;
	s2 =	sadd.s32 s19, s18  }
0x9c: {  	s6 =	simm.s32 $0x0;
	s20 =	sshll.u32 s4, $0x1;
	s4 =	sadd.s32 s21, s2  }
0x9d: {  	[timem:s6], [sflag:s22] =	dma.local [hbm:s4], s20  }
0x9e: {  	_ =	swait.ge [sflag:s22], s20  }
0x9f: {  	s3 =	ssub.s32 $0x0, s20;
	[sflag:s22] =	ssyncset.done $0x0  }
0xa0: {  	[sflag:s22] =	ssyncadd.s32 s3;
	_ =	sdelay $0x1  }
0xa1: {  	s23 =	simm.s32 $0x1B8B  }
0xa2: {  	_ =	swait.ge [sflag:s23], $0x1  }
0xa3: {  	[sflag:s23] =	ssyncset.done $0x0  }
0xa4: {  	s25 =	simm.s32 $0x1B8E;
	s24 =	sld [smem:$0x3FFE];
	[sflag:s23] =	ssyncadd.s32 $0xFFFFFFFF  }
0xa5: {  	s26 =	simm.s32 $execute0_lowered;
	[smem:$0x3FD2] =	sst s25  }
0xa6: {  	s4 =	sshll.u32 s26, $0x1;
	_ =	strace $0x8000004C;
	[dreg:$0x1] =	wrdreg $0xFFFFFFFF  }
0xa7: {  	s28 =	simm.s32 $_size_execute0_lowered;
	s2 =	sadd.s32 s2, s4;
	[dreg:$0x0] =	wrdreg $0x0  }
0xa8: {  	s4 =	sshll.u32 s28, $0x1;
	[dreg:$0x2] =	wrdreg s2  }
0xa9: {  	[dreg:$0x3] =	wrdreg s4  }
0xaa: {  	[dreg:$0x4] =	wrdreg $0xC0  }
0xab: {  	_ =	task [dreg:s6], $0x5FFFF  }
0xac: {  	[dreg:$0x1] =	wrdreg $0xFFFFFFFF  }
0xad: {  	[dreg:$0x0] =	wrdreg $0x60  }
0xae: {  	[dreg:$0x2] =	wrdreg s24  }
0xaf: {  	[dreg:$0x3] =	wrdreg $0x82000  }
0xb0: {  	[dreg:$0x4] =	wrdreg $0x9  }
0xb1: {  	_ =	task.clear_ibuf [dreg:s6], $0x5FFFF;
	_ =	strace $0x9000004C  }
0xb2: {  	s29 =	simm.s32 $0x9;
	_ =	strace $0x8000004E  }
0xb3: {  	_ =	swait.ge [sflag:s29], $0x1  }
0xb4: {  	[sflag:s29] =	ssyncadd.s32 $0xFFFFFFFF  }
0xb5: {  	_ =	strace $0x9000004E  }
0xb6: {  	_ =	sfence  }
0xb7: {  	s30 =	sld [smem:$0x0];
	_ =	sdelay $0x2  }
0xb8: {  	s31 =	sshll.u32 s1, $0xD;
	s1 =	sshrl.u32 s1, $0x2  }
0xb9: {  	s3 =	sand.u32 $0x4000, s31;
	s1 =	sadd.s32 s1, s30  }
0xba: {  	s0 =	sor.u32 s3, s0;
	s1 =	sshll.u32 s1, $0x11  }
0xbb: {  	s0 =	sor.u32 s1, s0  }
0xbc: {  	s0 =	sadd.s32 $0x8F2B, s0  }
0xbd: {  	[sflag:s0] =	ssyncadd.remote.s32 $0x1  }
0xbe: {  	_ =	sfence.sel $0xFFFF  }
0xbf: {  	[dreg:$0x0] =	wrdreg $0xFFFFFFFF;
	(pc) =	sbr.abs _section_cstart, $3  }
0xc0: {  	[dreg:$0x1] =	wrdreg $0xFFFFFFFF  }
0xc1: {  	_ =	task.clear_ibuf [dreg:s6], $0x2FFFF;
	_ =	strace $0x9FFFFFFF  }
0xc2: {  	(tm) =	ssettm $0x7FFFFFFF  }
0xc3: {  	_ =	shalt  }
tec
execute0_lowered:
.L_overlay_start_1:
0x0: {  	(tag) =	ssettag $0x1  }
0x1: {  	s0 =	rddreg [dreg:$0x0]  }
0x2: {  	s2 =	rddreg [dreg:$0x1];
	s1 =	stileid.u32  }
0x3: {  	s4 =	srdreg.scid;
	s3 =	simm.s32 $0x0;
	s19 =	simm.s32 $0x3  }
0x4: {  	s20 =	simm.s32 $0x100;
	s21 =	simm.s32 $0x80;
	s28 =	simm.s32 $0x0  }
0x5: {  	s7 =	smul.u32 $0x13C00, s1;
	s8 =	sand.u32 $0x1, s4;
	[smem:$0x7FF] =	sst s3  }
0x6: {  	s4 =	sadd.s32 $0x1A800, s0;
	s5 =	sadd.s32 $0x10800, s0;
	s6 =	sadd.s32 $0x6800, s0  }
0x7: {  	s11 =	smul.u32 $0x4F000, s1;
	s12 =	sshrl.u32 s1, $0x2;
	s13 =	sshll.u32 s1, $0x8  }
0x8: {  	s25 =	sshll.u32 s1, $0x6;
	s9 =	smul.u32 $0x13C000, s8;
	_ =	strace $0x8000004D  }
0x9: {  	s10 =	ssub.s32 $0x2, s8;
	s12 =	smul.u32 $0x14000, s12;
	s14 =	sshll.u32 s8, $0x7  }
0xa: {  	s13 =	sand.u32 $0x300, s13;
	s8 =	sor.u32 $0x1C03, s25;
	s25 =	simm.s32 $0x1  }
0xb: {  	s22 =	sshrl.u32 s10, $0x1;
	s23 =	sshrl.u32 s11, $0x2;
	s24 =	sor.u32 s14, s13  }
0xc: {  	s9 =	sadd.s32 s7, s9;
	s7 =	sshrl.u32 s7, $0x3;
	s15 =	ssub.s32 s10, s22  }
0xd: {  	s18 =	sadd.s32 s23, s2;
	s22 =	simm.s32 $0x200;
	s23 =	simm.s32 $0x180  }
0xe: {  	s9 =	sshrl.u32 s9, $0x3;
	s7 =	sadd.s32 s7, s0;
	s18 =	sshrl.u32 s18, $0x3  }
0xf: {  	s0 =	sadd.s32 s9, s0;
	s9 =	sor.u32 s12, s24;
	s26 =	sadd.s32 $0x42000, s7  }
0x10: {  	s12 =	sor.u32 s13, s12;
	s24 =	simm.s32 $0x4200;
	[dreg:$0x3] =	wrdreg s26  }
0x11: {  	s16 =	sshrl.u32 s9, $0x3;
	s11 =	sadd.s32 $0x108000, s0;
	s30 =	sor.u32 s14, s12  }
0x12: {  	s12 =	smax.u32 s15, $0x1;
	s26 =	simm.s32 $0x2;
	s9 =	sadd.s32 s5, s16  }
0x13: {  	s10 =	sadd.s32 s6, s16;
	s29 =	sadd.s32 $0x2780, s16;
	s17 =	sor.u32 $0x400, s30  }
0x14: {  	s15 =	sor.u32 $0x800, s30;
	s13 =	sadd.s32 s5, s29;
	s31 =	sshrl.u32 s17, $0x3  }
0x15: {  	s14 =	sadd.s32 s6, s29;
	s16 =	sadd.s32 s31, s6;
	s17 =	sadd.s32 s31, s5  }
.LBB2_1:
0x16: {  	s0 =	rddreg [dreg:$0x3]  }
0x17: {  	[spmem:s18], [sflag:s8] =	dma.local [hbm:s0], $0x2780  }
0x18: {  	_ =	swait.ge [sflag:s19], $0x2780  }
0x19: {  	[sflag:s19] =	ssyncset.done $0x0  }
0x1a: {  	[sflag:s19] =	ssyncadd.s32 $0xFFFFD880  }
0x1b: {  	[bflag:$0x0] =	sbarrier.arrive $0xFFFF  }
0x1c: {  	[tilespmem:s3], [sflag:$0x3] =	stream.linear.gather [hbm4b:s9+s3], $0x80, $0x38;
	[tilespmem:$0x1BE00] =	vst v63  }
0x1d: {  	_ =	swait.ge [sflag:s19], $0x80  }
0x1e: {  	[sflag:s19] =	ssyncset.done $0x0  }
0x1f: {  	[sflag:s19] =	ssyncadd.s32 $0xFFFFFF80  }
0x20: {  	[tilespmem:s20], [sflag:$0x3] =	stream.linear.gather [hbm4b:s10+s3], $0x80, $0x38;
	[tilespmem:$0x1BE00] =	vst v63  }
0x21: {  	_ =	swait.ge [sflag:s19], $0x80  }
0x22: {  	[sflag:s19] =	ssyncset.done $0x0  }
0x23: {  	[sflag:s19] =	ssyncadd.s32 $0xFFFFFF80  }
0x24: {  	[tilespmem:s22], [sflag:$0x1] =	stream.indirect.gather [hbm4b:s4+s21], $0x80, s3, s21, $0xb8;
	[tilespmem:$0x1BE00] =	vst v63  }
0x25: {  	s7 =	sadd.s32 $0x0, s17  }
0x26: {  	[tilespmem:s21], [sflag:$0x3] =	stream.linear.gather [hbm4b:s7+s3], $0x80, $0x38;
	[tilespmem:$0x1BE00] =	vst v63  }
0x27: {  	_ =	swait.ge [sflag:s19], $0x80  }
0x28: {  	[sflag:s19] =	ssyncset.done $0x0  }
0x29: {  	s1 =	sadd.s32 $0x0, s16;
	[sflag:s19] =	ssyncadd.s32 $0xFFFFFF80  }
0x2a: {  	[tilespmem:s23], [sflag:$0x3] =	stream.linear.gather [hbm4b:s1+s3], $0x80, $0x38;
	[tilespmem:$0x1BE00] =	vst v63  }
0x2b: {  	_ =	swait.ge [sflag:s19], $0x80  }
0x2c: {  	[sflag:s19] =	ssyncset.done $0x0  }
0x2d: {  	[sflag:s19] =	ssyncadd.s32 $0xFFFFFF80  }
0x2e: {  	[tilespmem:s24], [sflag:$0x2] =	stream.indirect.gather [hbm4b:s4+s21], $0x80, s21, s21, $0xb8;
	[tilespmem:$0x1BE00] =	vst v63  }
0x2f: {  	_ =	swait.ge [sflag:s25], $0x4000  }
0x30: {  	[sflag:s25] =	ssyncset.done $0x0  }
0x31: {  	[sflag:s25] =	ssyncadd.s32 $0xFFFFC000  }
0x32: {  	[spmem:s2] =	stream.indirect.scatter.add.f32 [tilespmem:s22], [sflag:$0x3], $0x80, s20, s21, $0xb8;
	[tilespmem:$0x1BE00] =	vst v63  }
0x33: {  	_ =	swait.ge [sflag:s19], $0x4000  }
0x34: {  	s7 =	sshrl.u32 s15, $0x3;
	[sflag:s19] =	ssyncset.done $0x0  }
0x35: {  	s29 =	sadd.s32 s5, s7;
	[sflag:s19] =	ssyncadd.s32 $0xFFFFC000  }
0x36: {  	[tilespmem:s3], [sflag:$0x3] =	stream.linear.gather [hbm4b:s29+s3], $0x80, $0x38;
	[tilespmem:$0x1BE00] =	vst v63  }
0x37: {  	_ =	swait.ge [sflag:s19], $0x80  }
0x38: {  	[sflag:s19] =	ssyncset.done $0x0  }
0x39: {  	s0 =	sadd.s32 s6, s7;
	[sflag:s19] =	ssyncadd.s32 $0xFFFFFF80  }
0x3a: {  	[tilespmem:s20], [sflag:$0x3] =	stream.linear.gather [hbm4b:s0+s3], $0x80, $0x38;
	[tilespmem:$0x1BE00] =	vst v63  }
0x3b: {  	_ =	swait.ge [sflag:s19], $0x80  }
0x3c: {  	[sflag:s19] =	ssyncset.done $0x0  }
0x3d: {  	[sflag:s19] =	ssyncadd.s32 $0xFFFFFF80  }
0x3e: {  	[tilespmem:s22], [sflag:$0x1] =	stream.indirect.gather [hbm4b:s4+s21], $0x80, s3, s21, $0xb8;
	[tilespmem:$0x1BE00] =	vst v63  }
0x3f: {  	_ =	swait.ge [sflag:s26], $0x4000  }
0x40: {  	[sflag:s26] =	ssyncset.done $0x0  }
0x41: {  	[sflag:s26] =	ssyncadd.s32 $0xFFFFC000  }
0x42: {  	[spmem:s2] =	stream.indirect.scatter.add.f32 [tilespmem:s24], [sflag:$0x3], $0x80, s23, s21, $0xb8;
	[tilespmem:$0x1BE00] =	vst v63  }
0x43: {  	s30 =	simm.s32 $0x100;
	_ =	swait.ge [sflag:s19], $0x4000  }
0x44: {  	s31 =	simm.s32 $0x200;
	s29 =	sadd.s32 $0x800, s15;
	[sflag:s19] =	ssyncset.done $0x0  }
.LBB2_2:
0x45: {  	s1 =	sadd.s32 s30, s17  }
0x46: {  	[sflag:s19] =	ssyncadd.s32 $0xFFFFC000;
	s7 =	smov.u32 s31;
	s0 =	sadd.s32 $0x100, s31  }
0x47: {  	[tilespmem:s21], [sflag:$0x3] =	stream.linear.gather [hbm4b:s1+s3], $0x80, $0x38;
	[tilespmem:$0x1BE00] =	vst v63  }
0x48: {  	p0 =	sne.s32 s31, $0x2600;
	_ =	swait.ge [sflag:s19], $0x80  }
0x49: {  	[sflag:s19] =	ssyncset.done $0x0  }
0x4a: {  	s1 =	sadd.s32 s30, s16;
	s30 =	smov.u32 s7;
	[sflag:s19] =	ssyncadd.s32 $0xFFFFFF80  }
0x4b: {  	[tilespmem:s23], [sflag:$0x3] =	stream.linear.gather [hbm4b:s1+s3], $0x80, $0x38;
	[tilespmem:$0x1BE00] =	vst v63  }
0x4c: {  	_ =	swait.ge [sflag:s19], $0x80  }
0x4d: {  	[sflag:s19] =	ssyncset.done $0x0  }
0x4e: {  	[sflag:s19] =	ssyncadd.s32 $0xFFFFFF80  }
0x4f: {  	[tilespmem:s24], [sflag:$0x2] =	stream.indirect.gather [hbm4b:s4+s21], $0x80, s21, s21, $0xb8;
	[tilespmem:$0x1BE00] =	vst v63  }
0x50: {  	_ =	swait.ge [sflag:s25], $0x4000  }
0x51: {  	[sflag:s25] =	ssyncset.done $0x0  }
0x52: {  	[sflag:s25] =	ssyncadd.s32 $0xFFFFC000  }
0x53: {  	[spmem:s2] =	stream.indirect.scatter.add.f32 [tilespmem:s22], [sflag:$0x3], $0x80, s20, s21, $0xb8;
	[tilespmem:$0x1BE00] =	vst v63  }
0x54: {  	_ =	swait.ge [sflag:s19], $0x4000  }
0x55: {  	s1 =	sshrl.u32 s29, $0x3;
	[sflag:s19] =	ssyncset.done $0x0  }
0x56: {  	s7 =	sadd.s32 s5, s1;
	[sflag:s19] =	ssyncadd.s32 $0xFFFFC000  }
0x57: {  	[tilespmem:s3], [sflag:$0x3] =	stream.linear.gather [hbm4b:s7+s3], $0x80, $0x38;
	[tilespmem:$0x1BE00] =	vst v63  }
0x58: {  	_ =	swait.ge [sflag:s19], $0x80  }
0x59: {  	[sflag:s19] =	ssyncset.done $0x0  }
0x5a: {  	s1 =	sadd.s32 s6, s1;
	[sflag:s19] =	ssyncadd.s32 $0xFFFFFF80  }
0x5b: {  	[tilespmem:s20], [sflag:$0x3] =	stream.linear.gather [hbm4b:s1+s3], $0x80, $0x38;
	[tilespmem:$0x1BE00] =	vst v63  }
0x5c: {  	_ =	swait.ge [sflag:s19], $0x80  }
0x5d: {  	[sflag:s19] =	ssyncset.done $0x0  }
0x5e: {  	[sflag:s19] =	ssyncadd.s32 $0xFFFFFF80  }
0x5f: {  	[tilespmem:s22], [sflag:$0x1] =	stream.indirect.gather [hbm4b:s4+s21], $0x80, s3, s21, $0xb8;
	[tilespmem:$0x1BE00] =	vst v63  }
0x60: {  	_ =	swait.ge [sflag:s26], $0x4000  }
.Ltmp0:
0x61: {  	[sflag:s26] =	ssyncset.done $0x0;
	(pc) =	sbr.rel @p0 .LBB2_2-.Ltmp0, $4  }
0x62: {  	[sflag:s26] =	ssyncadd.s32 $0xFFFFC000  }
0x63: {  	[spmem:s2] =	stream.indirect.scatter.add.f32 [tilespmem:s24], [sflag:$0x3], $0x80, s23, s21, $0xb8;
	[tilespmem:$0x1BE00] =	vst v63  }
0x64: {  	_ =	swait.ge [sflag:s19], $0x4000  }
0x65: {  	s31 =	smov.u32 s0;
	s29 =	sadd.s32 $0x800, s29;
	[sflag:s19] =	ssyncset.done $0x0  }
0x66: {  	s0 =	sadd.s32 s30, s17;
	[sflag:s19] =	ssyncadd.s32 $0xFFFFC000  }
0x67: {  	[tilespmem:s21], [sflag:$0x3] =	stream.linear.gather [hbm4b:s0+s3], $0x80, $0x38;
	[tilespmem:$0x1BE00] =	vst v63  }
0x68: {  	_ =	swait.ge [sflag:s19], $0x80  }
0x69: {  	[sflag:s19] =	ssyncset.done $0x0  }
0x6a: {  	s30 =	sadd.s32 s30, s16;
	[sflag:s19] =	ssyncadd.s32 $0xFFFFFF80  }
0x6b: {  	[tilespmem:s23], [sflag:$0x3] =	stream.linear.gather [hbm4b:s30+s3], $0x80, $0x38;
	[tilespmem:$0x1BE00] =	vst v63  }
0x6c: {  	_ =	swait.ge [sflag:s19], $0x80  }
0x6d: {  	[sflag:s19] =	ssyncset.done $0x0  }
0x6e: {  	[sflag:s19] =	ssyncadd.s32 $0xFFFFFF80  }
0x6f: {  	[tilespmem:s24], [sflag:$0x2] =	stream.indirect.gather [hbm4b:s4+s21], $0x80, s21, s21, $0xb8;
	[tilespmem:$0x1BE00] =	vst v63  }
0x70: {  	_ =	swait.ge [sflag:s25], $0x4000  }
0x71: {  	[sflag:s25] =	ssyncset.done $0x0  }
0x72: {  	[sflag:s25] =	ssyncadd.s32 $0xFFFFC000  }
0x73: {  	[spmem:s2] =	stream.indirect.scatter.add.f32 [tilespmem:s22], [sflag:$0x3], $0x80, s20, s21, $0xb8;
	[tilespmem:$0x1BE00] =	vst v63  }
0x74: {  	_ =	swait.ge [sflag:s19], $0x4000  }
0x75: {  	s31 =	sshrl.u32 s29, $0x3;
	[sflag:s19] =	ssyncset.done $0x0  }
0x76: {  	s1 =	sadd.s32 s5, s31;
	[sflag:s19] =	ssyncadd.s32 $0xFFFFC000  }
0x77: {  	[tilespmem:s3], [sflag:$0x3] =	stream.linear.gather [hbm4b:s1+s3], $0x80, $0x38;
	[tilespmem:$0x1BE00] =	vst v63  }
0x78: {  	_ =	swait.ge [sflag:s19], $0x80  }
0x79: {  	[sflag:s19] =	ssyncset.done $0x0  }
0x7a: {  	s0 =	sadd.s32 s6, s31;
	[sflag:s19] =	ssyncadd.s32 $0xFFFFFF80  }
0x7b: {  	[tilespmem:s20], [sflag:$0x3] =	stream.linear.gather [hbm4b:s0+s3], $0x80, $0x38;
	[tilespmem:$0x1BE00] =	vst v63  }
0x7c: {  	_ =	swait.ge [sflag:s19], $0x80  }
0x7d: {  	[sflag:s19] =	ssyncset.done $0x0  }
0x7e: {  	[sflag:s19] =	ssyncadd.s32 $0xFFFFFF80  }
0x7f: {  	[tilespmem:s22], [sflag:$0x1] =	stream.indirect.gather [hbm4b:s4+s21], $0x80, s3, s21, $0xb8;
	[tilespmem:$0x1BE00] =	vst v63  }
0x80: {  	_ =	swait.ge [sflag:s26], $0x4000  }
0x81: {  	[sflag:s26] =	ssyncset.done $0x0  }
0x82: {  	[sflag:s26] =	ssyncadd.s32 $0xFFFFC000  }
0x83: {  	[spmem:s2] =	stream.indirect.scatter.add.f32 [tilespmem:s24], [sflag:$0x3], $0x80, s23, s21, $0xb8;
	[tilespmem:$0x1BE00] =	vst v63  }
0x84: {  	_ =	swait.ge [sflag:s19], $0x4000  }
0x85: {  	[sflag:s19] =	ssyncset.done $0x0  }
0x86: {  	[sflag:s19] =	ssyncadd.s32 $0xFFFFC000  }
0x87: {  	[tilespmem:s21], [sflag:$0x3] =	stream.linear.gather [hbm4b:s13+s3], $0x80, $0x38;
	[tilespmem:$0x1BE00] =	vst v63  }
0x88: {  	_ =	swait.ge [sflag:s19], $0x80  }
0x89: {  	[sflag:s19] =	ssyncset.done $0x0  }
0x8a: {  	[sflag:s19] =	ssyncadd.s32 $0xFFFFFF80  }
0x8b: {  	[tilespmem:s23], [sflag:$0x3] =	stream.linear.gather [hbm4b:s14+s3], $0x80, $0x38;
	[tilespmem:$0x1BE00] =	vst v63  }
0x8c: {  	_ =	swait.ge [sflag:s19], $0x80  }
0x8d: {  	[sflag:s19] =	ssyncset.done $0x0  }
0x8e: {  	[sflag:s19] =	ssyncadd.s32 $0xFFFFFF80  }
0x8f: {  	[tilespmem:s24], [sflag:$0x2] =	stream.indirect.gather [hbm4b:s4+s21], $0x80, s21, s21, $0xb8;
	[tilespmem:$0x1BE00] =	vst v63  }
0x90: {  	_ =	swait.ge [sflag:s25], $0x4000  }
0x91: {  	[sflag:s25] =	ssyncset.done $0x0  }
0x92: {  	[sflag:s25] =	ssyncadd.s32 $0xFFFFC000  }
0x93: {  	[spmem:s2] =	stream.indirect.scatter.add.f32 [tilespmem:s22], [sflag:$0x3], $0x80, s20, s21, $0xb8;
	[tilespmem:$0x1BE00] =	vst v63  }
0x94: {  	_ =	swait.ge [sflag:s19], $0x4000  }
0x95: {  	[sflag:s19] =	ssyncset.done $0x0  }
0x96: {  	[sflag:s19] =	ssyncadd.s32 $0xFFFFC000  }
0x97: {  	_ =	swait.ge [sflag:s26], $0x4000  }
0x98: {  	[sflag:s26] =	ssyncset.done $0x0  }
0x99: {  	[sflag:s26] =	ssyncadd.s32 $0xFFFFC000  }
0x9a: {  	[spmem:s2] =	stream.indirect.scatter.add.f32 [tilespmem:s24], [sflag:$0x3], $0x80, s23, s21, $0xb8;
	[tilespmem:$0x1BE00] =	vst v63  }
0x9b: {  	_ =	swait.ge [sflag:s19], $0x4000  }
0x9c: {  	s28 =	sadd.s32 $0x1, s28;
	[sflag:s19] =	ssyncset.done $0x0  }
0x9d: {  	p0 =	sne.s32 s28, s12;
	[sflag:s19] =	ssyncadd.s32 $0xFFFFC000  }
.Ltmp1:
0x9e: {  	[bflag:$0x0] =	sbarrier.arrive $0xFFFF;
	(pc) =	sbr.rel @p0 .LBB2_1-.Ltmp1, $4  }
0x9f: {  	[hbm:s11], [sflag:s8] =	dma.local [spmem:s18], $0x2780  }
0xa0: {  	_ =	swait.ge [sflag:s19], $0x2780  }
0xa1: {  	[sflag:s19] =	ssyncset.done $0x0  }
0xa2: {  	[sflag:s19] =	ssyncadd.s32 $0xFFFFD880  }
0xa3: {  	_ =	sfence.sel $0x180000  }
0xa4: {  	[bflag:$0x0] =	sbarrier.arrive $0xFFFF  }
0xa5: {  	_ =	strace $0x9000004D  }
0xa6: {  	s0 =	stileid.u32;
	[bflag:$0x2] =	sbarrier.arrive $0xFFFF  }
0xa7: {  	p0 =	sne.s32 s0, $0x0;
	s0 =	rddreg [dreg:$0x2]  }
0xa8: {  	s0 =	sadd.s32 @!p0 $0x100000, s0  }
0xa9: {  	[sflag:s0] =	ssyncadd.tile.s32 @!p0 $0x1;
	_ =	shalt  }
.Lfunc_end2:
_tile_overlayer_lowered:
.L_overlay_start_2:
0xaa: {  	(tag) =	ssettag $0x2  }
0xab: {  	s0 =	rddreg [dreg:$0x0];
	s2 =	stileid.u32  }
0xac: {  	s1 =	rddreg [dreg:$0x1];
	p0 =	sne.s32 s2, $0x0  }
0xad: {  	s3 =	rddreg [dreg:$0x2];
	[bflag:$0x3] =	sbarrier.arrive $0xFFFF;
	s2 =	simm.s32 @!p0 $0x1C03  }
0xae: {  	[timem:s3], [sflag:s2] =	dma.local @!p0 [hbm:s0], s1  }
0xaf: {  	s0 =	simm.s32 @!p0 $0x3  }
0xb0: {  	_ =	swait.ge @!p0 [sflag:s0], s1  }
0xb1: {  	s1 =	ssub.s32 @!p0 $0x0, s1;
	[sflag:s0] =	ssyncset.done @!p0 $0x0  }
0xb2: {  	[sflag:s0] =	ssyncadd.s32 @!p0 s1  }
0xb3: {  	[bflag:$0x3] =	sbarrier.arrive $0xFFFF  }
0xb4: {  	_ =	shalt  }

// kernel: kernel.24.cloned.1.call-start
scs
__scs_entry_jumppad:
0x0: {  	(pc) =	sbr.rel $0x88, $3  }
0x1: {  	(tag) =	ssettag $0x0;
	lr =	simm.s32 $0x1  }
0x2: {  	[smem:$0x3F93] =	sst lr;
	_ =	strace $0xD0000000  }
0x3: {  	_ = 	snop  }
0x4: {  	_ = 	snop  }
0x5: {  	_ = 	snop  }
0x6: {  	_ = 	snop  }
0x7: {  	_ = 	snop  }
__scs_overlays_trampoline_lowered:
0x8: {  	[smem:$0x3FA2] =	sst s0  }
0x9: {  	[smem:$0x3FA3] =	sst s1  }
0xa: {  	[smem:$0x3FA4] =	sst s2  }
0xb: {  	[smem:$0x3FA5] =	sst s3  }
0xc: {  	[smem:$0x3FA6] =	sst s4  }
0xd: {  	[smem:$0x3FA7] =	sst s5  }
0xe: {  	[smem:$0x3FA8] =	sst s6  }
0xf: {  	[smem:$0x3FA9] =	sst s7  }
0x10: {  	[smem:$0x3FAA] =	sst s8  }
0x11: {  	[smem:$0x3FAB] =	sst s9;
	s0 =	simm.s32 @!p0 $0x0  }
0x12: {  	s1 =	sld [smem:$0x3F91];
	s0 =	simm.s32 @p0 $0x1  }
0x13: {  	[smem:$0x3FAC] =	sst s0;
	s0 =	simm.s32 @!p1 $0x0  }
0x14: {  	s2 =	sld [smem:$0x3F90];
	s0 =	simm.s32 @p1 $0x1  }
0x15: {  	[smem:$0x3FAD] =	sst s0;
	s0 =	simm.s32 @!p2 $0x0  }
0x16: {  	s3 =	sld [smem:$0x3FDB];
	s0 =	simm.s32 @p2 $0x1  }
0x17: {  	s4 =	simm.s32 $0x1BF5;
	[smem:$0x3FAF] =	sst s0  }
0x18: {  	s0 =	sld [smem:$0x3F92];
	_ =	swait.ge [sflag:s4], $0x0  }
0x19: {  	s7 =	sld [smem:$0x3F93]  }
0x1a: {  	s8 =	sadd.s32 $0xFFFFE003, lr  }
0x1b: {  	s9 =	sadd.s32 $0xFFFFFEF7, lr;
	s5 =	simm.s32 $0xFFFFFFFF;
	p2 =	slt.u32 s8, $0xFFFFF086  }
0x1c: {  	p1 =	slt.u32 s9, $0xF7A;
	s5 =	simm.s32 @!p2 $0x0  }
0x1d: {  	s5 =	simm.s32 @p1 $0x1;
	p0 =	seq.s32 s7, s2  }
0x1e: {  	s7 =	smul.u32 @!p0 $0xF7A, s2;
	p2 =	seq.s32 @!p0 s5, $0x0  }
0x1f: {  	s9 =	smul.u32 $0xF7A, s1;
	s8 =	simm.s32 @!p0 $0x1BF5;
	p2 =	por !p2, p0  }
0x20: {  	[sflag:s8] =	ssyncset.s32 @!p0 $0xFFFFF086;
	s6 =	sadd.s32 @!p0 s3, s7;
	s7 =	simm.s32 @!p0 $0x108  }
0x21: {  	s3 =	sadd.s32 s3, s9;
	s6 =	sadd.s32 @!p0 $0x88, s6;
	s7 =	simm.s32 @p2 $0x1082  }
0x22: {  	[simem:s7], [sflag:s8] =	dma.local @!p0 [hbm:s6], $0xF7A  }
0x23: {  	s9 =	sor.u32 $0xD0000000, s2;
	s6 =	simm.s32 $0x108;
	_ =	swait.ge @!p0 [sflag:s8], $0x0  }
0x24: {  	s3 =	sadd.s32 $0x88, s3;
	s6 =	simm.s32 @!p1 $0x1082;
	[sflag:s4] =	ssyncset.s32 $0xFFFFF086  }
0x25: {  	[simem:s6], [sflag:s4] =	dma.local [hbm:s3], $0xF7A  }
0x26: {  	[smem:$0x3F93] =	sst s1;
	(tag) =	ssettag s2;
	_ =	strace s9  }
0x27: {  	s1 =	sld [smem:$0x3FA3]  }
0x28: {  	s2 =	sld [smem:$0x3FA4]  }
0x29: {  	s4 =	sld [smem:$0x3FA6]  }
0x2a: {  	p0 =	seq.s32 s5, $0x0;
	s5 =	sld [smem:$0x3FA7]  }
0x2b: {  	s6 =	sld [smem:$0x3FA8]  }
0x2c: {  	s7 =	sld [smem:$0x3FA9]  }
0x2d: {  	s3 =	simm.s32 $0x108;
	s8 =	sld [smem:$0x3FAA]  }
0x2e: {  	s3 =	simm.s32 @!p0 $0x1082;
	s9 =	sld [smem:$0x3FAB]  }
0x2f: {  	lr =	sadd.s32 s0, s3;
	s0 =	sld [smem:$0x3FA2]  }
0x30: {  	s3 =	sld [smem:$0x3FA5]  }
0x31: {  	[smem:$0x3FAE] =	sst s10  }
0x32: {  	s10 =	sld [smem:$0x3FAC];
	_ =	sdelay $0x3  }
0x33: {  	p0 =	seq.s32 s10, $0x1;
	s10 =	sld [smem:$0x3FAE];
	_ =	sdelay $0x3  }
0x34: {  	[smem:$0x3FAE] =	sst s10  }
0x35: {  	s10 =	sld [smem:$0x3FAD];
	_ =	sdelay $0x3  }
0x36: {  	p1 =	seq.s32 s10, $0x1;
	s10 =	sld [smem:$0x3FAE];
	_ =	sdelay $0x3  }
0x37: {  	[smem:$0x3FAE] =	sst s10  }
0x38: {  	s10 =	sld [smem:$0x3FAF]  }
0x39: {  	_ = 	snop;
	(pc) =	sbr.ind lr, $3  }
0x3a: {  	_ = 	snop  }
0x3b: {  	_ = 	snop  }
0x3c: {  	p2 =	seq.s32 s10, $0x1;
	s10 =	sld [smem:$0x3FAE]  }
0x3d: {  	_ =	shalt  }
0x3e: {  	_ =	shalt  }
0x3f: {  	_ =	shalt  }
0x40: {  	_ =	shalt  }
0x41: {  	_ =	shalt  }
0x42: {  	_ =	shalt  }
0x43: {  	_ =	shalt  }
0x44: {  	_ =	shalt  }
0x45: {  	_ =	shalt  }
0x46: {  	_ =	shalt  }
0x47: {  	_ =	shalt  }
0x48: {  	_ =	shalt  }
0x49: {  	_ =	shalt  }
0x4a: {  	_ =	shalt  }
0x4b: {  	_ =	shalt  }
0x4c: {  	_ =	shalt  }
0x4d: {  	_ =	shalt  }
0x4e: {  	_ =	shalt  }
0x4f: {  	_ =	shalt  }
0x50: {  	_ =	shalt  }
0x51: {  	_ =	shalt  }
0x52: {  	_ =	shalt  }
0x53: {  	_ =	shalt  }
0x54: {  	_ =	shalt  }
0x55: {  	_ =	shalt  }
0x56: {  	_ =	shalt  }
0x57: {  	_ =	shalt  }
0x58: {  	_ =	shalt  }
0x59: {  	_ =	shalt  }
0x5a: {  	_ =	shalt  }
0x5b: {  	_ =	shalt  }
0x5c: {  	_ =	shalt  }
0x5d: {  	_ =	shalt  }
0x5e: {  	_ =	shalt  }
0x5f: {  	_ =	shalt  }
0x60: {  	_ =	shalt  }
0x61: {  	_ =	shalt  }
0x62: {  	_ =	shalt  }
0x63: {  	_ =	shalt  }
0x64: {  	_ =	shalt  }
0x65: {  	_ =	shalt  }
0x66: {  	_ =	shalt  }
0x67: {  	_ =	shalt  }
0x68: {  	_ =	shalt  }
0x69: {  	_ =	shalt  }
0x6a: {  	_ =	shalt  }
0x6b: {  	_ =	shalt  }
0x6c: {  	_ =	shalt  }
0x6d: {  	_ =	shalt  }
0x6e: {  	_ =	shalt  }
0x6f: {  	_ =	shalt  }
0x70: {  	_ =	shalt  }
0x71: {  	_ =	shalt  }
0x72: {  	_ =	shalt  }
0x73: {  	_ =	shalt  }
0x74: {  	_ =	shalt  }
0x75: {  	_ =	shalt  }
0x76: {  	_ =	shalt  }
0x77: {  	_ =	shalt  }
0x78: {  	_ =	shalt  }
0x79: {  	_ =	shalt  }
0x7a: {  	_ =	shalt  }
0x7b: {  	_ =	shalt  }
0x7c: {  	_ =	shalt  }
0x7d: {  	_ =	shalt  }
0x7e: {  	_ =	shalt  }
0x7f: {  	_ =	shalt  }
0x80: {  	_ =	shalt  }
0x81: {  	_ =	shalt  }
0x82: {  	_ =	shalt  }
0x83: {  	_ =	shalt  }
0x84: {  	_ =	shalt  }
0x85: {  	_ =	shalt  }
0x86: {  	_ =	shalt  }
0x87: {  	_ =	shalt  }
.Lfunc_end0:
.L_simem_size_0:
called_computation.3_lowered:
.L_overlay_start_0:
0x88: {  	s2 =	sld [smem:$0x3FD9]  }
0x89: {  	s3 =	sld [smem:$0x3FFE];
	_ =	sdelay $0x1  }
0x8a: {  	s1 =	srdreg.scid  }
0x8b: {  	s0 =	sand.u32 $0x1, s1  }
0x8c: {  	s16 =	sshll.u32 s0, $0xA;
	s2 =	sadd.s32 s3, s2  }
0x8d: {  	s2 =	sadd.s32 s2, s16  }
0x8e: {  	[smem:$0x3FBA] =	sst s2  }
0x8f: {  	_ = 	snop  }
0x90: {  	(tm) =	ssettm $0x1  }
0x91: {  	s17 =	sld [smem:$0x3FFB];
	_ =	sdelay $0x3  }
0x92: {  	_ =	strace s17  }
0x93: {  	s2 =	sld [smem:$0x3FFC];
	_ =	sdelay $0x3  }
0x94: {  	_ =	strace s2  }
0x95: {  	s2 =	sld [smem:$0x3FFD];
	_ =	sdelay $0x3  }
0x96: {  	_ =	strace s2  }
0x97: {  	_ =	strace $0x8FFFFFFF  }
0x98: {  	s18 =	sld [smem:$0x3FDB];
	_ =	sdelay $0x1  }
0x99: {  	s19 =	simm.s32 $_scs_section_size  }
0x9a: {  	s4 =	simm.s32 $_size__tile_overlayer_lowered;
	s5 =	simm.s32 $_tile_overlayer_lowered  }
0x9b: {  	s22 =	simm.s32 $0x1BFF;
	s21 =	sshll.u32 s5, $0x1;
	s2 =	sadd.s32 s19, s18  }
0x9c: {  	s6 =	simm.s32 $0x0;
	s20 =	sshll.u32 s4, $0x1;
	s4 =	sadd.s32 s21, s2  }
0x9d: {  	[timem:s6], [sflag:s22] =	dma.local [hbm:s4], s20  }
0x9e: {  	_ =	swait.ge [sflag:s22], s20  }
0x9f: {  	s3 =	ssub.s32 $0x0, s20;
	[sflag:s22] =	ssyncset.done $0x0  }
0xa0: {  	[sflag:s22] =	ssyncadd.s32 s3;
	_ =	sdelay $0x1  }
0xa1: {  	s23 =	simm.s32 $0x1B8B  }
0xa2: {  	_ =	swait.ge [sflag:s23], $0x1  }
0xa3: {  	[sflag:s23] =	ssyncset.done $0x0  }
0xa4: {  	s25 =	simm.s32 $0x1B8E;
	s24 =	sld [smem:$0x3FFE];
	[sflag:s23] =	ssyncadd.s32 $0xFFFFFFFF  }
0xa5: {  	s26 =	simm.s32 $execute0_lowered;
	[smem:$0x3FD2] =	sst s25  }
0xa6: {  	s4 =	sshll.u32 s26, $0x1;
	_ =	strace $0x8000004F;
	[dreg:$0x1] =	wrdreg $0xFFFFFFFF  }
0xa7: {  	s28 =	simm.s32 $_size_execute0_lowered;
	s2 =	sadd.s32 s2, s4;
	[dreg:$0x0] =	wrdreg $0x0  }
0xa8: {  	s4 =	sshll.u32 s28, $0x1;
	[dreg:$0x2] =	wrdreg s2  }
0xa9: {  	[dreg:$0x3] =	wrdreg s4  }
0xaa: {  	[dreg:$0x4] =	wrdreg $0xC0  }
0xab: {  	_ =	task [dreg:s6], $0x5FFFF  }
0xac: {  	[dreg:$0x1] =	wrdreg $0xFFFFFFFF  }
0xad: {  	[dreg:$0x0] =	wrdreg $0x60  }
0xae: {  	[dreg:$0x2] =	wrdreg s24  }
0xaf: {  	[dreg:$0x3] =	wrdreg $0x82000  }
0xb0: {  	[dreg:$0x4] =	wrdreg $0x9  }
0xb1: {  	_ =	task.clear_ibuf [dreg:s6], $0x5FFFF;
	_ =	strace $0x9000004F  }
0xb2: {  	s29 =	simm.s32 $0x9;
	_ =	strace $0x80000051  }
0xb3: {  	_ =	swait.ge [sflag:s29], $0x1  }
0xb4: {  	[sflag:s29] =	ssyncadd.s32 $0xFFFFFFFF  }
0xb5: {  	_ =	strace $0x90000051  }
0xb6: {  	_ =	sfence  }
0xb7: {  	s30 =	sld [smem:$0x0];
	_ =	sdelay $0x2  }
0xb8: {  	s31 =	sshll.u32 s1, $0xD;
	s1 =	sshrl.u32 s1, $0x2  }
0xb9: {  	s3 =	sand.u32 $0x4000, s31;
	s1 =	sadd.s32 s1, s30  }
0xba: {  	s0 =	sor.u32 s3, s0;
	s1 =	sshll.u32 s1, $0x11  }
0xbb: {  	s0 =	sor.u32 s1, s0  }
0xbc: {  	s0 =	sadd.s32 $0x8F2B, s0  }
0xbd: {  	[sflag:s0] =	ssyncadd.remote.s32 $0x1  }
0xbe: {  	_ =	sfence.sel $0xFFFF  }
0xbf: {  	[dreg:$0x0] =	wrdreg $0xFFFFFFFF;
	(pc) =	sbr.abs _section_cstart, $3  }
0xc0: {  	[dreg:$0x1] =	wrdreg $0xFFFFFFFF  }
0xc1: {  	_ =	task.clear_ibuf [dreg:s6], $0x2FFFF;
	_ =	strace $0x9FFFFFFF  }
0xc2: {  	(tm) =	ssettm $0x7FFFFFFF  }
0xc3: {  	_ =	shalt  }
tec
execute0_lowered:
.L_overlay_start_1:
0x0: {  	(tag) =	ssettag $0x1  }
0x1: {  	s0 =	rddreg [dreg:$0x0]  }
0x2: {  	s2 =	rddreg [dreg:$0x1];
	s1 =	stileid.u32  }
0x3: {  	s4 =	srdreg.scid;
	s3 =	simm.s32 $0x0;
	s19 =	simm.s32 $0x3  }
0x4: {  	s20 =	simm.s32 $0x100;
	s21 =	simm.s32 $0x80;
	s28 =	simm.s32 $0x0  }
0x5: {  	s7 =	smul.u32 $0x13C00, s1;
	s8 =	sand.u32 $0x1, s4;
	[smem:$0x7FF] =	sst s3  }
0x6: {  	s4 =	sadd.s32 $0x1A800, s0;
	s5 =	sadd.s32 $0x10800, s0;
	s6 =	sadd.s32 $0x6800, s0  }
0x7: {  	s11 =	smul.u32 $0x4F000, s1;
	s12 =	sshrl.u32 s1, $0x2;
	s13 =	sshll.u32 s1, $0x8  }
0x8: {  	s25 =	sshll.u32 s1, $0x6;
	s9 =	smul.u32 $0x13C000, s8;
	_ =	strace $0x80000050  }
0x9: {  	s10 =	ssub.s32 $0x2, s8;
	s12 =	smul.u32 $0x14000, s12;
	s14 =	sshll.u32 s8, $0x7  }
0xa: {  	s13 =	sand.u32 $0x300, s13;
	s8 =	sor.u32 $0x1C03, s25;
	s25 =	simm.s32 $0x1  }
0xb: {  	s22 =	sshrl.u32 s10, $0x1;
	s23 =	sshrl.u32 s11, $0x2;
	s24 =	sor.u32 s14, s13  }
0xc: {  	s9 =	sadd.s32 s7, s9;
	s7 =	sshrl.u32 s7, $0x3;
	s15 =	ssub.s32 s10, s22  }
0xd: {  	s18 =	sadd.s32 s23, s2;
	s22 =	simm.s32 $0x200;
	s23 =	simm.s32 $0x180  }
0xe: {  	s9 =	sshrl.u32 s9, $0x3;
	s7 =	sadd.s32 s7, s0;
	s18 =	sshrl.u32 s18, $0x3  }
0xf: {  	s0 =	sadd.s32 s9, s0;
	s9 =	sor.u32 s12, s24;
	s26 =	sadd.s32 $0x42000, s7  }
0x10: {  	s12 =	sor.u32 s13, s12;
	s24 =	simm.s32 $0x4200;
	[dreg:$0x3] =	wrdreg s26  }
0x11: {  	s16 =	sshrl.u32 s9, $0x3;
	s11 =	sadd.s32 $0x69800, s0;
	s30 =	sor.u32 s14, s12  }
0x12: {  	s12 =	smax.u32 s15, $0x1;
	s26 =	simm.s32 $0x2;
	s9 =	sadd.s32 s5, s16  }
0x13: {  	s10 =	sadd.s32 s6, s16;
	s29 =	sadd.s32 $0x2780, s16;
	s17 =	sor.u32 $0x400, s30  }
0x14: {  	s15 =	sor.u32 $0x800, s30;
	s13 =	sadd.s32 s5, s29;
	s31 =	sshrl.u32 s17, $0x3  }
0x15: {  	s14 =	sadd.s32 s6, s29;
	s16 =	sadd.s32 s31, s6;
	s17 =	sadd.s32 s31, s5  }
.LBB2_1:
0x16: {  	s0 =	rddreg [dreg:$0x3]  }
0x17: {  	[spmem:s18], [sflag:s8] =	dma.local [hbm:s0], $0x2780  }
0x18: {  	_ =	swait.ge [sflag:s19], $0x2780  }
0x19: {  	[sflag:s19] =	ssyncset.done $0x0  }
0x1a: {  	[sflag:s19] =	ssyncadd.s32 $0xFFFFD880  }
0x1b: {  	[bflag:$0x0] =	sbarrier.arrive $0xFFFF  }
0x1c: {  	[tilespmem:s3], [sflag:$0x3] =	stream.linear.gather [hbm4b:s9+s3], $0x80, $0x38;
	[tilespmem:$0x1BE00] =	vst v63  }
0x1d: {  	_ =	swait.ge [sflag:s19], $0x80  }
0x1e: {  	[sflag:s19] =	ssyncset.done $0x0  }
0x1f: {  	[sflag:s19] =	ssyncadd.s32 $0xFFFFFF80  }
0x20: {  	[tilespmem:s20], [sflag:$0x3] =	stream.linear.gather [hbm4b:s10+s3], $0x80, $0x38;
	[tilespmem:$0x1BE00] =	vst v63  }
0x21: {  	_ =	swait.ge [sflag:s19], $0x80  }
0x22: {  	[sflag:s19] =	ssyncset.done $0x0  }
0x23: {  	[sflag:s19] =	ssyncadd.s32 $0xFFFFFF80  }
0x24: {  	[tilespmem:s22], [sflag:$0x1] =	stream.indirect.gather [hbm4b:s4+s21], $0x80, s3, s21, $0xb8;
	[tilespmem:$0x1BE00] =	vst v63  }
0x25: {  	s7 =	sadd.s32 $0x0, s17  }
0x26: {  	[tilespmem:s21], [sflag:$0x3] =	stream.linear.gather [hbm4b:s7+s3], $0x80, $0x38;
	[tilespmem:$0x1BE00] =	vst v63  }
0x27: {  	_ =	swait.ge [sflag:s19], $0x80  }
0x28: {  	[sflag:s19] =	ssyncset.done $0x0  }
0x29: {  	s1 =	sadd.s32 $0x0, s16;
	[sflag:s19] =	ssyncadd.s32 $0xFFFFFF80  }
0x2a: {  	[tilespmem:s23], [sflag:$0x3] =	stream.linear.gather [hbm4b:s1+s3], $0x80, $0x38;
	[tilespmem:$0x1BE00] =	vst v63  }
0x2b: {  	_ =	swait.ge [sflag:s19], $0x80  }
0x2c: {  	[sflag:s19] =	ssyncset.done $0x0  }
0x2d: {  	[sflag:s19] =	ssyncadd.s32 $0xFFFFFF80  }
0x2e: {  	[tilespmem:s24], [sflag:$0x2] =	stream.indirect.gather [hbm4b:s4+s21], $0x80, s21, s21, $0xb8;
	[tilespmem:$0x1BE00] =	vst v63  }
0x2f: {  	_ =	swait.ge [sflag:s25], $0x4000  }
0x30: {  	[sflag:s25] =	ssyncset.done $0x0  }
0x31: {  	[sflag:s25] =	ssyncadd.s32 $0xFFFFC000  }
0x32: {  	[spmem:s2] =	stream.indirect.scatter.add.f32 [tilespmem:s22], [sflag:$0x3], $0x80, s20, s21, $0xb8;
	[tilespmem:$0x1BE00] =	vst v63  }
0x33: {  	_ =	swait.ge [sflag:s19], $0x4000  }
0x34: {  	s7 =	sshrl.u32 s15, $0x3;
	[sflag:s19] =	ssyncset.done $0x0  }
0x35: {  	s29 =	sadd.s32 s5, s7;
	[sflag:s19] =	ssyncadd.s32 $0xFFFFC000  }
0x36: {  	[tilespmem:s3], [sflag:$0x3] =	stream.linear.gather [hbm4b:s29+s3], $0x80, $0x38;
	[tilespmem:$0x1BE00] =	vst v63  }
0x37: {  	_ =	swait.ge [sflag:s19], $0x80  }
0x38: {  	[sflag:s19] =	ssyncset.done $0x0  }
0x39: {  	s0 =	sadd.s32 s6, s7;
	[sflag:s19] =	ssyncadd.s32 $0xFFFFFF80  }
0x3a: {  	[tilespmem:s20], [sflag:$0x3] =	stream.linear.gather [hbm4b:s0+s3], $0x80, $0x38;
	[tilespmem:$0x1BE00] =	vst v63  }
0x3b: {  	_ =	swait.ge [sflag:s19], $0x80  }
0x3c: {  	[sflag:s19] =	ssyncset.done $0x0  }
0x3d: {  	[sflag:s19] =	ssyncadd.s32 $0xFFFFFF80  }
0x3e: {  	[tilespmem:s22], [sflag:$0x1] =	stream.indirect.gather [hbm4b:s4+s21], $0x80, s3, s21, $0xb8;
	[tilespmem:$0x1BE00] =	vst v63  }
0x3f: {  	_ =	swait.ge [sflag:s26], $0x4000  }
0x40: {  	[sflag:s26] =	ssyncset.done $0x0  }
0x41: {  	[sflag:s26] =	ssyncadd.s32 $0xFFFFC000  }
0x42: {  	[spmem:s2] =	stream.indirect.scatter.add.f32 [tilespmem:s24], [sflag:$0x3], $0x80, s23, s21, $0xb8;
	[tilespmem:$0x1BE00] =	vst v63  }
0x43: {  	s30 =	simm.s32 $0x100;
	_ =	swait.ge [sflag:s19], $0x4000  }
0x44: {  	s31 =	simm.s32 $0x200;
	s29 =	sadd.s32 $0x800, s15;
	[sflag:s19] =	ssyncset.done $0x0  }
.LBB2_2:
0x45: {  	s1 =	sadd.s32 s30, s17  }
0x46: {  	[sflag:s19] =	ssyncadd.s32 $0xFFFFC000;
	s7 =	smov.u32 s31;
	s0 =	sadd.s32 $0x100, s31  }
0x47: {  	[tilespmem:s21], [sflag:$0x3] =	stream.linear.gather [hbm4b:s1+s3], $0x80, $0x38;
	[tilespmem:$0x1BE00] =	vst v63  }
0x48: {  	p0 =	sne.s32 s31, $0x2600;
	_ =	swait.ge [sflag:s19], $0x80  }
0x49: {  	[sflag:s19] =	ssyncset.done $0x0  }
0x4a: {  	s1 =	sadd.s32 s30, s16;
	s30 =	smov.u32 s7;
	[sflag:s19] =	ssyncadd.s32 $0xFFFFFF80  }
0x4b: {  	[tilespmem:s23], [sflag:$0x3] =	stream.linear.gather [hbm4b:s1+s3], $0x80, $0x38;
	[tilespmem:$0x1BE00] =	vst v63  }
0x4c: {  	_ =	swait.ge [sflag:s19], $0x80  }
0x4d: {  	[sflag:s19] =	ssyncset.done $0x0  }
0x4e: {  	[sflag:s19] =	ssyncadd.s32 $0xFFFFFF80  }
0x4f: {  	[tilespmem:s24], [sflag:$0x2] =	stream.indirect.gather [hbm4b:s4+s21], $0x80, s21, s21, $0xb8;
	[tilespmem:$0x1BE00] =	vst v63  }
0x50: {  	_ =	swait.ge [sflag:s25], $0x4000  }
0x51: {  	[sflag:s25] =	ssyncset.done $0x0  }
0x52: {  	[sflag:s25] =	ssyncadd.s32 $0xFFFFC000  }
0x53: {  	[spmem:s2] =	stream.indirect.scatter.add.f32 [tilespmem:s22], [sflag:$0x3], $0x80, s20, s21, $0xb8;
	[tilespmem:$0x1BE00] =	vst v63  }
0x54: {  	_ =	swait.ge [sflag:s19], $0x4000  }
0x55: {  	s1 =	sshrl.u32 s29, $0x3;
	[sflag:s19] =	ssyncset.done $0x0  }
0x56: {  	s7 =	sadd.s32 s5, s1;
	[sflag:s19] =	ssyncadd.s32 $0xFFFFC000  }
0x57: {  	[tilespmem:s3], [sflag:$0x3] =	stream.linear.gather [hbm4b:s7+s3], $0x80, $0x38;
	[tilespmem:$0x1BE00] =	vst v63  }
0x58: {  	_ =	swait.ge [sflag:s19], $0x80  }
0x59: {  	[sflag:s19] =	ssyncset.done $0x0  }
0x5a: {  	s1 =	sadd.s32 s6, s1;
	[sflag:s19] =	ssyncadd.s32 $0xFFFFFF80  }
0x5b: {  	[tilespmem:s20], [sflag:$0x3] =	stream.linear.gather [hbm4b:s1+s3], $0x80, $0x38;
	[tilespmem:$0x1BE00] =	vst v63  }
0x5c: {  	_ =	swait.ge [sflag:s19], $0x80  }
0x5d: {  	[sflag:s19] =	ssyncset.done $0x0  }
0x5e: {  	[sflag:s19] =	ssyncadd.s32 $0xFFFFFF80  }
0x5f: {  	[tilespmem:s22], [sflag:$0x1] =	stream.indirect.gather [hbm4b:s4+s21], $0x80, s3, s21, $0xb8;
	[tilespmem:$0x1BE00] =	vst v63  }
0x60: {  	_ =	swait.ge [sflag:s26], $0x4000  }
.Ltmp0:
0x61: {  	[sflag:s26] =	ssyncset.done $0x0;
	(pc) =	sbr.rel @p0 .LBB2_2-.Ltmp0, $4  }
0x62: {  	[sflag:s26] =	ssyncadd.s32 $0xFFFFC000  }
0x63: {  	[spmem:s2] =	stream.indirect.scatter.add.f32 [tilespmem:s24], [sflag:$0x3], $0x80, s23, s21, $0xb8;
	[tilespmem:$0x1BE00] =	vst v63  }
0x64: {  	_ =	swait.ge [sflag:s19], $0x4000  }
0x65: {  	s31 =	smov.u32 s0;
	s29 =	sadd.s32 $0x800, s29;
	[sflag:s19] =	ssyncset.done $0x0  }
0x66: {  	s0 =	sadd.s32 s30, s17;
	[sflag:s19] =	ssyncadd.s32 $0xFFFFC000  }
0x67: {  	[tilespmem:s21], [sflag:$0x3] =	stream.linear.gather [hbm4b:s0+s3], $0x80, $0x38;
	[tilespmem:$0x1BE00] =	vst v63  }
0x68: {  	_ =	swait.ge [sflag:s19], $0x80  }
0x69: {  	[sflag:s19] =	ssyncset.done $0x0  }
0x6a: {  	s30 =	sadd.s32 s30, s16;
	[sflag:s19] =	ssyncadd.s32 $0xFFFFFF80  }
0x6b: {  	[tilespmem:s23], [sflag:$0x3] =	stream.linear.gather [hbm4b:s30+s3], $0x80, $0x38;
	[tilespmem:$0x1BE00] =	vst v63  }
0x6c: {  	_ =	swait.ge [sflag:s19], $0x80  }
0x6d: {  	[sflag:s19] =	ssyncset.done $0x0  }
0x6e: {  	[sflag:s19] =	ssyncadd.s32 $0xFFFFFF80  }
0x6f: {  	[tilespmem:s24], [sflag:$0x2] =	stream.indirect.gather [hbm4b:s4+s21], $0x80, s21, s21, $0xb8;
	[tilespmem:$0x1BE00] =	vst v63  }
0x70: {  	_ =	swait.ge [sflag:s25], $0x4000  }
0x71: {  	[sflag:s25] =	ssyncset.done $0x0  }
0x72: {  	[sflag:s25] =	ssyncadd.s32 $0xFFFFC000  }
0x73: {  	[spmem:s2] =	stream.indirect.scatter.add.f32 [tilespmem:s22], [sflag:$0x3], $0x80, s20, s21, $0xb8;
	[tilespmem:$0x1BE00] =	vst v63  }
0x74: {  	_ =	swait.ge [sflag:s19], $0x4000  }
0x75: {  	s31 =	sshrl.u32 s29, $0x3;
	[sflag:s19] =	ssyncset.done $0x0  }
0x76: {  	s1 =	sadd.s32 s5, s31;
	[sflag:s19] =	ssyncadd.s32 $0xFFFFC000  }
0x77: {  	[tilespmem:s3], [sflag:$0x3] =	stream.linear.gather [hbm4b:s1+s3], $0x80, $0x38;
	[tilespmem:$0x1BE00] =	vst v63  }
0x78: {  	_ =	swait.ge [sflag:s19], $0x80  }
0x79: {  	[sflag:s19] =	ssyncset.done $0x0  }
0x7a: {  	s0 =	sadd.s32 s6, s31;
	[sflag:s19] =	ssyncadd.s32 $0xFFFFFF80  }
0x7b: {  	[tilespmem:s20], [sflag:$0x3] =	stream.linear.gather [hbm4b:s0+s3], $0x80, $0x38;
	[tilespmem:$0x1BE00] =	vst v63  }
0x7c: {  	_ =	swait.ge [sflag:s19], $0x80  }
0x7d: {  	[sflag:s19] =	ssyncset.done $0x0  }
0x7e: {  	[sflag:s19] =	ssyncadd.s32 $0xFFFFFF80  }
0x7f: {  	[tilespmem:s22], [sflag:$0x1] =	stream.indirect.gather [hbm4b:s4+s21], $0x80, s3, s21, $0xb8;
	[tilespmem:$0x1BE00] =	vst v63  }
0x80: {  	_ =	swait.ge [sflag:s26], $0x4000  }
0x81: {  	[sflag:s26] =	ssyncset.done $0x0  }
0x82: {  	[sflag:s26] =	ssyncadd.s32 $0xFFFFC000  }
0x83: {  	[spmem:s2] =	stream.indirect.scatter.add.f32 [tilespmem:s24], [sflag:$0x3], $0x80, s23, s21, $0xb8;
	[tilespmem:$0x1BE00] =	vst v63  }
0x84: {  	_ =	swait.ge [sflag:s19], $0x4000  }
0x85: {  	[sflag:s19] =	ssyncset.done $0x0  }
0x86: {  	[sflag:s19] =	ssyncadd.s32 $0xFFFFC000  }
0x87: {  	[tilespmem:s21], [sflag:$0x3] =	stream.linear.gather [hbm4b:s13+s3], $0x80, $0x38;
	[tilespmem:$0x1BE00] =	vst v63  }
0x88: {  	_ =	swait.ge [sflag:s19], $0x80  }
0x89: {  	[sflag:s19] =	ssyncset.done $0x0  }
0x8a: {  	[sflag:s19] =	ssyncadd.s32 $0xFFFFFF80  }
0x8b: {  	[tilespmem:s23], [sflag:$0x3] =	stream.linear.gather [hbm4b:s14+s3], $0x80, $0x38;
	[tilespmem:$0x1BE00] =	vst v63  }
0x8c: {  	_ =	swait.ge [sflag:s19], $0x80  }
0x8d: {  	[sflag:s19] =	ssyncset.done $0x0  }
0x8e: {  	[sflag:s19] =	ssyncadd.s32 $0xFFFFFF80  }
0x8f: {  	[tilespmem:s24], [sflag:$0x2] =	stream.indirect.gather [hbm4b:s4+s21], $0x80, s21, s21, $0xb8;
	[tilespmem:$0x1BE00] =	vst v63  }
0x90: {  	_ =	swait.ge [sflag:s25], $0x4000  }
0x91: {  	[sflag:s25] =	ssyncset.done $0x0  }
0x92: {  	[sflag:s25] =	ssyncadd.s32 $0xFFFFC000  }
0x93: {  	[spmem:s2] =	stream.indirect.scatter.add.f32 [tilespmem:s22], [sflag:$0x3], $0x80, s20, s21, $0xb8;
	[tilespmem:$0x1BE00] =	vst v63  }
0x94: {  	_ =	swait.ge [sflag:s19], $0x4000  }
0x95: {  	[sflag:s19] =	ssyncset.done $0x0  }
0x96: {  	[sflag:s19] =	ssyncadd.s32 $0xFFFFC000  }
0x97: {  	_ =	swait.ge [sflag:s26], $0x4000  }
0x98: {  	[sflag:s26] =	ssyncset.done $0x0  }
0x99: {  	[sflag:s26] =	ssyncadd.s32 $0xFFFFC000  }
0x9a: {  	[spmem:s2] =	stream.indirect.scatter.add.f32 [tilespmem:s24], [sflag:$0x3], $0x80, s23, s21, $0xb8;
	[tilespmem:$0x1BE00] =	vst v63  }
0x9b: {  	_ =	swait.ge [sflag:s19], $0x4000  }
0x9c: {  	s28 =	sadd.s32 $0x1, s28;
	[sflag:s19] =	ssyncset.done $0x0  }
0x9d: {  	p0 =	sne.s32 s28, s12;
	[sflag:s19] =	ssyncadd.s32 $0xFFFFC000  }
.Ltmp1:
0x9e: {  	[bflag:$0x0] =	sbarrier.arrive $0xFFFF;
	(pc) =	sbr.rel @p0 .LBB2_1-.Ltmp1, $4  }
0x9f: {  	[hbm:s11], [sflag:s8] =	dma.local [spmem:s18], $0x2780  }
0xa0: {  	_ =	swait.ge [sflag:s19], $0x2780  }
0xa1: {  	[sflag:s19] =	ssyncset.done $0x0  }
0xa2: {  	[sflag:s19] =	ssyncadd.s32 $0xFFFFD880  }
0xa3: {  	_ =	sfence.sel $0x180000  }
0xa4: {  	[bflag:$0x0] =	sbarrier.arrive $0xFFFF  }
0xa5: {  	_ =	strace $0x90000050  }
0xa6: {  	s0 =	stileid.u32;
	[bflag:$0x2] =	sbarrier.arrive $0xFFFF  }
0xa7: {  	p0 =	sne.s32 s0, $0x0;
	s0 =	rddreg [dreg:$0x2]  }
0xa8: {  	s0 =	sadd.s32 @!p0 $0x100000, s0  }
0xa9: {  	[sflag:s0] =	ssyncadd.tile.s32 @!p0 $0x1;
	_ =	shalt  }
.Lfunc_end2:
_tile_overlayer_lowered:
.L_overlay_start_2:
0xaa: {  	(tag) =	ssettag $0x2  }
0xab: {  	s0 =	rddreg [dreg:$0x0];
	s2 =	stileid.u32  }
0xac: {  	s1 =	rddreg [dreg:$0x1];
	p0 =	sne.s32 s2, $0x0  }
0xad: {  	s3 =	rddreg [dreg:$0x2];
	[bflag:$0x3] =	sbarrier.arrive $0xFFFF;
	s2 =	simm.s32 @!p0 $0x1C03  }
0xae: {  	[timem:s3], [sflag:s2] =	dma.local @!p0 [hbm:s0], s1  }
0xaf: {  	s0 =	simm.s32 @!p0 $0x3  }
0xb0: {  	_ =	swait.ge @!p0 [sflag:s0], s1  }
0xb1: {  	s1 =	ssub.s32 @!p0 $0x0, s1;
	[sflag:s0] =	ssyncset.done @!p0 $0x0  }
0xb2: {  	[sflag:s0] =	ssyncadd.s32 @!p0 s1  }
0xb3: {  	[bflag:$0x3] =	sbarrier.arrive $0xFFFF  }
0xb4: {  	_ =	shalt  }

// kernel: kernel.27.cloned.1.call-start
scs
__scs_entry_jumppad:
0x0: {  	(pc) =	sbr.rel $0x88, $3  }
0x1: {  	(tag) =	ssettag $0x0;
	lr =	simm.s32 $0x1  }
0x2: {  	[smem:$0x3F93] =	sst lr;
	_ =	strace $0xD0000000  }
0x3: {  	_ = 	snop  }
0x4: {  	_ = 	snop  }
0x5: {  	_ = 	snop  }
0x6: {  	_ = 	snop  }
0x7: {  	_ = 	snop  }
__scs_overlays_trampoline_lowered:
0x8: {  	[smem:$0x3FA2] =	sst s0  }
0x9: {  	[smem:$0x3FA3] =	sst s1  }
0xa: {  	[smem:$0x3FA4] =	sst s2  }
0xb: {  	[smem:$0x3FA5] =	sst s3  }
0xc: {  	[smem:$0x3FA6] =	sst s4  }
0xd: {  	[smem:$0x3FA7] =	sst s5  }
0xe: {  	[smem:$0x3FA8] =	sst s6  }
0xf: {  	[smem:$0x3FA9] =	sst s7  }
0x10: {  	[smem:$0x3FAA] =	sst s8  }
0x11: {  	[smem:$0x3FAB] =	sst s9;
	s0 =	simm.s32 @!p0 $0x0  }
0x12: {  	s1 =	sld [smem:$0x3F91];
	s0 =	simm.s32 @p0 $0x1  }
0x13: {  	[smem:$0x3FAC] =	sst s0;
	s0 =	simm.s32 @!p1 $0x0  }
0x14: {  	s2 =	sld [smem:$0x3F90];
	s0 =	simm.s32 @p1 $0x1  }
0x15: {  	[smem:$0x3FAD] =	sst s0;
	s0 =	simm.s32 @!p2 $0x0  }
0x16: {  	s3 =	sld [smem:$0x3FDB];
	s0 =	simm.s32 @p2 $0x1  }
0x17: {  	s4 =	simm.s32 $0x1BF5;
	[smem:$0x3FAF] =	sst s0  }
0x18: {  	s0 =	sld [smem:$0x3F92];
	_ =	swait.ge [sflag:s4], $0x0  }
0x19: {  	s7 =	sld [smem:$0x3F93]  }
0x1a: {  	s8 =	sadd.s32 $0xFFFFE003, lr  }
0x1b: {  	s9 =	sadd.s32 $0xFFFFFEF7, lr;
	s5 =	simm.s32 $0xFFFFFFFF;
	p2 =	slt.u32 s8, $0xFFFFF086  }
0x1c: {  	p1 =	slt.u32 s9, $0xF7A;
	s5 =	simm.s32 @!p2 $0x0  }
0x1d: {  	s5 =	simm.s32 @p1 $0x1;
	p0 =	seq.s32 s7, s2  }
0x1e: {  	s7 =	smul.u32 @!p0 $0xF7A, s2;
	p2 =	seq.s32 @!p0 s5, $0x0  }
0x1f: {  	s9 =	smul.u32 $0xF7A, s1;
	s8 =	simm.s32 @!p0 $0x1BF5;
	p2 =	por !p2, p0  }
0x20: {  	[sflag:s8] =	ssyncset.s32 @!p0 $0xFFFFF086;
	s6 =	sadd.s32 @!p0 s3, s7;
	s7 =	simm.s32 @!p0 $0x108  }
0x21: {  	s3 =	sadd.s32 s3, s9;
	s6 =	sadd.s32 @!p0 $0x88, s6;
	s7 =	simm.s32 @p2 $0x1082  }
0x22: {  	[simem:s7], [sflag:s8] =	dma.local @!p0 [hbm:s6], $0xF7A  }
0x23: {  	s9 =	sor.u32 $0xD0000000, s2;
	s6 =	simm.s32 $0x108;
	_ =	swait.ge @!p0 [sflag:s8], $0x0  }
0x24: {  	s3 =	sadd.s32 $0x88, s3;
	s6 =	simm.s32 @!p1 $0x1082;
	[sflag:s4] =	ssyncset.s32 $0xFFFFF086  }
0x25: {  	[simem:s6], [sflag:s4] =	dma.local [hbm:s3], $0xF7A  }
0x26: {  	[smem:$0x3F93] =	sst s1;
	(tag) =	ssettag s2;
	_ =	strace s9  }
0x27: {  	s1 =	sld [smem:$0x3FA3]  }
0x28: {  	s2 =	sld [smem:$0x3FA4]  }
0x29: {  	s4 =	sld [smem:$0x3FA6]  }
0x2a: {  	p0 =	seq.s32 s5, $0x0;
	s5 =	sld [smem:$0x3FA7]  }
0x2b: {  	s6 =	sld [smem:$0x3FA8]  }
0x2c: {  	s7 =	sld [smem:$0x3FA9]  }
0x2d: {  	s3 =	simm.s32 $0x108;
	s8 =	sld [smem:$0x3FAA]  }
0x2e: {  	s3 =	simm.s32 @!p0 $0x1082;
	s9 =	sld [smem:$0x3FAB]  }
0x2f: {  	lr =	sadd.s32 s0, s3;
	s0 =	sld [smem:$0x3FA2]  }
0x30: {  	s3 =	sld [smem:$0x3FA5]  }
0x31: {  	[smem:$0x3FAE] =	sst s10  }
0x32: {  	s10 =	sld [smem:$0x3FAC];
	_ =	sdelay $0x3  }
0x33: {  	p0 =	seq.s32 s10, $0x1;
	s10 =	sld [smem:$0x3FAE];
	_ =	sdelay $0x3  }
0x34: {  	[smem:$0x3FAE] =	sst s10  }
0x35: {  	s10 =	sld [smem:$0x3FAD];
	_ =	sdelay $0x3  }
0x36: {  	p1 =	seq.s32 s10, $0x1;
	s10 =	sld [smem:$0x3FAE];
	_ =	sdelay $0x3  }
0x37: {  	[smem:$0x3FAE] =	sst s10  }
0x38: {  	s10 =	sld [smem:$0x3FAF]  }
0x39: {  	_ = 	snop;
	(pc) =	sbr.ind lr, $3  }
0x3a: {  	_ = 	snop  }
0x3b: {  	_ = 	snop  }
0x3c: {  	p2 =	seq.s32 s10, $0x1;
	s10 =	sld [smem:$0x3FAE]  }
0x3d: {  	_ =	shalt  }
0x3e: {  	_ =	shalt  }
0x3f: {  	_ =	shalt  }
0x40: {  	_ =	shalt  }
0x41: {  	_ =	shalt  }
0x42: {  	_ =	shalt  }
0x43: {  	_ =	shalt  }
0x44: {  	_ =	shalt  }
0x45: {  	_ =	shalt  }
0x46: {  	_ =	shalt  }
0x47: {  	_ =	shalt  }
0x48: {  	_ =	shalt  }
0x49: {  	_ =	shalt  }
0x4a: {  	_ =	shalt  }
0x4b: {  	_ =	shalt  }
0x4c: {  	_ =	shalt  }
0x4d: {  	_ =	shalt  }
0x4e: {  	_ =	shalt  }
0x4f: {  	_ =	shalt  }
0x50: {  	_ =	shalt  }
0x51: {  	_ =	shalt  }
0x52: {  	_ =	shalt  }
0x53: {  	_ =	shalt  }
0x54: {  	_ =	shalt  }
0x55: {  	_ =	shalt  }
0x56: {  	_ =	shalt  }
0x57: {  	_ =	shalt  }
0x58: {  	_ =	shalt  }
0x59: {  	_ =	shalt  }
0x5a: {  	_ =	shalt  }
0x5b: {  	_ =	shalt  }
0x5c: {  	_ =	shalt  }
0x5d: {  	_ =	shalt  }
0x5e: {  	_ =	shalt  }
0x5f: {  	_ =	shalt  }
0x60: {  	_ =	shalt  }
0x61: {  	_ =	shalt  }
0x62: {  	_ =	shalt  }
0x63: {  	_ =	shalt  }
0x64: {  	_ =	shalt  }
0x65: {  	_ =	shalt  }
0x66: {  	_ =	shalt  }
0x67: {  	_ =	shalt  }
0x68: {  	_ =	shalt  }
0x69: {  	_ =	shalt  }
0x6a: {  	_ =	shalt  }
0x6b: {  	_ =	shalt  }
0x6c: {  	_ =	shalt  }
0x6d: {  	_ =	shalt  }
0x6e: {  	_ =	shalt  }
0x6f: {  	_ =	shalt  }
0x70: {  	_ =	shalt  }
0x71: {  	_ =	shalt  }
0x72: {  	_ =	shalt  }
0x73: {  	_ =	shalt  }
0x74: {  	_ =	shalt  }
0x75: {  	_ =	shalt  }
0x76: {  	_ =	shalt  }
0x77: {  	_ =	shalt  }
0x78: {  	_ =	shalt  }
0x79: {  	_ =	shalt  }
0x7a: {  	_ =	shalt  }
0x7b: {  	_ =	shalt  }
0x7c: {  	_ =	shalt  }
0x7d: {  	_ =	shalt  }
0x7e: {  	_ =	shalt  }
0x7f: {  	_ =	shalt  }
0x80: {  	_ =	shalt  }
0x81: {  	_ =	shalt  }
0x82: {  	_ =	shalt  }
0x83: {  	_ =	shalt  }
0x84: {  	_ =	shalt  }
0x85: {  	_ =	shalt  }
0x86: {  	_ =	shalt  }
0x87: {  	_ =	shalt  }
.Lfunc_end0:
.L_simem_size_0:
called_computation.4_lowered:
.L_overlay_start_0:
0x88: {  	s2 =	sld [smem:$0x3FD9]  }
0x89: {  	s3 =	sld [smem:$0x3FFE];
	_ =	sdelay $0x1  }
0x8a: {  	s1 =	srdreg.scid  }
0x8b: {  	s0 =	sand.u32 $0x1, s1  }
0x8c: {  	s16 =	sshll.u32 s0, $0xA;
	s2 =	sadd.s32 s3, s2  }
0x8d: {  	s2 =	sadd.s32 s2, s16  }
0x8e: {  	[smem:$0x3FBA] =	sst s2  }
0x8f: {  	_ = 	snop  }
0x90: {  	(tm) =	ssettm $0x1  }
0x91: {  	s17 =	sld [smem:$0x3FFB];
	_ =	sdelay $0x3  }
0x92: {  	_ =	strace s17  }
0x93: {  	s2 =	sld [smem:$0x3FFC];
	_ =	sdelay $0x3  }
0x94: {  	_ =	strace s2  }
0x95: {  	s2 =	sld [smem:$0x3FFD];
	_ =	sdelay $0x3  }
0x96: {  	_ =	strace s2  }
0x97: {  	_ =	strace $0x8FFFFFFF  }
0x98: {  	s18 =	sld [smem:$0x3FDB];
	_ =	sdelay $0x1  }
0x99: {  	s19 =	simm.s32 $_scs_section_size  }
0x9a: {  	s4 =	simm.s32 $_size__tile_overlayer_lowered;
	s5 =	simm.s32 $_tile_overlayer_lowered  }
0x9b: {  	s22 =	simm.s32 $0x1BFF;
	s21 =	sshll.u32 s5, $0x1;
	s2 =	sadd.s32 s19, s18  }
0x9c: {  	s6 =	simm.s32 $0x0;
	s20 =	sshll.u32 s4, $0x1;
	s4 =	sadd.s32 s21, s2  }
0x9d: {  	[timem:s6], [sflag:s22] =	dma.local [hbm:s4], s20  }
0x9e: {  	_ =	swait.ge [sflag:s22], s20  }
0x9f: {  	s3 =	ssub.s32 $0x0, s20;
	[sflag:s22] =	ssyncset.done $0x0  }
0xa0: {  	[sflag:s22] =	ssyncadd.s32 s3;
	_ =	sdelay $0x1  }
0xa1: {  	s23 =	simm.s32 $0x1B8B  }
0xa2: {  	_ =	swait.ge [sflag:s23], $0x1  }
0xa3: {  	[sflag:s23] =	ssyncset.done $0x0  }
0xa4: {  	s25 =	simm.s32 $0x1B8E;
	s24 =	sld [smem:$0x3FFE];
	[sflag:s23] =	ssyncadd.s32 $0xFFFFFFFF  }
0xa5: {  	s26 =	simm.s32 $execute0_lowered;
	[smem:$0x3FD2] =	sst s25  }
0xa6: {  	s4 =	sshll.u32 s26, $0x1;
	_ =	strace $0x80000052;
	[dreg:$0x1] =	wrdreg $0xFFFFFFFF  }
0xa7: {  	s28 =	simm.s32 $_size_execute0_lowered;
	s2 =	sadd.s32 s2, s4;
	[dreg:$0x0] =	wrdreg $0x0  }
0xa8: {  	s4 =	sshll.u32 s28, $0x1;
	[dreg:$0x2] =	wrdreg s2  }
0xa9: {  	[dreg:$0x3] =	wrdreg s4  }
0xaa: {  	[dreg:$0x4] =	wrdreg $0xC0  }
0xab: {  	_ =	task [dreg:s6], $0x5FFFF  }
0xac: {  	[dreg:$0x1] =	wrdreg $0xFFFFFFFF  }
0xad: {  	[dreg:$0x0] =	wrdreg $0x60  }
0xae: {  	[dreg:$0x2] =	wrdreg s24  }
0xaf: {  	[dreg:$0x3] =	wrdreg $0x82000  }
0xb0: {  	[dreg:$0x4] =	wrdreg $0x9  }
0xb1: {  	_ =	task.clear_ibuf [dreg:s6], $0x5FFFF;
	_ =	strace $0x90000052  }
0xb2: {  	s29 =	simm.s32 $0x9;
	_ =	strace $0x80000054  }
0xb3: {  	_ =	swait.ge [sflag:s29], $0x1  }
0xb4: {  	[sflag:s29] =	ssyncadd.s32 $0xFFFFFFFF  }
0xb5: {  	_ =	strace $0x90000054  }
0xb6: {  	_ =	sfence  }
0xb7: {  	s30 =	sld [smem:$0x0];
	_ =	sdelay $0x2  }
0xb8: {  	s31 =	sshll.u32 s1, $0xD;
	s1 =	sshrl.u32 s1, $0x2  }
0xb9: {  	s3 =	sand.u32 $0x4000, s31;
	s1 =	sadd.s32 s1, s30  }
0xba: {  	s0 =	sor.u32 s3, s0;
	s1 =	sshll.u32 s1, $0x11  }
0xbb: {  	s0 =	sor.u32 s1, s0  }
0xbc: {  	s0 =	sadd.s32 $0x8F2B, s0  }
0xbd: {  	[sflag:s0] =	ssyncadd.remote.s32 $0x1  }
0xbe: {  	_ =	sfence.sel $0xFFFF  }
0xbf: {  	[dreg:$0x0] =	wrdreg $0xFFFFFFFF;
	(pc) =	sbr.abs _section_cstart, $3  }
0xc0: {  	[dreg:$0x1] =	wrdreg $0xFFFFFFFF  }
0xc1: {  	_ =	task.clear_ibuf [dreg:s6], $0x2FFFF;
	_ =	strace $0x9FFFFFFF  }
0xc2: {  	(tm) =	ssettm $0x7FFFFFFF  }
0xc3: {  	_ =	shalt  }
tec
execute0_lowered:
.L_overlay_start_1:
0x0: {  	(tag) =	ssettag $0x1  }
0x1: {  	s0 =	rddreg [dreg:$0x0]  }
0x2: {  	s2 =	rddreg [dreg:$0x1];
	s1 =	stileid.u32  }
0x3: {  	s4 =	srdreg.scid;
	s3 =	simm.s32 $0x0;
	s19 =	simm.s32 $0x3  }
0x4: {  	s20 =	simm.s32 $0x100;
	s21 =	simm.s32 $0x80;
	s28 =	simm.s32 $0x0  }
0x5: {  	s7 =	smul.u32 $0x13C00, s1;
	s8 =	sand.u32 $0x1, s4;
	[smem:$0x7FF] =	sst s3  }
0x6: {  	s4 =	sadd.s32 $0x1A800, s0;
	s5 =	sadd.s32 $0x10800, s0;
	s6 =	sadd.s32 $0x6800, s0  }
0x7: {  	s11 =	smul.u32 $0x4F000, s1;
	s12 =	sshrl.u32 s1, $0x2;
	s13 =	sshll.u32 s1, $0x8  }
0x8: {  	s25 =	sshll.u32 s1, $0x6;
	s9 =	smul.u32 $0x13C000, s8;
	_ =	strace $0x80000053  }
0x9: {  	s10 =	ssub.s32 $0x2, s8;
	s12 =	smul.u32 $0x14000, s12;
	s14 =	sshll.u32 s8, $0x7  }
0xa: {  	s13 =	sand.u32 $0x300, s13;
	s8 =	sor.u32 $0x1C03, s25;
	s25 =	simm.s32 $0x1  }
0xb: {  	s22 =	sshrl.u32 s10, $0x1;
	s23 =	sshrl.u32 s11, $0x2;
	s24 =	sor.u32 s14, s13  }
0xc: {  	s9 =	sadd.s32 s7, s9;
	s7 =	sshrl.u32 s7, $0x3;
	s15 =	ssub.s32 s10, s22  }
0xd: {  	s18 =	sadd.s32 s23, s2;
	s22 =	simm.s32 $0x200;
	s23 =	simm.s32 $0x180  }
0xe: {  	s9 =	sshrl.u32 s9, $0x3;
	s7 =	sadd.s32 s7, s0;
	s18 =	sshrl.u32 s18, $0x3  }
0xf: {  	s0 =	sadd.s32 s9, s0;
	s9 =	sor.u32 s12, s24;
	s26 =	sadd.s32 $0x42000, s7  }
0x10: {  	s12 =	sor.u32 s13, s12;
	s24 =	simm.s32 $0x4200;
	[dreg:$0x3] =	wrdreg s26  }
0x11: {  	s16 =	sshrl.u32 s9, $0x3;
	s11 =	sadd.s32 $0x69800, s0;
	s30 =	sor.u32 s14, s12  }
0x12: {  	s12 =	smax.u32 s15, $0x1;
	s26 =	simm.s32 $0x2;
	s9 =	sadd.s32 s5, s16  }
0x13: {  	s10 =	sadd.s32 s6, s16;
	s29 =	sadd.s32 $0x2780, s16;
	s17 =	sor.u32 $0x400, s30  }
0x14: {  	s15 =	sor.u32 $0x800, s30;
	s13 =	sadd.s32 s5, s29;
	s31 =	sshrl.u32 s17, $0x3  }
0x15: {  	s14 =	sadd.s32 s6, s29;
	s16 =	sadd.s32 s31, s6;
	s17 =	sadd.s32 s31, s5  }
.LBB2_1:
0x16: {  	s0 =	rddreg [dreg:$0x3]  }
0x17: {  	[spmem:s18], [sflag:s8] =	dma.local [hbm:s0], $0x2780  }
0x18: {  	_ =	swait.ge [sflag:s19], $0x2780  }
0x19: {  	[sflag:s19] =	ssyncset.done $0x0  }
0x1a: {  	[sflag:s19] =	ssyncadd.s32 $0xFFFFD880  }
0x1b: {  	[bflag:$0x0] =	sbarrier.arrive $0xFFFF  }
0x1c: {  	[tilespmem:s3], [sflag:$0x3] =	stream.linear.gather [hbm4b:s9+s3], $0x80, $0x38;
	[tilespmem:$0x1BE00] =	vst v63  }
0x1d: {  	_ =	swait.ge [sflag:s19], $0x80  }
0x1e: {  	[sflag:s19] =	ssyncset.done $0x0  }
0x1f: {  	[sflag:s19] =	ssyncadd.s32 $0xFFFFFF80  }
0x20: {  	[tilespmem:s20], [sflag:$0x3] =	stream.linear.gather [hbm4b:s10+s3], $0x80, $0x38;
	[tilespmem:$0x1BE00] =	vst v63  }
0x21: {  	_ =	swait.ge [sflag:s19], $0x80  }
0x22: {  	[sflag:s19] =	ssyncset.done $0x0  }
0x23: {  	[sflag:s19] =	ssyncadd.s32 $0xFFFFFF80  }
0x24: {  	[tilespmem:s22], [sflag:$0x1] =	stream.indirect.gather [hbm4b:s4+s21], $0x80, s3, s21, $0xb8;
	[tilespmem:$0x1BE00] =	vst v63  }
0x25: {  	s7 =	sadd.s32 $0x0, s17  }
0x26: {  	[tilespmem:s21], [sflag:$0x3] =	stream.linear.gather [hbm4b:s7+s3], $0x80, $0x38;
	[tilespmem:$0x1BE00] =	vst v63  }
0x27: {  	_ =	swait.ge [sflag:s19], $0x80  }
0x28: {  	[sflag:s19] =	ssyncset.done $0x0  }
0x29: {  	s1 =	sadd.s32 $0x0, s16;
	[sflag:s19] =	ssyncadd.s32 $0xFFFFFF80  }
0x2a: {  	[tilespmem:s23], [sflag:$0x3] =	stream.linear.gather [hbm4b:s1+s3], $0x80, $0x38;
	[tilespmem:$0x1BE00] =	vst v63  }
0x2b: {  	_ =	swait.ge [sflag:s19], $0x80  }
0x2c: {  	[sflag:s19] =	ssyncset.done $0x0  }
0x2d: {  	[sflag:s19] =	ssyncadd.s32 $0xFFFFFF80  }
0x2e: {  	[tilespmem:s24], [sflag:$0x2] =	stream.indirect.gather [hbm4b:s4+s21], $0x80, s21, s21, $0xb8;
	[tilespmem:$0x1BE00] =	vst v63  }
0x2f: {  	_ =	swait.ge [sflag:s25], $0x4000  }
0x30: {  	[sflag:s25] =	ssyncset.done $0x0  }
0x31: {  	[sflag:s25] =	ssyncadd.s32 $0xFFFFC000  }
0x32: {  	[spmem:s2] =	stream.indirect.scatter.add.f32 [tilespmem:s22], [sflag:$0x3], $0x80, s20, s21, $0xb8;
	[tilespmem:$0x1BE00] =	vst v63  }
0x33: {  	_ =	swait.ge [sflag:s19], $0x4000  }
0x34: {  	s7 =	sshrl.u32 s15, $0x3;
	[sflag:s19] =	ssyncset.done $0x0  }
0x35: {  	s29 =	sadd.s32 s5, s7;
	[sflag:s19] =	ssyncadd.s32 $0xFFFFC000  }
0x36: {  	[tilespmem:s3], [sflag:$0x3] =	stream.linear.gather [hbm4b:s29+s3], $0x80, $0x38;
	[tilespmem:$0x1BE00] =	vst v63  }
0x37: {  	_ =	swait.ge [sflag:s19], $0x80  }
0x38: {  	[sflag:s19] =	ssyncset.done $0x0  }
0x39: {  	s0 =	sadd.s32 s6, s7;
	[sflag:s19] =	ssyncadd.s32 $0xFFFFFF80  }
0x3a: {  	[tilespmem:s20], [sflag:$0x3] =	stream.linear.gather [hbm4b:s0+s3], $0x80, $0x38;
	[tilespmem:$0x1BE00] =	vst v63  }
0x3b: {  	_ =	swait.ge [sflag:s19], $0x80  }
0x3c: {  	[sflag:s19] =	ssyncset.done $0x0  }
0x3d: {  	[sflag:s19] =	ssyncadd.s32 $0xFFFFFF80  }
0x3e: {  	[tilespmem:s22], [sflag:$0x1] =	stream.indirect.gather [hbm4b:s4+s21], $0x80, s3, s21, $0xb8;
	[tilespmem:$0x1BE00] =	vst v63  }
0x3f: {  	_ =	swait.ge [sflag:s26], $0x4000  }
0x40: {  	[sflag:s26] =	ssyncset.done $0x0  }
0x41: {  	[sflag:s26] =	ssyncadd.s32 $0xFFFFC000  }
0x42: {  	[spmem:s2] =	stream.indirect.scatter.add.f32 [tilespmem:s24], [sflag:$0x3], $0x80, s23, s21, $0xb8;
	[tilespmem:$0x1BE00] =	vst v63  }
0x43: {  	s30 =	simm.s32 $0x100;
	_ =	swait.ge [sflag:s19], $0x4000  }
0x44: {  	s31 =	simm.s32 $0x200;
	s29 =	sadd.s32 $0x800, s15;
	[sflag:s19] =	ssyncset.done $0x0  }
.LBB2_2:
0x45: {  	s1 =	sadd.s32 s30, s17  }
0x46: {  	[sflag:s19] =	ssyncadd.s32 $0xFFFFC000;
	s7 =	smov.u32 s31;
	s0 =	sadd.s32 $0x100, s31  }
0x47: {  	[tilespmem:s21], [sflag:$0x3] =	stream.linear.gather [hbm4b:s1+s3], $0x80, $0x38;
	[tilespmem:$0x1BE00] =	vst v63  }
0x48: {  	p0 =	sne.s32 s31, $0x2600;
	_ =	swait.ge [sflag:s19], $0x80  }
0x49: {  	[sflag:s19] =	ssyncset.done $0x0  }
0x4a: {  	s1 =	sadd.s32 s30, s16;
	s30 =	smov.u32 s7;
	[sflag:s19] =	ssyncadd.s32 $0xFFFFFF80  }
0x4b: {  	[tilespmem:s23], [sflag:$0x3] =	stream.linear.gather [hbm4b:s1+s3], $0x80, $0x38;
	[tilespmem:$0x1BE00] =	vst v63  }
0x4c: {  	_ =	swait.ge [sflag:s19], $0x80  }
0x4d: {  	[sflag:s19] =	ssyncset.done $0x0  }
0x4e: {  	[sflag:s19] =	ssyncadd.s32 $0xFFFFFF80  }
0x4f: {  	[tilespmem:s24], [sflag:$0x2] =	stream.indirect.gather [hbm4b:s4+s21], $0x80, s21, s21, $0xb8;
	[tilespmem:$0x1BE00] =	vst v63  }
0x50: {  	_ =	swait.ge [sflag:s25], $0x4000  }
0x51: {  	[sflag:s25] =	ssyncset.done $0x0  }
0x52: {  	[sflag:s25] =	ssyncadd.s32 $0xFFFFC000  }
0x53: {  	[spmem:s2] =	stream.indirect.scatter.add.f32 [tilespmem:s22], [sflag:$0x3], $0x80, s20, s21, $0xb8;
	[tilespmem:$0x1BE00] =	vst v63  }
0x54: {  	_ =	swait.ge [sflag:s19], $0x4000  }
0x55: {  	s1 =	sshrl.u32 s29, $0x3;
	[sflag:s19] =	ssyncset.done $0x0  }
0x56: {  	s7 =	sadd.s32 s5, s1;
	[sflag:s19] =	ssyncadd.s32 $0xFFFFC000  }
0x57: {  	[tilespmem:s3], [sflag:$0x3] =	stream.linear.gather [hbm4b:s7+s3], $0x80, $0x38;
	[tilespmem:$0x1BE00] =	vst v63  }
0x58: {  	_ =	swait.ge [sflag:s19], $0x80  }
0x59: {  	[sflag:s19] =	ssyncset.done $0x0  }
0x5a: {  	s1 =	sadd.s32 s6, s1;
	[sflag:s19] =	ssyncadd.s32 $0xFFFFFF80  }
0x5b: {  	[tilespmem:s20], [sflag:$0x3] =	stream.linear.gather [hbm4b:s1+s3], $0x80, $0x38;
	[tilespmem:$0x1BE00] =	vst v63  }
0x5c: {  	_ =	swait.ge [sflag:s19], $0x80  }
0x5d: {  	[sflag:s19] =	ssyncset.done $0x0  }
0x5e: {  	[sflag:s19] =	ssyncadd.s32 $0xFFFFFF80  }
0x5f: {  	[tilespmem:s22], [sflag:$0x1] =	stream.indirect.gather [hbm4b:s4+s21], $0x80, s3, s21, $0xb8;
	[tilespmem:$0x1BE00] =	vst v63  }
0x60: {  	_ =	swait.ge [sflag:s26], $0x4000  }
.Ltmp0:
0x61: {  	[sflag:s26] =	ssyncset.done $0x0;
	(pc) =	sbr.rel @p0 .LBB2_2-.Ltmp0, $4  }
0x62: {  	[sflag:s26] =	ssyncadd.s32 $0xFFFFC000  }
0x63: {  	[spmem:s2] =	stream.indirect.scatter.add.f32 [tilespmem:s24], [sflag:$0x3], $0x80, s23, s21, $0xb8;
	[tilespmem:$0x1BE00] =	vst v63  }
0x64: {  	_ =	swait.ge [sflag:s19], $0x4000  }
0x65: {  	s31 =	smov.u32 s0;
	s29 =	sadd.s32 $0x800, s29;
	[sflag:s19] =	ssyncset.done $0x0  }
0x66: {  	s0 =	sadd.s32 s30, s17;
	[sflag:s19] =	ssyncadd.s32 $0xFFFFC000  }
0x67: {  	[tilespmem:s21], [sflag:$0x3] =	stream.linear.gather [hbm4b:s0+s3], $0x80, $0x38;
	[tilespmem:$0x1BE00] =	vst v63  }
0x68: {  	_ =	swait.ge [sflag:s19], $0x80  }
0x69: {  	[sflag:s19] =	ssyncset.done $0x0  }
0x6a: {  	s30 =	sadd.s32 s30, s16;
	[sflag:s19] =	ssyncadd.s32 $0xFFFFFF80  }
0x6b: {  	[tilespmem:s23], [sflag:$0x3] =	stream.linear.gather [hbm4b:s30+s3], $0x80, $0x38;
	[tilespmem:$0x1BE00] =	vst v63  }
0x6c: {  	_ =	swait.ge [sflag:s19], $0x80  }
0x6d: {  	[sflag:s19] =	ssyncset.done $0x0  }
0x6e: {  	[sflag:s19] =	ssyncadd.s32 $0xFFFFFF80  }
0x6f: {  	[tilespmem:s24], [sflag:$0x2] =	stream.indirect.gather [hbm4b:s4+s21], $0x80, s21, s21, $0xb8;
	[tilespmem:$0x1BE00] =	vst v63  }
0x70: {  	_ =	swait.ge [sflag:s25], $0x4000  }
0x71: {  	[sflag:s25] =	ssyncset.done $0x0  }
0x72: {  	[sflag:s25] =	ssyncadd.s32 $0xFFFFC000  }
0x73: {  	[spmem:s2] =	stream.indirect.scatter.add.f32 [tilespmem:s22], [sflag:$0x3], $0x80, s20, s21, $0xb8;
	[tilespmem:$0x1BE00] =	vst v63  }
0x74: {  	_ =	swait.ge [sflag:s19], $0x4000  }
0x75: {  	s31 =	sshrl.u32 s29, $0x3;
	[sflag:s19] =	ssyncset.done $0x0  }
0x76: {  	s1 =	sadd.s32 s5, s31;
	[sflag:s19] =	ssyncadd.s32 $0xFFFFC000  }
0x77: {  	[tilespmem:s3], [sflag:$0x3] =	stream.linear.gather [hbm4b:s1+s3], $0x80, $0x38;
	[tilespmem:$0x1BE00] =	vst v63  }
0x78: {  	_ =	swait.ge [sflag:s19], $0x80  }
0x79: {  	[sflag:s19] =	ssyncset.done $0x0  }
0x7a: {  	s0 =	sadd.s32 s6, s31;
	[sflag:s19] =	ssyncadd.s32 $0xFFFFFF80  }
0x7b: {  	[tilespmem:s20], [sflag:$0x3] =	stream.linear.gather [hbm4b:s0+s3], $0x80, $0x38;
	[tilespmem:$0x1BE00] =	vst v63  }
0x7c: {  	_ =	swait.ge [sflag:s19], $0x80  }
0x7d: {  	[sflag:s19] =	ssyncset.done $0x0  }
0x7e: {  	[sflag:s19] =	ssyncadd.s32 $0xFFFFFF80  }
0x7f: {  	[tilespmem:s22], [sflag:$0x1] =	stream.indirect.gather [hbm4b:s4+s21], $0x80, s3, s21, $0xb8;
	[tilespmem:$0x1BE00] =	vst v63  }
0x80: {  	_ =	swait.ge [sflag:s26], $0x4000  }
0x81: {  	[sflag:s26] =	ssyncset.done $0x0  }
0x82: {  	[sflag:s26] =	ssyncadd.s32 $0xFFFFC000  }
0x83: {  	[spmem:s2] =	stream.indirect.scatter.add.f32 [tilespmem:s24], [sflag:$0x3], $0x80, s23, s21, $0xb8;
	[tilespmem:$0x1BE00] =	vst v63  }
0x84: {  	_ =	swait.ge [sflag:s19], $0x4000  }
0x85: {  	[sflag:s19] =	ssyncset.done $0x0  }
0x86: {  	[sflag:s19] =	ssyncadd.s32 $0xFFFFC000  }
0x87: {  	[tilespmem:s21], [sflag:$0x3] =	stream.linear.gather [hbm4b:s13+s3], $0x80, $0x38;
	[tilespmem:$0x1BE00] =	vst v63  }
0x88: {  	_ =	swait.ge [sflag:s19], $0x80  }
0x89: {  	[sflag:s19] =	ssyncset.done $0x0  }
0x8a: {  	[sflag:s19] =	ssyncadd.s32 $0xFFFFFF80  }
0x8b: {  	[tilespmem:s23], [sflag:$0x3] =	stream.linear.gather [hbm4b:s14+s3], $0x80, $0x38;
	[tilespmem:$0x1BE00] =	vst v63  }
0x8c: {  	_ =	swait.ge [sflag:s19], $0x80  }
0x8d: {  	[sflag:s19] =	ssyncset.done $0x0  }
0x8e: {  	[sflag:s19] =	ssyncadd.s32 $0xFFFFFF80  }
0x8f: {  	[tilespmem:s24], [sflag:$0x2] =	stream.indirect.gather [hbm4b:s4+s21], $0x80, s21, s21, $0xb8;
	[tilespmem:$0x1BE00] =	vst v63  }
0x90: {  	_ =	swait.ge [sflag:s25], $0x4000  }
0x91: {  	[sflag:s25] =	ssyncset.done $0x0  }
0x92: {  	[sflag:s25] =	ssyncadd.s32 $0xFFFFC000  }
0x93: {  	[spmem:s2] =	stream.indirect.scatter.add.f32 [tilespmem:s22], [sflag:$0x3], $0x80, s20, s21, $0xb8;
	[tilespmem:$0x1BE00] =	vst v63  }
0x94: {  	_ =	swait.ge [sflag:s19], $0x4000  }
0x95: {  	[sflag:s19] =	ssyncset.done $0x0  }
0x96: {  	[sflag:s19] =	ssyncadd.s32 $0xFFFFC000  }
0x97: {  	_ =	swait.ge [sflag:s26], $0x4000  }
0x98: {  	[sflag:s26] =	ssyncset.done $0x0  }
0x99: {  	[sflag:s26] =	ssyncadd.s32 $0xFFFFC000  }
0x9a: {  	[spmem:s2] =	stream.indirect.scatter.add.f32 [tilespmem:s24], [sflag:$0x3], $0x80, s23, s21, $0xb8;
	[tilespmem:$0x1BE00] =	vst v63  }
0x9b: {  	_ =	swait.ge [sflag:s19], $0x4000  }
0x9c: {  	s28 =	sadd.s32 $0x1, s28;
	[sflag:s19] =	ssyncset.done $0x0  }
0x9d: {  	p0 =	sne.s32 s28, s12;
	[sflag:s19] =	ssyncadd.s32 $0xFFFFC000  }
.Ltmp1:
0x9e: {  	[bflag:$0x0] =	sbarrier.arrive $0xFFFF;
	(pc) =	sbr.rel @p0 .LBB2_1-.Ltmp1, $4  }
0x9f: {  	[hbm:s11], [sflag:s8] =	dma.local [spmem:s18], $0x2780  }
0xa0: {  	_ =	swait.ge [sflag:s19], $0x2780  }
0xa1: {  	[sflag:s19] =	ssyncset.done $0x0  }
0xa2: {  	[sflag:s19] =	ssyncadd.s32 $0xFFFFD880  }
0xa3: {  	_ =	sfence.sel $0x180000  }
0xa4: {  	[bflag:$0x0] =	sbarrier.arrive $0xFFFF  }
0xa5: {  	_ =	strace $0x90000053  }
0xa6: {  	s0 =	stileid.u32;
	[bflag:$0x2] =	sbarrier.arrive $0xFFFF  }
0xa7: {  	p0 =	sne.s32 s0, $0x0;
	s0 =	rddreg [dreg:$0x2]  }
0xa8: {  	s0 =	sadd.s32 @!p0 $0x100000, s0  }
0xa9: {  	[sflag:s0] =	ssyncadd.tile.s32 @!p0 $0x1;
	_ =	shalt  }
.Lfunc_end2:
_tile_overlayer_lowered:
.L_overlay_start_2:
0xaa: {  	(tag) =	ssettag $0x2  }
0xab: {  	s0 =	rddreg [dreg:$0x0];
	s2 =	stileid.u32  }
0xac: {  	s1 =	rddreg [dreg:$0x1];
	p0 =	sne.s32 s2, $0x0  }
0xad: {  	s3 =	rddreg [dreg:$0x2];
	[bflag:$0x3] =	sbarrier.arrive $0xFFFF;
	s2 =	simm.s32 @!p0 $0x1C03  }
0xae: {  	[timem:s3], [sflag:s2] =	dma.local @!p0 [hbm:s0], s1  }
0xaf: {  	s0 =	simm.s32 @!p0 $0x3  }
0xb0: {  	_ =	swait.ge @!p0 [sflag:s0], s1  }
0xb1: {  	s1 =	ssub.s32 @!p0 $0x0, s1;
	[sflag:s0] =	ssyncset.done @!p0 $0x0  }
0xb2: {  	[sflag:s0] =	ssyncadd.s32 @!p0 s1  }
0xb3: {  	[bflag:$0x3] =	sbarrier.arrive $0xFFFF  }
0xb4: {  	_ =	shalt  }

// kernel: kernel.30.cloned.1.call-start
scs
__scs_entry_jumppad:
0x0: {  	(pc) =	sbr.rel $0x88, $3  }
0x1: {  	(tag) =	ssettag $0x0;
	lr =	simm.s32 $0x1  }
0x2: {  	[smem:$0x3F93] =	sst lr;
	_ =	strace $0xD0000000  }
0x3: {  	_ = 	snop  }
0x4: {  	_ = 	snop  }
0x5: {  	_ = 	snop  }
0x6: {  	_ = 	snop  }
0x7: {  	_ = 	snop  }
__scs_overlays_trampoline_lowered:
0x8: {  	[smem:$0x3FA2] =	sst s0  }
0x9: {  	[smem:$0x3FA3] =	sst s1  }
0xa: {  	[smem:$0x3FA4] =	sst s2  }
0xb: {  	[smem:$0x3FA5] =	sst s3  }
0xc: {  	[smem:$0x3FA6] =	sst s4  }
0xd: {  	[smem:$0x3FA7] =	sst s5  }
0xe: {  	[smem:$0x3FA8] =	sst s6  }
0xf: {  	[smem:$0x3FA9] =	sst s7  }
0x10: {  	[smem:$0x3FAA] =	sst s8  }
0x11: {  	[smem:$0x3FAB] =	sst s9;
	s0 =	simm.s32 @!p0 $0x0  }
0x12: {  	s1 =	sld [smem:$0x3F91];
	s0 =	simm.s32 @p0 $0x1  }
0x13: {  	[smem:$0x3FAC] =	sst s0;
	s0 =	simm.s32 @!p1 $0x0  }
0x14: {  	s2 =	sld [smem:$0x3F90];
	s0 =	simm.s32 @p1 $0x1  }
0x15: {  	[smem:$0x3FAD] =	sst s0;
	s0 =	simm.s32 @!p2 $0x0  }
0x16: {  	s3 =	sld [smem:$0x3FDB];
	s0 =	simm.s32 @p2 $0x1  }
0x17: {  	s4 =	simm.s32 $0x1BF5;
	[smem:$0x3FAF] =	sst s0  }
0x18: {  	s0 =	sld [smem:$0x3F92];
	_ =	swait.ge [sflag:s4], $0x0  }
0x19: {  	s7 =	sld [smem:$0x3F93]  }
0x1a: {  	s8 =	sadd.s32 $0xFFFFE003, lr  }
0x1b: {  	s9 =	sadd.s32 $0xFFFFFEF7, lr;
	s5 =	simm.s32 $0xFFFFFFFF;
	p2 =	slt.u32 s8, $0xFFFFF086  }
0x1c: {  	p1 =	slt.u32 s9, $0xF7A;
	s5 =	simm.s32 @!p2 $0x0  }
0x1d: {  	s5 =	simm.s32 @p1 $0x1;
	p0 =	seq.s32 s7, s2  }
0x1e: {  	s7 =	smul.u32 @!p0 $0xF7A, s2;
	p2 =	seq.s32 @!p0 s5, $0x0  }
0x1f: {  	s9 =	smul.u32 $0xF7A, s1;
	s8 =	simm.s32 @!p0 $0x1BF5;
	p2 =	por !p2, p0  }
0x20: {  	[sflag:s8] =	ssyncset.s32 @!p0 $0xFFFFF086;
	s6 =	sadd.s32 @!p0 s3, s7;
	s7 =	simm.s32 @!p0 $0x108  }
0x21: {  	s3 =	sadd.s32 s3, s9;
	s6 =	sadd.s32 @!p0 $0x88, s6;
	s7 =	simm.s32 @p2 $0x1082  }
0x22: {  	[simem:s7], [sflag:s8] =	dma.local @!p0 [hbm:s6], $0xF7A  }
0x23: {  	s9 =	sor.u32 $0xD0000000, s2;
	s6 =	simm.s32 $0x108;
	_ =	swait.ge @!p0 [sflag:s8], $0x0  }
0x24: {  	s3 =	sadd.s32 $0x88, s3;
	s6 =	simm.s32 @!p1 $0x1082;
	[sflag:s4] =	ssyncset.s32 $0xFFFFF086  }
0x25: {  	[simem:s6], [sflag:s4] =	dma.local [hbm:s3], $0xF7A  }
0x26: {  	[smem:$0x3F93] =	sst s1;
	(tag) =	ssettag s2;
	_ =	strace s9  }
0x27: {  	s1 =	sld [smem:$0x3FA3]  }
0x28: {  	s2 =	sld [smem:$0x3FA4]  }
0x29: {  	s4 =	sld [smem:$0x3FA6]  }
0x2a: {  	p0 =	seq.s32 s5, $0x0;
	s5 =	sld [smem:$0x3FA7]  }
0x2b: {  	s6 =	sld [smem:$0x3FA8]  }
0x2c: {  	s7 =	sld [smem:$0x3FA9]  }
0x2d: {  	s3 =	simm.s32 $0x108;
	s8 =	sld [smem:$0x3FAA]  }
0x2e: {  	s3 =	simm.s32 @!p0 $0x1082;
	s9 =	sld [smem:$0x3FAB]  }
0x2f: {  	lr =	sadd.s32 s0, s3;
	s0 =	sld [smem:$0x3FA2]  }
0x30: {  	s3 =	sld [smem:$0x3FA5]  }
0x31: {  	[smem:$0x3FAE] =	sst s10  }
0x32: {  	s10 =	sld [smem:$0x3FAC];
	_ =	sdelay $0x3  }
0x33: {  	p0 =	seq.s32 s10, $0x1;
	s10 =	sld [smem:$0x3FAE];
	_ =	sdelay $0x3  }
0x34: {  	[smem:$0x3FAE] =	sst s10  }
0x35: {  	s10 =	sld [smem:$0x3FAD];
	_ =	sdelay $0x3  }
0x36: {  	p1 =	seq.s32 s10, $0x1;
	s10 =	sld [smem:$0x3FAE];
	_ =	sdelay $0x3  }
0x37: {  	[smem:$0x3FAE] =	sst s10  }
0x38: {  	s10 =	sld [smem:$0x3FAF]  }
0x39: {  	_ = 	snop;
	(pc) =	sbr.ind lr, $3  }
0x3a: {  	_ = 	snop  }
0x3b: {  	_ = 	snop  }
0x3c: {  	p2 =	seq.s32 s10, $0x1;
	s10 =	sld [smem:$0x3FAE]  }
0x3d: {  	_ =	shalt  }
0x3e: {  	_ =	shalt  }
0x3f: {  	_ =	shalt  }
0x40: {  	_ =	shalt  }
0x41: {  	_ =	shalt  }
0x42: {  	_ =	shalt  }
0x43: {  	_ =	shalt  }
0x44: {  	_ =	shalt  }
0x45: {  	_ =	shalt  }
0x46: {  	_ =	shalt  }
0x47: {  	_ =	shalt  }
0x48: {  	_ =	shalt  }
0x49: {  	_ =	shalt  }
0x4a: {  	_ =	shalt  }
0x4b: {  	_ =	shalt  }
0x4c: {  	_ =	shalt  }
0x4d: {  	_ =	shalt  }
0x4e: {  	_ =	shalt  }
0x4f: {  	_ =	shalt  }
0x50: {  	_ =	shalt  }
0x51: {  	_ =	shalt  }
0x52: {  	_ =	shalt  }
0x53: {  	_ =	shalt  }
0x54: {  	_ =	shalt  }
0x55: {  	_ =	shalt  }
0x56: {  	_ =	shalt  }
0x57: {  	_ =	shalt  }
0x58: {  	_ =	shalt  }
0x59: {  	_ =	shalt  }
0x5a: {  	_ =	shalt  }
0x5b: {  	_ =	shalt  }
0x5c: {  	_ =	shalt  }
0x5d: {  	_ =	shalt  }
0x5e: {  	_ =	shalt  }
0x5f: {  	_ =	shalt  }
0x60: {  	_ =	shalt  }
0x61: {  	_ =	shalt  }
0x62: {  	_ =	shalt  }
0x63: {  	_ =	shalt  }
0x64: {  	_ =	shalt  }
0x65: {  	_ =	shalt  }
0x66: {  	_ =	shalt  }
0x67: {  	_ =	shalt  }
0x68: {  	_ =	shalt  }
0x69: {  	_ =	shalt  }
0x6a: {  	_ =	shalt  }
0x6b: {  	_ =	shalt  }
0x6c: {  	_ =	shalt  }
0x6d: {  	_ =	shalt  }
0x6e: {  	_ =	shalt  }
0x6f: {  	_ =	shalt  }
0x70: {  	_ =	shalt  }
0x71: {  	_ =	shalt  }
0x72: {  	_ =	shalt  }
0x73: {  	_ =	shalt  }
0x74: {  	_ =	shalt  }
0x75: {  	_ =	shalt  }
0x76: {  	_ =	shalt  }
0x77: {  	_ =	shalt  }
0x78: {  	_ =	shalt  }
0x79: {  	_ =	shalt  }
0x7a: {  	_ =	shalt  }
0x7b: {  	_ =	shalt  }
0x7c: {  	_ =	shalt  }
0x7d: {  	_ =	shalt  }
0x7e: {  	_ =	shalt  }
0x7f: {  	_ =	shalt  }
0x80: {  	_ =	shalt  }
0x81: {  	_ =	shalt  }
0x82: {  	_ =	shalt  }
0x83: {  	_ =	shalt  }
0x84: {  	_ =	shalt  }
0x85: {  	_ =	shalt  }
0x86: {  	_ =	shalt  }
0x87: {  	_ =	shalt  }
.Lfunc_end0:
.L_simem_size_0:
called_computation.5_lowered:
.L_overlay_start_0:
0x88: {  	s2 =	sld [smem:$0x3FD9]  }
0x89: {  	s3 =	sld [smem:$0x3FFE];
	_ =	sdelay $0x1  }
0x8a: {  	s1 =	srdreg.scid  }
0x8b: {  	s0 =	sand.u32 $0x1, s1  }
0x8c: {  	s16 =	sshll.u32 s0, $0xA;
	s2 =	sadd.s32 s3, s2  }
0x8d: {  	s2 =	sadd.s32 s2, s16  }
0x8e: {  	[smem:$0x3FBA] =	sst s2  }
0x8f: {  	_ = 	snop  }
0x90: {  	(tm) =	ssettm $0x1  }
0x91: {  	s17 =	sld [smem:$0x3FFB];
	_ =	sdelay $0x3  }
0x92: {  	_ =	strace s17  }
0x93: {  	s2 =	sld [smem:$0x3FFC];
	_ =	sdelay $0x3  }
0x94: {  	_ =	strace s2  }
0x95: {  	s2 =	sld [smem:$0x3FFD];
	_ =	sdelay $0x3  }
0x96: {  	_ =	strace s2  }
0x97: {  	_ =	strace $0x8FFFFFFF  }
0x98: {  	s18 =	sld [smem:$0x3FDB];
	_ =	sdelay $0x1  }
0x99: {  	s19 =	simm.s32 $_scs_section_size  }
0x9a: {  	s4 =	simm.s32 $_size__tile_overlayer_lowered;
	s5 =	simm.s32 $_tile_overlayer_lowered  }
0x9b: {  	s22 =	simm.s32 $0x1BFF;
	s21 =	sshll.u32 s5, $0x1;
	s2 =	sadd.s32 s19, s18  }
0x9c: {  	s6 =	simm.s32 $0x0;
	s20 =	sshll.u32 s4, $0x1;
	s4 =	sadd.s32 s21, s2  }
0x9d: {  	[timem:s6], [sflag:s22] =	dma.local [hbm:s4], s20  }
0x9e: {  	_ =	swait.ge [sflag:s22], s20  }
0x9f: {  	s3 =	ssub.s32 $0x0, s20;
	[sflag:s22] =	ssyncset.done $0x0  }
0xa0: {  	[sflag:s22] =	ssyncadd.s32 s3;
	_ =	sdelay $0x1  }
0xa1: {  	s23 =	simm.s32 $0x1B8B  }
0xa2: {  	_ =	swait.ge [sflag:s23], $0x1  }
0xa3: {  	[sflag:s23] =	ssyncset.done $0x0  }
0xa4: {  	s25 =	simm.s32 $0x1B8E;
	s24 =	sld [smem:$0x3FFE];
	[sflag:s23] =	ssyncadd.s32 $0xFFFFFFFF  }
0xa5: {  	s26 =	simm.s32 $execute0_lowered;
	[smem:$0x3FD2] =	sst s25  }
0xa6: {  	s4 =	sshll.u32 s26, $0x1;
	_ =	strace $0x80000055;
	[dreg:$0x1] =	wrdreg $0xFFFFFFFF  }
0xa7: {  	s28 =	simm.s32 $_size_execute0_lowered;
	s2 =	sadd.s32 s2, s4;
	[dreg:$0x0] =	wrdreg $0x0  }
0xa8: {  	s4 =	sshll.u32 s28, $0x1;
	[dreg:$0x2] =	wrdreg s2  }
0xa9: {  	[dreg:$0x3] =	wrdreg s4  }
0xaa: {  	[dreg:$0x4] =	wrdreg $0xC0  }
0xab: {  	_ =	task [dreg:s6], $0x5FFFF  }
0xac: {  	[dreg:$0x1] =	wrdreg $0xFFFFFFFF  }
0xad: {  	[dreg:$0x0] =	wrdreg $0x60  }
0xae: {  	[dreg:$0x2] =	wrdreg s24  }
0xaf: {  	[dreg:$0x3] =	wrdreg $0x82000  }
0xb0: {  	[dreg:$0x4] =	wrdreg $0x9  }
0xb1: {  	_ =	task.clear_ibuf [dreg:s6], $0x5FFFF;
	_ =	strace $0x90000055  }
0xb2: {  	s29 =	simm.s32 $0x9;
	_ =	strace $0x80000057  }
0xb3: {  	_ =	swait.ge [sflag:s29], $0x1  }
0xb4: {  	[sflag:s29] =	ssyncadd.s32 $0xFFFFFFFF  }
0xb5: {  	_ =	strace $0x90000057  }
0xb6: {  	_ =	sfence  }
0xb7: {  	s30 =	sld [smem:$0x0];
	_ =	sdelay $0x2  }
0xb8: {  	s31 =	sshll.u32 s1, $0xD;
	s1 =	sshrl.u32 s1, $0x2  }
0xb9: {  	s3 =	sand.u32 $0x4000, s31;
	s1 =	sadd.s32 s1, s30  }
0xba: {  	s0 =	sor.u32 s3, s0;
	s1 =	sshll.u32 s1, $0x11  }
0xbb: {  	s0 =	sor.u32 s1, s0  }
0xbc: {  	s0 =	sadd.s32 $0x8F2B, s0  }
0xbd: {  	[sflag:s0] =	ssyncadd.remote.s32 $0x1  }
0xbe: {  	_ =	sfence.sel $0xFFFF  }
0xbf: {  	[dreg:$0x0] =	wrdreg $0xFFFFFFFF;
	(pc) =	sbr.abs _section_cstart, $3  }
0xc0: {  	[dreg:$0x1] =	wrdreg $0xFFFFFFFF  }
0xc1: {  	_ =	task.clear_ibuf [dreg:s6], $0x2FFFF;
	_ =	strace $0x9FFFFFFF  }
0xc2: {  	(tm) =	ssettm $0x7FFFFFFF  }
0xc3: {  	_ =	shalt  }
tec
execute0_lowered:
.L_overlay_start_1:
0x0: {  	(tag) =	ssettag $0x1  }
0x1: {  	s0 =	rddreg [dreg:$0x0]  }
0x2: {  	s2 =	rddreg [dreg:$0x1];
	s1 =	stileid.u32  }
0x3: {  	s4 =	srdreg.scid;
	s3 =	simm.s32 $0x0;
	s19 =	simm.s32 $0x3  }
0x4: {  	s20 =	simm.s32 $0x100;
	s21 =	simm.s32 $0x80;
	s28 =	simm.s32 $0x0  }
0x5: {  	s7 =	smul.u32 $0x13C00, s1;
	s8 =	sand.u32 $0x1, s4;
	[smem:$0x7FF] =	sst s3  }
0x6: {  	s4 =	sadd.s32 $0x1A800, s0;
	s5 =	sadd.s32 $0x10800, s0;
	s6 =	sadd.s32 $0x6800, s0  }
0x7: {  	s11 =	smul.u32 $0x4F000, s1;
	s12 =	sshrl.u32 s1, $0x2;
	s13 =	sshll.u32 s1, $0x8  }
0x8: {  	s25 =	sshll.u32 s1, $0x6;
	s9 =	smul.u32 $0x13C000, s8;
	_ =	strace $0x80000056  }
0x9: {  	s10 =	ssub.s32 $0x2, s8;
	s12 =	smul.u32 $0x14000, s12;
	s14 =	sshll.u32 s8, $0x7  }
0xa: {  	s13 =	sand.u32 $0x300, s13;
	s8 =	sor.u32 $0x1C03, s25;
	s25 =	simm.s32 $0x1  }
0xb: {  	s22 =	sshrl.u32 s10, $0x1;
	s23 =	sshrl.u32 s11, $0x2;
	s24 =	sor.u32 s14, s13  }
0xc: {  	s9 =	sadd.s32 s7, s9;
	s7 =	sshrl.u32 s7, $0x3;
	s15 =	ssub.s32 s10, s22  }
0xd: {  	s18 =	sadd.s32 s23, s2;
	s22 =	simm.s32 $0x200;
	s23 =	simm.s32 $0x180  }
0xe: {  	s9 =	sshrl.u32 s9, $0x3;
	s7 =	sadd.s32 s7, s0;
	s18 =	sshrl.u32 s18, $0x3  }
0xf: {  	s0 =	sadd.s32 s9, s0;
	s9 =	sor.u32 s12, s24;
	s26 =	sadd.s32 $0x42000, s7  }
0x10: {  	s12 =	sor.u32 s13, s12;
	s24 =	simm.s32 $0x4200;
	[dreg:$0x3] =	wrdreg s26  }
0x11: {  	s16 =	sshrl.u32 s9, $0x3;
	s11 =	sadd.s32 $0x69800, s0;
	s30 =	sor.u32 s14, s12  }
0x12: {  	s12 =	smax.u32 s15, $0x1;
	s26 =	simm.s32 $0x2;
	s9 =	sadd.s32 s5, s16  }
0x13: {  	s10 =	sadd.s32 s6, s16;
	s29 =	sadd.s32 $0x2780, s16;
	s17 =	sor.u32 $0x400, s30  }
0x14: {  	s15 =	sor.u32 $0x800, s30;
	s13 =	sadd.s32 s5, s29;
	s31 =	sshrl.u32 s17, $0x3  }
0x15: {  	s14 =	sadd.s32 s6, s29;
	s16 =	sadd.s32 s31, s6;
	s17 =	sadd.s32 s31, s5  }
.LBB2_1:
0x16: {  	s0 =	rddreg [dreg:$0x3]  }
0x17: {  	[spmem:s18], [sflag:s8] =	dma.local [hbm:s0], $0x2780  }
0x18: {  	_ =	swait.ge [sflag:s19], $0x2780  }
0x19: {  	[sflag:s19] =	ssyncset.done $0x0  }
0x1a: {  	[sflag:s19] =	ssyncadd.s32 $0xFFFFD880  }
0x1b: {  	[bflag:$0x0] =	sbarrier.arrive $0xFFFF  }
0x1c: {  	[tilespmem:s3], [sflag:$0x3] =	stream.linear.gather [hbm4b:s9+s3], $0x80, $0x38;
	[tilespmem:$0x1BE00] =	vst v63  }
0x1d: {  	_ =	swait.ge [sflag:s19], $0x80  }
0x1e: {  	[sflag:s19] =	ssyncset.done $0x0  }
0x1f: {  	[sflag:s19] =	ssyncadd.s32 $0xFFFFFF80  }
0x20: {  	[tilespmem:s20], [sflag:$0x3] =	stream.linear.gather [hbm4b:s10+s3], $0x80, $0x38;
	[tilespmem:$0x1BE00] =	vst v63  }
0x21: {  	_ =	swait.ge [sflag:s19], $0x80  }
0x22: {  	[sflag:s19] =	ssyncset.done $0x0  }
0x23: {  	[sflag:s19] =	ssyncadd.s32 $0xFFFFFF80  }
0x24: {  	[tilespmem:s22], [sflag:$0x1] =	stream.indirect.gather [hbm4b:s4+s21], $0x80, s3, s21, $0xb8;
	[tilespmem:$0x1BE00] =	vst v63  }
0x25: {  	s7 =	sadd.s32 $0x0, s17  }
0x26: {  	[tilespmem:s21], [sflag:$0x3] =	stream.linear.gather [hbm4b:s7+s3], $0x80, $0x38;
	[tilespmem:$0x1BE00] =	vst v63  }
0x27: {  	_ =	swait.ge [sflag:s19], $0x80  }
0x28: {  	[sflag:s19] =	ssyncset.done $0x0  }
0x29: {  	s1 =	sadd.s32 $0x0, s16;
	[sflag:s19] =	ssyncadd.s32 $0xFFFFFF80  }
0x2a: {  	[tilespmem:s23], [sflag:$0x3] =	stream.linear.gather [hbm4b:s1+s3], $0x80, $0x38;
	[tilespmem:$0x1BE00] =	vst v63  }
0x2b: {  	_ =	swait.ge [sflag:s19], $0x80  }
0x2c: {  	[sflag:s19] =	ssyncset.done $0x0  }
0x2d: {  	[sflag:s19] =	ssyncadd.s32 $0xFFFFFF80  }
0x2e: {  	[tilespmem:s24], [sflag:$0x2] =	stream.indirect.gather [hbm4b:s4+s21], $0x80, s21, s21, $0xb8;
	[tilespmem:$0x1BE00] =	vst v63  }
0x2f: {  	_ =	swait.ge [sflag:s25], $0x4000  }
0x30: {  	[sflag:s25] =	ssyncset.done $0x0  }
0x31: {  	[sflag:s25] =	ssyncadd.s32 $0xFFFFC000  }
0x32: {  	[spmem:s2] =	stream.indirect.scatter.add.f32 [tilespmem:s22], [sflag:$0x3], $0x80, s20, s21, $0xb8;
	[tilespmem:$0x1BE00] =	vst v63  }
0x33: {  	_ =	swait.ge [sflag:s19], $0x4000  }
0x34: {  	s7 =	sshrl.u32 s15, $0x3;
	[sflag:s19] =	ssyncset.done $0x0  }
0x35: {  	s29 =	sadd.s32 s5, s7;
	[sflag:s19] =	ssyncadd.s32 $0xFFFFC000  }
0x36: {  	[tilespmem:s3], [sflag:$0x3] =	stream.linear.gather [hbm4b:s29+s3], $0x80, $0x38;
	[tilespmem:$0x1BE00] =	vst v63  }
0x37: {  	_ =	swait.ge [sflag:s19], $0x80  }
0x38: {  	[sflag:s19] =	ssyncset.done $0x0  }
0x39: {  	s0 =	sadd.s32 s6, s7;
	[sflag:s19] =	ssyncadd.s32 $0xFFFFFF80  }
0x3a: {  	[tilespmem:s20], [sflag:$0x3] =	stream.linear.gather [hbm4b:s0+s3], $0x80, $0x38;
	[tilespmem:$0x1BE00] =	vst v63  }
0x3b: {  	_ =	swait.ge [sflag:s19], $0x80  }
0x3c: {  	[sflag:s19] =	ssyncset.done $0x0  }
0x3d: {  	[sflag:s19] =	ssyncadd.s32 $0xFFFFFF80  }
0x3e: {  	[tilespmem:s22], [sflag:$0x1] =	stream.indirect.gather [hbm4b:s4+s21], $0x80, s3, s21, $0xb8;
	[tilespmem:$0x1BE00] =	vst v63  }
0x3f: {  	_ =	swait.ge [sflag:s26], $0x4000  }
0x40: {  	[sflag:s26] =	ssyncset.done $0x0  }
0x41: {  	[sflag:s26] =	ssyncadd.s32 $0xFFFFC000  }
0x42: {  	[spmem:s2] =	stream.indirect.scatter.add.f32 [tilespmem:s24], [sflag:$0x3], $0x80, s23, s21, $0xb8;
	[tilespmem:$0x1BE00] =	vst v63  }
0x43: {  	s30 =	simm.s32 $0x100;
	_ =	swait.ge [sflag:s19], $0x4000  }
0x44: {  	s31 =	simm.s32 $0x200;
	s29 =	sadd.s32 $0x800, s15;
	[sflag:s19] =	ssyncset.done $0x0  }
.LBB2_2:
0x45: {  	s1 =	sadd.s32 s30, s17  }
0x46: {  	[sflag:s19] =	ssyncadd.s32 $0xFFFFC000;
	s7 =	smov.u32 s31;
	s0 =	sadd.s32 $0x100, s31  }
0x47: {  	[tilespmem:s21], [sflag:$0x3] =	stream.linear.gather [hbm4b:s1+s3], $0x80, $0x38;
	[tilespmem:$0x1BE00] =	vst v63  }
0x48: {  	p0 =	sne.s32 s31, $0x2600;
	_ =	swait.ge [sflag:s19], $0x80  }
0x49: {  	[sflag:s19] =	ssyncset.done $0x0  }
0x4a: {  	s1 =	sadd.s32 s30, s16;
	s30 =	smov.u32 s7;
	[sflag:s19] =	ssyncadd.s32 $0xFFFFFF80  }
0x4b: {  	[tilespmem:s23], [sflag:$0x3] =	stream.linear.gather [hbm4b:s1+s3], $0x80, $0x38;
	[tilespmem:$0x1BE00] =	vst v63  }
0x4c: {  	_ =	swait.ge [sflag:s19], $0x80  }
0x4d: {  	[sflag:s19] =	ssyncset.done $0x0  }
0x4e: {  	[sflag:s19] =	ssyncadd.s32 $0xFFFFFF80  }
0x4f: {  	[tilespmem:s24], [sflag:$0x2] =	stream.indirect.gather [hbm4b:s4+s21], $0x80, s21, s21, $0xb8;
	[tilespmem:$0x1BE00] =	vst v63  }
0x50: {  	_ =	swait.ge [sflag:s25], $0x4000  }
0x51: {  	[sflag:s25] =	ssyncset.done $0x0  }
0x52: {  	[sflag:s25] =	ssyncadd.s32 $0xFFFFC000  }
0x53: {  	[spmem:s2] =	stream.indirect.scatter.add.f32 [tilespmem:s22], [sflag:$0x3], $0x80, s20, s21, $0xb8;
	[tilespmem:$0x1BE00] =	vst v63  }
0x54: {  	_ =	swait.ge [sflag:s19], $0x4000  }
0x55: {  	s1 =	sshrl.u32 s29, $0x3;
	[sflag:s19] =	ssyncset.done $0x0  }
0x56: {  	s7 =	sadd.s32 s5, s1;
	[sflag:s19] =	ssyncadd.s32 $0xFFFFC000  }
0x57: {  	[tilespmem:s3], [sflag:$0x3] =	stream.linear.gather [hbm4b:s7+s3], $0x80, $0x38;
	[tilespmem:$0x1BE00] =	vst v63  }
0x58: {  	_ =	swait.ge [sflag:s19], $0x80  }
0x59: {  	[sflag:s19] =	ssyncset.done $0x0  }
0x5a: {  	s1 =	sadd.s32 s6, s1;
	[sflag:s19] =	ssyncadd.s32 $0xFFFFFF80  }
0x5b: {  	[tilespmem:s20], [sflag:$0x3] =	stream.linear.gather [hbm4b:s1+s3], $0x80, $0x38;
	[tilespmem:$0x1BE00] =	vst v63  }
0x5c: {  	_ =	swait.ge [sflag:s19], $0x80  }
0x5d: {  	[sflag:s19] =	ssyncset.done $0x0  }
0x5e: {  	[sflag:s19] =	ssyncadd.s32 $0xFFFFFF80  }
0x5f: {  	[tilespmem:s22], [sflag:$0x1] =	stream.indirect.gather [hbm4b:s4+s21], $0x80, s3, s21, $0xb8;
	[tilespmem:$0x1BE00] =	vst v63  }
0x60: {  	_ =	swait.ge [sflag:s26], $0x4000  }
.Ltmp0:
0x61: {  	[sflag:s26] =	ssyncset.done $0x0;
	(pc) =	sbr.rel @p0 .LBB2_2-.Ltmp0, $4  }
0x62: {  	[sflag:s26] =	ssyncadd.s32 $0xFFFFC000  }
0x63: {  	[spmem:s2] =	stream.indirect.scatter.add.f32 [tilespmem:s24], [sflag:$0x3], $0x80, s23, s21, $0xb8;
	[tilespmem:$0x1BE00] =	vst v63  }
0x64: {  	_ =	swait.ge [sflag:s19], $0x4000  }
0x65: {  	s31 =	smov.u32 s0;
	s29 =	sadd.s32 $0x800, s29;
	[sflag:s19] =	ssyncset.done $0x0  }
0x66: {  	s0 =	sadd.s32 s30, s17;
	[sflag:s19] =	ssyncadd.s32 $0xFFFFC000  }
0x67: {  	[tilespmem:s21], [sflag:$0x3] =	stream.linear.gather [hbm4b:s0+s3], $0x80, $0x38;
	[tilespmem:$0x1BE00] =	vst v63  }
0x68: {  	_ =	swait.ge [sflag:s19], $0x80  }
0x69: {  	[sflag:s19] =	ssyncset.done $0x0  }
0x6a: {  	s30 =	sadd.s32 s30, s16;
	[sflag:s19] =	ssyncadd.s32 $0xFFFFFF80  }
0x6b: {  	[tilespmem:s23], [sflag:$0x3] =	stream.linear.gather [hbm4b:s30+s3], $0x80, $0x38;
	[tilespmem:$0x1BE00] =	vst v63  }
0x6c: {  	_ =	swait.ge [sflag:s19], $0x80  }
0x6d: {  	[sflag:s19] =	ssyncset.done $0x0  }
0x6e: {  	[sflag:s19] =	ssyncadd.s32 $0xFFFFFF80  }
0x6f: {  	[tilespmem:s24], [sflag:$0x2] =	stream.indirect.gather [hbm4b:s4+s21], $0x80, s21, s21, $0xb8;
	[tilespmem:$0x1BE00] =	vst v63  }
0x70: {  	_ =	swait.ge [sflag:s25], $0x4000  }
0x71: {  	[sflag:s25] =	ssyncset.done $0x0  }
0x72: {  	[sflag:s25] =	ssyncadd.s32 $0xFFFFC000  }
0x73: {  	[spmem:s2] =	stream.indirect.scatter.add.f32 [tilespmem:s22], [sflag:$0x3], $0x80, s20, s21, $0xb8;
	[tilespmem:$0x1BE00] =	vst v63  }
0x74: {  	_ =	swait.ge [sflag:s19], $0x4000  }
0x75: {  	s31 =	sshrl.u32 s29, $0x3;
	[sflag:s19] =	ssyncset.done $0x0  }
0x76: {  	s1 =	sadd.s32 s5, s31;
	[sflag:s19] =	ssyncadd.s32 $0xFFFFC000  }
0x77: {  	[tilespmem:s3], [sflag:$0x3] =	stream.linear.gather [hbm4b:s1+s3], $0x80, $0x38;
	[tilespmem:$0x1BE00] =	vst v63  }
0x78: {  	_ =	swait.ge [sflag:s19], $0x80  }
0x79: {  	[sflag:s19] =	ssyncset.done $0x0  }
0x7a: {  	s0 =	sadd.s32 s6, s31;
	[sflag:s19] =	ssyncadd.s32 $0xFFFFFF80  }
0x7b: {  	[tilespmem:s20], [sflag:$0x3] =	stream.linear.gather [hbm4b:s0+s3], $0x80, $0x38;
	[tilespmem:$0x1BE00] =	vst v63  }
0x7c: {  	_ =	swait.ge [sflag:s19], $0x80  }
0x7d: {  	[sflag:s19] =	ssyncset.done $0x0  }
0x7e: {  	[sflag:s19] =	ssyncadd.s32 $0xFFFFFF80  }
0x7f: {  	[tilespmem:s22], [sflag:$0x1] =	stream.indirect.gather [hbm4b:s4+s21], $0x80, s3, s21, $0xb8;
	[tilespmem:$0x1BE00] =	vst v63  }
0x80: {  	_ =	swait.ge [sflag:s26], $0x4000  }
0x81: {  	[sflag:s26] =	ssyncset.done $0x0  }
0x82: {  	[sflag:s26] =	ssyncadd.s32 $0xFFFFC000  }
0x83: {  	[spmem:s2] =	stream.indirect.scatter.add.f32 [tilespmem:s24], [sflag:$0x3], $0x80, s23, s21, $0xb8;
	[tilespmem:$0x1BE00] =	vst v63  }
0x84: {  	_ =	swait.ge [sflag:s19], $0x4000  }
0x85: {  	[sflag:s19] =	ssyncset.done $0x0  }
0x86: {  	[sflag:s19] =	ssyncadd.s32 $0xFFFFC000  }
0x87: {  	[tilespmem:s21], [sflag:$0x3] =	stream.linear.gather [hbm4b:s13+s3], $0x80, $0x38;
	[tilespmem:$0x1BE00] =	vst v63  }
0x88: {  	_ =	swait.ge [sflag:s19], $0x80  }
0x89: {  	[sflag:s19] =	ssyncset.done $0x0  }
0x8a: {  	[sflag:s19] =	ssyncadd.s32 $0xFFFFFF80  }
0x8b: {  	[tilespmem:s23], [sflag:$0x3] =	stream.linear.gather [hbm4b:s14+s3], $0x80, $0x38;
	[tilespmem:$0x1BE00] =	vst v63  }
0x8c: {  	_ =	swait.ge [sflag:s19], $0x80  }
0x8d: {  	[sflag:s19] =	ssyncset.done $0x0  }
0x8e: {  	[sflag:s19] =	ssyncadd.s32 $0xFFFFFF80  }
0x8f: {  	[tilespmem:s24], [sflag:$0x2] =	stream.indirect.gather [hbm4b:s4+s21], $0x80, s21, s21, $0xb8;
	[tilespmem:$0x1BE00] =	vst v63  }
0x90: {  	_ =	swait.ge [sflag:s25], $0x4000  }
0x91: {  	[sflag:s25] =	ssyncset.done $0x0  }
0x92: {  	[sflag:s25] =	ssyncadd.s32 $0xFFFFC000  }
0x93: {  	[spmem:s2] =	stream.indirect.scatter.add.f32 [tilespmem:s22], [sflag:$0x3], $0x80, s20, s21, $0xb8;
	[tilespmem:$0x1BE00] =	vst v63  }
0x94: {  	_ =	swait.ge [sflag:s19], $0x4000  }
0x95: {  	[sflag:s19] =	ssyncset.done $0x0  }
0x96: {  	[sflag:s19] =	ssyncadd.s32 $0xFFFFC000  }
0x97: {  	_ =	swait.ge [sflag:s26], $0x4000  }
0x98: {  	[sflag:s26] =	ssyncset.done $0x0  }
0x99: {  	[sflag:s26] =	ssyncadd.s32 $0xFFFFC000  }
0x9a: {  	[spmem:s2] =	stream.indirect.scatter.add.f32 [tilespmem:s24], [sflag:$0x3], $0x80, s23, s21, $0xb8;
	[tilespmem:$0x1BE00] =	vst v63  }
0x9b: {  	_ =	swait.ge [sflag:s19], $0x4000  }
0x9c: {  	s28 =	sadd.s32 $0x1, s28;
	[sflag:s19] =	ssyncset.done $0x0  }
0x9d: {  	p0 =	sne.s32 s28, s12;
	[sflag:s19] =	ssyncadd.s32 $0xFFFFC000  }
.Ltmp1:
0x9e: {  	[bflag:$0x0] =	sbarrier.arrive $0xFFFF;
	(pc) =	sbr.rel @p0 .LBB2_1-.Ltmp1, $4  }
0x9f: {  	[hbm:s11], [sflag:s8] =	dma.local [spmem:s18], $0x2780  }
0xa0: {  	_ =	swait.ge [sflag:s19], $0x2780  }
0xa1: {  	[sflag:s19] =	ssyncset.done $0x0  }
0xa2: {  	[sflag:s19] =	ssyncadd.s32 $0xFFFFD880  }
0xa3: {  	_ =	sfence.sel $0x180000  }
0xa4: {  	[bflag:$0x0] =	sbarrier.arrive $0xFFFF  }
0xa5: {  	_ =	strace $0x90000056  }
0xa6: {  	s0 =	stileid.u32;
	[bflag:$0x2] =	sbarrier.arrive $0xFFFF  }
0xa7: {  	p0 =	sne.s32 s0, $0x0;
	s0 =	rddreg [dreg:$0x2]  }
0xa8: {  	s0 =	sadd.s32 @!p0 $0x100000, s0  }
0xa9: {  	[sflag:s0] =	ssyncadd.tile.s32 @!p0 $0x1;
	_ =	shalt  }
.Lfunc_end2:
_tile_overlayer_lowered:
.L_overlay_start_2:
0xaa: {  	(tag) =	ssettag $0x2  }
0xab: {  	s0 =	rddreg [dreg:$0x0];
	s2 =	stileid.u32  }
0xac: {  	s1 =	rddreg [dreg:$0x1];
	p0 =	sne.s32 s2, $0x0  }
0xad: {  	s3 =	rddreg [dreg:$0x2];
	[bflag:$0x3] =	sbarrier.arrive $0xFFFF;
	s2 =	simm.s32 @!p0 $0x1C03  }
0xae: {  	[timem:s3], [sflag:s2] =	dma.local @!p0 [hbm:s0], s1  }
0xaf: {  	s0 =	simm.s32 @!p0 $0x3  }
0xb0: {  	_ =	swait.ge @!p0 [sflag:s0], s1  }
0xb1: {  	s1 =	ssub.s32 @!p0 $0x0, s1;
	[sflag:s0] =	ssyncset.done @!p0 $0x0  }
0xb2: {  	[sflag:s0] =	ssyncadd.s32 @!p0 s1  }
0xb3: {  	[bflag:$0x3] =	sbarrier.arrive $0xFFFF  }
0xb4: {  	_ =	shalt  }

// kernel: kernel.33.cloned.1.call-start
scs
__scs_entry_jumppad:
0x0: {  	(pc) =	sbr.rel $0x88, $3  }
0x1: {  	(tag) =	ssettag $0x0;
	lr =	simm.s32 $0x1  }
0x2: {  	[smem:$0x3F93] =	sst lr;
	_ =	strace $0xD0000000  }
0x3: {  	_ = 	snop  }
0x4: {  	_ = 	snop  }
0x5: {  	_ = 	snop  }
0x6: {  	_ = 	snop  }
0x7: {  	_ = 	snop  }
__scs_overlays_trampoline_lowered:
0x8: {  	[smem:$0x3FA2] =	sst s0  }
0x9: {  	[smem:$0x3FA3] =	sst s1  }
0xa: {  	[smem:$0x3FA4] =	sst s2  }
0xb: {  	[smem:$0x3FA5] =	sst s3  }
0xc: {  	[smem:$0x3FA6] =	sst s4  }
0xd: {  	[smem:$0x3FA7] =	sst s5  }
0xe: {  	[smem:$0x3FA8] =	sst s6  }
0xf: {  	[smem:$0x3FA9] =	sst s7  }
0x10: {  	[smem:$0x3FAA] =	sst s8  }
0x11: {  	[smem:$0x3FAB] =	sst s9;
	s0 =	simm.s32 @!p0 $0x0  }
0x12: {  	s1 =	sld [smem:$0x3F91];
	s0 =	simm.s32 @p0 $0x1  }
0x13: {  	[smem:$0x3FAC] =	sst s0;
	s0 =	simm.s32 @!p1 $0x0  }
0x14: {  	s2 =	sld [smem:$0x3F90];
	s0 =	simm.s32 @p1 $0x1  }
0x15: {  	[smem:$0x3FAD] =	sst s0;
	s0 =	simm.s32 @!p2 $0x0  }
0x16: {  	s3 =	sld [smem:$0x3FDB];
	s0 =	simm.s32 @p2 $0x1  }
0x17: {  	s4 =	simm.s32 $0x1BF5;
	[smem:$0x3FAF] =	sst s0  }
0x18: {  	s0 =	sld [smem:$0x3F92];
	_ =	swait.ge [sflag:s4], $0x0  }
0x19: {  	s7 =	sld [smem:$0x3F93]  }
0x1a: {  	s8 =	sadd.s32 $0xFFFFE003, lr  }
0x1b: {  	s9 =	sadd.s32 $0xFFFFFEF7, lr;
	s5 =	simm.s32 $0xFFFFFFFF;
	p2 =	slt.u32 s8, $0xFFFFF086  }
0x1c: {  	p1 =	slt.u32 s9, $0xF7A;
	s5 =	simm.s32 @!p2 $0x0  }
0x1d: {  	s5 =	simm.s32 @p1 $0x1;
	p0 =	seq.s32 s7, s2  }
0x1e: {  	s7 =	smul.u32 @!p0 $0xF7A, s2;
	p2 =	seq.s32 @!p0 s5, $0x0  }
0x1f: {  	s9 =	smul.u32 $0xF7A, s1;
	s8 =	simm.s32 @!p0 $0x1BF5;
	p2 =	por !p2, p0  }
0x20: {  	[sflag:s8] =	ssyncset.s32 @!p0 $0xFFFFF086;
	s6 =	sadd.s32 @!p0 s3, s7;
	s7 =	simm.s32 @!p0 $0x108  }
0x21: {  	s3 =	sadd.s32 s3, s9;
	s6 =	sadd.s32 @!p0 $0x88, s6;
	s7 =	simm.s32 @p2 $0x1082  }
0x22: {  	[simem:s7], [sflag:s8] =	dma.local @!p0 [hbm:s6], $0xF7A  }
0x23: {  	s9 =	sor.u32 $0xD0000000, s2;
	s6 =	simm.s32 $0x108;
	_ =	swait.ge @!p0 [sflag:s8], $0x0  }
0x24: {  	s3 =	sadd.s32 $0x88, s3;
	s6 =	simm.s32 @!p1 $0x1082;
	[sflag:s4] =	ssyncset.s32 $0xFFFFF086  }
0x25: {  	[simem:s6], [sflag:s4] =	dma.local [hbm:s3], $0xF7A  }
0x26: {  	[smem:$0x3F93] =	sst s1;
	(tag) =	ssettag s2;
	_ =	strace s9  }
0x27: {  	s1 =	sld [smem:$0x3FA3]  }
0x28: {  	s2 =	sld [smem:$0x3FA4]  }
0x29: {  	s4 =	sld [smem:$0x3FA6]  }
0x2a: {  	p0 =	seq.s32 s5, $0x0;
	s5 =	sld [smem:$0x3FA7]  }
0x2b: {  	s6 =	sld [smem:$0x3FA8]  }
0x2c: {  	s7 =	sld [smem:$0x3FA9]  }
0x2d: {  	s3 =	simm.s32 $0x108;
	s8 =	sld [smem:$0x3FAA]  }
0x2e: {  	s3 =	simm.s32 @!p0 $0x1082;
	s9 =	sld [smem:$0x3FAB]  }
0x2f: {  	lr =	sadd.s32 s0, s3;
	s0 =	sld [smem:$0x3FA2]  }
0x30: {  	s3 =	sld [smem:$0x3FA5]  }
0x31: {  	[smem:$0x3FAE] =	sst s10  }
0x32: {  	s10 =	sld [smem:$0x3FAC];
	_ =	sdelay $0x3  }
0x33: {  	p0 =	seq.s32 s10, $0x1;
	s10 =	sld [smem:$0x3FAE];
	_ =	sdelay $0x3  }
0x34: {  	[smem:$0x3FAE] =	sst s10  }
0x35: {  	s10 =	sld [smem:$0x3FAD];
	_ =	sdelay $0x3  }
0x36: {  	p1 =	seq.s32 s10, $0x1;
	s10 =	sld [smem:$0x3FAE];
	_ =	sdelay $0x3  }
0x37: {  	[smem:$0x3FAE] =	sst s10  }
0x38: {  	s10 =	sld [smem:$0x3FAF]  }
0x39: {  	_ = 	snop;
	(pc) =	sbr.ind lr, $3  }
0x3a: {  	_ = 	snop  }
0x3b: {  	_ = 	snop  }
0x3c: {  	p2 =	seq.s32 s10, $0x1;
	s10 =	sld [smem:$0x3FAE]  }
0x3d: {  	_ =	shalt  }
0x3e: {  	_ =	shalt  }
0x3f: {  	_ =	shalt  }
0x40: {  	_ =	shalt  }
0x41: {  	_ =	shalt  }
0x42: {  	_ =	shalt  }
0x43: {  	_ =	shalt  }
0x44: {  	_ =	shalt  }
0x45: {  	_ =	shalt  }
0x46: {  	_ =	shalt  }
0x47: {  	_ =	shalt  }
0x48: {  	_ =	shalt  }
0x49: {  	_ =	shalt  }
0x4a: {  	_ =	shalt  }
0x4b: {  	_ =	shalt  }
0x4c: {  	_ =	shalt  }
0x4d: {  	_ =	shalt  }
0x4e: {  	_ =	shalt  }
0x4f: {  	_ =	shalt  }
0x50: {  	_ =	shalt  }
0x51: {  	_ =	shalt  }
0x52: {  	_ =	shalt  }
0x53: {  	_ =	shalt  }
0x54: {  	_ =	shalt  }
0x55: {  	_ =	shalt  }
0x56: {  	_ =	shalt  }
0x57: {  	_ =	shalt  }
0x58: {  	_ =	shalt  }
0x59: {  	_ =	shalt  }
0x5a: {  	_ =	shalt  }
0x5b: {  	_ =	shalt  }
0x5c: {  	_ =	shalt  }
0x5d: {  	_ =	shalt  }
0x5e: {  	_ =	shalt  }
0x5f: {  	_ =	shalt  }
0x60: {  	_ =	shalt  }
0x61: {  	_ =	shalt  }
0x62: {  	_ =	shalt  }
0x63: {  	_ =	shalt  }
0x64: {  	_ =	shalt  }
0x65: {  	_ =	shalt  }
0x66: {  	_ =	shalt  }
0x67: {  	_ =	shalt  }
0x68: {  	_ =	shalt  }
0x69: {  	_ =	shalt  }
0x6a: {  	_ =	shalt  }
0x6b: {  	_ =	shalt  }
0x6c: {  	_ =	shalt  }
0x6d: {  	_ =	shalt  }
0x6e: {  	_ =	shalt  }
0x6f: {  	_ =	shalt  }
0x70: {  	_ =	shalt  }
0x71: {  	_ =	shalt  }
0x72: {  	_ =	shalt  }
0x73: {  	_ =	shalt  }
0x74: {  	_ =	shalt  }
0x75: {  	_ =	shalt  }
0x76: {  	_ =	shalt  }
0x77: {  	_ =	shalt  }
0x78: {  	_ =	shalt  }
0x79: {  	_ =	shalt  }
0x7a: {  	_ =	shalt  }
0x7b: {  	_ =	shalt  }
0x7c: {  	_ =	shalt  }
0x7d: {  	_ =	shalt  }
0x7e: {  	_ =	shalt  }
0x7f: {  	_ =	shalt  }
0x80: {  	_ =	shalt  }
0x81: {  	_ =	shalt  }
0x82: {  	_ =	shalt  }
0x83: {  	_ =	shalt  }
0x84: {  	_ =	shalt  }
0x85: {  	_ =	shalt  }
0x86: {  	_ =	shalt  }
0x87: {  	_ =	shalt  }
.Lfunc_end0:
.L_simem_size_0:
called_computation.6_lowered:
.L_overlay_start_0:
0x88: {  	s2 =	sld [smem:$0x3FD9]  }
0x89: {  	s3 =	sld [smem:$0x3FFE];
	_ =	sdelay $0x1  }
0x8a: {  	s1 =	srdreg.scid  }
0x8b: {  	s0 =	sand.u32 $0x1, s1  }
0x8c: {  	s16 =	sshll.u32 s0, $0xA;
	s2 =	sadd.s32 s3, s2  }
0x8d: {  	s2 =	sadd.s32 s2, s16  }
0x8e: {  	[smem:$0x3FBA] =	sst s2  }
0x8f: {  	_ = 	snop  }
0x90: {  	(tm) =	ssettm $0x1  }
0x91: {  	s17 =	sld [smem:$0x3FFB];
	_ =	sdelay $0x3  }
0x92: {  	_ =	strace s17  }
0x93: {  	s2 =	sld [smem:$0x3FFC];
	_ =	sdelay $0x3  }
0x94: {  	_ =	strace s2  }
0x95: {  	s2 =	sld [smem:$0x3FFD];
	_ =	sdelay $0x3  }
0x96: {  	_ =	strace s2  }
0x97: {  	_ =	strace $0x8FFFFFFF  }
0x98: {  	s18 =	sld [smem:$0x3FDB];
	_ =	sdelay $0x1  }
0x99: {  	s19 =	simm.s32 $_scs_section_size  }
0x9a: {  	s4 =	simm.s32 $_size__tile_overlayer_lowered;
	s5 =	simm.s32 $_tile_overlayer_lowered  }
0x9b: {  	s22 =	simm.s32 $0x1BFF;
	s21 =	sshll.u32 s5, $0x1;
	s2 =	sadd.s32 s19, s18  }
0x9c: {  	s6 =	simm.s32 $0x0;
	s20 =	sshll.u32 s4, $0x1;
	s4 =	sadd.s32 s21, s2  }
0x9d: {  	[timem:s6], [sflag:s22] =	dma.local [hbm:s4], s20  }
0x9e: {  	_ =	swait.ge [sflag:s22], s20  }
0x9f: {  	s3 =	ssub.s32 $0x0, s20;
	[sflag:s22] =	ssyncset.done $0x0  }
0xa0: {  	[sflag:s22] =	ssyncadd.s32 s3;
	_ =	sdelay $0x1  }
0xa1: {  	s23 =	simm.s32 $0x1B8B  }
0xa2: {  	_ =	swait.ge [sflag:s23], $0x1  }
0xa3: {  	[sflag:s23] =	ssyncset.done $0x0  }
0xa4: {  	s25 =	simm.s32 $0x1B8E;
	s24 =	sld [smem:$0x3FFE];
	[sflag:s23] =	ssyncadd.s32 $0xFFFFFFFF  }
0xa5: {  	s26 =	simm.s32 $execute0_lowered;
	[smem:$0x3FD2] =	sst s25  }
0xa6: {  	s4 =	sshll.u32 s26, $0x1;
	_ =	strace $0x80000058;
	[dreg:$0x1] =	wrdreg $0xFFFFFFFF  }
0xa7: {  	s28 =	simm.s32 $_size_execute0_lowered;
	s2 =	sadd.s32 s2, s4;
	[dreg:$0x0] =	wrdreg $0x0  }
0xa8: {  	s4 =	sshll.u32 s28, $0x1;
	[dreg:$0x2] =	wrdreg s2  }
0xa9: {  	[dreg:$0x3] =	wrdreg s4  }
0xaa: {  	[dreg:$0x4] =	wrdreg $0xC0  }
0xab: {  	_ =	task [dreg:s6], $0x5FFFF  }
0xac: {  	[dreg:$0x1] =	wrdreg $0xFFFFFFFF  }
0xad: {  	[dreg:$0x0] =	wrdreg $0x60  }
0xae: {  	[dreg:$0x2] =	wrdreg s24  }
0xaf: {  	[dreg:$0x3] =	wrdreg $0x82000  }
0xb0: {  	[dreg:$0x4] =	wrdreg $0x9  }
0xb1: {  	_ =	task.clear_ibuf [dreg:s6], $0x5FFFF;
	_ =	strace $0x90000058  }
0xb2: {  	s29 =	simm.s32 $0x9;
	_ =	strace $0x8000005A  }
0xb3: {  	_ =	swait.ge [sflag:s29], $0x1  }
0xb4: {  	[sflag:s29] =	ssyncadd.s32 $0xFFFFFFFF  }
0xb5: {  	_ =	strace $0x9000005A  }
0xb6: {  	_ =	sfence  }
0xb7: {  	s30 =	sld [smem:$0x0];
	_ =	sdelay $0x2  }
0xb8: {  	s31 =	sshll.u32 s1, $0xD;
	s1 =	sshrl.u32 s1, $0x2  }
0xb9: {  	s3 =	sand.u32 $0x4000, s31;
	s1 =	sadd.s32 s1, s30  }
0xba: {  	s0 =	sor.u32 s3, s0;
	s1 =	sshll.u32 s1, $0x11  }
0xbb: {  	s0 =	sor.u32 s1, s0  }
0xbc: {  	s0 =	sadd.s32 $0x8F2B, s0  }
0xbd: {  	[sflag:s0] =	ssyncadd.remote.s32 $0x1  }
0xbe: {  	_ =	sfence.sel $0xFFFF  }
0xbf: {  	[dreg:$0x0] =	wrdreg $0xFFFFFFFF;
	(pc) =	sbr.abs _section_cstart, $3  }
0xc0: {  	[dreg:$0x1] =	wrdreg $0xFFFFFFFF  }
0xc1: {  	_ =	task.clear_ibuf [dreg:s6], $0x2FFFF;
	_ =	strace $0x9FFFFFFF  }
0xc2: {  	(tm) =	ssettm $0x7FFFFFFF  }
0xc3: {  	_ =	shalt  }
tec
execute0_lowered:
.L_overlay_start_1:
0x0: {  	(tag) =	ssettag $0x1  }
0x1: {  	s0 =	rddreg [dreg:$0x0]  }
0x2: {  	s2 =	rddreg [dreg:$0x1];
	s1 =	stileid.u32  }
0x3: {  	s4 =	srdreg.scid;
	s3 =	simm.s32 $0x0;
	s19 =	simm.s32 $0x3  }
0x4: {  	s20 =	simm.s32 $0x100;
	s21 =	simm.s32 $0x80;
	s28 =	simm.s32 $0x0  }
0x5: {  	s7 =	smul.u32 $0x13C00, s1;
	s8 =	sand.u32 $0x1, s4;
	[smem:$0x7FF] =	sst s3  }
0x6: {  	s4 =	sadd.s32 $0x1A800, s0;
	s5 =	sadd.s32 $0x10800, s0;
	s6 =	sadd.s32 $0x6800, s0  }
0x7: {  	s11 =	smul.u32 $0x4F000, s1;
	s12 =	sshrl.u32 s1, $0x2;
	s13 =	sshll.u32 s1, $0x8  }
0x8: {  	s25 =	sshll.u32 s1, $0x6;
	s9 =	smul.u32 $0x13C000, s8;
	_ =	strace $0x80000059  }
0x9: {  	s10 =	ssub.s32 $0x2, s8;
	s12 =	smul.u32 $0x14000, s12;
	s14 =	sshll.u32 s8, $0x7  }
0xa: {  	s13 =	sand.u32 $0x300, s13;
	s8 =	sor.u32 $0x1C03, s25;
	s25 =	simm.s32 $0x1  }
0xb: {  	s22 =	sshrl.u32 s10, $0x1;
	s23 =	sshrl.u32 s11, $0x2;
	s24 =	sor.u32 s14, s13  }
0xc: {  	s9 =	sadd.s32 s7, s9;
	s7 =	sshrl.u32 s7, $0x3;
	s15 =	ssub.s32 s10, s22  }
0xd: {  	s18 =	sadd.s32 s23, s2;
	s22 =	simm.s32 $0x200;
	s23 =	simm.s32 $0x180  }
0xe: {  	s9 =	sshrl.u32 s9, $0x3;
	s7 =	sadd.s32 s7, s0;
	s18 =	sshrl.u32 s18, $0x3  }
0xf: {  	s0 =	sadd.s32 s9, s0;
	s9 =	sor.u32 s12, s24;
	s26 =	sadd.s32 $0x42000, s7  }
0x10: {  	s12 =	sor.u32 s13, s12;
	s24 =	simm.s32 $0x4200;
	[dreg:$0x3] =	wrdreg s26  }
0x11: {  	s16 =	sshrl.u32 s9, $0x3;
	s11 =	sadd.s32 $0x69800, s0;
	s30 =	sor.u32 s14, s12  }
0x12: {  	s12 =	smax.u32 s15, $0x1;
	s26 =	simm.s32 $0x2;
	s9 =	sadd.s32 s5, s16  }
0x13: {  	s10 =	sadd.s32 s6, s16;
	s29 =	sadd.s32 $0x2780, s16;
	s17 =	sor.u32 $0x400, s30  }
0x14: {  	s15 =	sor.u32 $0x800, s30;
	s13 =	sadd.s32 s5, s29;
	s31 =	sshrl.u32 s17, $0x3  }
0x15: {  	s14 =	sadd.s32 s6, s29;
	s16 =	sadd.s32 s31, s6;
	s17 =	sadd.s32 s31, s5  }
.LBB2_1:
0x16: {  	s0 =	rddreg [dreg:$0x3]  }
0x17: {  	[spmem:s18], [sflag:s8] =	dma.local [hbm:s0], $0x2780  }
0x18: {  	_ =	swait.ge [sflag:s19], $0x2780  }
0x19: {  	[sflag:s19] =	ssyncset.done $0x0  }
0x1a: {  	[sflag:s19] =	ssyncadd.s32 $0xFFFFD880  }
0x1b: {  	[bflag:$0x0] =	sbarrier.arrive $0xFFFF  }
0x1c: {  	[tilespmem:s3], [sflag:$0x3] =	stream.linear.gather [hbm4b:s9+s3], $0x80, $0x38;
	[tilespmem:$0x1BE00] =	vst v63  }
0x1d: {  	_ =	swait.ge [sflag:s19], $0x80  }
0x1e: {  	[sflag:s19] =	ssyncset.done $0x0  }
0x1f: {  	[sflag:s19] =	ssyncadd.s32 $0xFFFFFF80  }
0x20: {  	[tilespmem:s20], [sflag:$0x3] =	stream.linear.gather [hbm4b:s10+s3], $0x80, $0x38;
	[tilespmem:$0x1BE00] =	vst v63  }
0x21: {  	_ =	swait.ge [sflag:s19], $0x80  }
0x22: {  	[sflag:s19] =	ssyncset.done $0x0  }
0x23: {  	[sflag:s19] =	ssyncadd.s32 $0xFFFFFF80  }
0x24: {  	[tilespmem:s22], [sflag:$0x1] =	stream.indirect.gather [hbm4b:s4+s21], $0x80, s3, s21, $0xb8;
	[tilespmem:$0x1BE00] =	vst v63  }
0x25: {  	s7 =	sadd.s32 $0x0, s17  }
0x26: {  	[tilespmem:s21], [sflag:$0x3] =	stream.linear.gather [hbm4b:s7+s3], $0x80, $0x38;
	[tilespmem:$0x1BE00] =	vst v63  }
0x27: {  	_ =	swait.ge [sflag:s19], $0x80  }
0x28: {  	[sflag:s19] =	ssyncset.done $0x0  }
0x29: {  	s1 =	sadd.s32 $0x0, s16;
	[sflag:s19] =	ssyncadd.s32 $0xFFFFFF80  }
0x2a: {  	[tilespmem:s23], [sflag:$0x3] =	stream.linear.gather [hbm4b:s1+s3], $0x80, $0x38;
	[tilespmem:$0x1BE00] =	vst v63  }
0x2b: {  	_ =	swait.ge [sflag:s19], $0x80  }
0x2c: {  	[sflag:s19] =	ssyncset.done $0x0  }
0x2d: {  	[sflag:s19] =	ssyncadd.s32 $0xFFFFFF80  }
0x2e: {  	[tilespmem:s24], [sflag:$0x2] =	stream.indirect.gather [hbm4b:s4+s21], $0x80, s21, s21, $0xb8;
	[tilespmem:$0x1BE00] =	vst v63  }
0x2f: {  	_ =	swait.ge [sflag:s25], $0x4000  }
0x30: {  	[sflag:s25] =	ssyncset.done $0x0  }
0x31: {  	[sflag:s25] =	ssyncadd.s32 $0xFFFFC000  }
0x32: {  	[spmem:s2] =	stream.indirect.scatter.add.f32 [tilespmem:s22], [sflag:$0x3], $0x80, s20, s21, $0xb8;
	[tilespmem:$0x1BE00] =	vst v63  }
0x33: {  	_ =	swait.ge [sflag:s19], $0x4000  }
0x34: {  	s7 =	sshrl.u32 s15, $0x3;
	[sflag:s19] =	ssyncset.done $0x0  }
0x35: {  	s29 =	sadd.s32 s5, s7;
	[sflag:s19] =	ssyncadd.s32 $0xFFFFC000  }
0x36: {  	[tilespmem:s3], [sflag:$0x3] =	stream.linear.gather [hbm4b:s29+s3], $0x80, $0x38;
	[tilespmem:$0x1BE00] =	vst v63  }
0x37: {  	_ =	swait.ge [sflag:s19], $0x80  }
0x38: {  	[sflag:s19] =	ssyncset.done $0x0  }
0x39: {  	s0 =	sadd.s32 s6, s7;
	[sflag:s19] =	ssyncadd.s32 $0xFFFFFF80  }
0x3a: {  	[tilespmem:s20], [sflag:$0x3] =	stream.linear.gather [hbm4b:s0+s3], $0x80, $0x38;
	[tilespmem:$0x1BE00] =	vst v63  }
0x3b: {  	_ =	swait.ge [sflag:s19], $0x80  }
0x3c: {  	[sflag:s19] =	ssyncset.done $0x0  }
0x3d: {  	[sflag:s19] =	ssyncadd.s32 $0xFFFFFF80  }
0x3e: {  	[tilespmem:s22], [sflag:$0x1] =	stream.indirect.gather [hbm4b:s4+s21], $0x80, s3, s21, $0xb8;
	[tilespmem:$0x1BE00] =	vst v63  }
0x3f: {  	_ =	swait.ge [sflag:s26], $0x4000  }
0x40: {  	[sflag:s26] =	ssyncset.done $0x0  }
0x41: {  	[sflag:s26] =	ssyncadd.s32 $0xFFFFC000  }
0x42: {  	[spmem:s2] =	stream.indirect.scatter.add.f32 [tilespmem:s24], [sflag:$0x3], $0x80, s23, s21, $0xb8;
	[tilespmem:$0x1BE00] =	vst v63  }
0x43: {  	s30 =	simm.s32 $0x100;
	_ =	swait.ge [sflag:s19], $0x4000  }
0x44: {  	s31 =	simm.s32 $0x200;
	s29 =	sadd.s32 $0x800, s15;
	[sflag:s19] =	ssyncset.done $0x0  }
.LBB2_2:
0x45: {  	s1 =	sadd.s32 s30, s17  }
0x46: {  	[sflag:s19] =	ssyncadd.s32 $0xFFFFC000;
	s7 =	smov.u32 s31;
	s0 =	sadd.s32 $0x100, s31  }
0x47: {  	[tilespmem:s21], [sflag:$0x3] =	stream.linear.gather [hbm4b:s1+s3], $0x80, $0x38;
	[tilespmem:$0x1BE00] =	vst v63  }
0x48: {  	p0 =	sne.s32 s31, $0x2600;
	_ =	swait.ge [sflag:s19], $0x80  }
0x49: {  	[sflag:s19] =	ssyncset.done $0x0  }
0x4a: {  	s1 =	sadd.s32 s30, s16;
	s30 =	smov.u32 s7;
	[sflag:s19] =	ssyncadd.s32 $0xFFFFFF80  }
0x4b: {  	[tilespmem:s23], [sflag:$0x3] =	stream.linear.gather [hbm4b:s1+s3], $0x80, $0x38;
	[tilespmem:$0x1BE00] =	vst v63  }
0x4c: {  	_ =	swait.ge [sflag:s19], $0x80  }
0x4d: {  	[sflag:s19] =	ssyncset.done $0x0  }
0x4e: {  	[sflag:s19] =	ssyncadd.s32 $0xFFFFFF80  }
0x4f: {  	[tilespmem:s24], [sflag:$0x2] =	stream.indirect.gather [hbm4b:s4+s21], $0x80, s21, s21, $0xb8;
	[tilespmem:$0x1BE00] =	vst v63  }
0x50: {  	_ =	swait.ge [sflag:s25], $0x4000  }
0x51: {  	[sflag:s25] =	ssyncset.done $0x0  }
0x52: {  	[sflag:s25] =	ssyncadd.s32 $0xFFFFC000  }
0x53: {  	[spmem:s2] =	stream.indirect.scatter.add.f32 [tilespmem:s22], [sflag:$0x3], $0x80, s20, s21, $0xb8;
	[tilespmem:$0x1BE00] =	vst v63  }
0x54: {  	_ =	swait.ge [sflag:s19], $0x4000  }
0x55: {  	s1 =	sshrl.u32 s29, $0x3;
	[sflag:s19] =	ssyncset.done $0x0  }
0x56: {  	s7 =	sadd.s32 s5, s1;
	[sflag:s19] =	ssyncadd.s32 $0xFFFFC000  }
0x57: {  	[tilespmem:s3], [sflag:$0x3] =	stream.linear.gather [hbm4b:s7+s3], $0x80, $0x38;
	[tilespmem:$0x1BE00] =	vst v63  }
0x58: {  	_ =	swait.ge [sflag:s19], $0x80  }
0x59: {  	[sflag:s19] =	ssyncset.done $0x0  }
0x5a: {  	s1 =	sadd.s32 s6, s1;
	[sflag:s19] =	ssyncadd.s32 $0xFFFFFF80  }
0x5b: {  	[tilespmem:s20], [sflag:$0x3] =	stream.linear.gather [hbm4b:s1+s3], $0x80, $0x38;
	[tilespmem:$0x1BE00] =	vst v63  }
0x5c: {  	_ =	swait.ge [sflag:s19], $0x80  }
0x5d: {  	[sflag:s19] =	ssyncset.done $0x0  }
0x5e: {  	[sflag:s19] =	ssyncadd.s32 $0xFFFFFF80  }
0x5f: {  	[tilespmem:s22], [sflag:$0x1] =	stream.indirect.gather [hbm4b:s4+s21], $0x80, s3, s21, $0xb8;
	[tilespmem:$0x1BE00] =	vst v63  }
0x60: {  	_ =	swait.ge [sflag:s26], $0x4000  }
.Ltmp0:
0x61: {  	[sflag:s26] =	ssyncset.done $0x0;
	(pc) =	sbr.rel @p0 .LBB2_2-.Ltmp0, $4  }
0x62: {  	[sflag:s26] =	ssyncadd.s32 $0xFFFFC000  }
0x63: {  	[spmem:s2] =	stream.indirect.scatter.add.f32 [tilespmem:s24], [sflag:$0x3], $0x80, s23, s21, $0xb8;
	[tilespmem:$0x1BE00] =	vst v63  }
0x64: {  	_ =	swait.ge [sflag:s19], $0x4000  }
0x65: {  	s31 =	smov.u32 s0;
	s29 =	sadd.s32 $0x800, s29;
	[sflag:s19] =	ssyncset.done $0x0  }
0x66: {  	s0 =	sadd.s32 s30, s17;
	[sflag:s19] =	ssyncadd.s32 $0xFFFFC000  }
0x67: {  	[tilespmem:s21], [sflag:$0x3] =	stream.linear.gather [hbm4b:s0+s3], $0x80, $0x38;
	[tilespmem:$0x1BE00] =	vst v63  }
0x68: {  	_ =	swait.ge [sflag:s19], $0x80  }
0x69: {  	[sflag:s19] =	ssyncset.done $0x0  }
0x6a: {  	s30 =	sadd.s32 s30, s16;
	[sflag:s19] =	ssyncadd.s32 $0xFFFFFF80  }
0x6b: {  	[tilespmem:s23], [sflag:$0x3] =	stream.linear.gather [hbm4b:s30+s3], $0x80, $0x38;
	[tilespmem:$0x1BE00] =	vst v63  }
0x6c: {  	_ =	swait.ge [sflag:s19], $0x80  }
0x6d: {  	[sflag:s19] =	ssyncset.done $0x0  }
0x6e: {  	[sflag:s19] =	ssyncadd.s32 $0xFFFFFF80  }
0x6f: {  	[tilespmem:s24], [sflag:$0x2] =	stream.indirect.gather [hbm4b:s4+s21], $0x80, s21, s21, $0xb8;
	[tilespmem:$0x1BE00] =	vst v63  }
0x70: {  	_ =	swait.ge [sflag:s25], $0x4000  }
0x71: {  	[sflag:s25] =	ssyncset.done $0x0  }
0x72: {  	[sflag:s25] =	ssyncadd.s32 $0xFFFFC000  }
0x73: {  	[spmem:s2] =	stream.indirect.scatter.add.f32 [tilespmem:s22], [sflag:$0x3], $0x80, s20, s21, $0xb8;
	[tilespmem:$0x1BE00] =	vst v63  }
0x74: {  	_ =	swait.ge [sflag:s19], $0x4000  }
0x75: {  	s31 =	sshrl.u32 s29, $0x3;
	[sflag:s19] =	ssyncset.done $0x0  }
0x76: {  	s1 =	sadd.s32 s5, s31;
	[sflag:s19] =	ssyncadd.s32 $0xFFFFC000  }
0x77: {  	[tilespmem:s3], [sflag:$0x3] =	stream.linear.gather [hbm4b:s1+s3], $0x80, $0x38;
	[tilespmem:$0x1BE00] =	vst v63  }
0x78: {  	_ =	swait.ge [sflag:s19], $0x80  }
0x79: {  	[sflag:s19] =	ssyncset.done $0x0  }
0x7a: {  	s0 =	sadd.s32 s6, s31;
	[sflag:s19] =	ssyncadd.s32 $0xFFFFFF80  }
0x7b: {  	[tilespmem:s20], [sflag:$0x3] =	stream.linear.gather [hbm4b:s0+s3], $0x80, $0x38;
	[tilespmem:$0x1BE00] =	vst v63  }
0x7c: {  	_ =	swait.ge [sflag:s19], $0x80  }
0x7d: {  	[sflag:s19] =	ssyncset.done $0x0  }
0x7e: {  	[sflag:s19] =	ssyncadd.s32 $0xFFFFFF80  }
0x7f: {  	[tilespmem:s22], [sflag:$0x1] =	stream.indirect.gather [hbm4b:s4+s21], $0x80, s3, s21, $0xb8;
	[tilespmem:$0x1BE00] =	vst v63  }
0x80: {  	_ =	swait.ge [sflag:s26], $0x4000  }
0x81: {  	[sflag:s26] =	ssyncset.done $0x0  }
0x82: {  	[sflag:s26] =	ssyncadd.s32 $0xFFFFC000  }
0x83: {  	[spmem:s2] =	stream.indirect.scatter.add.f32 [tilespmem:s24], [sflag:$0x3], $0x80, s23, s21, $0xb8;
	[tilespmem:$0x1BE00] =	vst v63  }
0x84: {  	_ =	swait.ge [sflag:s19], $0x4000  }
0x85: {  	[sflag:s19] =	ssyncset.done $0x0  }
0x86: {  	[sflag:s19] =	ssyncadd.s32 $0xFFFFC000  }
0x87: {  	[tilespmem:s21], [sflag:$0x3] =	stream.linear.gather [hbm4b:s13+s3], $0x80, $0x38;
	[tilespmem:$0x1BE00] =	vst v63  }
0x88: {  	_ =	swait.ge [sflag:s19], $0x80  }
0x89: {  	[sflag:s19] =	ssyncset.done $0x0  }
0x8a: {  	[sflag:s19] =	ssyncadd.s32 $0xFFFFFF80  }
0x8b: {  	[tilespmem:s23], [sflag:$0x3] =	stream.linear.gather [hbm4b:s14+s3], $0x80, $0x38;
	[tilespmem:$0x1BE00] =	vst v63  }
0x8c: {  	_ =	swait.ge [sflag:s19], $0x80  }
0x8d: {  	[sflag:s19] =	ssyncset.done $0x0  }
0x8e: {  	[sflag:s19] =	ssyncadd.s32 $0xFFFFFF80  }
0x8f: {  	[tilespmem:s24], [sflag:$0x2] =	stream.indirect.gather [hbm4b:s4+s21], $0x80, s21, s21, $0xb8;
	[tilespmem:$0x1BE00] =	vst v63  }
0x90: {  	_ =	swait.ge [sflag:s25], $0x4000  }
0x91: {  	[sflag:s25] =	ssyncset.done $0x0  }
0x92: {  	[sflag:s25] =	ssyncadd.s32 $0xFFFFC000  }
0x93: {  	[spmem:s2] =	stream.indirect.scatter.add.f32 [tilespmem:s22], [sflag:$0x3], $0x80, s20, s21, $0xb8;
	[tilespmem:$0x1BE00] =	vst v63  }
0x94: {  	_ =	swait.ge [sflag:s19], $0x4000  }
0x95: {  	[sflag:s19] =	ssyncset.done $0x0  }
0x96: {  	[sflag:s19] =	ssyncadd.s32 $0xFFFFC000  }
0x97: {  	_ =	swait.ge [sflag:s26], $0x4000  }
0x98: {  	[sflag:s26] =	ssyncset.done $0x0  }
0x99: {  	[sflag:s26] =	ssyncadd.s32 $0xFFFFC000  }
0x9a: {  	[spmem:s2] =	stream.indirect.scatter.add.f32 [tilespmem:s24], [sflag:$0x3], $0x80, s23, s21, $0xb8;
	[tilespmem:$0x1BE00] =	vst v63  }
0x9b: {  	_ =	swait.ge [sflag:s19], $0x4000  }
0x9c: {  	s28 =	sadd.s32 $0x1, s28;
	[sflag:s19] =	ssyncset.done $0x0  }
0x9d: {  	p0 =	sne.s32 s28, s12;
	[sflag:s19] =	ssyncadd.s32 $0xFFFFC000  }
.Ltmp1:
0x9e: {  	[bflag:$0x0] =	sbarrier.arrive $0xFFFF;
	(pc) =	sbr.rel @p0 .LBB2_1-.Ltmp1, $4  }
0x9f: {  	[hbm:s11], [sflag:s8] =	dma.local [spmem:s18], $0x2780  }
0xa0: {  	_ =	swait.ge [sflag:s19], $0x2780  }
0xa1: {  	[sflag:s19] =	ssyncset.done $0x0  }
0xa2: {  	[sflag:s19] =	ssyncadd.s32 $0xFFFFD880  }
0xa3: {  	_ =	sfence.sel $0x180000  }
0xa4: {  	[bflag:$0x0] =	sbarrier.arrive $0xFFFF  }
0xa5: {  	_ =	strace $0x90000059  }
0xa6: {  	s0 =	stileid.u32;
	[bflag:$0x2] =	sbarrier.arrive $0xFFFF  }
0xa7: {  	p0 =	sne.s32 s0, $0x0;
	s0 =	rddreg [dreg:$0x2]  }
0xa8: {  	s0 =	sadd.s32 @!p0 $0x100000, s0  }
0xa9: {  	[sflag:s0] =	ssyncadd.tile.s32 @!p0 $0x1;
	_ =	shalt  }
.Lfunc_end2:
_tile_overlayer_lowered:
.L_overlay_start_2:
0xaa: {  	(tag) =	ssettag $0x2  }
0xab: {  	s0 =	rddreg [dreg:$0x0];
	s2 =	stileid.u32  }
0xac: {  	s1 =	rddreg [dreg:$0x1];
	p0 =	sne.s32 s2, $0x0  }
0xad: {  	s3 =	rddreg [dreg:$0x2];
	[bflag:$0x3] =	sbarrier.arrive $0xFFFF;
	s2 =	simm.s32 @!p0 $0x1C03  }
0xae: {  	[timem:s3], [sflag:s2] =	dma.local @!p0 [hbm:s0], s1  }
0xaf: {  	s0 =	simm.s32 @!p0 $0x3  }
0xb0: {  	_ =	swait.ge @!p0 [sflag:s0], s1  }
0xb1: {  	s1 =	ssub.s32 @!p0 $0x0, s1;
	[sflag:s0] =	ssyncset.done @!p0 $0x0  }
0xb2: {  	[sflag:s0] =	ssyncadd.s32 @!p0 s1  }
0xb3: {  	[bflag:$0x3] =	sbarrier.arrive $0xFFFF  }
0xb4: {  	_ =	shalt  }

</sc_bundles>
